<compile_context>
chip_gen: v7x
topology: tpu7x:2x2x1
jax: 0.10.2.dev20260603
libtpu: 0.0.44.dev20260713+nightly
codegen_flags: <defaults>
</compile_context>

<pallas_src>
import math
import functools

import jax
import jax.numpy as jnp
from jax import lax
from jax.experimental import pallas as pl
from jax.experimental.pallas import tpu as pltpu
from jax.experimental.pallas import tpu_sc as plsc

_NUM_POS_FEATS = 128
_TEMPERATURE = 10000.0
_LOG_T = math.log(_TEMPERATURE)

_SEQ = 8192
_FDIM = 1024

_NC, _NS, _L = 2, 16, 16
_NW = _NC * _NS
_RPW = _SEQ // _NW
_TBLK = 544
_TAB_ROWS = 16 * _TBLK
_RBLK = 512


def _tc_body(zero_ref, tab_ref):
    zero_ref[...] = jnp.zeros_like(zero_ref)
    g = pl.program_id(0)
    rows, feats = tab_ref.shape
    pos = g * _TBLK + lax.broadcasted_iota(jnp.int32, (rows, 1), 0)
    j = lax.broadcasted_iota(jnp.int32, (1, feats), 1)
    j2 = (2 * (j // 2)).astype(jnp.float32) * (1.0 / _NUM_POS_FEATS)
    inv_dim = jnp.exp(-j2 * _LOG_T)
    phase = jnp.where(j % 2 == 0, 0.0, 0.5 * math.pi)
    theta = pos.astype(jnp.float32) * inv_dim + phase
    tab_ref[...] = jnp.where(pos < _SEQ, jnp.sin(theta), 0.0)


def _make_zero_and_table():
    return pl.pallas_call(
        _tc_body,
        grid=(16,),
        out_specs=[
            pl.BlockSpec((_RBLK, _FDIM), lambda g: (g, 0)),
            pl.BlockSpec((_TBLK, _NUM_POS_FEATS), lambda g: (g, 0)),
        ],
        out_shape=[
            jax.ShapeDtypeStruct((_SEQ, _FDIM), jnp.float32),
            jax.ShapeDtypeStruct((_TAB_ROWS, _NUM_POS_FEATS), jnp.float32),
        ],
    )()


def _sc_body(
    table_hbm, mask_hbm, out_hbm, mask_v, off_v, staged_v, rows_v,
    sem_m, sem_g, sem_z,
):
    wid = lax.axis_index("s") * _NC + lax.axis_index("c")
    base = wid * _RPW

    mcpy = pltpu.async_copy(mask_hbm, mask_v, sem_m)
    zv = jnp.zeros((_L,), jnp.float32)
    for k in range(_NUM_POS_FEATS // _L):
        staged_v[_RPW + 8, pl.ds(k * _L, _L)] = zv
    mcpy.wait()

    def _acc(i, a):
        for jj in range(_RPW // _L):
            a = a + mask_v[pl.ds(i * _RPW + jj * _L, _L)]
        return a

    acc = lax.fori_loop(0, wid, _acc, jnp.zeros((_L,), jnp.int32))
    prefix = jnp.sum(acc)

    pstart = pl.multiple_of((prefix // 8) * 8, 8)
    delta = prefix - pstart
    scpy = pltpu.async_copy(
        table_hbm.at[pl.ds(pstart, _RPW + 8)], staged_v.at[pl.ds(0, _RPW + 8)], sem_g
    )

    lcarry = jnp.int32(0)
    for c in range(_RPW // _L):
        v = mask_v[pl.ds(base + c * _L, _L)]
        cs = plsc.cumsum(v)
        off_v[pl.ds(c * _L, _L)] = jnp.where(v != 0, delta + lcarry + cs - 1, _RPW + 8)
        lcarry = lcarry + jnp.sum(v)
    scpy.wait()

    def _expand(c, _):
        ovec = off_v[pl.ds(c * _L, _L)]
        for l in range(_L):
            o = ovec[l]
            i = c * _L + l
            for k in range(_NUM_POS_FEATS // _L):
                rows_v[i, pl.ds(k * _L, _L)] = staged_v[o, pl.ds(k * _L, _L)]
        return 0

    half = _RPW // 2
    lax.fori_loop(0, half // _L, _expand, 0)
    w1 = pltpu.async_copy(
        rows_v.at[pl.ds(0, half)],
        out_hbm.at[pl.ds(base, half), pl.ds(0, _NUM_POS_FEATS)],
        sem_z,
    )
    lax.fori_loop(half // _L, _RPW // _L, _expand, 0)
    w2 = pltpu.async_copy(
        rows_v.at[pl.ds(half, half)],
        out_hbm.at[pl.ds(base + half, half), pl.ds(0, _NUM_POS_FEATS)],
        sem_z,
    )
    w1.wait()
    w2.wait()


_sc_fill = functools.partial(
    pl.kernel,
    mesh=plsc.VectorSubcoreMesh(core_axis_name="c", subcore_axis_name="s"),
    out_type=(),
    scratch_types=[
        pltpu.VMEM((_SEQ,), jnp.int32),
        pltpu.VMEM((_RPW + _L,), jnp.int32),
        pltpu.VMEM((_RPW + 9, _NUM_POS_FEATS), jnp.float32),
        pltpu.VMEM((_RPW, _NUM_POS_FEATS), jnp.float32),
        pltpu.SemaphoreType.DMA,
        pltpu.SemaphoreType.DMA,
        pltpu.SemaphoreType.DMA,
    ],
    compiler_params=pltpu.CompilerParams(needs_layout_passes=False),
)(_sc_body)


@jax.jit
def kernel(x, mask):
    bsz, seq_len, feature_dim = x.shape
    out0, table = _make_zero_and_table()
    out_ref = jax.new_ref(out0)
    _sc_fill(table, mask.reshape(seq_len), out_ref)
    out = jax.freeze(out_ref)
    return out.reshape(bsz, seq_len, feature_dim)

# --- scband reference (transcript-rebuilt; emitter-appended) ---
"""Pipeline reference for scband-position-embedding-sine-online-81131932221735 (READ-ONLY COPY).

The authoritative reference and input builder live on the scoring server;
editing this copy changes nothing except your own understanding.
"""

import jax, jax.numpy as jnp
import numpy as np

NUM_POS_FEATS = 128
TEMPERATURE = 10000


def setup_inputs(seed: int = 0) -> dict:
    key = jax.random.key(seed)
    k1, k2 = jax.random.split(key)
    x = jax.random.normal(k1, (1, 8192, 1024), dtype=jnp.float32)
    mask = jax.random.randint(k2, (1, 8192), 0, 2, dtype=jnp.int32)
    return {"x": x, "mask": mask}


def reference(x, mask):
    bsz, seq_len, feature_dim = x.shape
    assert feature_dim >= NUM_POS_FEATS
    # fixed-shape equivalent of nonzero: rank of each valid position
    valid = mask[0] != 0
    ranks = jnp.cumsum(valid.astype(jnp.int32)) - 1
    rel_positions = ranks.astype(jnp.float32)[:, None]
    dim_t = jnp.arange(NUM_POS_FEATS, dtype=jnp.float32)
    dim_t = TEMPERATURE ** (2.0 * jnp.floor(dim_t / 2.0) / NUM_POS_FEATS)
    rel_pos_enc = rel_positions / dim_t  # (seq_len, num_pos_feats)
    rel_pos_enc = jnp.stack(
        (jnp.sin(rel_pos_enc[..., 0::2]), jnp.cos(rel_pos_enc[..., 1::2])), axis=2
    ).reshape(seq_len, -1)
    if feature_dim > NUM_POS_FEATS:
        padding = jnp.zeros((seq_len, feature_dim - NUM_POS_FEATS), dtype=jnp.float32)
        rel_pos_enc = jnp.concatenate([rel_pos_enc, padding], axis=-1)
    pos_x = jnp.zeros_like(x).at[0].set(
        jnp.where(valid[:, None], rel_pos_enc, 0.0)
    )
    return pos_x

if __name__ == "__main__":
    import jax
    _d = setup_inputs()
    print(jax.jit(kernel)(*tuple(_d.values())))

</pallas_src>

<mosaic_0001>
#map = affine_map<(d0, d1) -> (0, 0)>
#map1 = affine_map<(d0, d1) -> (0)>
module attributes {stable_mosaic.version = 14 : i64} {
  func.func @new_body(%arg0: i32, %arg1: i32, %arg2: memref<8704x128xf32, #tpu.memory_space<hbm>>, %arg3: memref<8192xi32, #tpu.memory_space<hbm>>, %arg4: memref<8192x1024xf32, #tpu.memory_space<hbm>>, %arg5: memref<8192x1024xf32, #tpu.memory_space<hbm>>, %arg6: memref<8192xi32, #tpu.memory_space<vmem>>, %arg7: memref<272xi32, #tpu.memory_space<vmem>>, %arg8: memref<265x128xf32, #tpu.memory_space<vmem>>, %arg9: memref<256x128xf32, #tpu.memory_space<vmem>>, %arg10: memref<!tpu.dma_semaphore, #tpu.memory_space<semaphore_mem>>, %arg11: memref<!tpu.dma_semaphore, #tpu.memory_space<semaphore_mem>>, %arg12: memref<!tpu.dma_semaphore, #tpu.memory_space<semaphore_mem>>) attributes {dimension_semantics = [#tpu.dimension_semantics<core_parallel>, #tpu.dimension_semantics<subcore_parallel>], iteration_bounds = array<i64: 2, 16>, scalar_prefetch = 0 : i64, scratch_operands = 7 : i64, tpu.core_type = #tpu.core_type<sc_vector_subcore>, window_params = [{transform_indices = #map}, {transform_indices = #map1}, {transform_indices = #map}, {transform_indices = #map}]} {
    %mul3A = arith.constant 2 : i32
    %mul3A_0 = arith.muli %arg1, %mul3A : i32
    %add3A = arith.addi %mul3A_0, %arg0 : i32
    %mul3A_1 = arith.constant 256 : i32
    %mul3A_2 = arith.muli %add3A, %mul3A_1 : i32
    tpu.enqueue_dma source(%arg3 : memref<8192xi32, #tpu.memory_space<hbm>>) target(%arg6 : memref<8192xi32, #tpu.memory_space<vmem>>) target_semaphore(%arg10 : memref<!tpu.dma_semaphore, #tpu.memory_space<semaphore_mem>>)
    %broadcast_in_dim3A = arith.constant 0.000000e+00 : f32
    %broadcast_in_dim3A_3 = vector.broadcast %broadcast_in_dim3A : f32 to vector<16xf32>
    %swap3A = arith.constant 264 : i32
    %swap3A_4 = arith.index_cast %swap3A : i32 to index
    %swap3A_5 = arith.constant 0 : index
    %swap3A_6 = tpu.vector_load %arg8[%swap3A_4, %swap3A_5] {strides = array<i32>} : memref<265x128xf32, #tpu.memory_space<vmem>>, vector<16xf32>,
    tpu.vector_store %arg8[%swap3A_4, %swap3A_5], %broadcast_in_dim3A_3 {strides = array<i32>} : memref<265x128xf32, #tpu.memory_space<vmem>>, vector<16xf32>,
    %swap3A_7 = arith.constant 264 : i32
    %swap3A_8 = arith.index_cast %swap3A_7 : i32 to index
    %swap3A_9 = arith.constant 16 : index
    %swap3A_10 = tpu.vector_load %arg8[%swap3A_8, %swap3A_9] {strides = array<i32>} : memref<265x128xf32, #tpu.memory_space<vmem>>, vector<16xf32>,
    tpu.vector_store %arg8[%swap3A_8, %swap3A_9], %broadcast_in_dim3A_3 {strides = array<i32>} : memref<265x128xf32, #tpu.memory_space<vmem>>, vector<16xf32>,
    %swap3A_11 = arith.constant 264 : i32
    %swap3A_12 = arith.index_cast %swap3A_11 : i32 to index
    %swap3A_13 = arith.constant 32 : index
    %swap3A_14 = tpu.vector_load %arg8[%swap3A_12, %swap3A_13] {strides = array<i32>} : memref<265x128xf32, #tpu.memory_space<vmem>>, vector<16xf32>,
    tpu.vector_store %arg8[%swap3A_12, %swap3A_13], %broadcast_in_dim3A_3 {strides = array<i32>} : memref<265x128xf32, #tpu.memory_space<vmem>>, vector<16xf32>,
    %swap3A_15 = arith.constant 264 : i32
    %swap3A_16 = arith.index_cast %swap3A_15 : i32 to index
    %swap3A_17 = arith.constant 48 : index
    %swap3A_18 = tpu.vector_load %arg8[%swap3A_16, %swap3A_17] {strides = array<i32>} : memref<265x128xf32, #tpu.memory_space<vmem>>, vector<16xf32>,
    tpu.vector_store %arg8[%swap3A_16, %swap3A_17], %broadcast_in_dim3A_3 {strides = array<i32>} : memref<265x128xf32, #tpu.memory_space<vmem>>, vector<16xf32>,
    %swap3A_19 = arith.constant 264 : i32
    %swap3A_20 = arith.index_cast %swap3A_19 : i32 to index
    %swap3A_21 = arith.constant 64 : index
    %swap3A_22 = tpu.vector_load %arg8[%swap3A_20, %swap3A_21] {strides = array<i32>} : memref<265x128xf32, #tpu.memory_space<vmem>>, vector<16xf32>,
    tpu.vector_store %arg8[%swap3A_20, %swap3A_21], %broadcast_in_dim3A_3 {strides = array<i32>} : memref<265x128xf32, #tpu.memory_space<vmem>>, vector<16xf32>,
    %swap3A_23 = arith.constant 264 : i32
    %swap3A_24 = arith.index_cast %swap3A_23 : i32 to index
    %swap3A_25 = arith.constant 80 : index
    %swap3A_26 = tpu.vector_load %arg8[%swap3A_24, %swap3A_25] {strides = array<i32>} : memref<265x128xf32, #tpu.memory_space<vmem>>, vector<16xf32>,
    tpu.vector_store %arg8[%swap3A_24, %swap3A_25], %broadcast_in_dim3A_3 {strides = array<i32>} : memref<265x128xf32, #tpu.memory_space<vmem>>, vector<16xf32>,
    %swap3A_27 = arith.constant 264 : i32
    %swap3A_28 = arith.index_cast %swap3A_27 : i32 to index
    %swap3A_29 = arith.constant 96 : index
    %swap3A_30 = tpu.vector_load %arg8[%swap3A_28, %swap3A_29] {strides = array<i32>} : memref<265x128xf32, #tpu.memory_space<vmem>>, vector<16xf32>,
    tpu.vector_store %arg8[%swap3A_28, %swap3A_29], %broadcast_in_dim3A_3 {strides = array<i32>} : memref<265x128xf32, #tpu.memory_space<vmem>>, vector<16xf32>,
    %swap3A_31 = arith.constant 264 : i32
    %swap3A_32 = arith.index_cast %swap3A_31 : i32 to index
    %swap3A_33 = arith.constant 112 : index
    %swap3A_34 = tpu.vector_load %arg8[%swap3A_32, %swap3A_33] {strides = array<i32>} : memref<265x128xf32, #tpu.memory_space<vmem>>, vector<16xf32>,
    tpu.vector_store %arg8[%swap3A_32, %swap3A_33], %broadcast_in_dim3A_3 {strides = array<i32>} : memref<265x128xf32, #tpu.memory_space<vmem>>, vector<16xf32>,
    tpu.wait_dma2 semaphore(%arg10 : memref<!tpu.dma_semaphore, #tpu.memory_space<semaphore_mem>>) src(%arg3 : memref<8192xi32, #tpu.memory_space<hbm>>) dst(%arg6 : memref<8192xi32, #tpu.memory_space<vmem>>)
    %broadcast_in_dim3A_35 = arith.constant 0 : i32
    %broadcast_in_dim3A_36 = vector.broadcast %broadcast_in_dim3A_35 : i32 to vector<16xi32>
    %while3A = arith.constant 0 : i32
    %while3A_37 = arith.subi %add3A, %while3A : i32
    %while3A_38 = arith.addi %while3A, %while3A_37 : i32
    %while3A_39 = arith.constant 1 : i32
    %while3A_40 = arith.divsi %while3A_37, %while3A_39 : i32
    %while3A_41 = arith.muli %while3A_40, %while3A_39 : i32
    %while3A_42 = arith.addi %while3A, %while3A_41 : i32
    %while3A_43 = arith.constant 1 : i32
    %while3A_44 = scf.for %while3A_558 = %while3A to %while3A_42 step %while3A_43 iter_args(%while3A_559 = %broadcast_in_dim3A_36) -> (vector<16xi32>)  : i32 {
      %mul3A_560 = arith.constant 256 : i32
      %mul3A_561 = arith.muli %while3A_558, %mul3A_560 : i32
      %add3A_562 = arith.constant 0 : i32
      %add3A_563 = arith.addi %mul3A_561, %add3A_562 : i32
      %get3A_564 = arith.index_cast %add3A_563 : i32 to index
      %get3A_565 = tpu.vector_load %arg6[%get3A_564] {strides = array<i32>} : memref<8192xi32, #tpu.memory_space<vmem>>, vector<16xi32>,
      %add3A_566 = arith.addi %while3A_559, %get3A_565 : vector<16xi32>
      %mul3A_567 = arith.constant 256 : i32
      %mul3A_568 = arith.muli %while3A_558, %mul3A_567 : i32
      %add3A_569 = arith.constant 16 : i32
      %add3A_570 = arith.addi %mul3A_568, %add3A_569 : i32
      %get3A_571 = arith.index_cast %add3A_570 : i32 to index
      %get3A_572 = tpu.vector_load %arg6[%get3A_571] {strides = array<i32>} : memref<8192xi32, #tpu.memory_space<vmem>>, vector<16xi32>,
      %add3A_573 = arith.addi %add3A_566, %get3A_572 : vector<16xi32>
      %mul3A_574 = arith.constant 256 : i32
      %mul3A_575 = arith.muli %while3A_558, %mul3A_574 : i32
      %add3A_576 = arith.constant 32 : i32
      %add3A_577 = arith.addi %mul3A_575, %add3A_576 : i32
      %get3A_578 = arith.index_cast %add3A_577 : i32 to index
      %get3A_579 = tpu.vector_load %arg6[%get3A_578] {strides = array<i32>} : memref<8192xi32, #tpu.memory_space<vmem>>, vector<16xi32>,
      %add3A_580 = arith.addi %add3A_573, %get3A_579 : vector<16xi32>
      %mul3A_581 = arith.constant 256 : i32
      %mul3A_582 = arith.muli %while3A_558, %mul3A_581 : i32
      %add3A_583 = arith.constant 48 : i32
      %add3A_584 = arith.addi %mul3A_582, %add3A_583 : i32
      %get3A_585 = arith.index_cast %add3A_584 : i32 to index
      %get3A_586 = tpu.vector_load %arg6[%get3A_585] {strides = array<i32>} : memref<8192xi32, #tpu.memory_space<vmem>>, vector<16xi32>,
      %add3A_587 = arith.addi %add3A_580, %get3A_586 : vector<16xi32>
      %mul3A_588 = arith.constant 256 : i32
      %mul3A_589 = arith.muli %while3A_558, %mul3A_588 : i32
      %add3A_590 = arith.constant 64 : i32
      %add3A_591 = arith.addi %mul3A_589, %add3A_590 : i32
      %get3A_592 = arith.index_cast %add3A_591 : i32 to index
      %get3A_593 = tpu.vector_load %arg6[%get3A_592] {strides = array<i32>} : memref<8192xi32, #tpu.memory_space<vmem>>, vector<16xi32>,
      %add3A_594 = arith.addi %add3A_587, %get3A_593 : vector<16xi32>
      %mul3A_595 = arith.constant 256 : i32
      %mul3A_596 = arith.muli %while3A_558, %mul3A_595 : i32
      %add3A_597 = arith.constant 80 : i32
      %add3A_598 = arith.addi %mul3A_596, %add3A_597 : i32
      %get3A_599 = arith.index_cast %add3A_598 : i32 to index
      %get3A_600 = tpu.vector_load %arg6[%get3A_599] {strides = array<i32>} : memref<8192xi32, #tpu.memory_space<vmem>>, vector<16xi32>,
      %add3A_601 = arith.addi %add3A_594, %get3A_600 : vector<16xi32>
      %mul3A_602 = arith.constant 256 : i32
      %mul3A_603 = arith.muli %while3A_558, %mul3A_602 : i32
      %add3A_604 = arith.constant 96 : i32
      %add3A_605 = arith.addi %mul3A_603, %add3A_604 : i32
      %get3A_606 = arith.index_cast %add3A_605 : i32 to index
      %get3A_607 = tpu.vector_load %arg6[%get3A_606] {strides = array<i32>} : memref<8192xi32, #tpu.memory_space<vmem>>, vector<16xi32>,
      %add3A_608 = arith.addi %add3A_601, %get3A_607 : vector<16xi32>
      %mul3A_609 = arith.constant 256 : i32
      %mul3A_610 = arith.muli %while3A_558, %mul3A_609 : i32
      %add3A_611 = arith.constant 112 : i32
      %add3A_612 = arith.addi %mul3A_610, %add3A_611 : i32
      %get3A_613 = arith.index_cast %add3A_612 : i32 to index
      %get3A_614 = tpu.vector_load %arg6[%get3A_613] {strides = array<i32>} : memref<8192xi32, #tpu.memory_space<vmem>>, vector<16xi32>,
      %add3A_615 = arith.addi %add3A_608, %get3A_614 : vector<16xi32>
      %mul3A_616 = arith.constant 256 : i32
      %mul3A_617 = arith.muli %while3A_558, %mul3A_616 : i32
      %add3A_618 = arith.constant 128 : i32
      %add3A_619 = arith.addi %mul3A_617, %add3A_618 : i32
      %get3A_620 = arith.index_cast %add3A_619 : i32 to index
      %get3A_621 = tpu.vector_load %arg6[%get3A_620] {strides = array<i32>} : memref<8192xi32, #tpu.memory_space<vmem>>, vector<16xi32>,
      %add3A_622 = arith.addi %add3A_615, %get3A_621 : vector<16xi32>
      %mul3A_623 = arith.constant 256 : i32
      %mul3A_624 = arith.muli %while3A_558, %mul3A_623 : i32
      %add3A_625 = arith.constant 144 : i32
      %add3A_626 = arith.addi %mul3A_624, %add3A_625 : i32
      %get3A_627 = arith.index_cast %add3A_626 : i32 to index
      %get3A_628 = tpu.vector_load %arg6[%get3A_627] {strides = array<i32>} : memref<8192xi32, #tpu.memory_space<vmem>>, vector<16xi32>,
      %add3A_629 = arith.addi %add3A_622, %get3A_628 : vector<16xi32>
      %mul3A_630 = arith.constant 256 : i32
      %mul3A_631 = arith.muli %while3A_558, %mul3A_630 : i32
      %add3A_632 = arith.constant 160 : i32
      %add3A_633 = arith.addi %mul3A_631, %add3A_632 : i32
      %get3A_634 = arith.index_cast %add3A_633 : i32 to index
      %get3A_635 = tpu.vector_load %arg6[%get3A_634] {strides = array<i32>} : memref<8192xi32, #tpu.memory_space<vmem>>, vector<16xi32>,
      %add3A_636 = arith.addi %add3A_629, %get3A_635 : vector<16xi32>
      %mul3A_637 = arith.constant 256 : i32
      %mul3A_638 = arith.muli %while3A_558, %mul3A_637 : i32
      %add3A_639 = arith.constant 176 : i32
      %add3A_640 = arith.addi %mul3A_638, %add3A_639 : i32
      %get3A_641 = arith.index_cast %add3A_640 : i32 to index
      %get3A_642 = tpu.vector_load %arg6[%get3A_641] {strides = array<i32>} : memref<8192xi32, #tpu.memory_space<vmem>>, vector<16xi32>,
      %add3A_643 = arith.addi %add3A_636, %get3A_642 : vector<16xi32>
      %mul3A_644 = arith.constant 256 : i32
      %mul3A_645 = arith.muli %while3A_558, %mul3A_644 : i32
      %add3A_646 = arith.constant 192 : i32
      %add3A_647 = arith.addi %mul3A_645, %add3A_646 : i32
      %get3A_648 = arith.index_cast %add3A_647 : i32 to index
      %get3A_649 = tpu.vector_load %arg6[%get3A_648] {strides = array<i32>} : memref<8192xi32, #tpu.memory_space<vmem>>, vector<16xi32>,
      %add3A_650 = arith.addi %add3A_643, %get3A_649 : vector<16xi32>
      %mul3A_651 = arith.constant 256 : i32
      %mul3A_652 = arith.muli %while3A_558, %mul3A_651 : i32
      %add3A_653 = arith.constant 208 : i32
      %add3A_654 = arith.addi %mul3A_652, %add3A_653 : i32
      %get3A_655 = arith.index_cast %add3A_654 : i32 to index
      %get3A_656 = tpu.vector_load %arg6[%get3A_655] {strides = array<i32>} : memref<8192xi32, #tpu.memory_space<vmem>>, vector<16xi32>,
      %add3A_657 = arith.addi %add3A_650, %get3A_656 : vector<16xi32>
      %mul3A_658 = arith.constant 256 : i32
      %mul3A_659 = arith.muli %while3A_558, %mul3A_658 : i32
      %add3A_660 = arith.constant 224 : i32
      %add3A_661 = arith.addi %mul3A_659, %add3A_660 : i32
      %get3A_662 = arith.index_cast %add3A_661 : i32 to index
      %get3A_663 = tpu.vector_load %arg6[%get3A_662] {strides = array<i32>} : memref<8192xi32, #tpu.memory_space<vmem>>, vector<16xi32>,
      %add3A_664 = arith.addi %add3A_657, %get3A_663 : vector<16xi32>
      %mul3A_665 = arith.constant 256 : i32
      %mul3A_666 = arith.muli %while3A_558, %mul3A_665 : i32
      %add3A_667 = arith.constant 240 : i32
      %add3A_668 = arith.addi %mul3A_666, %add3A_667 : i32
      %get3A_669 = arith.index_cast %add3A_668 : i32 to index
      %get3A_670 = tpu.vector_load %arg6[%get3A_669] {strides = array<i32>} : memref<8192xi32, #tpu.memory_space<vmem>>, vector<16xi32>,
      %add3A_671 = arith.addi %add3A_664, %get3A_670 : vector<16xi32>
      scf.yield %add3A_671 : vector<16xi32>
    }
    %while3A_45 = arith.constant 1 : i32
    %while3A_46 = scf.for %while3A_558 = %while3A_42 to %while3A_38 step %while3A_45 iter_args(%while3A_559 = %while3A_44) -> (vector<16xi32>)  : i32 {
      %mul3A_560 = arith.constant 256 : i32
      %mul3A_561 = arith.muli %while3A_558, %mul3A_560 : i32
      %add3A_562 = arith.constant 0 : i32
      %add3A_563 = arith.addi %mul3A_561, %add3A_562 : i32
      %get3A_564 = arith.index_cast %add3A_563 : i32 to index
      %get3A_565 = tpu.vector_load %arg6[%get3A_564] {strides = array<i32>} : memref<8192xi32, #tpu.memory_space<vmem>>, vector<16xi32>,
      %add3A_566 = arith.addi %while3A_559, %get3A_565 : vector<16xi32>
      %mul3A_567 = arith.constant 256 : i32
      %mul3A_568 = arith.muli %while3A_558, %mul3A_567 : i32
      %add3A_569 = arith.constant 16 : i32
      %add3A_570 = arith.addi %mul3A_568, %add3A_569 : i32
      %get3A_571 = arith.index_cast %add3A_570 : i32 to index
      %get3A_572 = tpu.vector_load %arg6[%get3A_571] {strides = array<i32>} : memref<8192xi32, #tpu.memory_space<vmem>>, vector<16xi32>,
      %add3A_573 = arith.addi %add3A_566, %get3A_572 : vector<16xi32>
      %mul3A_574 = arith.constant 256 : i32
      %mul3A_575 = arith.muli %while3A_558, %mul3A_574 : i32
      %add3A_576 = arith.constant 32 : i32
      %add3A_577 = arith.addi %mul3A_575, %add3A_576 : i32
      %get3A_578 = arith.index_cast %add3A_577 : i32 to index
      %get3A_579 = tpu.vector_load %arg6[%get3A_578] {strides = array<i32>} : memref<8192xi32, #tpu.memory_space<vmem>>, vector<16xi32>,
      %add3A_580 = arith.addi %add3A_573, %get3A_579 : vector<16xi32>
      %mul3A_581 = arith.constant 256 : i32
      %mul3A_582 = arith.muli %while3A_558, %mul3A_581 : i32
      %add3A_583 = arith.constant 48 : i32
      %add3A_584 = arith.addi %mul3A_582, %add3A_583 : i32
      %get3A_585 = arith.index_cast %add3A_584 : i32 to index
      %get3A_586 = tpu.vector_load %arg6[%get3A_585] {strides = array<i32>} : memref<8192xi32, #tpu.memory_space<vmem>>, vector<16xi32>,
      %add3A_587 = arith.addi %add3A_580, %get3A_586 : vector<16xi32>
      %mul3A_588 = arith.constant 256 : i32
      %mul3A_589 = arith.muli %while3A_558, %mul3A_588 : i32
      %add3A_590 = arith.constant 64 : i32
      %add3A_591 = arith.addi %mul3A_589, %add3A_590 : i32
      %get3A_592 = arith.index_cast %add3A_591 : i32 to index
      %get3A_593 = tpu.vector_load %arg6[%get3A_592] {strides = array<i32>} : memref<8192xi32, #tpu.memory_space<vmem>>, vector<16xi32>,
      %add3A_594 = arith.addi %add3A_587, %get3A_593 : vector<16xi32>
      %mul3A_595 = arith.constant 256 : i32
      %mul3A_596 = arith.muli %while3A_558, %mul3A_595 : i32
      %add3A_597 = arith.constant 80 : i32
      %add3A_598 = arith.addi %mul3A_596, %add3A_597 : i32
      %get3A_599 = arith.index_cast %add3A_598 : i32 to index
      %get3A_600 = tpu.vector_load %arg6[%get3A_599] {strides = array<i32>} : memref<8192xi32, #tpu.memory_space<vmem>>, vector<16xi32>,
      %add3A_601 = arith.addi %add3A_594, %get3A_600 : vector<16xi32>
      %mul3A_602 = arith.constant 256 : i32
      %mul3A_603 = arith.muli %while3A_558, %mul3A_602 : i32
      %add3A_604 = arith.constant 96 : i32
      %add3A_605 = arith.addi %mul3A_603, %add3A_604 : i32
      %get3A_606 = arith.index_cast %add3A_605 : i32 to index
      %get3A_607 = tpu.vector_load %arg6[%get3A_606] {strides = array<i32>} : memref<8192xi32, #tpu.memory_space<vmem>>, vector<16xi32>,
      %add3A_608 = arith.addi %add3A_601, %get3A_607 : vector<16xi32>
      %mul3A_609 = arith.constant 256 : i32
      %mul3A_610 = arith.muli %while3A_558, %mul3A_609 : i32
      %add3A_611 = arith.constant 112 : i32
      %add3A_612 = arith.addi %mul3A_610, %add3A_611 : i32
      %get3A_613 = arith.index_cast %add3A_612 : i32 to index
      %get3A_614 = tpu.vector_load %arg6[%get3A_613] {strides = array<i32>} : memref<8192xi32, #tpu.memory_space<vmem>>, vector<16xi32>,
      %add3A_615 = arith.addi %add3A_608, %get3A_614 : vector<16xi32>
      %mul3A_616 = arith.constant 256 : i32
      %mul3A_617 = arith.muli %while3A_558, %mul3A_616 : i32
      %add3A_618 = arith.constant 128 : i32
      %add3A_619 = arith.addi %mul3A_617, %add3A_618 : i32
      %get3A_620 = arith.index_cast %add3A_619 : i32 to index
      %get3A_621 = tpu.vector_load %arg6[%get3A_620] {strides = array<i32>} : memref<8192xi32, #tpu.memory_space<vmem>>, vector<16xi32>,
      %add3A_622 = arith.addi %add3A_615, %get3A_621 : vector<16xi32>
      %mul3A_623 = arith.constant 256 : i32
      %mul3A_624 = arith.muli %while3A_558, %mul3A_623 : i32
      %add3A_625 = arith.constant 144 : i32
      %add3A_626 = arith.addi %mul3A_624, %add3A_625 : i32
      %get3A_627 = arith.index_cast %add3A_626 : i32 to index
      %get3A_628 = tpu.vector_load %arg6[%get3A_627] {strides = array<i32>} : memref<8192xi32, #tpu.memory_space<vmem>>, vector<16xi32>,
      %add3A_629 = arith.addi %add3A_622, %get3A_628 : vector<16xi32>
      %mul3A_630 = arith.constant 256 : i32
      %mul3A_631 = arith.muli %while3A_558, %mul3A_630 : i32
      %add3A_632 = arith.constant 160 : i32
      %add3A_633 = arith.addi %mul3A_631, %add3A_632 : i32
      %get3A_634 = arith.index_cast %add3A_633 : i32 to index
      %get3A_635 = tpu.vector_load %arg6[%get3A_634] {strides = array<i32>} : memref<8192xi32, #tpu.memory_space<vmem>>, vector<16xi32>,
      %add3A_636 = arith.addi %add3A_629, %get3A_635 : vector<16xi32>
      %mul3A_637 = arith.constant 256 : i32
      %mul3A_638 = arith.muli %while3A_558, %mul3A_637 : i32
      %add3A_639 = arith.constant 176 : i32
      %add3A_640 = arith.addi %mul3A_638, %add3A_639 : i32
      %get3A_641 = arith.index_cast %add3A_640 : i32 to index
      %get3A_642 = tpu.vector_load %arg6[%get3A_641] {strides = array<i32>} : memref<8192xi32, #tpu.memory_space<vmem>>, vector<16xi32>,
      %add3A_643 = arith.addi %add3A_636, %get3A_642 : vector<16xi32>
      %mul3A_644 = arith.constant 256 : i32
      %mul3A_645 = arith.muli %while3A_558, %mul3A_644 : i32
      %add3A_646 = arith.constant 192 : i32
      %add3A_647 = arith.addi %mul3A_645, %add3A_646 : i32
      %get3A_648 = arith.index_cast %add3A_647 : i32 to index
      %get3A_649 = tpu.vector_load %arg6[%get3A_648] {strides = array<i32>} : memref<8192xi32, #tpu.memory_space<vmem>>, vector<16xi32>,
      %add3A_650 = arith.addi %add3A_643, %get3A_649 : vector<16xi32>
      %mul3A_651 = arith.constant 256 : i32
      %mul3A_652 = arith.muli %while3A_558, %mul3A_651 : i32
      %add3A_653 = arith.constant 208 : i32
      %add3A_654 = arith.addi %mul3A_652, %add3A_653 : i32
      %get3A_655 = arith.index_cast %add3A_654 : i32 to index
      %get3A_656 = tpu.vector_load %arg6[%get3A_655] {strides = array<i32>} : memref<8192xi32, #tpu.memory_space<vmem>>, vector<16xi32>,
      %add3A_657 = arith.addi %add3A_650, %get3A_656 : vector<16xi32>
      %mul3A_658 = arith.constant 256 : i32
      %mul3A_659 = arith.muli %while3A_558, %mul3A_658 : i32
      %add3A_660 = arith.constant 224 : i32
      %add3A_661 = arith.addi %mul3A_659, %add3A_660 : i32
      %get3A_662 = arith.index_cast %add3A_661 : i32 to index
      %get3A_663 = tpu.vector_load %arg6[%get3A_662] {strides = array<i32>} : memref<8192xi32, #tpu.memory_space<vmem>>, vector<16xi32>,
      %add3A_664 = arith.addi %add3A_657, %get3A_663 : vector<16xi32>
      %mul3A_665 = arith.constant 256 : i32
      %mul3A_666 = arith.muli %while3A_558, %mul3A_665 : i32
      %add3A_667 = arith.constant 240 : i32
      %add3A_668 = arith.addi %mul3A_666, %add3A_667 : i32
      %get3A_669 = arith.index_cast %add3A_668 : i32 to index
      %get3A_670 = tpu.vector_load %arg6[%get3A_669] {strides = array<i32>} : memref<8192xi32, #tpu.memory_space<vmem>>, vector<16xi32>,
      %add3A_671 = arith.addi %add3A_664, %get3A_670 : vector<16xi32>
      scf.yield %add3A_671 : vector<16xi32>
    }
    %reduce_sum3A = arith.constant true
    %reduce_sum3A_47 = vector.broadcast %reduce_sum3A : i1 to vector<16xi1>
    %reduce_sum3A_48 = tpu.scan <sum>, %while3A_46 masked %reduce_sum3A_47 : vector<16xi32>, vector<16xi1> -> vector<16xi32>
    %reduce_sum3A_49 = vector.extract %reduce_sum3A_48[15] : i32 from vector<16xi32>
    %jit3A = arith.constant 8 : i32
    %div3A = arith.divsi %reduce_sum3A_49, %jit3A : i32
    %sign3A = arith.constant 0 : i32
    %sign3A_50 = arith.cmpi sgt, %reduce_sum3A_49, %sign3A : i32
    %sign3A_51 = arith.extui %sign3A_50 : i1 to i32
    %sign3A_52 = arith.constant 0 : i32
    %sign3A_53 = arith.cmpi slt, %reduce_sum3A_49, %sign3A_52 : i32
    %sign3A_54 = arith.extui %sign3A_53 : i1 to i32
    %sign3A_55 = arith.subi %sign3A_51, %sign3A_54 : i32
    %sign3A_56 = arith.constant 0 : i32
    %sign3A_57 = arith.cmpi sgt, %jit3A, %sign3A_56 : i32
    %sign3A_58 = arith.extui %sign3A_57 : i1 to i32
    %sign3A_59 = arith.constant 0 : i32
    %sign3A_60 = arith.cmpi slt, %jit3A, %sign3A_59 : i32
    %sign3A_61 = arith.extui %sign3A_60 : i1 to i32
    %sign3A_62 = arith.subi %sign3A_58, %sign3A_61 : i32
    %ne3A = arith.cmpi ne, %sign3A_55, %sign3A_62 : i32
    %rem3A = arith.remsi %reduce_sum3A_49, %jit3A : i32
    %ne3A_63 = arith.constant 0 : i32
    %ne3A_64 = arith.cmpi ne, %rem3A, %ne3A_63 : i32
    %and3A = arith.andi %ne3A, %ne3A_64 : i1
    %sub3A = arith.constant 1 : i32
    %sub3A_65 = arith.subi %div3A, %sub3A : i32
    %select_n3A = arith.select %and3A, %sub3A_65, %div3A : i32
    %mul3A_66 = arith.constant 8 : i32
    %mul3A_67 = arith.muli %select_n3A, %mul3A_66 : i32
    %multiple_of3A = tpu.assume_multiple %mul3A_67, 8 : i32
    %sub3A_68 = arith.subi %reduce_sum3A_49, %multiple_of3A : i32
    %dma_start3A = arith.constant 0 : i32
    %dma_start3A_69 = arith.constant 0 : i32
    %dma_start3A_70 = tpu.memref_slice %arg8[%dma_start3A, %dma_start3A_69] : memref<265x128xf32, #tpu.memory_space<vmem>> -> memref<264x128xf32, #tpu.memory_space<vmem>>
    %dma_start3A_71 = arith.constant 0 : i32
    %dma_start3A_72 = tpu.memref_slice %arg2[%multiple_of3A, %dma_start3A_71] : memref<8704x128xf32, #tpu.memory_space<hbm>> -> memref<264x128xf32, #tpu.memory_space<hbm>>
    %dma_start3A_73 = arith.constant 0 : i32
    %dma_start3A_74 = arith.constant 0 : i32
    %dma_start3A_75 = tpu.memref_slice %arg8[%dma_start3A_73, %dma_start3A_74] : memref<265x128xf32, #tpu.memory_space<vmem>> -> memref<264x128xf32, #tpu.memory_space<vmem>>
    %dma_start3A_76 = arith.constant 0 : i32
    %dma_start3A_77 = tpu.memref_slice %arg2[%multiple_of3A, %dma_start3A_76] : memref<8704x128xf32, #tpu.memory_space<hbm>> -> memref<264x128xf32, #tpu.memory_space<hbm>>
    tpu.enqueue_dma source(%dma_start3A_77 : memref<264x128xf32, #tpu.memory_space<hbm>>) target(%dma_start3A_75 : memref<264x128xf32, #tpu.memory_space<vmem>>) target_semaphore(%arg11 : memref<!tpu.dma_semaphore, #tpu.memory_space<semaphore_mem>>)
    %add3A_78 = arith.constant 0 : i32
    %add3A_79 = arith.addi %mul3A_2, %add3A_78 : i32
    %get3A = arith.index_cast %add3A_79 : i32 to index
    %get3A_80 = tpu.vector_load %arg6[%get3A] {strides = array<i32>} : memref<8192xi32, #tpu.memory_space<vmem>>, vector<16xi32>,
    %broadcast_in_dim3A_81 = arith.constant true
    %broadcast_in_dim3A_82 = vector.broadcast %broadcast_in_dim3A_81 : i1 to vector<16xi1>
    %masked_cumsum3A = tpu.scan <sum>, %get3A_80 masked %broadcast_in_dim3A_82 : vector<16xi32>, vector<16xi1> -> vector<16xi32>
    %ne3A_83 = arith.constant 0 : i32
    %ne3A_84 = vector.broadcast %ne3A_83 : i32 to vector<16xi32>
    %ne3A_85 = arith.cmpi ne, %get3A_80, %ne3A_84 : vector<16xi32>
    %add3A_86 = arith.constant 0 : i32
    %add3A_87 = arith.addi %sub3A_68, %add3A_86 : i32
    %add3A_88 = vector.broadcast %add3A_87 : i32 to vector<16xi32>
    %add3A_89 = arith.addi %add3A_88, %masked_cumsum3A : vector<16xi32>
    %sub3A_90 = arith.constant 1 : i32
    %sub3A_91 = vector.broadcast %sub3A_90 : i32 to vector<16xi32>
    %sub3A_92 = arith.subi %add3A_89, %sub3A_91 : vector<16xi32>
    %jit3A_93 = arith.constant 264 : i32
    %broadcast_in_dim3A_94 = vector.broadcast %jit3A_93 : i32 to vector<16xi32>
    %select_n3A_95 = arith.select %ne3A_85, %sub3A_92, %broadcast_in_dim3A_94 : vector<16xi1>, vector<16xi32>
    %swap3A_96 = arith.constant 0 : index
    %swap3A_97 = tpu.vector_load %arg7[%swap3A_96] {strides = array<i32>} : memref<272xi32, #tpu.memory_space<vmem>>, vector<16xi32>,
    tpu.vector_store %arg7[%swap3A_96], %select_n3A_95 {strides = array<i32>} : memref<272xi32, #tpu.memory_space<vmem>>, vector<16xi32>,
    %reduce_sum3A_98 = arith.constant true
    %reduce_sum3A_99 = vector.broadcast %reduce_sum3A_98 : i1 to vector<16xi1>
    %reduce_sum3A_100 = tpu.scan <sum>, %get3A_80 masked %reduce_sum3A_99 : vector<16xi32>, vector<16xi1> -> vector<16xi32>
    %reduce_sum3A_101 = vector.extract %reduce_sum3A_100[15] : i32 from vector<16xi32>
    %add3A_102 = arith.constant 0 : i32
    %add3A_103 = arith.addi %add3A_102, %reduce_sum3A_101 : i32
    %add3A_104 = arith.constant 16 : i32
    %add3A_105 = arith.addi %mul3A_2, %add3A_104 : i32
    %get3A_106 = arith.index_cast %add3A_105 : i32 to index
    %get3A_107 = tpu.vector_load %arg6[%get3A_106] {strides = array<i32>} : memref<8192xi32, #tpu.memory_space<vmem>>, vector<16xi32>,
    %broadcast_in_dim3A_108 = arith.constant true
    %broadcast_in_dim3A_109 = vector.broadcast %broadcast_in_dim3A_108 : i1 to vector<16xi1>
    %masked_cumsum3A_110 = tpu.scan <sum>, %get3A_107 masked %broadcast_in_dim3A_109 : vector<16xi32>, vector<16xi1> -> vector<16xi32>
    %ne3A_111 = arith.constant 0 : i32
    %ne3A_112 = vector.broadcast %ne3A_111 : i32 to vector<16xi32>
    %ne3A_113 = arith.cmpi ne, %get3A_107, %ne3A_112 : vector<16xi32>
    %add3A_114 = arith.addi %sub3A_68, %add3A_103 : i32
    %add3A_115 = vector.broadcast %add3A_114 : i32 to vector<16xi32>
    %add3A_116 = arith.addi %add3A_115, %masked_cumsum3A_110 : vector<16xi32>
    %sub3A_117 = arith.constant 1 : i32
    %sub3A_118 = vector.broadcast %sub3A_117 : i32 to vector<16xi32>
    %sub3A_119 = arith.subi %add3A_116, %sub3A_118 : vector<16xi32>
    %jit3A_120 = arith.constant 264 : i32
    %broadcast_in_dim3A_121 = vector.broadcast %jit3A_120 : i32 to vector<16xi32>
    %select_n3A_122 = arith.select %ne3A_113, %sub3A_119, %broadcast_in_dim3A_121 : vector<16xi1>, vector<16xi32>
    %swap3A_123 = arith.constant 16 : index
    %swap3A_124 = tpu.vector_load %arg7[%swap3A_123] {strides = array<i32>} : memref<272xi32, #tpu.memory_space<vmem>>, vector<16xi32>,
    tpu.vector_store %arg7[%swap3A_123], %select_n3A_122 {strides = array<i32>} : memref<272xi32, #tpu.memory_space<vmem>>, vector<16xi32>,
    %reduce_sum3A_125 = arith.constant true
    %reduce_sum3A_126 = vector.broadcast %reduce_sum3A_125 : i1 to vector<16xi1>
    %reduce_sum3A_127 = tpu.scan <sum>, %get3A_107 masked %reduce_sum3A_126 : vector<16xi32>, vector<16xi1> -> vector<16xi32>
    %reduce_sum3A_128 = vector.extract %reduce_sum3A_127[15] : i32 from vector<16xi32>
    %add3A_129 = arith.addi %add3A_103, %reduce_sum3A_128 : i32
    %add3A_130 = arith.constant 32 : i32
    %add3A_131 = arith.addi %mul3A_2, %add3A_130 : i32
    %get3A_132 = arith.index_cast %add3A_131 : i32 to index
    %get3A_133 = tpu.vector_load %arg6[%get3A_132] {strides = array<i32>} : memref<8192xi32, #tpu.memory_space<vmem>>, vector<16xi32>,
    %broadcast_in_dim3A_134 = arith.constant true
    %broadcast_in_dim3A_135 = vector.broadcast %broadcast_in_dim3A_134 : i1 to vector<16xi1>
    %masked_cumsum3A_136 = tpu.scan <sum>, %get3A_133 masked %broadcast_in_dim3A_135 : vector<16xi32>, vector<16xi1> -> vector<16xi32>
    %ne3A_137 = arith.constant 0 : i32
    %ne3A_138 = vector.broadcast %ne3A_137 : i32 to vector<16xi32>
    %ne3A_139 = arith.cmpi ne, %get3A_133, %ne3A_138 : vector<16xi32>
    %add3A_140 = arith.addi %sub3A_68, %add3A_129 : i32
    %add3A_141 = vector.broadcast %add3A_140 : i32 to vector<16xi32>
    %add3A_142 = arith.addi %add3A_141, %masked_cumsum3A_136 : vector<16xi32>
    %sub3A_143 = arith.constant 1 : i32
    %sub3A_144 = vector.broadcast %sub3A_143 : i32 to vector<16xi32>
    %sub3A_145 = arith.subi %add3A_142, %sub3A_144 : vector<16xi32>
    %jit3A_146 = arith.constant 264 : i32
    %broadcast_in_dim3A_147 = vector.broadcast %jit3A_146 : i32 to vector<16xi32>
    %select_n3A_148 = arith.select %ne3A_139, %sub3A_145, %broadcast_in_dim3A_147 : vector<16xi1>, vector<16xi32>
    %swap3A_149 = arith.constant 32 : index
    %swap3A_150 = tpu.vector_load %arg7[%swap3A_149] {strides = array<i32>} : memref<272xi32, #tpu.memory_space<vmem>>, vector<16xi32>,
    tpu.vector_store %arg7[%swap3A_149], %select_n3A_148 {strides = array<i32>} : memref<272xi32, #tpu.memory_space<vmem>>, vector<16xi32>,
    %reduce_sum3A_151 = arith.constant true
    %reduce_sum3A_152 = vector.broadcast %reduce_sum3A_151 : i1 to vector<16xi1>
    %reduce_sum3A_153 = tpu.scan <sum>, %get3A_133 masked %reduce_sum3A_152 : vector<16xi32>, vector<16xi1> -> vector<16xi32>
    %reduce_sum3A_154 = vector.extract %reduce_sum3A_153[15] : i32 from vector<16xi32>
    %add3A_155 = arith.addi %add3A_129, %reduce_sum3A_154 : i32
    %add3A_156 = arith.constant 48 : i32
    %add3A_157 = arith.addi %mul3A_2, %add3A_156 : i32
    %get3A_158 = arith.index_cast %add3A_157 : i32 to index
    %get3A_159 = tpu.vector_load %arg6[%get3A_158] {strides = array<i32>} : memref<8192xi32, #tpu.memory_space<vmem>>, vector<16xi32>,
    %broadcast_in_dim3A_160 = arith.constant true
    %broadcast_in_dim3A_161 = vector.broadcast %broadcast_in_dim3A_160 : i1 to vector<16xi1>
    %masked_cumsum3A_162 = tpu.scan <sum>, %get3A_159 masked %broadcast_in_dim3A_161 : vector<16xi32>, vector<16xi1> -> vector<16xi32>
    %ne3A_163 = arith.constant 0 : i32
    %ne3A_164 = vector.broadcast %ne3A_163 : i32 to vector<16xi32>
    %ne3A_165 = arith.cmpi ne, %get3A_159, %ne3A_164 : vector<16xi32>
    %add3A_166 = arith.addi %sub3A_68, %add3A_155 : i32
    %add3A_167 = vector.broadcast %add3A_166 : i32 to vector<16xi32>
    %add3A_168 = arith.addi %add3A_167, %masked_cumsum3A_162 : vector<16xi32>
    %sub3A_169 = arith.constant 1 : i32
    %sub3A_170 = vector.broadcast %sub3A_169 : i32 to vector<16xi32>
    %sub3A_171 = arith.subi %add3A_168, %sub3A_170 : vector<16xi32>
    %jit3A_172 = arith.constant 264 : i32
    %broadcast_in_dim3A_173 = vector.broadcast %jit3A_172 : i32 to vector<16xi32>
    %select_n3A_174 = arith.select %ne3A_165, %sub3A_171, %broadcast_in_dim3A_173 : vector<16xi1>, vector<16xi32>
    %swap3A_175 = arith.constant 48 : index
    %swap3A_176 = tpu.vector_load %arg7[%swap3A_175] {strides = array<i32>} : memref<272xi32, #tpu.memory_space<vmem>>, vector<16xi32>,
    tpu.vector_store %arg7[%swap3A_175], %select_n3A_174 {strides = array<i32>} : memref<272xi32, #tpu.memory_space<vmem>>, vector<16xi32>,
    %reduce_sum3A_177 = arith.constant true
    %reduce_sum3A_178 = vector.broadcast %reduce_sum3A_177 : i1 to vector<16xi1>
    %reduce_sum3A_179 = tpu.scan <sum>, %get3A_159 masked %reduce_sum3A_178 : vector<16xi32>, vector<16xi1> -> vector<16xi32>
    %reduce_sum3A_180 = vector.extract %reduce_sum3A_179[15] : i32 from vector<16xi32>
    %add3A_181 = arith.addi %add3A_155, %reduce_sum3A_180 : i32
    %add3A_182 = arith.constant 64 : i32
    %add3A_183 = arith.addi %mul3A_2, %add3A_182 : i32
    %get3A_184 = arith.index_cast %add3A_183 : i32 to index
    %get3A_185 = tpu.vector_load %arg6[%get3A_184] {strides = array<i32>} : memref<8192xi32, #tpu.memory_space<vmem>>, vector<16xi32>,
    %broadcast_in_dim3A_186 = arith.constant true
    %broadcast_in_dim3A_187 = vector.broadcast %broadcast_in_dim3A_186 : i1 to vector<16xi1>
    %masked_cumsum3A_188 = tpu.scan <sum>, %get3A_185 masked %broadcast_in_dim3A_187 : vector<16xi32>, vector<16xi1> -> vector<16xi32>
    %ne3A_189 = arith.constant 0 : i32
    %ne3A_190 = vector.broadcast %ne3A_189 : i32 to vector<16xi32>
    %ne3A_191 = arith.cmpi ne, %get3A_185, %ne3A_190 : vector<16xi32>
    %add3A_192 = arith.addi %sub3A_68, %add3A_181 : i32
    %add3A_193 = vector.broadcast %add3A_192 : i32 to vector<16xi32>
    %add3A_194 = arith.addi %add3A_193, %masked_cumsum3A_188 : vector<16xi32>
    %sub3A_195 = arith.constant 1 : i32
    %sub3A_196 = vector.broadcast %sub3A_195 : i32 to vector<16xi32>
    %sub3A_197 = arith.subi %add3A_194, %sub3A_196 : vector<16xi32>
    %jit3A_198 = arith.constant 264 : i32
    %broadcast_in_dim3A_199 = vector.broadcast %jit3A_198 : i32 to vector<16xi32>
    %select_n3A_200 = arith.select %ne3A_191, %sub3A_197, %broadcast_in_dim3A_199 : vector<16xi1>, vector<16xi32>
    %swap3A_201 = arith.constant 64 : index
    %swap3A_202 = tpu.vector_load %arg7[%swap3A_201] {strides = array<i32>} : memref<272xi32, #tpu.memory_space<vmem>>, vector<16xi32>,
    tpu.vector_store %arg7[%swap3A_201], %select_n3A_200 {strides = array<i32>} : memref<272xi32, #tpu.memory_space<vmem>>, vector<16xi32>,
    %reduce_sum3A_203 = arith.constant true
    %reduce_sum3A_204 = vector.broadcast %reduce_sum3A_203 : i1 to vector<16xi1>
    %reduce_sum3A_205 = tpu.scan <sum>, %get3A_185 masked %reduce_sum3A_204 : vector<16xi32>, vector<16xi1> -> vector<16xi32>
    %reduce_sum3A_206 = vector.extract %reduce_sum3A_205[15] : i32 from vector<16xi32>
    %add3A_207 = arith.addi %add3A_181, %reduce_sum3A_206 : i32
    %add3A_208 = arith.constant 80 : i32
    %add3A_209 = arith.addi %mul3A_2, %add3A_208 : i32
    %get3A_210 = arith.index_cast %add3A_209 : i32 to index
    %get3A_211 = tpu.vector_load %arg6[%get3A_210] {strides = array<i32>} : memref<8192xi32, #tpu.memory_space<vmem>>, vector<16xi32>,
    %broadcast_in_dim3A_212 = arith.constant true
    %broadcast_in_dim3A_213 = vector.broadcast %broadcast_in_dim3A_212 : i1 to vector<16xi1>
    %masked_cumsum3A_214 = tpu.scan <sum>, %get3A_211 masked %broadcast_in_dim3A_213 : vector<16xi32>, vector<16xi1> -> vector<16xi32>
    %ne3A_215 = arith.constant 0 : i32
    %ne3A_216 = vector.broadcast %ne3A_215 : i32 to vector<16xi32>
    %ne3A_217 = arith.cmpi ne, %get3A_211, %ne3A_216 : vector<16xi32>
    %add3A_218 = arith.addi %sub3A_68, %add3A_207 : i32
    %add3A_219 = vector.broadcast %add3A_218 : i32 to vector<16xi32>
    %add3A_220 = arith.addi %add3A_219, %masked_cumsum3A_214 : vector<16xi32>
    %sub3A_221 = arith.constant 1 : i32
    %sub3A_222 = vector.broadcast %sub3A_221 : i32 to vector<16xi32>
    %sub3A_223 = arith.subi %add3A_220, %sub3A_222 : vector<16xi32>
    %jit3A_224 = arith.constant 264 : i32
    %broadcast_in_dim3A_225 = vector.broadcast %jit3A_224 : i32 to vector<16xi32>
    %select_n3A_226 = arith.select %ne3A_217, %sub3A_223, %broadcast_in_dim3A_225 : vector<16xi1>, vector<16xi32>
    %swap3A_227 = arith.constant 80 : index
    %swap3A_228 = tpu.vector_load %arg7[%swap3A_227] {strides = array<i32>} : memref<272xi32, #tpu.memory_space<vmem>>, vector<16xi32>,
    tpu.vector_store %arg7[%swap3A_227], %select_n3A_226 {strides = array<i32>} : memref<272xi32, #tpu.memory_space<vmem>>, vector<16xi32>,
    %reduce_sum3A_229 = arith.constant true
    %reduce_sum3A_230 = vector.broadcast %reduce_sum3A_229 : i1 to vector<16xi1>
    %reduce_sum3A_231 = tpu.scan <sum>, %get3A_211 masked %reduce_sum3A_230 : vector<16xi32>, vector<16xi1> -> vector<16xi32>
    %reduce_sum3A_232 = vector.extract %reduce_sum3A_231[15] : i32 from vector<16xi32>
    %add3A_233 = arith.addi %add3A_207, %reduce_sum3A_232 : i32
    %add3A_234 = arith.constant 96 : i32
    %add3A_235 = arith.addi %mul3A_2, %add3A_234 : i32
    %get3A_236 = arith.index_cast %add3A_235 : i32 to index
    %get3A_237 = tpu.vector_load %arg6[%get3A_236] {strides = array<i32>} : memref<8192xi32, #tpu.memory_space<vmem>>, vector<16xi32>,
    %broadcast_in_dim3A_238 = arith.constant true
    %broadcast_in_dim3A_239 = vector.broadcast %broadcast_in_dim3A_238 : i1 to vector<16xi1>
    %masked_cumsum3A_240 = tpu.scan <sum>, %get3A_237 masked %broadcast_in_dim3A_239 : vector<16xi32>, vector<16xi1> -> vector<16xi32>
    %ne3A_241 = arith.constant 0 : i32
    %ne3A_242 = vector.broadcast %ne3A_241 : i32 to vector<16xi32>
    %ne3A_243 = arith.cmpi ne, %get3A_237, %ne3A_242 : vector<16xi32>
    %add3A_244 = arith.addi %sub3A_68, %add3A_233 : i32
    %add3A_245 = vector.broadcast %add3A_244 : i32 to vector<16xi32>
    %add3A_246 = arith.addi %add3A_245, %masked_cumsum3A_240 : vector<16xi32>
    %sub3A_247 = arith.constant 1 : i32
    %sub3A_248 = vector.broadcast %sub3A_247 : i32 to vector<16xi32>
    %sub3A_249 = arith.subi %add3A_246, %sub3A_248 : vector<16xi32>
    %jit3A_250 = arith.constant 264 : i32
    %broadcast_in_dim3A_251 = vector.broadcast %jit3A_250 : i32 to vector<16xi32>
    %select_n3A_252 = arith.select %ne3A_243, %sub3A_249, %broadcast_in_dim3A_251 : vector<16xi1>, vector<16xi32>
    %swap3A_253 = arith.constant 96 : index
    %swap3A_254 = tpu.vector_load %arg7[%swap3A_253] {strides = array<i32>} : memref<272xi32, #tpu.memory_space<vmem>>, vector<16xi32>,
    tpu.vector_store %arg7[%swap3A_253], %select_n3A_252 {strides = array<i32>} : memref<272xi32, #tpu.memory_space<vmem>>, vector<16xi32>,
    %reduce_sum3A_255 = arith.constant true
    %reduce_sum3A_256 = vector.broadcast %reduce_sum3A_255 : i1 to vector<16xi1>
    %reduce_sum3A_257 = tpu.scan <sum>, %get3A_237 masked %reduce_sum3A_256 : vector<16xi32>, vector<16xi1> -> vector<16xi32>
    %reduce_sum3A_258 = vector.extract %reduce_sum3A_257[15] : i32 from vector<16xi32>
    %add3A_259 = arith.addi %add3A_233, %reduce_sum3A_258 : i32
    %add3A_260 = arith.constant 112 : i32
    %add3A_261 = arith.addi %mul3A_2, %add3A_260 : i32
    %get3A_262 = arith.index_cast %add3A_261 : i32 to index
    %get3A_263 = tpu.vector_load %arg6[%get3A_262] {strides = array<i32>} : memref<8192xi32, #tpu.memory_space<vmem>>, vector<16xi32>,
    %broadcast_in_dim3A_264 = arith.constant true
    %broadcast_in_dim3A_265 = vector.broadcast %broadcast_in_dim3A_264 : i1 to vector<16xi1>
    %masked_cumsum3A_266 = tpu.scan <sum>, %get3A_263 masked %broadcast_in_dim3A_265 : vector<16xi32>, vector<16xi1> -> vector<16xi32>
    %ne3A_267 = arith.constant 0 : i32
    %ne3A_268 = vector.broadcast %ne3A_267 : i32 to vector<16xi32>
    %ne3A_269 = arith.cmpi ne, %get3A_263, %ne3A_268 : vector<16xi32>
    %add3A_270 = arith.addi %sub3A_68, %add3A_259 : i32
    %add3A_271 = vector.broadcast %add3A_270 : i32 to vector<16xi32>
    %add3A_272 = arith.addi %add3A_271, %masked_cumsum3A_266 : vector<16xi32>
    %sub3A_273 = arith.constant 1 : i32
    %sub3A_274 = vector.broadcast %sub3A_273 : i32 to vector<16xi32>
    %sub3A_275 = arith.subi %add3A_272, %sub3A_274 : vector<16xi32>
    %jit3A_276 = arith.constant 264 : i32
    %broadcast_in_dim3A_277 = vector.broadcast %jit3A_276 : i32 to vector<16xi32>
    %select_n3A_278 = arith.select %ne3A_269, %sub3A_275, %broadcast_in_dim3A_277 : vector<16xi1>, vector<16xi32>
    %swap3A_279 = arith.constant 112 : index
    %swap3A_280 = tpu.vector_load %arg7[%swap3A_279] {strides = array<i32>} : memref<272xi32, #tpu.memory_space<vmem>>, vector<16xi32>,
    tpu.vector_store %arg7[%swap3A_279], %select_n3A_278 {strides = array<i32>} : memref<272xi32, #tpu.memory_space<vmem>>, vector<16xi32>,
    %reduce_sum3A_281 = arith.constant true
    %reduce_sum3A_282 = vector.broadcast %reduce_sum3A_281 : i1 to vector<16xi1>
    %reduce_sum3A_283 = tpu.scan <sum>, %get3A_263 masked %reduce_sum3A_282 : vector<16xi32>, vector<16xi1> -> vector<16xi32>
    %reduce_sum3A_284 = vector.extract %reduce_sum3A_283[15] : i32 from vector<16xi32>
    %add3A_285 = arith.addi %add3A_259, %reduce_sum3A_284 : i32
    %add3A_286 = arith.constant 128 : i32
    %add3A_287 = arith.addi %mul3A_2, %add3A_286 : i32
    %get3A_288 = arith.index_cast %add3A_287 : i32 to index
    %get3A_289 = tpu.vector_load %arg6[%get3A_288] {strides = array<i32>} : memref<8192xi32, #tpu.memory_space<vmem>>, vector<16xi32>,
    %broadcast_in_dim3A_290 = arith.constant true
    %broadcast_in_dim3A_291 = vector.broadcast %broadcast_in_dim3A_290 : i1 to vector<16xi1>
    %masked_cumsum3A_292 = tpu.scan <sum>, %get3A_289 masked %broadcast_in_dim3A_291 : vector<16xi32>, vector<16xi1> -> vector<16xi32>
    %ne3A_293 = arith.constant 0 : i32
    %ne3A_294 = vector.broadcast %ne3A_293 : i32 to vector<16xi32>
    %ne3A_295 = arith.cmpi ne, %get3A_289, %ne3A_294 : vector<16xi32>
    %add3A_296 = arith.addi %sub3A_68, %add3A_285 : i32
    %add3A_297 = vector.broadcast %add3A_296 : i32 to vector<16xi32>
    %add3A_298 = arith.addi %add3A_297, %masked_cumsum3A_292 : vector<16xi32>
    %sub3A_299 = arith.constant 1 : i32
    %sub3A_300 = vector.broadcast %sub3A_299 : i32 to vector<16xi32>
    %sub3A_301 = arith.subi %add3A_298, %sub3A_300 : vector<16xi32>
    %jit3A_302 = arith.constant 264 : i32
    %broadcast_in_dim3A_303 = vector.broadcast %jit3A_302 : i32 to vector<16xi32>
    %select_n3A_304 = arith.select %ne3A_295, %sub3A_301, %broadcast_in_dim3A_303 : vector<16xi1>, vector<16xi32>
    %swap3A_305 = arith.constant 128 : index
    %swap3A_306 = tpu.vector_load %arg7[%swap3A_305] {strides = array<i32>} : memref<272xi32, #tpu.memory_space<vmem>>, vector<16xi32>,
    tpu.vector_store %arg7[%swap3A_305], %select_n3A_304 {strides = array<i32>} : memref<272xi32, #tpu.memory_space<vmem>>, vector<16xi32>,
    %reduce_sum3A_307 = arith.constant true
    %reduce_sum3A_308 = vector.broadcast %reduce_sum3A_307 : i1 to vector<16xi1>
    %reduce_sum3A_309 = tpu.scan <sum>, %get3A_289 masked %reduce_sum3A_308 : vector<16xi32>, vector<16xi1> -> vector<16xi32>
    %reduce_sum3A_310 = vector.extract %reduce_sum3A_309[15] : i32 from vector<16xi32>
    %add3A_311 = arith.addi %add3A_285, %reduce_sum3A_310 : i32
    %add3A_312 = arith.constant 144 : i32
    %add3A_313 = arith.addi %mul3A_2, %add3A_312 : i32
    %get3A_314 = arith.index_cast %add3A_313 : i32 to index
    %get3A_315 = tpu.vector_load %arg6[%get3A_314] {strides = array<i32>} : memref<8192xi32, #tpu.memory_space<vmem>>, vector<16xi32>,
    %broadcast_in_dim3A_316 = arith.constant true
    %broadcast_in_dim3A_317 = vector.broadcast %broadcast_in_dim3A_316 : i1 to vector<16xi1>
    %masked_cumsum3A_318 = tpu.scan <sum>, %get3A_315 masked %broadcast_in_dim3A_317 : vector<16xi32>, vector<16xi1> -> vector<16xi32>
    %ne3A_319 = arith.constant 0 : i32
    %ne3A_320 = vector.broadcast %ne3A_319 : i32 to vector<16xi32>
    %ne3A_321 = arith.cmpi ne, %get3A_315, %ne3A_320 : vector<16xi32>
    %add3A_322 = arith.addi %sub3A_68, %add3A_311 : i32
    %add3A_323 = vector.broadcast %add3A_322 : i32 to vector<16xi32>
    %add3A_324 = arith.addi %add3A_323, %masked_cumsum3A_318 : vector<16xi32>
    %sub3A_325 = arith.constant 1 : i32
    %sub3A_326 = vector.broadcast %sub3A_325 : i32 to vector<16xi32>
    %sub3A_327 = arith.subi %add3A_324, %sub3A_326 : vector<16xi32>
    %jit3A_328 = arith.constant 264 : i32
    %broadcast_in_dim3A_329 = vector.broadcast %jit3A_328 : i32 to vector<16xi32>
    %select_n3A_330 = arith.select %ne3A_321, %sub3A_327, %broadcast_in_dim3A_329 : vector<16xi1>, vector<16xi32>
    %swap3A_331 = arith.constant 144 : index
    %swap3A_332 = tpu.vector_load %arg7[%swap3A_331] {strides = array<i32>} : memref<272xi32, #tpu.memory_space<vmem>>, vector<16xi32>,
    tpu.vector_store %arg7[%swap3A_331], %select_n3A_330 {strides = array<i32>} : memref<272xi32, #tpu.memory_space<vmem>>, vector<16xi32>,
    %reduce_sum3A_333 = arith.constant true
    %reduce_sum3A_334 = vector.broadcast %reduce_sum3A_333 : i1 to vector<16xi1>
    %reduce_sum3A_335 = tpu.scan <sum>, %get3A_315 masked %reduce_sum3A_334 : vector<16xi32>, vector<16xi1> -> vector<16xi32>
    %reduce_sum3A_336 = vector.extract %reduce_sum3A_335[15] : i32 from vector<16xi32>
    %add3A_337 = arith.addi %add3A_311, %reduce_sum3A_336 : i32
    %add3A_338 = arith.constant 160 : i32
    %add3A_339 = arith.addi %mul3A_2, %add3A_338 : i32
    %get3A_340 = arith.index_cast %add3A_339 : i32 to index
    %get3A_341 = tpu.vector_load %arg6[%get3A_340] {strides = array<i32>} : memref<8192xi32, #tpu.memory_space<vmem>>, vector<16xi32>,
    %broadcast_in_dim3A_342 = arith.constant true
    %broadcast_in_dim3A_343 = vector.broadcast %broadcast_in_dim3A_342 : i1 to vector<16xi1>
    %masked_cumsum3A_344 = tpu.scan <sum>, %get3A_341 masked %broadcast_in_dim3A_343 : vector<16xi32>, vector<16xi1> -> vector<16xi32>
    %ne3A_345 = arith.constant 0 : i32
    %ne3A_346 = vector.broadcast %ne3A_345 : i32 to vector<16xi32>
    %ne3A_347 = arith.cmpi ne, %get3A_341, %ne3A_346 : vector<16xi32>
    %add3A_348 = arith.addi %sub3A_68, %add3A_337 : i32
    %add3A_349 = vector.broadcast %add3A_348 : i32 to vector<16xi32>
    %add3A_350 = arith.addi %add3A_349, %masked_cumsum3A_344 : vector<16xi32>
    %sub3A_351 = arith.constant 1 : i32
    %sub3A_352 = vector.broadcast %sub3A_351 : i32 to vector<16xi32>
    %sub3A_353 = arith.subi %add3A_350, %sub3A_352 : vector<16xi32>
    %jit3A_354 = arith.constant 264 : i32
    %broadcast_in_dim3A_355 = vector.broadcast %jit3A_354 : i32 to vector<16xi32>
    %select_n3A_356 = arith.select %ne3A_347, %sub3A_353, %broadcast_in_dim3A_355 : vector<16xi1>, vector<16xi32>
    %swap3A_357 = arith.constant 160 : index
    %swap3A_358 = tpu.vector_load %arg7[%swap3A_357] {strides = array<i32>} : memref<272xi32, #tpu.memory_space<vmem>>, vector<16xi32>,
    tpu.vector_store %arg7[%swap3A_357], %select_n3A_356 {strides = array<i32>} : memref<272xi32, #tpu.memory_space<vmem>>, vector<16xi32>,
    %reduce_sum3A_359 = arith.constant true
    %reduce_sum3A_360 = vector.broadcast %reduce_sum3A_359 : i1 to vector<16xi1>
    %reduce_sum3A_361 = tpu.scan <sum>, %get3A_341 masked %reduce_sum3A_360 : vector<16xi32>, vector<16xi1> -> vector<16xi32>
    %reduce_sum3A_362 = vector.extract %reduce_sum3A_361[15] : i32 from vector<16xi32>
    %add3A_363 = arith.addi %add3A_337, %reduce_sum3A_362 : i32
    %add3A_364 = arith.constant 176 : i32
    %add3A_365 = arith.addi %mul3A_2, %add3A_364 : i32
    %get3A_366 = arith.index_cast %add3A_365 : i32 to index
    %get3A_367 = tpu.vector_load %arg6[%get3A_366] {strides = array<i32>} : memref<8192xi32, #tpu.memory_space<vmem>>, vector<16xi32>,
    %broadcast_in_dim3A_368 = arith.constant true
    %broadcast_in_dim3A_369 = vector.broadcast %broadcast_in_dim3A_368 : i1 to vector<16xi1>
    %masked_cumsum3A_370 = tpu.scan <sum>, %get3A_367 masked %broadcast_in_dim3A_369 : vector<16xi32>, vector<16xi1> -> vector<16xi32>
    %ne3A_371 = arith.constant 0 : i32
    %ne3A_372 = vector.broadcast %ne3A_371 : i32 to vector<16xi32>
    %ne3A_373 = arith.cmpi ne, %get3A_367, %ne3A_372 : vector<16xi32>
    %add3A_374 = arith.addi %sub3A_68, %add3A_363 : i32
    %add3A_375 = vector.broadcast %add3A_374 : i32 to vector<16xi32>
    %add3A_376 = arith.addi %add3A_375, %masked_cumsum3A_370 : vector<16xi32>
    %sub3A_377 = arith.constant 1 : i32
    %sub3A_378 = vector.broadcast %sub3A_377 : i32 to vector<16xi32>
    %sub3A_379 = arith.subi %add3A_376, %sub3A_378 : vector<16xi32>
    %jit3A_380 = arith.constant 264 : i32
    %broadcast_in_dim3A_381 = vector.broadcast %jit3A_380 : i32 to vector<16xi32>
    %select_n3A_382 = arith.select %ne3A_373, %sub3A_379, %broadcast_in_dim3A_381 : vector<16xi1>, vector<16xi32>
    %swap3A_383 = arith.constant 176 : index
    %swap3A_384 = tpu.vector_load %arg7[%swap3A_383] {strides = array<i32>} : memref<272xi32, #tpu.memory_space<vmem>>, vector<16xi32>,
    tpu.vector_store %arg7[%swap3A_383], %select_n3A_382 {strides = array<i32>} : memref<272xi32, #tpu.memory_space<vmem>>, vector<16xi32>,
    %reduce_sum3A_385 = arith.constant true
    %reduce_sum3A_386 = vector.broadcast %reduce_sum3A_385 : i1 to vector<16xi1>
    %reduce_sum3A_387 = tpu.scan <sum>, %get3A_367 masked %reduce_sum3A_386 : vector<16xi32>, vector<16xi1> -> vector<16xi32>
    %reduce_sum3A_388 = vector.extract %reduce_sum3A_387[15] : i32 from vector<16xi32>
    %add3A_389 = arith.addi %add3A_363, %reduce_sum3A_388 : i32
    %add3A_390 = arith.constant 192 : i32
    %add3A_391 = arith.addi %mul3A_2, %add3A_390 : i32
    %get3A_392 = arith.index_cast %add3A_391 : i32 to index
    %get3A_393 = tpu.vector_load %arg6[%get3A_392] {strides = array<i32>} : memref<8192xi32, #tpu.memory_space<vmem>>, vector<16xi32>,
    %broadcast_in_dim3A_394 = arith.constant true
    %broadcast_in_dim3A_395 = vector.broadcast %broadcast_in_dim3A_394 : i1 to vector<16xi1>
    %masked_cumsum3A_396 = tpu.scan <sum>, %get3A_393 masked %broadcast_in_dim3A_395 : vector<16xi32>, vector<16xi1> -> vector<16xi32>
    %ne3A_397 = arith.constant 0 : i32
    %ne3A_398 = vector.broadcast %ne3A_397 : i32 to vector<16xi32>
    %ne3A_399 = arith.cmpi ne, %get3A_393, %ne3A_398 : vector<16xi32>
    %add3A_400 = arith.addi %sub3A_68, %add3A_389 : i32
    %add3A_401 = vector.broadcast %add3A_400 : i32 to vector<16xi32>
    %add3A_402 = arith.addi %add3A_401, %masked_cumsum3A_396 : vector<16xi32>
    %sub3A_403 = arith.constant 1 : i32
    %sub3A_404 = vector.broadcast %sub3A_403 : i32 to vector<16xi32>
    %sub3A_405 = arith.subi %add3A_402, %sub3A_404 : vector<16xi32>
    %jit3A_406 = arith.constant 264 : i32
    %broadcast_in_dim3A_407 = vector.broadcast %jit3A_406 : i32 to vector<16xi32>
    %select_n3A_408 = arith.select %ne3A_399, %sub3A_405, %broadcast_in_dim3A_407 : vector<16xi1>, vector<16xi32>
    %swap3A_409 = arith.constant 192 : index
    %swap3A_410 = tpu.vector_load %arg7[%swap3A_409] {strides = array<i32>} : memref<272xi32, #tpu.memory_space<vmem>>, vector<16xi32>,
    tpu.vector_store %arg7[%swap3A_409], %select_n3A_408 {strides = array<i32>} : memref<272xi32, #tpu.memory_space<vmem>>, vector<16xi32>,
    %reduce_sum3A_411 = arith.constant true
    %reduce_sum3A_412 = vector.broadcast %reduce_sum3A_411 : i1 to vector<16xi1>
    %reduce_sum3A_413 = tpu.scan <sum>, %get3A_393 masked %reduce_sum3A_412 : vector<16xi32>, vector<16xi1> -> vector<16xi32>
    %reduce_sum3A_414 = vector.extract %reduce_sum3A_413[15] : i32 from vector<16xi32>
    %add3A_415 = arith.addi %add3A_389, %reduce_sum3A_414 : i32
    %add3A_416 = arith.constant 208 : i32
    %add3A_417 = arith.addi %mul3A_2, %add3A_416 : i32
    %get3A_418 = arith.index_cast %add3A_417 : i32 to index
    %get3A_419 = tpu.vector_load %arg6[%get3A_418] {strides = array<i32>} : memref<8192xi32, #tpu.memory_space<vmem>>, vector<16xi32>,
    %broadcast_in_dim3A_420 = arith.constant true
    %broadcast_in_dim3A_421 = vector.broadcast %broadcast_in_dim3A_420 : i1 to vector<16xi1>
    %masked_cumsum3A_422 = tpu.scan <sum>, %get3A_419 masked %broadcast_in_dim3A_421 : vector<16xi32>, vector<16xi1> -> vector<16xi32>
    %ne3A_423 = arith.constant 0 : i32
    %ne3A_424 = vector.broadcast %ne3A_423 : i32 to vector<16xi32>
    %ne3A_425 = arith.cmpi ne, %get3A_419, %ne3A_424 : vector<16xi32>
    %add3A_426 = arith.addi %sub3A_68, %add3A_415 : i32
    %add3A_427 = vector.broadcast %add3A_426 : i32 to vector<16xi32>
    %add3A_428 = arith.addi %add3A_427, %masked_cumsum3A_422 : vector<16xi32>
    %sub3A_429 = arith.constant 1 : i32
    %sub3A_430 = vector.broadcast %sub3A_429 : i32 to vector<16xi32>
    %sub3A_431 = arith.subi %add3A_428, %sub3A_430 : vector<16xi32>
    %jit3A_432 = arith.constant 264 : i32
    %broadcast_in_dim3A_433 = vector.broadcast %jit3A_432 : i32 to vector<16xi32>
    %select_n3A_434 = arith.select %ne3A_425, %sub3A_431, %broadcast_in_dim3A_433 : vector<16xi1>, vector<16xi32>
    %swap3A_435 = arith.constant 208 : index
    %swap3A_436 = tpu.vector_load %arg7[%swap3A_435] {strides = array<i32>} : memref<272xi32, #tpu.memory_space<vmem>>, vector<16xi32>,
    tpu.vector_store %arg7[%swap3A_435], %select_n3A_434 {strides = array<i32>} : memref<272xi32, #tpu.memory_space<vmem>>, vector<16xi32>,
    %reduce_sum3A_437 = arith.constant true
    %reduce_sum3A_438 = vector.broadcast %reduce_sum3A_437 : i1 to vector<16xi1>
    %reduce_sum3A_439 = tpu.scan <sum>, %get3A_419 masked %reduce_sum3A_438 : vector<16xi32>, vector<16xi1> -> vector<16xi32>
    %reduce_sum3A_440 = vector.extract %reduce_sum3A_439[15] : i32 from vector<16xi32>
    %add3A_441 = arith.addi %add3A_415, %reduce_sum3A_440 : i32
    %add3A_442 = arith.constant 224 : i32
    %add3A_443 = arith.addi %mul3A_2, %add3A_442 : i32
    %get3A_444 = arith.index_cast %add3A_443 : i32 to index
    %get3A_445 = tpu.vector_load %arg6[%get3A_444] {strides = array<i32>} : memref<8192xi32, #tpu.memory_space<vmem>>, vector<16xi32>,
    %broadcast_in_dim3A_446 = arith.constant true
    %broadcast_in_dim3A_447 = vector.broadcast %broadcast_in_dim3A_446 : i1 to vector<16xi1>
    %masked_cumsum3A_448 = tpu.scan <sum>, %get3A_445 masked %broadcast_in_dim3A_447 : vector<16xi32>, vector<16xi1> -> vector<16xi32>
    %ne3A_449 = arith.constant 0 : i32
    %ne3A_450 = vector.broadcast %ne3A_449 : i32 to vector<16xi32>
    %ne3A_451 = arith.cmpi ne, %get3A_445, %ne3A_450 : vector<16xi32>
    %add3A_452 = arith.addi %sub3A_68, %add3A_441 : i32
    %add3A_453 = vector.broadcast %add3A_452 : i32 to vector<16xi32>
    %add3A_454 = arith.addi %add3A_453, %masked_cumsum3A_448 : vector<16xi32>
    %sub3A_455 = arith.constant 1 : i32
    %sub3A_456 = vector.broadcast %sub3A_455 : i32 to vector<16xi32>
    %sub3A_457 = arith.subi %add3A_454, %sub3A_456 : vector<16xi32>
    %jit3A_458 = arith.constant 264 : i32
    %broadcast_in_dim3A_459 = vector.broadcast %jit3A_458 : i32 to vector<16xi32>
    %select_n3A_460 = arith.select %ne3A_451, %sub3A_457, %broadcast_in_dim3A_459 : vector<16xi1>, vector<16xi32>
    %swap3A_461 = arith.constant 224 : index
    %swap3A_462 = tpu.vector_load %arg7[%swap3A_461] {strides = array<i32>} : memref<272xi32, #tpu.memory_space<vmem>>, vector<16xi32>,
    tpu.vector_store %arg7[%swap3A_461], %select_n3A_460 {strides = array<i32>} : memref<272xi32, #tpu.memory_space<vmem>>, vector<16xi32>,
    %reduce_sum3A_463 = arith.constant true
    %reduce_sum3A_464 = vector.broadcast %reduce_sum3A_463 : i1 to vector<16xi1>
    %reduce_sum3A_465 = tpu.scan <sum>, %get3A_445 masked %reduce_sum3A_464 : vector<16xi32>, vector<16xi1> -> vector<16xi32>
    %reduce_sum3A_466 = vector.extract %reduce_sum3A_465[15] : i32 from vector<16xi32>
    %add3A_467 = arith.addi %add3A_441, %reduce_sum3A_466 : i32
    %add3A_468 = arith.constant 240 : i32
    %add3A_469 = arith.addi %mul3A_2, %add3A_468 : i32
    %get3A_470 = arith.index_cast %add3A_469 : i32 to index
    %get3A_471 = tpu.vector_load %arg6[%get3A_470] {strides = array<i32>} : memref<8192xi32, #tpu.memory_space<vmem>>, vector<16xi32>,
    %broadcast_in_dim3A_472 = arith.constant true
    %broadcast_in_dim3A_473 = vector.broadcast %broadcast_in_dim3A_472 : i1 to vector<16xi1>
    %masked_cumsum3A_474 = tpu.scan <sum>, %get3A_471 masked %broadcast_in_dim3A_473 : vector<16xi32>, vector<16xi1> -> vector<16xi32>
    %ne3A_475 = arith.constant 0 : i32
    %ne3A_476 = vector.broadcast %ne3A_475 : i32 to vector<16xi32>
    %ne3A_477 = arith.cmpi ne, %get3A_471, %ne3A_476 : vector<16xi32>
    %add3A_478 = arith.addi %sub3A_68, %add3A_467 : i32
    %add3A_479 = vector.broadcast %add3A_478 : i32 to vector<16xi32>
    %add3A_480 = arith.addi %add3A_479, %masked_cumsum3A_474 : vector<16xi32>
    %sub3A_481 = arith.constant 1 : i32
    %sub3A_482 = vector.broadcast %sub3A_481 : i32 to vector<16xi32>
    %sub3A_483 = arith.subi %add3A_480, %sub3A_482 : vector<16xi32>
    %jit3A_484 = arith.constant 264 : i32
    %broadcast_in_dim3A_485 = vector.broadcast %jit3A_484 : i32 to vector<16xi32>
    %select_n3A_486 = arith.select %ne3A_477, %sub3A_483, %broadcast_in_dim3A_485 : vector<16xi1>, vector<16xi32>
    %swap3A_487 = arith.constant 240 : index
    %swap3A_488 = tpu.vector_load %arg7[%swap3A_487] {strides = array<i32>} : memref<272xi32, #tpu.memory_space<vmem>>, vector<16xi32>,
    tpu.vector_store %arg7[%swap3A_487], %select_n3A_486 {strides = array<i32>} : memref<272xi32, #tpu.memory_space<vmem>>, vector<16xi32>,
    %reduce_sum3A_489 = arith.constant true
    %reduce_sum3A_490 = vector.broadcast %reduce_sum3A_489 : i1 to vector<16xi1>
    %reduce_sum3A_491 = tpu.scan <sum>, %get3A_471 masked %reduce_sum3A_490 : vector<16xi32>, vector<16xi1> -> vector<16xi32>
    %reduce_sum3A_492 = vector.extract %reduce_sum3A_491[15] : i32 from vector<16xi32>
    %add3A_493 = arith.addi %add3A_467, %reduce_sum3A_492 : i32
    %dma_wait3A = arith.constant 0 : i32
    %dma_wait3A_494 = arith.constant 0 : i32
    %dma_wait3A_495 = tpu.memref_slice %arg8[%dma_wait3A, %dma_wait3A_494] : memref<265x128xf32, #tpu.memory_space<vmem>> -> memref<264x128xf32, #tpu.memory_space<vmem>>
    %dma_wait3A_496 = arith.constant 0 : i32
    %dma_wait3A_497 = tpu.memref_slice %arg2[%multiple_of3A, %dma_wait3A_496] : memref<8704x128xf32, #tpu.memory_space<hbm>> -> memref<264x128xf32, #tpu.memory_space<hbm>>
    %dma_wait3A_498 = arith.constant 0 : i32
    %dma_wait3A_499 = arith.constant 0 : i32
    %dma_wait3A_500 = tpu.memref_slice %arg8[%dma_wait3A_498, %dma_wait3A_499] : memref<265x128xf32, #tpu.memory_space<vmem>> -> memref<264x128xf32, #tpu.memory_space<vmem>>
    %dma_wait3A_501 = arith.constant 0 : i32
    %dma_wait3A_502 = tpu.memref_slice %arg2[%multiple_of3A, %dma_wait3A_501] : memref<8704x128xf32, #tpu.memory_space<hbm>> -> memref<264x128xf32, #tpu.memory_space<hbm>>
    tpu.wait_dma2 semaphore(%arg11 : memref<!tpu.dma_semaphore, #tpu.memory_space<semaphore_mem>>) src(%dma_wait3A_502 : memref<264x128xf32, #tpu.memory_space<hbm>>) dst(%dma_wait3A_500 : memref<264x128xf32, #tpu.memory_space<vmem>>)
    %scan3A = arith.constant 0 : i32
    %scan3A_503 = arith.constant 0 : i32
    %scan3A_504 = arith.constant 8 : i32
    %scan3A_505 = arith.addi %scan3A_503, %scan3A_504 : i32
    %scan3A_506 = arith.constant 1 : i32
    %scan3A_507 = scf.for %scan3A_558 = %scan3A_503 to %scan3A_505 step %scan3A_506 iter_args(%scan3A_559 = %scan3A) -> (i32)  : i32 {
      %mul3A_560 = arith.constant 16 : i32
      %mul3A_561 = arith.muli %scan3A_558, %mul3A_560 : i32
      %get3A_562 = arith.index_cast %mul3A_561 : i32 to index
      %get3A_563 = tpu.vector_load %arg7[%get3A_562] {strides = array<i32>} : memref<272xi32, #tpu.memory_space<vmem>>, vector<16xi32>,
      %slice3A = vector.extract_strided_slice %get3A_563 {offsets = [0], sizes = [1], strides = [1]} : vector<16xi32> to vector<1xi32>
      %squeeze3A = vector.extract %slice3A[0] : i32 from vector<1xi32>
      %mul3A_564 = arith.constant 16 : i32
      %mul3A_565 = arith.muli %scan3A_558, %mul3A_564 : i32
      %add3A_566 = arith.constant 0 : i32
      %add3A_567 = arith.addi %mul3A_565, %add3A_566 : i32
      %get3A_568 = arith.index_cast %squeeze3A : i32 to index
      %get3A_569 = arith.constant 0 : index
      %get3A_570 = tpu.vector_load %arg8[%get3A_568, %get3A_569] {strides = array<i32>} : memref<265x128xf32, #tpu.memory_space<vmem>>, vector<16xf32>,
      %swap3A_571 = arith.index_cast %add3A_567 : i32 to index
      %swap3A_572 = arith.constant 0 : index
      %swap3A_573 = tpu.vector_load %arg9[%swap3A_571, %swap3A_572] {strides = array<i32>} : memref<256x128xf32, #tpu.memory_space<vmem>>, vector<16xf32>,
      tpu.vector_store %arg9[%swap3A_571, %swap3A_572], %get3A_570 {strides = array<i32>} : memref<256x128xf32, #tpu.memory_space<vmem>>, vector<16xf32>,
      %get3A_574 = arith.index_cast %squeeze3A : i32 to index
      %get3A_575 = arith.constant 16 : index
      %get3A_576 = tpu.vector_load %arg8[%get3A_574, %get3A_575] {strides = array<i32>} : memref<265x128xf32, #tpu.memory_space<vmem>>, vector<16xf32>,
      %swap3A_577 = arith.index_cast %add3A_567 : i32 to index
      %swap3A_578 = arith.constant 16 : index
      %swap3A_579 = tpu.vector_load %arg9[%swap3A_577, %swap3A_578] {strides = array<i32>} : memref<256x128xf32, #tpu.memory_space<vmem>>, vector<16xf32>,
      tpu.vector_store %arg9[%swap3A_577, %swap3A_578], %get3A_576 {strides = array<i32>} : memref<256x128xf32, #tpu.memory_space<vmem>>, vector<16xf32>,
      %get3A_580 = arith.index_cast %squeeze3A : i32 to index
      %get3A_581 = arith.constant 32 : index
      %get3A_582 = tpu.vector_load %arg8[%get3A_580, %get3A_581] {strides = array<i32>} : memref<265x128xf32, #tpu.memory_space<vmem>>, vector<16xf32>,
      %swap3A_583 = arith.index_cast %add3A_567 : i32 to index
      %swap3A_584 = arith.constant 32 : index
      %swap3A_585 = tpu.vector_load %arg9[%swap3A_583, %swap3A_584] {strides = array<i32>} : memref<256x128xf32, #tpu.memory_space<vmem>>, vector<16xf32>,
      tpu.vector_store %arg9[%swap3A_583, %swap3A_584], %get3A_582 {strides = array<i32>} : memref<256x128xf32, #tpu.memory_space<vmem>>, vector<16xf32>,
      %get3A_586 = arith.index_cast %squeeze3A : i32 to index
      %get3A_587 = arith.constant 48 : index
      %get3A_588 = tpu.vector_load %arg8[%get3A_586, %get3A_587] {strides = array<i32>} : memref<265x128xf32, #tpu.memory_space<vmem>>, vector<16xf32>,
      %swap3A_589 = arith.index_cast %add3A_567 : i32 to index
      %swap3A_590 = arith.constant 48 : index
      %swap3A_591 = tpu.vector_load %arg9[%swap3A_589, %swap3A_590] {strides = array<i32>} : memref<256x128xf32, #tpu.memory_space<vmem>>, vector<16xf32>,
      tpu.vector_store %arg9[%swap3A_589, %swap3A_590], %get3A_588 {strides = array<i32>} : memref<256x128xf32, #tpu.memory_space<vmem>>, vector<16xf32>,
      %get3A_592 = arith.index_cast %squeeze3A : i32 to index
      %get3A_593 = arith.constant 64 : index
      %get3A_594 = tpu.vector_load %arg8[%get3A_592, %get3A_593] {strides = array<i32>} : memref<265x128xf32, #tpu.memory_space<vmem>>, vector<16xf32>,
      %swap3A_595 = arith.index_cast %add3A_567 : i32 to index
      %swap3A_596 = arith.constant 64 : index
      %swap3A_597 = tpu.vector_load %arg9[%swap3A_595, %swap3A_596] {strides = array<i32>} : memref<256x128xf32, #tpu.memory_space<vmem>>, vector<16xf32>,
      tpu.vector_store %arg9[%swap3A_595, %swap3A_596], %get3A_594 {strides = array<i32>} : memref<256x128xf32, #tpu.memory_space<vmem>>, vector<16xf32>,
      %get3A_598 = arith.index_cast %squeeze3A : i32 to index
      %get3A_599 = arith.constant 80 : index
      %get3A_600 = tpu.vector_load %arg8[%get3A_598, %get3A_599] {strides = array<i32>} : memref<265x128xf32, #tpu.memory_space<vmem>>, vector<16xf32>,
      %swap3A_601 = arith.index_cast %add3A_567 : i32 to index
      %swap3A_602 = arith.constant 80 : index
      %swap3A_603 = tpu.vector_load %arg9[%swap3A_601, %swap3A_602] {strides = array<i32>} : memref<256x128xf32, #tpu.memory_space<vmem>>, vector<16xf32>,
      tpu.vector_store %arg9[%swap3A_601, %swap3A_602], %get3A_600 {strides = array<i32>} : memref<256x128xf32, #tpu.memory_space<vmem>>, vector<16xf32>,
      %get3A_604 = arith.index_cast %squeeze3A : i32 to index
      %get3A_605 = arith.constant 96 : index
      %get3A_606 = tpu.vector_load %arg8[%get3A_604, %get3A_605] {strides = array<i32>} : memref<265x128xf32, #tpu.memory_space<vmem>>, vector<16xf32>,
      %swap3A_607 = arith.index_cast %add3A_567 : i32 to index
      %swap3A_608 = arith.constant 96 : index
      %swap3A_609 = tpu.vector_load %arg9[%swap3A_607, %swap3A_608] {strides = array<i32>} : memref<256x128xf32, #tpu.memory_space<vmem>>, vector<16xf32>,
      tpu.vector_store %arg9[%swap3A_607, %swap3A_608], %get3A_606 {strides = array<i32>} : memref<256x128xf32, #tpu.memory_space<vmem>>, vector<16xf32>,
      %get3A_610 = arith.index_cast %squeeze3A : i32 to index
      %get3A_611 = arith.constant 112 : index
      %get3A_612 = tpu.vector_load %arg8[%get3A_610, %get3A_611] {strides = array<i32>} : memref<265x128xf32, #tpu.memory_space<vmem>>, vector<16xf32>,
      %swap3A_613 = arith.index_cast %add3A_567 : i32 to index
      %swap3A_614 = arith.constant 112 : index
      %swap3A_615 = tpu.vector_load %arg9[%swap3A_613, %swap3A_614] {strides = array<i32>} : memref<256x128xf32, #tpu.memory_space<vmem>>, vector<16xf32>,
      tpu.vector_store %arg9[%swap3A_613, %swap3A_614], %get3A_612 {strides = array<i32>} : memref<256x128xf32, #tpu.memory_space<vmem>>, vector<16xf32>,
      %slice3A_616 = vector.extract_strided_slice %get3A_563 {offsets = [1], sizes = [1], strides = [1]} : vector<16xi32> to vector<1xi32>
      %squeeze3A_617 = vector.extract %slice3A_616[0] : i32 from vector<1xi32>
      %mul3A_618 = arith.constant 16 : i32
      %mul3A_619 = arith.muli %scan3A_558, %mul3A_618 : i32
      %add3A_620 = arith.constant 1 : i32
      %add3A_621 = arith.addi %mul3A_619, %add3A_620 : i32
      %get3A_622 = arith.index_cast %squeeze3A_617 : i32 to index
      %get3A_623 = arith.constant 0 : index
      %get3A_624 = tpu.vector_load %arg8[%get3A_622, %get3A_623] {strides = array<i32>} : memref<265x128xf32, #tpu.memory_space<vmem>>, vector<16xf32>,
      %swap3A_625 = arith.index_cast %add3A_621 : i32 to index
      %swap3A_626 = arith.constant 0 : index
      %swap3A_627 = tpu.vector_load %arg9[%swap3A_625, %swap3A_626] {strides = array<i32>} : memref<256x128xf32, #tpu.memory_space<vmem>>, vector<16xf32>,
      tpu.vector_store %arg9[%swap3A_625, %swap3A_626], %get3A_624 {strides = array<i32>} : memref<256x128xf32, #tpu.memory_space<vmem>>, vector<16xf32>,
      %get3A_628 = arith.index_cast %squeeze3A_617 : i32 to index
      %get3A_629 = arith.constant 16 : index
      %get3A_630 = tpu.vector_load %arg8[%get3A_628, %get3A_629] {strides = array<i32>} : memref<265x128xf32, #tpu.memory_space<vmem>>, vector<16xf32>,
      %swap3A_631 = arith.index_cast %add3A_621 : i32 to index
      %swap3A_632 = arith.constant 16 : index
      %swap3A_633 = tpu.vector_load %arg9[%swap3A_631, %swap3A_632] {strides = array<i32>} : memref<256x128xf32, #tpu.memory_space<vmem>>, vector<16xf32>,
      tpu.vector_store %arg9[%swap3A_631, %swap3A_632], %get3A_630 {strides = array<i32>} : memref<256x128xf32, #tpu.memory_space<vmem>>, vector<16xf32>,
      %get3A_634 = arith.index_cast %squeeze3A_617 : i32 to index
      %get3A_635 = arith.constant 32 : index
      %get3A_636 = tpu.vector_load %arg8[%get3A_634, %get3A_635] {strides = array<i32>} : memref<265x128xf32, #tpu.memory_space<vmem>>, vector<16xf32>,
      %swap3A_637 = arith.index_cast %add3A_621 : i32 to index
      %swap3A_638 = arith.constant 32 : index
      %swap3A_639 = tpu.vector_load %arg9[%swap3A_637, %swap3A_638] {strides = array<i32>} : memref<256x128xf32, #tpu.memory_space<vmem>>, vector<16xf32>,
      tpu.vector_store %arg9[%swap3A_637, %swap3A_638], %get3A_636 {strides = array<i32>} : memref<256x128xf32, #tpu.memory_space<vmem>>, vector<16xf32>,
      %get3A_640 = arith.index_cast %squeeze3A_617 : i32 to index
      %get3A_641 = arith.constant 48 : index
      %get3A_642 = tpu.vector_load %arg8[%get3A_640, %get3A_641] {strides = array<i32>} : memref<265x128xf32, #tpu.memory_space<vmem>>, vector<16xf32>,
      %swap3A_643 = arith.index_cast %add3A_621 : i32 to index
      %swap3A_644 = arith.constant 48 : index
      %swap3A_645 = tpu.vector_load %arg9[%swap3A_643, %swap3A_644] {strides = array<i32>} : memref<256x128xf32, #tpu.memory_space<vmem>>, vector<16xf32>,
      tpu.vector_store %arg9[%swap3A_643, %swap3A_644], %get3A_642 {strides = array<i32>} : memref<256x128xf32, #tpu.memory_space<vmem>>, vector<16xf32>,
      %get3A_646 = arith.index_cast %squeeze3A_617 : i32 to index
      %get3A_647 = arith.constant 64 : index
      %get3A_648 = tpu.vector_load %arg8[%get3A_646, %get3A_647] {strides = array<i32>} : memref<265x128xf32, #tpu.memory_space<vmem>>, vector<16xf32>,
      %swap3A_649 = arith.index_cast %add3A_621 : i32 to index
      %swap3A_650 = arith.constant 64 : index
      %swap3A_651 = tpu.vector_load %arg9[%swap3A_649, %swap3A_650] {strides = array<i32>} : memref<256x128xf32, #tpu.memory_space<vmem>>, vector<16xf32>,
      tpu.vector_store %arg9[%swap3A_649, %swap3A_650], %get3A_648 {strides = array<i32>} : memref<256x128xf32, #tpu.memory_space<vmem>>, vector<16xf32>,
      %get3A_652 = arith.index_cast %squeeze3A_617 : i32 to index
      %get3A_653 = arith.constant 80 : index
      %get3A_654 = tpu.vector_load %arg8[%get3A_652, %get3A_653] {strides = array<i32>} : memref<265x128xf32, #tpu.memory_space<vmem>>, vector<16xf32>,
      %swap3A_655 = arith.index_cast %add3A_621 : i32 to index
      %swap3A_656 = arith.constant 80 : index
      %swap3A_657 = tpu.vector_load %arg9[%swap3A_655, %swap3A_656] {strides = array<i32>} : memref<256x128xf32, #tpu.memory_space<vmem>>, vector<16xf32>,
      tpu.vector_store %arg9[%swap3A_655, %swap3A_656], %get3A_654 {strides = array<i32>} : memref<256x128xf32, #tpu.memory_space<vmem>>, vector<16xf32>,
      %get3A_658 = arith.index_cast %squeeze3A_617 : i32 to index
      %get3A_659 = arith.constant 96 : index
      %get3A_660 = tpu.vector_load %arg8[%get3A_658, %get3A_659] {strides = array<i32>} : memref<265x128xf32, #tpu.memory_space<vmem>>, vector<16xf32>,
      %swap3A_661 = arith.index_cast %add3A_621 : i32 to index
      %swap3A_662 = arith.constant 96 : index
      %swap3A_663 = tpu.vector_load %arg9[%swap3A_661, %swap3A_662] {strides = array<i32>} : memref<256x128xf32, #tpu.memory_space<vmem>>, vector<16xf32>,
      tpu.vector_store %arg9[%swap3A_661, %swap3A_662], %get3A_660 {strides = array<i32>} : memref<256x128xf32, #tpu.memory_space<vmem>>, vector<16xf32>,
      %get3A_664 = arith.index_cast %squeeze3A_617 : i32 to index
      %get3A_665 = arith.constant 112 : index
      %get3A_666 = tpu.vector_load %arg8[%get3A_664, %get3A_665] {strides = array<i32>} : memref<265x128xf32, #tpu.memory_space<vmem>>, vector<16xf32>,
      %swap3A_667 = arith.index_cast %add3A_621 : i32 to index
      %swap3A_668 = arith.constant 112 : index
      %swap3A_669 = tpu.vector_load %arg9[%swap3A_667, %swap3A_668] {strides = array<i32>} : memref<256x128xf32, #tpu.memory_space<vmem>>, vector<16xf32>,
      tpu.vector_store %arg9[%swap3A_667, %swap3A_668], %get3A_666 {strides = array<i32>} : memref<256x128xf32, #tpu.memory_space<vmem>>, vector<16xf32>,
      %slice3A_670 = vector.extract_strided_slice %get3A_563 {offsets = [2], sizes = [1], strides = [1]} : vector<16xi32> to vector<1xi32>
      %squeeze3A_671 = vector.extract %slice3A_670[0] : i32 from vector<1xi32>
      %mul3A_672 = arith.constant 16 : i32
      %mul3A_673 = arith.muli %scan3A_558, %mul3A_672 : i32
      %add3A_674 = arith.constant 2 : i32
      %add3A_675 = arith.addi %mul3A_673, %add3A_674 : i32
      %get3A_676 = arith.index_cast %squeeze3A_671 : i32 to index
      %get3A_677 = arith.constant 0 : index
      %get3A_678 = tpu.vector_load %arg8[%get3A_676, %get3A_677] {strides = array<i32>} : memref<265x128xf32, #tpu.memory_space<vmem>>, vector<16xf32>,
      %swap3A_679 = arith.index_cast %add3A_675 : i32 to index
      %swap3A_680 = arith.constant 0 : index
      %swap3A_681 = tpu.vector_load %arg9[%swap3A_679, %swap3A_680] {strides = array<i32>} : memref<256x128xf32, #tpu.memory_space<vmem>>, vector<16xf32>,
      tpu.vector_store %arg9[%swap3A_679, %swap3A_680], %get3A_678 {strides = array<i32>} : memref<256x128xf32, #tpu.memory_space<vmem>>, vector<16xf32>,
      %get3A_682 = arith.index_cast %squeeze3A_671 : i32 to index
      %get3A_683 = arith.constant 16 : index
      %get3A_684 = tpu.vector_load %arg8[%get3A_682, %get3A_683] {strides = array<i32>} : memref<265x128xf32, #tpu.memory_space<vmem>>, vector<16xf32>,
      %swap3A_685 = arith.index_cast %add3A_675 : i32 to index
      %swap3A_686 = arith.constant 16 : index
      %swap3A_687 = tpu.vector_load %arg9[%swap3A_685, %swap3A_686] {strides = array<i32>} : memref<256x128xf32, #tpu.memory_space<vmem>>, vector<16xf32>,
      tpu.vector_store %arg9[%swap3A_685, %swap3A_686], %get3A_684 {strides = array<i32>} : memref<256x128xf32, #tpu.memory_space<vmem>>, vector<16xf32>,
      %get3A_688 = arith.index_cast %squeeze3A_671 : i32 to index
      %get3A_689 = arith.constant 32 : index
      %get3A_690 = tpu.vector_load %arg8[%get3A_688, %get3A_689] {strides = array<i32>} : memref<265x128xf32, #tpu.memory_space<vmem>>, vector<16xf32>,
      %swap3A_691 = arith.index_cast %add3A_675 : i32 to index
      %swap3A_692 = arith.constant 32 : index
      %swap3A_693 = tpu.vector_load %arg9[%swap3A_691, %swap3A_692] {strides = array<i32>} : memref<256x128xf32, #tpu.memory_space<vmem>>, vector<16xf32>,
      tpu.vector_store %arg9[%swap3A_691, %swap3A_692], %get3A_690 {strides = array<i32>} : memref<256x128xf32, #tpu.memory_space<vmem>>, vector<16xf32>,
      %get3A_694 = arith.index_cast %squeeze3A_671 : i32 to index
      %get3A_695 = arith.constant 48 : index
      %get3A_696 = tpu.vector_load %arg8[%get3A_694, %get3A_695] {strides = array<i32>} : memref<265x128xf32, #tpu.memory_space<vmem>>, vector<16xf32>,
      %swap3A_697 = arith.index_cast %add3A_675 : i32 to index
      %swap3A_698 = arith.constant 48 : index
      %swap3A_699 = tpu.vector_load %arg9[%swap3A_697, %swap3A_698] {strides = array<i32>} : memref<256x128xf32, #tpu.memory_space<vmem>>, vector<16xf32>,
      tpu.vector_store %arg9[%swap3A_697, %swap3A_698], %get3A_696 {strides = array<i32>} : memref<256x128xf32, #tpu.memory_space<vmem>>, vector<16xf32>,
      %get3A_700 = arith.index_cast %squeeze3A_671 : i32 to index
      %get3A_701 = arith.constant 64 : index
      %get3A_702 = tpu.vector_load %arg8[%get3A_700, %get3A_701] {strides = array<i32>} : memref<265x128xf32, #tpu.memory_space<vmem>>, vector<16xf32>,
      %swap3A_703 = arith.index_cast %add3A_675 : i32 to index
      %swap3A_704 = arith.constant 64 : index
      %swap3A_705 = tpu.vector_load %arg9[%swap3A_703, %swap3A_704] {strides = array<i32>} : memref<256x128xf32, #tpu.memory_space<vmem>>, vector<16xf32>,
      tpu.vector_store %arg9[%swap3A_703, %swap3A_704], %get3A_702 {strides = array<i32>} : memref<256x128xf32, #tpu.memory_space<vmem>>, vector<16xf32>,
      %get3A_706 = arith.index_cast %squeeze3A_671 : i32 to index
      %get3A_707 = arith.constant 80 : index
      %get3A_708 = tpu.vector_load %arg8[%get3A_706, %get3A_707] {strides = array<i32>} : memref<265x128xf32, #tpu.memory_space<vmem>>, vector<16xf32>,
      %swap3A_709 = arith.index_cast %add3A_675 : i32 to index
      %swap3A_710 = arith.constant 80 : index
      %swap3A_711 = tpu.vector_load %arg9[%swap3A_709, %swap3A_710] {strides = array<i32>} : memref<256x128xf32, #tpu.memory_space<vmem>>, vector<16xf32>,
      tpu.vector_store %arg9[%swap3A_709, %swap3A_710], %get3A_708 {strides = array<i32>} : memref<256x128xf32, #tpu.memory_space<vmem>>, vector<16xf32>,
      %get3A_712 = arith.index_cast %squeeze3A_671 : i32 to index
      %get3A_713 = arith.constant 96 : index
      %get3A_714 = tpu.vector_load %arg8[%get3A_712, %get3A_713] {strides = array<i32>} : memref<265x128xf32, #tpu.memory_space<vmem>>, vector<16xf32>,
      %swap3A_715 = arith.index_cast %add3A_675 : i32 to index
      %swap3A_716 = arith.constant 96 : index
      %swap3A_717 = tpu.vector_load %arg9[%swap3A_715, %swap3A_716] {strides = array<i32>} : memref<256x128xf32, #tpu.memory_space<vmem>>, vector<16xf32>,
      tpu.vector_store %arg9[%swap3A_715, %swap3A_716], %get3A_714 {strides = array<i32>} : memref<256x128xf32, #tpu.memory_space<vmem>>, vector<16xf32>,
      %get3A_718 = arith.index_cast %squeeze3A_671 : i32 to index
      %get3A_719 = arith.constant 112 : index
      %get3A_720 = tpu.vector_load %arg8[%get3A_718, %get3A_719] {strides = array<i32>} : memref<265x128xf32, #tpu.memory_space<vmem>>, vector<16xf32>,
      %swap3A_721 = arith.index_cast %add3A_675 : i32 to index
      %swap3A_722 = arith.constant 112 : index
      %swap3A_723 = tpu.vector_load %arg9[%swap3A_721, %swap3A_722] {strides = array<i32>} : memref<256x128xf32, #tpu.memory_space<vmem>>, vector<16xf32>,
      tpu.vector_store %arg9[%swap3A_721, %swap3A_722], %get3A_720 {strides = array<i32>} : memref<256x128xf32, #tpu.memory_space<vmem>>, vector<16xf32>,
      %slice3A_724 = vector.extract_strided_slice %get3A_563 {offsets = [3], sizes = [1], strides = [1]} : vector<16xi32> to vector<1xi32>
      %squeeze3A_725 = vector.extract %slice3A_724[0] : i32 from vector<1xi32>
      %mul3A_726 = arith.constant 16 : i32
      %mul3A_727 = arith.muli %scan3A_558, %mul3A_726 : i32
      %add3A_728 = arith.constant 3 : i32
      %add3A_729 = arith.addi %mul3A_727, %add3A_728 : i32
      %get3A_730 = arith.index_cast %squeeze3A_725 : i32 to index
      %get3A_731 = arith.constant 0 : index
      %get3A_732 = tpu.vector_load %arg8[%get3A_730, %get3A_731] {strides = array<i32>} : memref<265x128xf32, #tpu.memory_space<vmem>>, vector<16xf32>,
      %swap3A_733 = arith.index_cast %add3A_729 : i32 to index
      %swap3A_734 = arith.constant 0 : index
      %swap3A_735 = tpu.vector_load %arg9[%swap3A_733, %swap3A_734] {strides = array<i32>} : memref<256x128xf32, #tpu.memory_space<vmem>>, vector<16xf32>,
      tpu.vector_store %arg9[%swap3A_733, %swap3A_734], %get3A_732 {strides = array<i32>} : memref<256x128xf32, #tpu.memory_space<vmem>>, vector<16xf32>,
      %get3A_736 = arith.index_cast %squeeze3A_725 : i32 to index
      %get3A_737 = arith.constant 16 : index
      %get3A_738 = tpu.vector_load %arg8[%get3A_736, %get3A_737] {strides = array<i32>} : memref<265x128xf32, #tpu.memory_space<vmem>>, vector<16xf32>,
      %swap3A_739 = arith.index_cast %add3A_729 : i32 to index
      %swap3A_740 = arith.constant 16 : index
      %swap3A_741 = tpu.vector_load %arg9[%swap3A_739, %swap3A_740] {strides = array<i32>} : memref<256x128xf32, #tpu.memory_space<vmem>>, vector<16xf32>,
      tpu.vector_store %arg9[%swap3A_739, %swap3A_740], %get3A_738 {strides = array<i32>} : memref<256x128xf32, #tpu.memory_space<vmem>>, vector<16xf32>,
      %get3A_742 = arith.index_cast %squeeze3A_725 : i32 to index
      %get3A_743 = arith.constant 32 : index
      %get3A_744 = tpu.vector_load %arg8[%get3A_742, %get3A_743] {strides = array<i32>} : memref<265x128xf32, #tpu.memory_space<vmem>>, vector<16xf32>,
      %swap3A_745 = arith.index_cast %add3A_729 : i32 to index
      %swap3A_746 = arith.constant 32 : index
      %swap3A_747 = tpu.vector_load %arg9[%swap3A_745, %swap3A_746] {strides = array<i32>} : memref<256x128xf32, #tpu.memory_space<vmem>>, vector<16xf32>,
      tpu.vector_store %arg9[%swap3A_745, %swap3A_746], %get3A_744 {strides = array<i32>} : memref<256x128xf32, #tpu.memory_space<vmem>>, vector<16xf32>,
      %get3A_748 = arith.index_cast %squeeze3A_725 : i32 to index
      %get3A_749 = arith.constant 48 : index
      %get3A_750 = tpu.vector_load %arg8[%get3A_748, %get3A_749] {strides = array<i32>} : memref<265x128xf32, #tpu.memory_space<vmem>>, vector<16xf32>,
      %swap3A_751 = arith.index_cast %add3A_729 : i32 to index
      %swap3A_752 = arith.constant 48 : index
      %swap3A_753 = tpu.vector_load %arg9[%swap3A_751, %swap3A_752] {strides = array<i32>} : memref<256x128xf32, #tpu.memory_space<vmem>>, vector<16xf32>,
      tpu.vector_store %arg9[%swap3A_751, %swap3A_752], %get3A_750 {strides = array<i32>} : memref<256x128xf32, #tpu.memory_space<vmem>>, vector<16xf32>,
      %get3A_754 = arith.index_cast %squeeze3A_725 : i32 to index
      %get3A_755 = arith.constant 64 : index
      %get3A_756 = tpu.vector_load %arg8[%get3A_754, %get3A_755] {strides = array<i32>} : memref<265x128xf32, #tpu.memory_space<vmem>>, vector<16xf32>,
      %swap3A_757 = arith.index_cast %add3A_729 : i32 to index
      %swap3A_758 = arith.constant 64 : index
      %swap3A_759 = tpu.vector_load %arg9[%swap3A_757, %swap3A_758] {strides = array<i32>} : memref<256x128xf32, #tpu.memory_space<vmem>>, vector<16xf32>,
      tpu.vector_store %arg9[%swap3A_757, %swap3A_758], %get3A_756 {strides = array<i32>} : memref<256x128xf32, #tpu.memory_space<vmem>>, vector<16xf32>,
      %get3A_760 = arith.index_cast %squeeze3A_725 : i32 to index
      %get3A_761 = arith.constant 80 : index
      %get3A_762 = tpu.vector_load %arg8[%get3A_760, %get3A_761] {strides = array<i32>} : memref<265x128xf32, #tpu.memory_space<vmem>>, vector<16xf32>,
      %swap3A_763 = arith.index_cast %add3A_729 : i32 to index
      %swap3A_764 = arith.constant 80 : index
      %swap3A_765 = tpu.vector_load %arg9[%swap3A_763, %swap3A_764] {strides = array<i32>} : memref<256x128xf32, #tpu.memory_space<vmem>>, vector<16xf32>,
      tpu.vector_store %arg9[%swap3A_763, %swap3A_764], %get3A_762 {strides = array<i32>} : memref<256x128xf32, #tpu.memory_space<vmem>>, vector<16xf32>,
      %get3A_766 = arith.index_cast %squeeze3A_725 : i32 to index
      %get3A_767 = arith.constant 96 : index
      %get3A_768 = tpu.vector_load %arg8[%get3A_766, %get3A_767] {strides = array<i32>} : memref<265x128xf32, #tpu.memory_space<vmem>>, vector<16xf32>,
      %swap3A_769 = arith.index_cast %add3A_729 : i32 to index
      %swap3A_770 = arith.constant 96 : index
      %swap3A_771 = tpu.vector_load %arg9[%swap3A_769, %swap3A_770] {strides = array<i32>} : memref<256x128xf32, #tpu.memory_space<vmem>>, vector<16xf32>,
      tpu.vector_store %arg9[%swap3A_769, %swap3A_770], %get3A_768 {strides = array<i32>} : memref<256x128xf32, #tpu.memory_space<vmem>>, vector<16xf32>,
      %get3A_772 = arith.index_cast %squeeze3A_725 : i32 to index
      %get3A_773 = arith.constant 112 : index
      %get3A_774 = tpu.vector_load %arg8[%get3A_772, %get3A_773] {strides = array<i32>} : memref<265x128xf32, #tpu.memory_space<vmem>>, vector<16xf32>,
      %swap3A_775 = arith.index_cast %add3A_729 : i32 to index
      %swap3A_776 = arith.constant 112 : index
      %swap3A_777 = tpu.vector_load %arg9[%swap3A_775, %swap3A_776] {strides = array<i32>} : memref<256x128xf32, #tpu.memory_space<vmem>>, vector<16xf32>,
      tpu.vector_store %arg9[%swap3A_775, %swap3A_776], %get3A_774 {strides = array<i32>} : memref<256x128xf32, #tpu.memory_space<vmem>>, vector<16xf32>,
      %slice3A_778 = vector.extract_strided_slice %get3A_563 {offsets = [4], sizes = [1], strides = [1]} : vector<16xi32> to vector<1xi32>
      %squeeze3A_779 = vector.extract %slice3A_778[0] : i32 from vector<1xi32>
      %mul3A_780 = arith.constant 16 : i32
      %mul3A_781 = arith.muli %scan3A_558, %mul3A_780 : i32
      %add3A_782 = arith.constant 4 : i32
      %add3A_783 = arith.addi %mul3A_781, %add3A_782 : i32
      %get3A_784 = arith.index_cast %squeeze3A_779 : i32 to index
      %get3A_785 = arith.constant 0 : index
      %get3A_786 = tpu.vector_load %arg8[%get3A_784, %get3A_785] {strides = array<i32>} : memref<265x128xf32, #tpu.memory_space<vmem>>, vector<16xf32>,
      %swap3A_787 = arith.index_cast %add3A_783 : i32 to index
      %swap3A_788 = arith.constant 0 : index
      %swap3A_789 = tpu.vector_load %arg9[%swap3A_787, %swap3A_788] {strides = array<i32>} : memref<256x128xf32, #tpu.memory_space<vmem>>, vector<16xf32>,
      tpu.vector_store %arg9[%swap3A_787, %swap3A_788], %get3A_786 {strides = array<i32>} : memref<256x128xf32, #tpu.memory_space<vmem>>, vector<16xf32>,
      %get3A_790 = arith.index_cast %squeeze3A_779 : i32 to index
      %get3A_791 = arith.constant 16 : index
      %get3A_792 = tpu.vector_load %arg8[%get3A_790, %get3A_791] {strides = array<i32>} : memref<265x128xf32, #tpu.memory_space<vmem>>, vector<16xf32>,
      %swap3A_793 = arith.index_cast %add3A_783 : i32 to index
      %swap3A_794 = arith.constant 16 : index
      %swap3A_795 = tpu.vector_load %arg9[%swap3A_793, %swap3A_794] {strides = array<i32>} : memref<256x128xf32, #tpu.memory_space<vmem>>, vector<16xf32>,
      tpu.vector_store %arg9[%swap3A_793, %swap3A_794], %get3A_792 {strides = array<i32>} : memref<256x128xf32, #tpu.memory_space<vmem>>, vector<16xf32>,
      %get3A_796 = arith.index_cast %squeeze3A_779 : i32 to index
      %get3A_797 = arith.constant 32 : index
      %get3A_798 = tpu.vector_load %arg8[%get3A_796, %get3A_797] {strides = array<i32>} : memref<265x128xf32, #tpu.memory_space<vmem>>, vector<16xf32>,
      %swap3A_799 = arith.index_cast %add3A_783 : i32 to index
      %swap3A_800 = arith.constant 32 : index
      %swap3A_801 = tpu.vector_load %arg9[%swap3A_799, %swap3A_800] {strides = array<i32>} : memref<256x128xf32, #tpu.memory_space<vmem>>, vector<16xf32>,
      tpu.vector_store %arg9[%swap3A_799, %swap3A_800], %get3A_798 {strides = array<i32>} : memref<256x128xf32, #tpu.memory_space<vmem>>, vector<16xf32>,
      %get3A_802 = arith.index_cast %squeeze3A_779 : i32 to index
      %get3A_803 = arith.constant 48 : index
      %get3A_804 = tpu.vector_load %arg8[%get3A_802, %get3A_803] {strides = array<i32>} : memref<265x128xf32, #tpu.memory_space<vmem>>, vector<16xf32>,
      %swap3A_805 = arith.index_cast %add3A_783 : i32 to index
      %swap3A_806 = arith.constant 48 : index
      %swap3A_807 = tpu.vector_load %arg9[%swap3A_805, %swap3A_806] {strides = array<i32>} : memref<256x128xf32, #tpu.memory_space<vmem>>, vector<16xf32>,
      tpu.vector_store %arg9[%swap3A_805, %swap3A_806], %get3A_804 {strides = array<i32>} : memref<256x128xf32, #tpu.memory_space<vmem>>, vector<16xf32>,
      %get3A_808 = arith.index_cast %squeeze3A_779 : i32 to index
      %get3A_809 = arith.constant 64 : index
      %get3A_810 = tpu.vector_load %arg8[%get3A_808, %get3A_809] {strides = array<i32>} : memref<265x128xf32, #tpu.memory_space<vmem>>, vector<16xf32>,
      %swap3A_811 = arith.index_cast %add3A_783 : i32 to index
      %swap3A_812 = arith.constant 64 : index
      %swap3A_813 = tpu.vector_load %arg9[%swap3A_811, %swap3A_812] {strides = array<i32>} : memref<256x128xf32, #tpu.memory_space<vmem>>, vector<16xf32>,
      tpu.vector_store %arg9[%swap3A_811, %swap3A_812], %get3A_810 {strides = array<i32>} : memref<256x128xf32, #tpu.memory_space<vmem>>, vector<16xf32>,
      %get3A_814 = arith.index_cast %squeeze3A_779 : i32 to index
      %get3A_815 = arith.constant 80 : index
      %get3A_816 = tpu.vector_load %arg8[%get3A_814, %get3A_815] {strides = array<i32>} : memref<265x128xf32, #tpu.memory_space<vmem>>, vector<16xf32>,
      %swap3A_817 = arith.index_cast %add3A_783 : i32 to index
      %swap3A_818 = arith.constant 80 : index
      %swap3A_819 = tpu.vector_load %arg9[%swap3A_817, %swap3A_818] {strides = array<i32>} : memref<256x128xf32, #tpu.memory_space<vmem>>, vector<16xf32>,
      tpu.vector_store %arg9[%swap3A_817, %swap3A_818], %get3A_816 {strides = array<i32>} : memref<256x128xf32, #tpu.memory_space<vmem>>, vector<16xf32>,
      %get3A_820 = arith.index_cast %squeeze3A_779 : i32 to index
      %get3A_821 = arith.constant 96 : index
      %get3A_822 = tpu.vector_load %arg8[%get3A_820, %get3A_821] {strides = array<i32>} : memref<265x128xf32, #tpu.memory_space<vmem>>, vector<16xf32>,
      %swap3A_823 = arith.index_cast %add3A_783 : i32 to index
      %swap3A_824 = arith.constant 96 : index
      %swap3A_825 = tpu.vector_load %arg9[%swap3A_823, %swap3A_824] {strides = array<i32>} : memref<256x128xf32, #tpu.memory_space<vmem>>, vector<16xf32>,
      tpu.vector_store %arg9[%swap3A_823, %swap3A_824], %get3A_822 {strides = array<i32>} : memref<256x128xf32, #tpu.memory_space<vmem>>, vector<16xf32>,
      %get3A_826 = arith.index_cast %squeeze3A_779 : i32 to index
      %get3A_827 = arith.constant 112 : index
      %get3A_828 = tpu.vector_load %arg8[%get3A_826, %get3A_827] {strides = array<i32>} : memref<265x128xf32, #tpu.memory_space<vmem>>, vector<16xf32>,
      %swap3A_829 = arith.index_cast %add3A_783 : i32 to index
      %swap3A_830 = arith.constant 112 : index
      %swap3A_831 = tpu.vector_load %arg9[%swap3A_829, %swap3A_830] {strides = array<i32>} : memref<256x128xf32, #tpu.memory_space<vmem>>, vector<16xf32>,
      tpu.vector_store %arg9[%swap3A_829, %swap3A_830], %get3A_828 {strides = array<i32>} : memref<256x128xf32, #tpu.memory_space<vmem>>, vector<16xf32>,
      %slice3A_832 = vector.extract_strided_slice %get3A_563 {offsets = [5], sizes = [1], strides = [1]} : vector<16xi32> to vector<1xi32>
      %squeeze3A_833 = vector.extract %slice3A_832[0] : i32 from vector<1xi32>
      %mul3A_834 = arith.constant 16 : i32
      %mul3A_835 = arith.muli %scan3A_558, %mul3A_834 : i32
      %add3A_836 = arith.constant 5 : i32
      %add3A_837 = arith.addi %mul3A_835, %add3A_836 : i32
      %get3A_838 = arith.index_cast %squeeze3A_833 : i32 to index
      %get3A_839 = arith.constant 0 : index
      %get3A_840 = tpu.vector_load %arg8[%get3A_838, %get3A_839] {strides = array<i32>} : memref<265x128xf32, #tpu.memory_space<vmem>>, vector<16xf32>,
      %swap3A_841 = arith.index_cast %add3A_837 : i32 to index
      %swap3A_842 = arith.constant 0 : index
      %swap3A_843 = tpu.vector_load %arg9[%swap3A_841, %swap3A_842] {strides = array<i32>} : memref<256x128xf32, #tpu.memory_space<vmem>>, vector<16xf32>,
      tpu.vector_store %arg9[%swap3A_841, %swap3A_842], %get3A_840 {strides = array<i32>} : memref<256x128xf32, #tpu.memory_space<vmem>>, vector<16xf32>,
      %get3A_844 = arith.index_cast %squeeze3A_833 : i32 to index
      %get3A_845 = arith.constant 16 : index
      %get3A_846 = tpu.vector_load %arg8[%get3A_844, %get3A_845] {strides = array<i32>} : memref<265x128xf32, #tpu.memory_space<vmem>>, vector<16xf32>,
      %swap3A_847 = arith.index_cast %add3A_837 : i32 to index
      %swap3A_848 = arith.constant 16 : index
      %swap3A_849 = tpu.vector_load %arg9[%swap3A_847, %swap3A_848] {strides = array<i32>} : memref<256x128xf32, #tpu.memory_space<vmem>>, vector<16xf32>,
      tpu.vector_store %arg9[%swap3A_847, %swap3A_848], %get3A_846 {strides = array<i32>} : memref<256x128xf32, #tpu.memory_space<vmem>>, vector<16xf32>,
      %get3A_850 = arith.index_cast %squeeze3A_833 : i32 to index
      %get3A_851 = arith.constant 32 : index
      %get3A_852 = tpu.vector_load %arg8[%get3A_850, %get3A_851] {strides = array<i32>} : memref<265x128xf32, #tpu.memory_space<vmem>>, vector<16xf32>,
      %swap3A_853 = arith.index_cast %add3A_837 : i32 to index
      %swap3A_854 = arith.constant 32 : index
      %swap3A_855 = tpu.vector_load %arg9[%swap3A_853, %swap3A_854] {strides = array<i32>} : memref<256x128xf32, #tpu.memory_space<vmem>>, vector<16xf32>,
      tpu.vector_store %arg9[%swap3A_853, %swap3A_854], %get3A_852 {strides = array<i32>} : memref<256x128xf32, #tpu.memory_space<vmem>>, vector<16xf32>,
      %get3A_856 = arith.index_cast %squeeze3A_833 : i32 to index
      %get3A_857 = arith.constant 48 : index
      %get3A_858 = tpu.vector_load %arg8[%get3A_856, %get3A_857] {strides = array<i32>} : memref<265x128xf32, #tpu.memory_space<vmem>>, vector<16xf32>,
      %swap3A_859 = arith.index_cast %add3A_837 : i32 to index
      %swap3A_860 = arith.constant 48 : index
      %swap3A_861 = tpu.vector_load %arg9[%swap3A_859, %swap3A_860] {strides = array<i32>} : memref<256x128xf32, #tpu.memory_space<vmem>>, vector<16xf32>,
      tpu.vector_store %arg9[%swap3A_859, %swap3A_860], %get3A_858 {strides = array<i32>} : memref<256x128xf32, #tpu.memory_space<vmem>>, vector<16xf32>,
      %get3A_862 = arith.index_cast %squeeze3A_833 : i32 to index
      %get3A_863 = arith.constant 64 : index
      %get3A_864 = tpu.vector_load %arg8[%get3A_862, %get3A_863] {strides = array<i32>} : memref<265x128xf32, #tpu.memory_space<vmem>>, vector<16xf32>,
      %swap3A_865 = arith.index_cast %add3A_837 : i32 to index
      %swap3A_866 = arith.constant 64 : index
      %swap3A_867 = tpu.vector_load %arg9[%swap3A_865, %swap3A_866] {strides = array<i32>} : memref<256x128xf32, #tpu.memory_space<vmem>>, vector<16xf32>,
      tpu.vector_store %arg9[%swap3A_865, %swap3A_866], %get3A_864 {strides = array<i32>} : memref<256x128xf32, #tpu.memory_space<vmem>>, vector<16xf32>,
      %get3A_868 = arith.index_cast %squeeze3A_833 : i32 to index
      %get3A_869 = arith.constant 80 : index
      %get3A_870 = tpu.vector_load %arg8[%get3A_868, %get3A_869] {strides = array<i32>} : memref<265x128xf32, #tpu.memory_space<vmem>>, vector<16xf32>,
      %swap3A_871 = arith.index_cast %add3A_837 : i32 to index
      %swap3A_872 = arith.constant 80 : index
      %swap3A_873 = tpu.vector_load %arg9[%swap3A_871, %swap3A_872] {strides = array<i32>} : memref<256x128xf32, #tpu.memory_space<vmem>>, vector<16xf32>,
      tpu.vector_store %arg9[%swap3A_871, %swap3A_872], %get3A_870 {strides = array<i32>} : memref<256x128xf32, #tpu.memory_space<vmem>>, vector<16xf32>,
      %get3A_874 = arith.index_cast %squeeze3A_833 : i32 to index
      %get3A_875 = arith.constant 96 : index
      %get3A_876 = tpu.vector_load %arg8[%get3A_874, %get3A_875] {strides = array<i32>} : memref<265x128xf32, #tpu.memory_space<vmem>>, vector<16xf32>,
      %swap3A_877 = arith.index_cast %add3A_837 : i32 to index
      %swap3A_878 = arith.constant 96 : index
      %swap3A_879 = tpu.vector_load %arg9[%swap3A_877, %swap3A_878] {strides = array<i32>} : memref<256x128xf32, #tpu.memory_space<vmem>>, vector<16xf32>,
      tpu.vector_store %arg9[%swap3A_877, %swap3A_878], %get3A_876 {strides = array<i32>} : memref<256x128xf32, #tpu.memory_space<vmem>>, vector<16xf32>,
      %get3A_880 = arith.index_cast %squeeze3A_833 : i32 to index
      %get3A_881 = arith.constant 112 : index
      %get3A_882 = tpu.vector_load %arg8[%get3A_880, %get3A_881] {strides = array<i32>} : memref<265x128xf32, #tpu.memory_space<vmem>>, vector<16xf32>,
      %swap3A_883 = arith.index_cast %add3A_837 : i32 to index
      %swap3A_884 = arith.constant 112 : index
      %swap3A_885 = tpu.vector_load %arg9[%swap3A_883, %swap3A_884] {strides = array<i32>} : memref<256x128xf32, #tpu.memory_space<vmem>>, vector<16xf32>,
      tpu.vector_store %arg9[%swap3A_883, %swap3A_884], %get3A_882 {strides = array<i32>} : memref<256x128xf32, #tpu.memory_space<vmem>>, vector<16xf32>,
      %slice3A_886 = vector.extract_strided_slice %get3A_563 {offsets = [6], sizes = [1], strides = [1]} : vector<16xi32> to vector<1xi32>
      %squeeze3A_887 = vector.extract %slice3A_886[0] : i32 from vector<1xi32>
      %mul3A_888 = arith.constant 16 : i32
      %mul3A_889 = arith.muli %scan3A_558, %mul3A_888 : i32
      %add3A_890 = arith.constant 6 : i32
      %add3A_891 = arith.addi %mul3A_889, %add3A_890 : i32
      %get3A_892 = arith.index_cast %squeeze3A_887 : i32 to index
      %get3A_893 = arith.constant 0 : index
      %get3A_894 = tpu.vector_load %arg8[%get3A_892, %get3A_893] {strides = array<i32>} : memref<265x128xf32, #tpu.memory_space<vmem>>, vector<16xf32>,
      %swap3A_895 = arith.index_cast %add3A_891 : i32 to index
      %swap3A_896 = arith.constant 0 : index
      %swap3A_897 = tpu.vector_load %arg9[%swap3A_895, %swap3A_896] {strides = array<i32>} : memref<256x128xf32, #tpu.memory_space<vmem>>, vector<16xf32>,
      tpu.vector_store %arg9[%swap3A_895, %swap3A_896], %get3A_894 {strides = array<i32>} : memref<256x128xf32, #tpu.memory_space<vmem>>, vector<16xf32>,
      %get3A_898 = arith.index_cast %squeeze3A_887 : i32 to index
      %get3A_899 = arith.constant 16 : index
      %get3A_900 = tpu.vector_load %arg8[%get3A_898, %get3A_899] {strides = array<i32>} : memref<265x128xf32, #tpu.memory_space<vmem>>, vector<16xf32>,
      %swap3A_901 = arith.index_cast %add3A_891 : i32 to index
      %swap3A_902 = arith.constant 16 : index
      %swap3A_903 = tpu.vector_load %arg9[%swap3A_901, %swap3A_902] {strides = array<i32>} : memref<256x128xf32, #tpu.memory_space<vmem>>, vector<16xf32>,
      tpu.vector_store %arg9[%swap3A_901, %swap3A_902], %get3A_900 {strides = array<i32>} : memref<256x128xf32, #tpu.memory_space<vmem>>, vector<16xf32>,
      %get3A_904 = arith.index_cast %squeeze3A_887 : i32 to index
      %get3A_905 = arith.constant 32 : index
      %get3A_906 = tpu.vector_load %arg8[%get3A_904, %get3A_905] {strides = array<i32>} : memref<265x128xf32, #tpu.memory_space<vmem>>, vector<16xf32>,
      %swap3A_907 = arith.index_cast %add3A_891 : i32 to index
      %swap3A_908 = arith.constant 32 : index
      %swap3A_909 = tpu.vector_load %arg9[%swap3A_907, %swap3A_908] {strides = array<i32>} : memref<256x128xf32, #tpu.memory_space<vmem>>, vector<16xf32>,
      tpu.vector_store %arg9[%swap3A_907, %swap3A_908], %get3A_906 {strides = array<i32>} : memref<256x128xf32, #tpu.memory_space<vmem>>, vector<16xf32>,
      %get3A_910 = arith.index_cast %squeeze3A_887 : i32 to index
      %get3A_911 = arith.constant 48 : index
      %get3A_912 = tpu.vector_load %arg8[%get3A_910, %get3A_911] {strides = array<i32>} : memref<265x128xf32, #tpu.memory_space<vmem>>, vector<16xf32>,
      %swap3A_913 = arith.index_cast %add3A_891 : i32 to index
      %swap3A_914 = arith.constant 48 : index
      %swap3A_915 = tpu.vector_load %arg9[%swap3A_913, %swap3A_914] {strides = array<i32>} : memref<256x128xf32, #tpu.memory_space<vmem>>, vector<16xf32>,
      tpu.vector_store %arg9[%swap3A_913, %swap3A_914], %get3A_912 {strides = array<i32>} : memref<256x128xf32, #tpu.memory_space<vmem>>, vector<16xf32>,
      %get3A_916 = arith.index_cast %squeeze3A_887 : i32 to index
      %get3A_917 = arith.constant 64 : index
      %get3A_918 = tpu.vector_load %arg8[%get3A_916, %get3A_917] {strides = array<i32>} : memref<265x128xf32, #tpu.memory_space<vmem>>, vector<16xf32>,
      %swap3A_919 = arith.index_cast %add3A_891 : i32 to index
      %swap3A_920 = arith.constant 64 : index
      %swap3A_921 = tpu.vector_load %arg9[%swap3A_919, %swap3A_920] {strides = array<i32>} : memref<256x128xf32, #tpu.memory_space<vmem>>, vector<16xf32>,
      tpu.vector_store %arg9[%swap3A_919, %swap3A_920], %get3A_918 {strides = array<i32>} : memref<256x128xf32, #tpu.memory_space<vmem>>, vector<16xf32>,
      %get3A_922 = arith.index_cast %squeeze3A_887 : i32 to index
      %get3A_923 = arith.constant 80 : index
      %get3A_924 = tpu.vector_load %arg8[%get3A_922, %get3A_923] {strides = array<i32>} : memref<265x128xf32, #tpu.memory_space<vmem>>, vector<16xf32>,
      %swap3A_925 = arith.index_cast %add3A_891 : i32 to index
      %swap3A_926 = arith.constant 80 : index
      %swap3A_927 = tpu.vector_load %arg9[%swap3A_925, %swap3A_926] {strides = array<i32>} : memref<256x128xf32, #tpu.memory_space<vmem>>, vector<16xf32>,
      tpu.vector_store %arg9[%swap3A_925, %swap3A_926], %get3A_924 {strides = array<i32>} : memref<256x128xf32, #tpu.memory_space<vmem>>, vector<16xf32>,
      %get3A_928 = arith.index_cast %squeeze3A_887 : i32 to index
      %get3A_929 = arith.constant 96 : index
      %get3A_930 = tpu.vector_load %arg8[%get3A_928, %get3A_929] {strides = array<i32>} : memref<265x128xf32, #tpu.memory_space<vmem>>, vector<16xf32>,
      %swap3A_931 = arith.index_cast %add3A_891 : i32 to index
      %swap3A_932 = arith.constant 96 : index
      %swap3A_933 = tpu.vector_load %arg9[%swap3A_931, %swap3A_932] {strides = array<i32>} : memref<256x128xf32, #tpu.memory_space<vmem>>, vector<16xf32>,
      tpu.vector_store %arg9[%swap3A_931, %swap3A_932], %get3A_930 {strides = array<i32>} : memref<256x128xf32, #tpu.memory_space<vmem>>, vector<16xf32>,
      %get3A_934 = arith.index_cast %squeeze3A_887 : i32 to index
      %get3A_935 = arith.constant 112 : index
      %get3A_936 = tpu.vector_load %arg8[%get3A_934, %get3A_935] {strides = array<i32>} : memref<265x128xf32, #tpu.memory_space<vmem>>, vector<16xf32>,
      %swap3A_937 = arith.index_cast %add3A_891 : i32 to index
      %swap3A_938 = arith.constant 112 : index
      %swap3A_939 = tpu.vector_load %arg9[%swap3A_937, %swap3A_938] {strides = array<i32>} : memref<256x128xf32, #tpu.memory_space<vmem>>, vector<16xf32>,
      tpu.vector_store %arg9[%swap3A_937, %swap3A_938], %get3A_936 {strides = array<i32>} : memref<256x128xf32, #tpu.memory_space<vmem>>, vector<16xf32>,
      %slice3A_940 = vector.extract_strided_slice %get3A_563 {offsets = [7], sizes = [1], strides = [1]} : vector<16xi32> to vector<1xi32>
      %squeeze3A_941 = vector.extract %slice3A_940[0] : i32 from vector<1xi32>
      %mul3A_942 = arith.constant 16 : i32
      %mul3A_943 = arith.muli %scan3A_558, %mul3A_942 : i32
      %add3A_944 = arith.constant 7 : i32
      %add3A_945 = arith.addi %mul3A_943, %add3A_944 : i32
      %get3A_946 = arith.index_cast %squeeze3A_941 : i32 to index
      %get3A_947 = arith.constant 0 : index
      %get3A_948 = tpu.vector_load %arg8[%get3A_946, %get3A_947] {strides = array<i32>} : memref<265x128xf32, #tpu.memory_space<vmem>>, vector<16xf32>,
      %swap3A_949 = arith.index_cast %add3A_945 : i32 to index
      %swap3A_950 = arith.constant 0 : index
      %swap3A_951 = tpu.vector_load %arg9[%swap3A_949, %swap3A_950] {strides = array<i32>} : memref<256x128xf32, #tpu.memory_space<vmem>>, vector<16xf32>,
      tpu.vector_store %arg9[%swap3A_949, %swap3A_950], %get3A_948 {strides = array<i32>} : memref<256x128xf32, #tpu.memory_space<vmem>>, vector<16xf32>,
      %get3A_952 = arith.index_cast %squeeze3A_941 : i32 to index
      %get3A_953 = arith.constant 16 : index
      %get3A_954 = tpu.vector_load %arg8[%get3A_952, %get3A_953] {strides = array<i32>} : memref<265x128xf32, #tpu.memory_space<vmem>>, vector<16xf32>,
      %swap3A_955 = arith.index_cast %add3A_945 : i32 to index
      %swap3A_956 = arith.constant 16 : index
      %swap3A_957 = tpu.vector_load %arg9[%swap3A_955, %swap3A_956] {strides = array<i32>} : memref<256x128xf32, #tpu.memory_space<vmem>>, vector<16xf32>,
      tpu.vector_store %arg9[%swap3A_955, %swap3A_956], %get3A_954 {strides = array<i32>} : memref<256x128xf32, #tpu.memory_space<vmem>>, vector<16xf32>,
      %get3A_958 = arith.index_cast %squeeze3A_941 : i32 to index
      %get3A_959 = arith.constant 32 : index
      %get3A_960 = tpu.vector_load %arg8[%get3A_958, %get3A_959] {strides = array<i32>} : memref<265x128xf32, #tpu.memory_space<vmem>>, vector<16xf32>,
      %swap3A_961 = arith.index_cast %add3A_945 : i32 to index
      %swap3A_962 = arith.constant 32 : index
      %swap3A_963 = tpu.vector_load %arg9[%swap3A_961, %swap3A_962] {strides = array<i32>} : memref<256x128xf32, #tpu.memory_space<vmem>>, vector<16xf32>,
      tpu.vector_store %arg9[%swap3A_961, %swap3A_962], %get3A_960 {strides = array<i32>} : memref<256x128xf32, #tpu.memory_space<vmem>>, vector<16xf32>,
      %get3A_964 = arith.index_cast %squeeze3A_941 : i32 to index
      %get3A_965 = arith.constant 48 : index
      %get3A_966 = tpu.vector_load %arg8[%get3A_964, %get3A_965] {strides = array<i32>} : memref<265x128xf32, #tpu.memory_space<vmem>>, vector<16xf32>,
      %swap3A_967 = arith.index_cast %add3A_945 : i32 to index
      %swap3A_968 = arith.constant 48 : index
      %swap3A_969 = tpu.vector_load %arg9[%swap3A_967, %swap3A_968] {strides = array<i32>} : memref<256x128xf32, #tpu.memory_space<vmem>>, vector<16xf32>,
      tpu.vector_store %arg9[%swap3A_967, %swap3A_968], %get3A_966 {strides = array<i32>} : memref<256x128xf32, #tpu.memory_space<vmem>>, vector<16xf32>,
      %get3A_970 = arith.index_cast %squeeze3A_941 : i32 to index
      %get3A_971 = arith.constant 64 : index
      %get3A_972 = tpu.vector_load %arg8[%get3A_970, %get3A_971] {strides = array<i32>} : memref<265x128xf32, #tpu.memory_space<vmem>>, vector<16xf32>,
      %swap3A_973 = arith.index_cast %add3A_945 : i32 to index
      %swap3A_974 = arith.constant 64 : index
      %swap3A_975 = tpu.vector_load %arg9[%swap3A_973, %swap3A_974] {strides = array<i32>} : memref<256x128xf32, #tpu.memory_space<vmem>>, vector<16xf32>,
      tpu.vector_store %arg9[%swap3A_973, %swap3A_974], %get3A_972 {strides = array<i32>} : memref<256x128xf32, #tpu.memory_space<vmem>>, vector<16xf32>,
      %get3A_976 = arith.index_cast %squeeze3A_941 : i32 to index
      %get3A_977 = arith.constant 80 : index
      %get3A_978 = tpu.vector_load %arg8[%get3A_976, %get3A_977] {strides = array<i32>} : memref<265x128xf32, #tpu.memory_space<vmem>>, vector<16xf32>,
      %swap3A_979 = arith.index_cast %add3A_945 : i32 to index
      %swap3A_980 = arith.constant 80 : index
      %swap3A_981 = tpu.vector_load %arg9[%swap3A_979, %swap3A_980] {strides = array<i32>} : memref<256x128xf32, #tpu.memory_space<vmem>>, vector<16xf32>,
      tpu.vector_store %arg9[%swap3A_979, %swap3A_980], %get3A_978 {strides = array<i32>} : memref<256x128xf32, #tpu.memory_space<vmem>>, vector<16xf32>,
      %get3A_982 = arith.index_cast %squeeze3A_941 : i32 to index
      %get3A_983 = arith.constant 96 : index
      %get3A_984 = tpu.vector_load %arg8[%get3A_982, %get3A_983] {strides = array<i32>} : memref<265x128xf32, #tpu.memory_space<vmem>>, vector<16xf32>,
      %swap3A_985 = arith.index_cast %add3A_945 : i32 to index
      %swap3A_986 = arith.constant 96 : index
      %swap3A_987 = tpu.vector_load %arg9[%swap3A_985, %swap3A_986] {strides = array<i32>} : memref<256x128xf32, #tpu.memory_space<vmem>>, vector<16xf32>,
      tpu.vector_store %arg9[%swap3A_985, %swap3A_986], %get3A_984 {strides = array<i32>} : memref<256x128xf32, #tpu.memory_space<vmem>>, vector<16xf32>,
      %get3A_988 = arith.index_cast %squeeze3A_941 : i32 to index
      %get3A_989 = arith.constant 112 : index
      %get3A_990 = tpu.vector_load %arg8[%get3A_988, %get3A_989] {strides = array<i32>} : memref<265x128xf32, #tpu.memory_space<vmem>>, vector<16xf32>,
      %swap3A_991 = arith.index_cast %add3A_945 : i32 to index
      %swap3A_992 = arith.constant 112 : index
      %swap3A_993 = tpu.vector_load %arg9[%swap3A_991, %swap3A_992] {strides = array<i32>} : memref<256x128xf32, #tpu.memory_space<vmem>>, vector<16xf32>,
      tpu.vector_store %arg9[%swap3A_991, %swap3A_992], %get3A_990 {strides = array<i32>} : memref<256x128xf32, #tpu.memory_space<vmem>>, vector<16xf32>,
      %slice3A_994 = vector.extract_strided_slice %get3A_563 {offsets = [8], sizes = [1], strides = [1]} : vector<16xi32> to vector<1xi32>
      %squeeze3A_995 = vector.extract %slice3A_994[0] : i32 from vector<1xi32>
      %mul3A_996 = arith.constant 16 : i32
      %mul3A_997 = arith.muli %scan3A_558, %mul3A_996 : i32
      %add3A_998 = arith.constant 8 : i32
      %add3A_999 = arith.addi %mul3A_997, %add3A_998 : i32
      %get3A_1000 = arith.index_cast %squeeze3A_995 : i32 to index
      %get3A_1001 = arith.constant 0 : index
      %get3A_1002 = tpu.vector_load %arg8[%get3A_1000, %get3A_1001] {strides = array<i32>} : memref<265x128xf32, #tpu.memory_space<vmem>>, vector<16xf32>,
      %swap3A_1003 = arith.index_cast %add3A_999 : i32 to index
      %swap3A_1004 = arith.constant 0 : index
      %swap3A_1005 = tpu.vector_load %arg9[%swap3A_1003, %swap3A_1004] {strides = array<i32>} : memref<256x128xf32, #tpu.memory_space<vmem>>, vector<16xf32>,
      tpu.vector_store %arg9[%swap3A_1003, %swap3A_1004], %get3A_1002 {strides = array<i32>} : memref<256x128xf32, #tpu.memory_space<vmem>>, vector<16xf32>,
      %get3A_1006 = arith.index_cast %squeeze3A_995 : i32 to index
      %get3A_1007 = arith.constant 16 : index
      %get3A_1008 = tpu.vector_load %arg8[%get3A_1006, %get3A_1007] {strides = array<i32>} : memref<265x128xf32, #tpu.memory_space<vmem>>, vector<16xf32>,
      %swap3A_1009 = arith.index_cast %add3A_999 : i32 to index
      %swap3A_1010 = arith.constant 16 : index
      %swap3A_1011 = tpu.vector_load %arg9[%swap3A_1009, %swap3A_1010] {strides = array<i32>} : memref<256x128xf32, #tpu.memory_space<vmem>>, vector<16xf32>,
      tpu.vector_store %arg9[%swap3A_1009, %swap3A_1010], %get3A_1008 {strides = array<i32>} : memref<256x128xf32, #tpu.memory_space<vmem>>, vector<16xf32>,
      %get3A_1012 = arith.index_cast %squeeze3A_995 : i32 to index
      %get3A_1013 = arith.constant 32 : index
      %get3A_1014 = tpu.vector_load %arg8[%get3A_1012, %get3A_1013] {strides = array<i32>} : memref<265x128xf32, #tpu.memory_space<vmem>>, vector<16xf32>,
      %swap3A_1015 = arith.index_cast %add3A_999 : i32 to index
      %swap3A_1016 = arith.constant 32 : index
      %swap3A_1017 = tpu.vector_load %arg9[%swap3A_1015, %swap3A_1016] {strides = array<i32>} : memref<256x128xf32, #tpu.memory_space<vmem>>, vector<16xf32>,
      tpu.vector_store %arg9[%swap3A_1015, %swap3A_1016], %get3A_1014 {strides = array<i32>} : memref<256x128xf32, #tpu.memory_space<vmem>>, vector<16xf32>,
      %get3A_1018 = arith.index_cast %squeeze3A_995 : i32 to index
      %get3A_1019 = arith.constant 48 : index
      %get3A_1020 = tpu.vector_load %arg8[%get3A_1018, %get3A_1019] {strides = array<i32>} : memref<265x128xf32, #tpu.memory_space<vmem>>, vector<16xf32>,
      %swap3A_1021 = arith.index_cast %add3A_999 : i32 to index
      %swap3A_1022 = arith.constant 48 : index
      %swap3A_1023 = tpu.vector_load %arg9[%swap3A_1021, %swap3A_1022] {strides = array<i32>} : memref<256x128xf32, #tpu.memory_space<vmem>>, vector<16xf32>,
      tpu.vector_store %arg9[%swap3A_1021, %swap3A_1022], %get3A_1020 {strides = array<i32>} : memref<256x128xf32, #tpu.memory_space<vmem>>, vector<16xf32>,
      %get3A_1024 = arith.index_cast %squeeze3A_995 : i32 to index
      %get3A_1025 = arith.constant 64 : index
      %get3A_1026 = tpu.vector_load %arg8[%get3A_1024, %get3A_1025] {strides = array<i32>} : memref<265x128xf32, #tpu.memory_space<vmem>>, vector<16xf32>,
      %swap3A_1027 = arith.index_cast %add3A_999 : i32 to index
      %swap3A_1028 = arith.constant 64 : index
      %swap3A_1029 = tpu.vector_load %arg9[%swap3A_1027, %swap3A_1028] {strides = array<i32>} : memref<256x128xf32, #tpu.memory_space<vmem>>, vector<16xf32>,
      tpu.vector_store %arg9[%swap3A_1027, %swap3A_1028], %get3A_1026 {strides = array<i32>} : memref<256x128xf32, #tpu.memory_space<vmem>>, vector<16xf32>,
      %get3A_1030 = arith.index_cast %squeeze3A_995 : i32 to index
      %get3A_1031 = arith.constant 80 : index
      %get3A_1032 = tpu.vector_load %arg8[%get3A_1030, %get3A_1031] {strides = array<i32>} : memref<265x128xf32, #tpu.memory_space<vmem>>, vector<16xf32>,
      %swap3A_1033 = arith.index_cast %add3A_999 : i32 to index
      %swap3A_1034 = arith.constant 80 : index
      %swap3A_1035 = tpu.vector_load %arg9[%swap3A_1033, %swap3A_1034] {strides = array<i32>} : memref<256x128xf32, #tpu.memory_space<vmem>>, vector<16xf32>,
      tpu.vector_store %arg9[%swap3A_1033, %swap3A_1034], %get3A_1032 {strides = array<i32>} : memref<256x128xf32, #tpu.memory_space<vmem>>, vector<16xf32>,
      %get3A_1036 = arith.index_cast %squeeze3A_995 : i32 to index
      %get3A_1037 = arith.constant 96 : index
      %get3A_1038 = tpu.vector_load %arg8[%get3A_1036, %get3A_1037] {strides = array<i32>} : memref<265x128xf32, #tpu.memory_space<vmem>>, vector<16xf32>,
      %swap3A_1039 = arith.index_cast %add3A_999 : i32 to index
      %swap3A_1040 = arith.constant 96 : index
      %swap3A_1041 = tpu.vector_load %arg9[%swap3A_1039, %swap3A_1040] {strides = array<i32>} : memref<256x128xf32, #tpu.memory_space<vmem>>, vector<16xf32>,
      tpu.vector_store %arg9[%swap3A_1039, %swap3A_1040], %get3A_1038 {strides = array<i32>} : memref<256x128xf32, #tpu.memory_space<vmem>>, vector<16xf32>,
      %get3A_1042 = arith.index_cast %squeeze3A_995 : i32 to index
      %get3A_1043 = arith.constant 112 : index
      %get3A_1044 = tpu.vector_load %arg8[%get3A_1042, %get3A_1043] {strides = array<i32>} : memref<265x128xf32, #tpu.memory_space<vmem>>, vector<16xf32>,
      %swap3A_1045 = arith.index_cast %add3A_999 : i32 to index
      %swap3A_1046 = arith.constant 112 : index
      %swap3A_1047 = tpu.vector_load %arg9[%swap3A_1045, %swap3A_1046] {strides = array<i32>} : memref<256x128xf32, #tpu.memory_space<vmem>>, vector<16xf32>,
      tpu.vector_store %arg9[%swap3A_1045, %swap3A_1046], %get3A_1044 {strides = array<i32>} : memref<256x128xf32, #tpu.memory_space<vmem>>, vector<16xf32>,
      %slice3A_1048 = vector.extract_strided_slice %get3A_563 {offsets = [9], sizes = [1], strides = [1]} : vector<16xi32> to vector<1xi32>
      %squeeze3A_1049 = vector.extract %slice3A_1048[0] : i32 from vector<1xi32>
      %mul3A_1050 = arith.constant 16 : i32
      %mul3A_1051 = arith.muli %scan3A_558, %mul3A_1050 : i32
      %add3A_1052 = arith.constant 9 : i32
      %add3A_1053 = arith.addi %mul3A_1051, %add3A_1052 : i32
      %get3A_1054 = arith.index_cast %squeeze3A_1049 : i32 to index
      %get3A_1055 = arith.constant 0 : index
      %get3A_1056 = tpu.vector_load %arg8[%get3A_1054, %get3A_1055] {strides = array<i32>} : memref<265x128xf32, #tpu.memory_space<vmem>>, vector<16xf32>,
      %swap3A_1057 = arith.index_cast %add3A_1053 : i32 to index
      %swap3A_1058 = arith.constant 0 : index
      %swap3A_1059 = tpu.vector_load %arg9[%swap3A_1057, %swap3A_1058] {strides = array<i32>} : memref<256x128xf32, #tpu.memory_space<vmem>>, vector<16xf32>,
      tpu.vector_store %arg9[%swap3A_1057, %swap3A_1058], %get3A_1056 {strides = array<i32>} : memref<256x128xf32, #tpu.memory_space<vmem>>, vector<16xf32>,
      %get3A_1060 = arith.index_cast %squeeze3A_1049 : i32 to index
      %get3A_1061 = arith.constant 16 : index
      %get3A_1062 = tpu.vector_load %arg8[%get3A_1060, %get3A_1061] {strides = array<i32>} : memref<265x128xf32, #tpu.memory_space<vmem>>, vector<16xf32>,
      %swap3A_1063 = arith.index_cast %add3A_1053 : i32 to index
      %swap3A_1064 = arith.constant 16 : index
      %swap3A_1065 = tpu.vector_load %arg9[%swap3A_1063, %swap3A_1064] {strides = array<i32>} : memref<256x128xf32, #tpu.memory_space<vmem>>, vector<16xf32>,
      tpu.vector_store %arg9[%swap3A_1063, %swap3A_1064], %get3A_1062 {strides = array<i32>} : memref<256x128xf32, #tpu.memory_space<vmem>>, vector<16xf32>,
      %get3A_1066 = arith.index_cast %squeeze3A_1049 : i32 to index
      %get3A_1067 = arith.constant 32 : index
      %get3A_1068 = tpu.vector_load %arg8[%get3A_1066, %get3A_1067] {strides = array<i32>} : memref<265x128xf32, #tpu.memory_space<vmem>>, vector<16xf32>,
      %swap3A_1069 = arith.index_cast %add3A_1053 : i32 to index
      %swap3A_1070 = arith.constant 32 : index
      %swap3A_1071 = tpu.vector_load %arg9[%swap3A_1069, %swap3A_1070] {strides = array<i32>} : memref<256x128xf32, #tpu.memory_space<vmem>>, vector<16xf32>,
      tpu.vector_store %arg9[%swap3A_1069, %swap3A_1070], %get3A_1068 {strides = array<i32>} : memref<256x128xf32, #tpu.memory_space<vmem>>, vector<16xf32>,
      %get3A_1072 = arith.index_cast %squeeze3A_1049 : i32 to index
      %get3A_1073 = arith.constant 48 : index
      %get3A_1074 = tpu.vector_load %arg8[%get3A_1072, %get3A_1073] {strides = array<i32>} : memref<265x128xf32, #tpu.memory_space<vmem>>, vector<16xf32>,
      %swap3A_1075 = arith.index_cast %add3A_1053 : i32 to index
      %swap3A_1076 = arith.constant 48 : index
      %swap3A_1077 = tpu.vector_load %arg9[%swap3A_1075, %swap3A_1076] {strides = array<i32>} : memref<256x128xf32, #tpu.memory_space<vmem>>, vector<16xf32>,
      tpu.vector_store %arg9[%swap3A_1075, %swap3A_1076], %get3A_1074 {strides = array<i32>} : memref<256x128xf32, #tpu.memory_space<vmem>>, vector<16xf32>,
      %get3A_1078 = arith.index_cast %squeeze3A_1049 : i32 to index
      %get3A_1079 = arith.constant 64 : index
      %get3A_1080 = tpu.vector_load %arg8[%get3A_1078, %get3A_1079] {strides = array<i32>} : memref<265x128xf32, #tpu.memory_space<vmem>>, vector<16xf32>,
      %swap3A_1081 = arith.index_cast %add3A_1053 : i32 to index
      %swap3A_1082 = arith.constant 64 : index
      %swap3A_1083 = tpu.vector_load %arg9[%swap3A_1081, %swap3A_1082] {strides = array<i32>} : memref<256x128xf32, #tpu.memory_space<vmem>>, vector<16xf32>,
      tpu.vector_store %arg9[%swap3A_1081, %swap3A_1082], %get3A_1080 {strides = array<i32>} : memref<256x128xf32, #tpu.memory_space<vmem>>, vector<16xf32>,
      %get3A_1084 = arith.index_cast %squeeze3A_1049 : i32 to index
      %get3A_1085 = arith.constant 80 : index
      %get3A_1086 = tpu.vector_load %arg8[%get3A_1084, %get3A_1085] {strides = array<i32>} : memref<265x128xf32, #tpu.memory_space<vmem>>, vector<16xf32>,
      %swap3A_1087 = arith.index_cast %add3A_1053 : i32 to index
      %swap3A_1088 = arith.constant 80 : index
      %swap3A_1089 = tpu.vector_load %arg9[%swap3A_1087, %swap3A_1088] {strides = array<i32>} : memref<256x128xf32, #tpu.memory_space<vmem>>, vector<16xf32>,
      tpu.vector_store %arg9[%swap3A_1087, %swap3A_1088], %get3A_1086 {strides = array<i32>} : memref<256x128xf32, #tpu.memory_space<vmem>>, vector<16xf32>,
      %get3A_1090 = arith.index_cast %squeeze3A_1049 : i32 to index
      %get3A_1091 = arith.constant 96 : index
      %get3A_1092 = tpu.vector_load %arg8[%get3A_1090, %get3A_1091] {strides = array<i32>} : memref<265x128xf32, #tpu.memory_space<vmem>>, vector<16xf32>,
      %swap3A_1093 = arith.index_cast %add3A_1053 : i32 to index
      %swap3A_1094 = arith.constant 96 : index
      %swap3A_1095 = tpu.vector_load %arg9[%swap3A_1093, %swap3A_1094] {strides = array<i32>} : memref<256x128xf32, #tpu.memory_space<vmem>>, vector<16xf32>,
      tpu.vector_store %arg9[%swap3A_1093, %swap3A_1094], %get3A_1092 {strides = array<i32>} : memref<256x128xf32, #tpu.memory_space<vmem>>, vector<16xf32>,
      %get3A_1096 = arith.index_cast %squeeze3A_1049 : i32 to index
      %get3A_1097 = arith.constant 112 : index
      %get3A_1098 = tpu.vector_load %arg8[%get3A_1096, %get3A_1097] {strides = array<i32>} : memref<265x128xf32, #tpu.memory_space<vmem>>, vector<16xf32>,
      %swap3A_1099 = arith.index_cast %add3A_1053 : i32 to index
      %swap3A_1100 = arith.constant 112 : index
      %swap3A_1101 = tpu.vector_load %arg9[%swap3A_1099, %swap3A_1100] {strides = array<i32>} : memref<256x128xf32, #tpu.memory_space<vmem>>, vector<16xf32>,
      tpu.vector_store %arg9[%swap3A_1099, %swap3A_1100], %get3A_1098 {strides = array<i32>} : memref<256x128xf32, #tpu.memory_space<vmem>>, vector<16xf32>,
      %slice3A_1102 = vector.extract_strided_slice %get3A_563 {offsets = [10], sizes = [1], strides = [1]} : vector<16xi32> to vector<1xi32>
      %squeeze3A_1103 = vector.extract %slice3A_1102[0] : i32 from vector<1xi32>
      %mul3A_1104 = arith.constant 16 : i32
      %mul3A_1105 = arith.muli %scan3A_558, %mul3A_1104 : i32
      %add3A_1106 = arith.constant 10 : i32
      %add3A_1107 = arith.addi %mul3A_1105, %add3A_1106 : i32
      %get3A_1108 = arith.index_cast %squeeze3A_1103 : i32 to index
      %get3A_1109 = arith.constant 0 : index
      %get3A_1110 = tpu.vector_load %arg8[%get3A_1108, %get3A_1109] {strides = array<i32>} : memref<265x128xf32, #tpu.memory_space<vmem>>, vector<16xf32>,
      %swap3A_1111 = arith.index_cast %add3A_1107 : i32 to index
      %swap3A_1112 = arith.constant 0 : index
      %swap3A_1113 = tpu.vector_load %arg9[%swap3A_1111, %swap3A_1112] {strides = array<i32>} : memref<256x128xf32, #tpu.memory_space<vmem>>, vector<16xf32>,
      tpu.vector_store %arg9[%swap3A_1111, %swap3A_1112], %get3A_1110 {strides = array<i32>} : memref<256x128xf32, #tpu.memory_space<vmem>>, vector<16xf32>,
      %get3A_1114 = arith.index_cast %squeeze3A_1103 : i32 to index
      %get3A_1115 = arith.constant 16 : index
      %get3A_1116 = tpu.vector_load %arg8[%get3A_1114, %get3A_1115] {strides = array<i32>} : memref<265x128xf32, #tpu.memory_space<vmem>>, vector<16xf32>,
      %swap3A_1117 = arith.index_cast %add3A_1107 : i32 to index
      %swap3A_1118 = arith.constant 16 : index
      %swap3A_1119 = tpu.vector_load %arg9[%swap3A_1117, %swap3A_1118] {strides = array<i32>} : memref<256x128xf32, #tpu.memory_space<vmem>>, vector<16xf32>,
      tpu.vector_store %arg9[%swap3A_1117, %swap3A_1118], %get3A_1116 {strides = array<i32>} : memref<256x128xf32, #tpu.memory_space<vmem>>, vector<16xf32>,
      %get3A_1120 = arith.index_cast %squeeze3A_1103 : i32 to index
      %get3A_1121 = arith.constant 32 : index
      %get3A_1122 = tpu.vector_load %arg8[%get3A_1120, %get3A_1121] {strides = array<i32>} : memref<265x128xf32, #tpu.memory_space<vmem>>, vector<16xf32>,
      %swap3A_1123 = arith.index_cast %add3A_1107 : i32 to index
      %swap3A_1124 = arith.constant 32 : index
      %swap3A_1125 = tpu.vector_load %arg9[%swap3A_1123, %swap3A_1124] {strides = array<i32>} : memref<256x128xf32, #tpu.memory_space<vmem>>, vector<16xf32>,
      tpu.vector_store %arg9[%swap3A_1123, %swap3A_1124], %get3A_1122 {strides = array<i32>} : memref<256x128xf32, #tpu.memory_space<vmem>>, vector<16xf32>,
      %get3A_1126 = arith.index_cast %squeeze3A_1103 : i32 to index
      %get3A_1127 = arith.constant 48 : index
      %get3A_1128 = tpu.vector_load %arg8[%get3A_1126, %get3A_1127] {strides = array<i32>} : memref<265x128xf32, #tpu.memory_space<vmem>>, vector<16xf32>,
      %swap3A_1129 = arith.index_cast %add3A_1107 : i32 to index
      %swap3A_1130 = arith.constant 48 : index
      %swap3A_1131 = tpu.vector_load %arg9[%swap3A_1129, %swap3A_1130] {strides = array<i32>} : memref<256x128xf32, #tpu.memory_space<vmem>>, vector<16xf32>,
      tpu.vector_store %arg9[%swap3A_1129, %swap3A_1130], %get3A_1128 {strides = array<i32>} : memref<256x128xf32, #tpu.memory_space<vmem>>, vector<16xf32>,
      %get3A_1132 = arith.index_cast %squeeze3A_1103 : i32 to index
      %get3A_1133 = arith.constant 64 : index
      %get3A_1134 = tpu.vector_load %arg8[%get3A_1132, %get3A_1133] {strides = array<i32>} : memref<265x128xf32, #tpu.memory_space<vmem>>, vector<16xf32>,
      %swap3A_1135 = arith.index_cast %add3A_1107 : i32 to index
      %swap3A_1136 = arith.constant 64 : index
      %swap3A_1137 = tpu.vector_load %arg9[%swap3A_1135, %swap3A_1136] {strides = array<i32>} : memref<256x128xf32, #tpu.memory_space<vmem>>, vector<16xf32>,
      tpu.vector_store %arg9[%swap3A_1135, %swap3A_1136], %get3A_1134 {strides = array<i32>} : memref<256x128xf32, #tpu.memory_space<vmem>>, vector<16xf32>,
      %get3A_1138 = arith.index_cast %squeeze3A_1103 : i32 to index
      %get3A_1139 = arith.constant 80 : index
      %get3A_1140 = tpu.vector_load %arg8[%get3A_1138, %get3A_1139] {strides = array<i32>} : memref<265x128xf32, #tpu.memory_space<vmem>>, vector<16xf32>,
      %swap3A_1141 = arith.index_cast %add3A_1107 : i32 to index
      %swap3A_1142 = arith.constant 80 : index
      %swap3A_1143 = tpu.vector_load %arg9[%swap3A_1141, %swap3A_1142] {strides = array<i32>} : memref<256x128xf32, #tpu.memory_space<vmem>>, vector<16xf32>,
      tpu.vector_store %arg9[%swap3A_1141, %swap3A_1142], %get3A_1140 {strides = array<i32>} : memref<256x128xf32, #tpu.memory_space<vmem>>, vector<16xf32>,
      %get3A_1144 = arith.index_cast %squeeze3A_1103 : i32 to index
      %get3A_1145 = arith.constant 96 : index
      %get3A_1146 = tpu.vector_load %arg8[%get3A_1144, %get3A_1145] {strides = array<i32>} : memref<265x128xf32, #tpu.memory_space<vmem>>, vector<16xf32>,
      %swap3A_1147 = arith.index_cast %add3A_1107 : i32 to index
      %swap3A_1148 = arith.constant 96 : index
      %swap3A_1149 = tpu.vector_load %arg9[%swap3A_1147, %swap3A_1148] {strides = array<i32>} : memref<256x128xf32, #tpu.memory_space<vmem>>, vector<16xf32>,
      tpu.vector_store %arg9[%swap3A_1147, %swap3A_1148], %get3A_1146 {strides = array<i32>} : memref<256x128xf32, #tpu.memory_space<vmem>>, vector<16xf32>,
      %get3A_1150 = arith.index_cast %squeeze3A_1103 : i32 to index
      %get3A_1151 = arith.constant 112 : index
      %get3A_1152 = tpu.vector_load %arg8[%get3A_1150, %get3A_1151] {strides = array<i32>} : memref<265x128xf32, #tpu.memory_space<vmem>>, vector<16xf32>,
      %swap3A_1153 = arith.index_cast %add3A_1107 : i32 to index
      %swap3A_1154 = arith.constant 112 : index
      %swap3A_1155 = tpu.vector_load %arg9[%swap3A_1153, %swap3A_1154] {strides = array<i32>} : memref<256x128xf32, #tpu.memory_space<vmem>>, vector<16xf32>,
      tpu.vector_store %arg9[%swap3A_1153, %swap3A_1154], %get3A_1152 {strides = array<i32>} : memref<256x128xf32, #tpu.memory_space<vmem>>, vector<16xf32>,
      %slice3A_1156 = vector.extract_strided_slice %get3A_563 {offsets = [11], sizes = [1], strides = [1]} : vector<16xi32> to vector<1xi32>
      %squeeze3A_1157 = vector.extract %slice3A_1156[0] : i32 from vector<1xi32>
      %mul3A_1158 = arith.constant 16 : i32
      %mul3A_1159 = arith.muli %scan3A_558, %mul3A_1158 : i32
      %add3A_1160 = arith.constant 11 : i32
      %add3A_1161 = arith.addi %mul3A_1159, %add3A_1160 : i32
      %get3A_1162 = arith.index_cast %squeeze3A_1157 : i32 to index
      %get3A_1163 = arith.constant 0 : index
      %get3A_1164 = tpu.vector_load %arg8[%get3A_1162, %get3A_1163] {strides = array<i32>} : memref<265x128xf32, #tpu.memory_space<vmem>>, vector<16xf32>,
      %swap3A_1165 = arith.index_cast %add3A_1161 : i32 to index
      %swap3A_1166 = arith.constant 0 : index
      %swap3A_1167 = tpu.vector_load %arg9[%swap3A_1165, %swap3A_1166] {strides = array<i32>} : memref<256x128xf32, #tpu.memory_space<vmem>>, vector<16xf32>,
      tpu.vector_store %arg9[%swap3A_1165, %swap3A_1166], %get3A_1164 {strides = array<i32>} : memref<256x128xf32, #tpu.memory_space<vmem>>, vector<16xf32>,
      %get3A_1168 = arith.index_cast %squeeze3A_1157 : i32 to index
      %get3A_1169 = arith.constant 16 : index
      %get3A_1170 = tpu.vector_load %arg8[%get3A_1168, %get3A_1169] {strides = array<i32>} : memref<265x128xf32, #tpu.memory_space<vmem>>, vector<16xf32>,
      %swap3A_1171 = arith.index_cast %add3A_1161 : i32 to index
      %swap3A_1172 = arith.constant 16 : index
      %swap3A_1173 = tpu.vector_load %arg9[%swap3A_1171, %swap3A_1172] {strides = array<i32>} : memref<256x128xf32, #tpu.memory_space<vmem>>, vector<16xf32>,
      tpu.vector_store %arg9[%swap3A_1171, %swap3A_1172], %get3A_1170 {strides = array<i32>} : memref<256x128xf32, #tpu.memory_space<vmem>>, vector<16xf32>,
      %get3A_1174 = arith.index_cast %squeeze3A_1157 : i32 to index
      %get3A_1175 = arith.constant 32 : index
      %get3A_1176 = tpu.vector_load %arg8[%get3A_1174, %get3A_1175] {strides = array<i32>} : memref<265x128xf32, #tpu.memory_space<vmem>>, vector<16xf32>,
      %swap3A_1177 = arith.index_cast %add3A_1161 : i32 to index
      %swap3A_1178 = arith.constant 32 : index
      %swap3A_1179 = tpu.vector_load %arg9[%swap3A_1177, %swap3A_1178] {strides = array<i32>} : memref<256x128xf32, #tpu.memory_space<vmem>>, vector<16xf32>,
      tpu.vector_store %arg9[%swap3A_1177, %swap3A_1178], %get3A_1176 {strides = array<i32>} : memref<256x128xf32, #tpu.memory_space<vmem>>, vector<16xf32>,
      %get3A_1180 = arith.index_cast %squeeze3A_1157 : i32 to index
      %get3A_1181 = arith.constant 48 : index
      %get3A_1182 = tpu.vector_load %arg8[%get3A_1180, %get3A_1181] {strides = array<i32>} : memref<265x128xf32, #tpu.memory_space<vmem>>, vector<16xf32>,
      %swap3A_1183 = arith.index_cast %add3A_1161 : i32 to index
      %swap3A_1184 = arith.constant 48 : index
      %swap3A_1185 = tpu.vector_load %arg9[%swap3A_1183, %swap3A_1184] {strides = array<i32>} : memref<256x128xf32, #tpu.memory_space<vmem>>, vector<16xf32>,
      tpu.vector_store %arg9[%swap3A_1183, %swap3A_1184], %get3A_1182 {strides = array<i32>} : memref<256x128xf32, #tpu.memory_space<vmem>>, vector<16xf32>,
      %get3A_1186 = arith.index_cast %squeeze3A_1157 : i32 to index
      %get3A_1187 = arith.constant 64 : index
      %get3A_1188 = tpu.vector_load %arg8[%get3A_1186, %get3A_1187] {strides = array<i32>} : memref<265x128xf32, #tpu.memory_space<vmem>>, vector<16xf32>,
      %swap3A_1189 = arith.index_cast %add3A_1161 : i32 to index
      %swap3A_1190 = arith.constant 64 : index
      %swap3A_1191 = tpu.vector_load %arg9[%swap3A_1189, %swap3A_1190] {strides = array<i32>} : memref<256x128xf32, #tpu.memory_space<vmem>>, vector<16xf32>,
      tpu.vector_store %arg9[%swap3A_1189, %swap3A_1190], %get3A_1188 {strides = array<i32>} : memref<256x128xf32, #tpu.memory_space<vmem>>, vector<16xf32>,
      %get3A_1192 = arith.index_cast %squeeze3A_1157 : i32 to index
      %get3A_1193 = arith.constant 80 : index
      %get3A_1194 = tpu.vector_load %arg8[%get3A_1192, %get3A_1193] {strides = array<i32>} : memref<265x128xf32, #tpu.memory_space<vmem>>, vector<16xf32>,
      %swap3A_1195 = arith.index_cast %add3A_1161 : i32 to index
      %swap3A_1196 = arith.constant 80 : index
      %swap3A_1197 = tpu.vector_load %arg9[%swap3A_1195, %swap3A_1196] {strides = array<i32>} : memref<256x128xf32, #tpu.memory_space<vmem>>, vector<16xf32>,
      tpu.vector_store %arg9[%swap3A_1195, %swap3A_1196], %get3A_1194 {strides = array<i32>} : memref<256x128xf32, #tpu.memory_space<vmem>>, vector<16xf32>,
      %get3A_1198 = arith.index_cast %squeeze3A_1157 : i32 to index
      %get3A_1199 = arith.constant 96 : index
      %get3A_1200 = tpu.vector_load %arg8[%get3A_1198, %get3A_1199] {strides = array<i32>} : memref<265x128xf32, #tpu.memory_space<vmem>>, vector<16xf32>,
      %swap3A_1201 = arith.index_cast %add3A_1161 : i32 to index
      %swap3A_1202 = arith.constant 96 : index
      %swap3A_1203 = tpu.vector_load %arg9[%swap3A_1201, %swap3A_1202] {strides = array<i32>} : memref<256x128xf32, #tpu.memory_space<vmem>>, vector<16xf32>,
      tpu.vector_store %arg9[%swap3A_1201, %swap3A_1202], %get3A_1200 {strides = array<i32>} : memref<256x128xf32, #tpu.memory_space<vmem>>, vector<16xf32>,
      %get3A_1204 = arith.index_cast %squeeze3A_1157 : i32 to index
      %get3A_1205 = arith.constant 112 : index
      %get3A_1206 = tpu.vector_load %arg8[%get3A_1204, %get3A_1205] {strides = array<i32>} : memref<265x128xf32, #tpu.memory_space<vmem>>, vector<16xf32>,
      %swap3A_1207 = arith.index_cast %add3A_1161 : i32 to index
      %swap3A_1208 = arith.constant 112 : index
      %swap3A_1209 = tpu.vector_load %arg9[%swap3A_1207, %swap3A_1208] {strides = array<i32>} : memref<256x128xf32, #tpu.memory_space<vmem>>, vector<16xf32>,
      tpu.vector_store %arg9[%swap3A_1207, %swap3A_1208], %get3A_1206 {strides = array<i32>} : memref<256x128xf32, #tpu.memory_space<vmem>>, vector<16xf32>,
      %slice3A_1210 = vector.extract_strided_slice %get3A_563 {offsets = [12], sizes = [1], strides = [1]} : vector<16xi32> to vector<1xi32>
      %squeeze3A_1211 = vector.extract %slice3A_1210[0] : i32 from vector<1xi32>
      %mul3A_1212 = arith.constant 16 : i32
      %mul3A_1213 = arith.muli %scan3A_558, %mul3A_1212 : i32
      %add3A_1214 = arith.constant 12 : i32
      %add3A_1215 = arith.addi %mul3A_1213, %add3A_1214 : i32
      %get3A_1216 = arith.index_cast %squeeze3A_1211 : i32 to index
      %get3A_1217 = arith.constant 0 : index
      %get3A_1218 = tpu.vector_load %arg8[%get3A_1216, %get3A_1217] {strides = array<i32>} : memref<265x128xf32, #tpu.memory_space<vmem>>, vector<16xf32>,
      %swap3A_1219 = arith.index_cast %add3A_1215 : i32 to index
      %swap3A_1220 = arith.constant 0 : index
      %swap3A_1221 = tpu.vector_load %arg9[%swap3A_1219, %swap3A_1220] {strides = array<i32>} : memref<256x128xf32, #tpu.memory_space<vmem>>, vector<16xf32>,
      tpu.vector_store %arg9[%swap3A_1219, %swap3A_1220], %get3A_1218 {strides = array<i32>} : memref<256x128xf32, #tpu.memory_space<vmem>>, vector<16xf32>,
      %get3A_1222 = arith.index_cast %squeeze3A_1211 : i32 to index
      %get3A_1223 = arith.constant 16 : index
      %get3A_1224 = tpu.vector_load %arg8[%get3A_1222, %get3A_1223] {strides = array<i32>} : memref<265x128xf32, #tpu.memory_space<vmem>>, vector<16xf32>,
      %swap3A_1225 = arith.index_cast %add3A_1215 : i32 to index
      %swap3A_1226 = arith.constant 16 : index
      %swap3A_1227 = tpu.vector_load %arg9[%swap3A_1225, %swap3A_1226] {strides = array<i32>} : memref<256x128xf32, #tpu.memory_space<vmem>>, vector<16xf32>,
      tpu.vector_store %arg9[%swap3A_1225, %swap3A_1226], %get3A_1224 {strides = array<i32>} : memref<256x128xf32, #tpu.memory_space<vmem>>, vector<16xf32>,
      %get3A_1228 = arith.index_cast %squeeze3A_1211 : i32 to index
      %get3A_1229 = arith.constant 32 : index
      %get3A_1230 = tpu.vector_load %arg8[%get3A_1228, %get3A_1229] {strides = array<i32>} : memref<265x128xf32, #tpu.memory_space<vmem>>, vector<16xf32>,
      %swap3A_1231 = arith.index_cast %add3A_1215 : i32 to index
      %swap3A_1232 = arith.constant 32 : index
      %swap3A_1233 = tpu.vector_load %arg9[%swap3A_1231, %swap3A_1232] {strides = array<i32>} : memref<256x128xf32, #tpu.memory_space<vmem>>, vector<16xf32>,
      tpu.vector_store %arg9[%swap3A_1231, %swap3A_1232], %get3A_1230 {strides = array<i32>} : memref<256x128xf32, #tpu.memory_space<vmem>>, vector<16xf32>,
      %get3A_1234 = arith.index_cast %squeeze3A_1211 : i32 to index
      %get3A_1235 = arith.constant 48 : index
      %get3A_1236 = tpu.vector_load %arg8[%get3A_1234, %get3A_1235] {strides = array<i32>} : memref<265x128xf32, #tpu.memory_space<vmem>>, vector<16xf32>,
      %swap3A_1237 = arith.index_cast %add3A_1215 : i32 to index
      %swap3A_1238 = arith.constant 48 : index
      %swap3A_1239 = tpu.vector_load %arg9[%swap3A_1237, %swap3A_1238] {strides = array<i32>} : memref<256x128xf32, #tpu.memory_space<vmem>>, vector<16xf32>,
      tpu.vector_store %arg9[%swap3A_1237, %swap3A_1238], %get3A_1236 {strides = array<i32>} : memref<256x128xf32, #tpu.memory_space<vmem>>, vector<16xf32>,
      %get3A_1240 = arith.index_cast %squeeze3A_1211 : i32 to index
      %get3A_1241 = arith.constant 64 : index
      %get3A_1242 = tpu.vector_load %arg8[%get3A_1240, %get3A_1241] {strides = array<i32>} : memref<265x128xf32, #tpu.memory_space<vmem>>, vector<16xf32>,
      %swap3A_1243 = arith.index_cast %add3A_1215 : i32 to index
      %swap3A_1244 = arith.constant 64 : index
      %swap3A_1245 = tpu.vector_load %arg9[%swap3A_1243, %swap3A_1244] {strides = array<i32>} : memref<256x128xf32, #tpu.memory_space<vmem>>, vector<16xf32>,
      tpu.vector_store %arg9[%swap3A_1243, %swap3A_1244], %get3A_1242 {strides = array<i32>} : memref<256x128xf32, #tpu.memory_space<vmem>>, vector<16xf32>,
      %get3A_1246 = arith.index_cast %squeeze3A_1211 : i32 to index
      %get3A_1247 = arith.constant 80 : index
      %get3A_1248 = tpu.vector_load %arg8[%get3A_1246, %get3A_1247] {strides = array<i32>} : memref<265x128xf32, #tpu.memory_space<vmem>>, vector<16xf32>,
      %swap3A_1249 = arith.index_cast %add3A_1215 : i32 to index
      %swap3A_1250 = arith.constant 80 : index
      %swap3A_1251 = tpu.vector_load %arg9[%swap3A_1249, %swap3A_1250] {strides = array<i32>} : memref<256x128xf32, #tpu.memory_space<vmem>>, vector<16xf32>,
      tpu.vector_store %arg9[%swap3A_1249, %swap3A_1250], %get3A_1248 {strides = array<i32>} : memref<256x128xf32, #tpu.memory_space<vmem>>, vector<16xf32>,
      %get3A_1252 = arith.index_cast %squeeze3A_1211 : i32 to index
      %get3A_1253 = arith.constant 96 : index
      %get3A_1254 = tpu.vector_load %arg8[%get3A_1252, %get3A_1253] {strides = array<i32>} : memref<265x128xf32, #tpu.memory_space<vmem>>, vector<16xf32>,
      %swap3A_1255 = arith.index_cast %add3A_1215 : i32 to index
      %swap3A_1256 = arith.constant 96 : index
      %swap3A_1257 = tpu.vector_load %arg9[%swap3A_1255, %swap3A_1256] {strides = array<i32>} : memref<256x128xf32, #tpu.memory_space<vmem>>, vector<16xf32>,
      tpu.vector_store %arg9[%swap3A_1255, %swap3A_1256], %get3A_1254 {strides = array<i32>} : memref<256x128xf32, #tpu.memory_space<vmem>>, vector<16xf32>,
      %get3A_1258 = arith.index_cast %squeeze3A_1211 : i32 to index
      %get3A_1259 = arith.constant 112 : index
      %get3A_1260 = tpu.vector_load %arg8[%get3A_1258, %get3A_1259] {strides = array<i32>} : memref<265x128xf32, #tpu.memory_space<vmem>>, vector<16xf32>,
      %swap3A_1261 = arith.index_cast %add3A_1215 : i32 to index
      %swap3A_1262 = arith.constant 112 : index
      %swap3A_1263 = tpu.vector_load %arg9[%swap3A_1261, %swap3A_1262] {strides = array<i32>} : memref<256x128xf32, #tpu.memory_space<vmem>>, vector<16xf32>,
      tpu.vector_store %arg9[%swap3A_1261, %swap3A_1262], %get3A_1260 {strides = array<i32>} : memref<256x128xf32, #tpu.memory_space<vmem>>, vector<16xf32>,
      %slice3A_1264 = vector.extract_strided_slice %get3A_563 {offsets = [13], sizes = [1], strides = [1]} : vector<16xi32> to vector<1xi32>
      %squeeze3A_1265 = vector.extract %slice3A_1264[0] : i32 from vector<1xi32>
      %mul3A_1266 = arith.constant 16 : i32
      %mul3A_1267 = arith.muli %scan3A_558, %mul3A_1266 : i32
      %add3A_1268 = arith.constant 13 : i32
      %add3A_1269 = arith.addi %mul3A_1267, %add3A_1268 : i32
      %get3A_1270 = arith.index_cast %squeeze3A_1265 : i32 to index
      %get3A_1271 = arith.constant 0 : index
      %get3A_1272 = tpu.vector_load %arg8[%get3A_1270, %get3A_1271] {strides = array<i32>} : memref<265x128xf32, #tpu.memory_space<vmem>>, vector<16xf32>,
      %swap3A_1273 = arith.index_cast %add3A_1269 : i32 to index
      %swap3A_1274 = arith.constant 0 : index
      %swap3A_1275 = tpu.vector_load %arg9[%swap3A_1273, %swap3A_1274] {strides = array<i32>} : memref<256x128xf32, #tpu.memory_space<vmem>>, vector<16xf32>,
      tpu.vector_store %arg9[%swap3A_1273, %swap3A_1274], %get3A_1272 {strides = array<i32>} : memref<256x128xf32, #tpu.memory_space<vmem>>, vector<16xf32>,
      %get3A_1276 = arith.index_cast %squeeze3A_1265 : i32 to index
      %get3A_1277 = arith.constant 16 : index
      %get3A_1278 = tpu.vector_load %arg8[%get3A_1276, %get3A_1277] {strides = array<i32>} : memref<265x128xf32, #tpu.memory_space<vmem>>, vector<16xf32>,
      %swap3A_1279 = arith.index_cast %add3A_1269 : i32 to index
      %swap3A_1280 = arith.constant 16 : index
      %swap3A_1281 = tpu.vector_load %arg9[%swap3A_1279, %swap3A_1280] {strides = array<i32>} : memref<256x128xf32, #tpu.memory_space<vmem>>, vector<16xf32>,
      tpu.vector_store %arg9[%swap3A_1279, %swap3A_1280], %get3A_1278 {strides = array<i32>} : memref<256x128xf32, #tpu.memory_space<vmem>>, vector<16xf32>,
      %get3A_1282 = arith.index_cast %squeeze3A_1265 : i32 to index
      %get3A_1283 = arith.constant 32 : index
      %get3A_1284 = tpu.vector_load %arg8[%get3A_1282, %get3A_1283] {strides = array<i32>} : memref<265x128xf32, #tpu.memory_space<vmem>>, vector<16xf32>,
      %swap3A_1285 = arith.index_cast %add3A_1269 : i32 to index
      %swap3A_1286 = arith.constant 32 : index
      %swap3A_1287 = tpu.vector_load %arg9[%swap3A_1285, %swap3A_1286] {strides = array<i32>} : memref<256x128xf32, #tpu.memory_space<vmem>>, vector<16xf32>,
      tpu.vector_store %arg9[%swap3A_1285, %swap3A_1286], %get3A_1284 {strides = array<i32>} : memref<256x128xf32, #tpu.memory_space<vmem>>, vector<16xf32>,
      %get3A_1288 = arith.index_cast %squeeze3A_1265 : i32 to index
      %get3A_1289 = arith.constant 48 : index
      %get3A_1290 = tpu.vector_load %arg8[%get3A_1288, %get3A_1289] {strides = array<i32>} : memref<265x128xf32, #tpu.memory_space<vmem>>, vector<16xf32>,
      %swap3A_1291 = arith.index_cast %add3A_1269 : i32 to index
      %swap3A_1292 = arith.constant 48 : index
      %swap3A_1293 = tpu.vector_load %arg9[%swap3A_1291, %swap3A_1292] {strides = array<i32>} : memref<256x128xf32, #tpu.memory_space<vmem>>, vector<16xf32>,
      tpu.vector_store %arg9[%swap3A_1291, %swap3A_1292], %get3A_1290 {strides = array<i32>} : memref<256x128xf32, #tpu.memory_space<vmem>>, vector<16xf32>,
      %get3A_1294 = arith.index_cast %squeeze3A_1265 : i32 to index
      %get3A_1295 = arith.constant 64 : index
      %get3A_1296 = tpu.vector_load %arg8[%get3A_1294, %get3A_1295] {strides = array<i32>} : memref<265x128xf32, #tpu.memory_space<vmem>>, vector<16xf32>,
      %swap3A_1297 = arith.index_cast %add3A_1269 : i32 to index
      %swap3A_1298 = arith.constant 64 : index
      %swap3A_1299 = tpu.vector_load %arg9[%swap3A_1297, %swap3A_1298] {strides = array<i32>} : memref<256x128xf32, #tpu.memory_space<vmem>>, vector<16xf32>,
      tpu.vector_store %arg9[%swap3A_1297, %swap3A_1298], %get3A_1296 {strides = array<i32>} : memref<256x128xf32, #tpu.memory_space<vmem>>, vector<16xf32>,
      %get3A_1300 = arith.index_cast %squeeze3A_1265 : i32 to index
      %get3A_1301 = arith.constant 80 : index
      %get3A_1302 = tpu.vector_load %arg8[%get3A_1300, %get3A_1301] {strides = array<i32>} : memref<265x128xf32, #tpu.memory_space<vmem>>, vector<16xf32>,
      %swap3A_1303 = arith.index_cast %add3A_1269 : i32 to index
      %swap3A_1304 = arith.constant 80 : index
      %swap3A_1305 = tpu.vector_load %arg9[%swap3A_1303, %swap3A_1304] {strides = array<i32>} : memref<256x128xf32, #tpu.memory_space<vmem>>, vector<16xf32>,
      tpu.vector_store %arg9[%swap3A_1303, %swap3A_1304], %get3A_1302 {strides = array<i32>} : memref<256x128xf32, #tpu.memory_space<vmem>>, vector<16xf32>,
      %get3A_1306 = arith.index_cast %squeeze3A_1265 : i32 to index
      %get3A_1307 = arith.constant 96 : index
      %get3A_1308 = tpu.vector_load %arg8[%get3A_1306, %get3A_1307] {strides = array<i32>} : memref<265x128xf32, #tpu.memory_space<vmem>>, vector<16xf32>,
      %swap3A_1309 = arith.index_cast %add3A_1269 : i32 to index
      %swap3A_1310 = arith.constant 96 : index
      %swap3A_1311 = tpu.vector_load %arg9[%swap3A_1309, %swap3A_1310] {strides = array<i32>} : memref<256x128xf32, #tpu.memory_space<vmem>>, vector<16xf32>,
      tpu.vector_store %arg9[%swap3A_1309, %swap3A_1310], %get3A_1308 {strides = array<i32>} : memref<256x128xf32, #tpu.memory_space<vmem>>, vector<16xf32>,
      %get3A_1312 = arith.index_cast %squeeze3A_1265 : i32 to index
      %get3A_1313 = arith.constant 112 : index
      %get3A_1314 = tpu.vector_load %arg8[%get3A_1312, %get3A_1313] {strides = array<i32>} : memref<265x128xf32, #tpu.memory_space<vmem>>, vector<16xf32>,
      %swap3A_1315 = arith.index_cast %add3A_1269 : i32 to index
      %swap3A_1316 = arith.constant 112 : index
      %swap3A_1317 = tpu.vector_load %arg9[%swap3A_1315, %swap3A_1316] {strides = array<i32>} : memref<256x128xf32, #tpu.memory_space<vmem>>, vector<16xf32>,
      tpu.vector_store %arg9[%swap3A_1315, %swap3A_1316], %get3A_1314 {strides = array<i32>} : memref<256x128xf32, #tpu.memory_space<vmem>>, vector<16xf32>,
      %slice3A_1318 = vector.extract_strided_slice %get3A_563 {offsets = [14], sizes = [1], strides = [1]} : vector<16xi32> to vector<1xi32>
      %squeeze3A_1319 = vector.extract %slice3A_1318[0] : i32 from vector<1xi32>
      %mul3A_1320 = arith.constant 16 : i32
      %mul3A_1321 = arith.muli %scan3A_558, %mul3A_1320 : i32
      %add3A_1322 = arith.constant 14 : i32
      %add3A_1323 = arith.addi %mul3A_1321, %add3A_1322 : i32
      %get3A_1324 = arith.index_cast %squeeze3A_1319 : i32 to index
      %get3A_1325 = arith.constant 0 : index
      %get3A_1326 = tpu.vector_load %arg8[%get3A_1324, %get3A_1325] {strides = array<i32>} : memref<265x128xf32, #tpu.memory_space<vmem>>, vector<16xf32>,
      %swap3A_1327 = arith.index_cast %add3A_1323 : i32 to index
      %swap3A_1328 = arith.constant 0 : index
      %swap3A_1329 = tpu.vector_load %arg9[%swap3A_1327, %swap3A_1328] {strides = array<i32>} : memref<256x128xf32, #tpu.memory_space<vmem>>, vector<16xf32>,
      tpu.vector_store %arg9[%swap3A_1327, %swap3A_1328], %get3A_1326 {strides = array<i32>} : memref<256x128xf32, #tpu.memory_space<vmem>>, vector<16xf32>,
      %get3A_1330 = arith.index_cast %squeeze3A_1319 : i32 to index
      %get3A_1331 = arith.constant 16 : index
      %get3A_1332 = tpu.vector_load %arg8[%get3A_1330, %get3A_1331] {strides = array<i32>} : memref<265x128xf32, #tpu.memory_space<vmem>>, vector<16xf32>,
      %swap3A_1333 = arith.index_cast %add3A_1323 : i32 to index
      %swap3A_1334 = arith.constant 16 : index
      %swap3A_1335 = tpu.vector_load %arg9[%swap3A_1333, %swap3A_1334] {strides = array<i32>} : memref<256x128xf32, #tpu.memory_space<vmem>>, vector<16xf32>,
      tpu.vector_store %arg9[%swap3A_1333, %swap3A_1334], %get3A_1332 {strides = array<i32>} : memref<256x128xf32, #tpu.memory_space<vmem>>, vector<16xf32>,
      %get3A_1336 = arith.index_cast %squeeze3A_1319 : i32 to index
      %get3A_1337 = arith.constant 32 : index
      %get3A_1338 = tpu.vector_load %arg8[%get3A_1336, %get3A_1337] {strides = array<i32>} : memref<265x128xf32, #tpu.memory_space<vmem>>, vector<16xf32>,
      %swap3A_1339 = arith.index_cast %add3A_1323 : i32 to index
      %swap3A_1340 = arith.constant 32 : index
      %swap3A_1341 = tpu.vector_load %arg9[%swap3A_1339, %swap3A_1340] {strides = array<i32>} : memref<256x128xf32, #tpu.memory_space<vmem>>, vector<16xf32>,
      tpu.vector_store %arg9[%swap3A_1339, %swap3A_1340], %get3A_1338 {strides = array<i32>} : memref<256x128xf32, #tpu.memory_space<vmem>>, vector<16xf32>,
      %get3A_1342 = arith.index_cast %squeeze3A_1319 : i32 to index
      %get3A_1343 = arith.constant 48 : index
      %get3A_1344 = tpu.vector_load %arg8[%get3A_1342, %get3A_1343] {strides = array<i32>} : memref<265x128xf32, #tpu.memory_space<vmem>>, vector<16xf32>,
      %swap3A_1345 = arith.index_cast %add3A_1323 : i32 to index
      %swap3A_1346 = arith.constant 48 : index
      %swap3A_1347 = tpu.vector_load %arg9[%swap3A_1345, %swap3A_1346] {strides = array<i32>} : memref<256x128xf32, #tpu.memory_space<vmem>>, vector<16xf32>,
      tpu.vector_store %arg9[%swap3A_1345, %swap3A_1346], %get3A_1344 {strides = array<i32>} : memref<256x128xf32, #tpu.memory_space<vmem>>, vector<16xf32>,
      %get3A_1348 = arith.index_cast %squeeze3A_1319 : i32 to index
      %get3A_1349 = arith.constant 64 : index
      %get3A_1350 = tpu.vector_load %arg8[%get3A_1348, %get3A_1349] {strides = array<i32>} : memref<265x128xf32, #tpu.memory_space<vmem>>, vector<16xf32>,
      %swap3A_1351 = arith.index_cast %add3A_1323 : i32 to index
      %swap3A_1352 = arith.constant 64 : index
      %swap3A_1353 = tpu.vector_load %arg9[%swap3A_1351, %swap3A_1352] {strides = array<i32>} : memref<256x128xf32, #tpu.memory_space<vmem>>, vector<16xf32>,
      tpu.vector_store %arg9[%swap3A_1351, %swap3A_1352], %get3A_1350 {strides = array<i32>} : memref<256x128xf32, #tpu.memory_space<vmem>>, vector<16xf32>,
      %get3A_1354 = arith.index_cast %squeeze3A_1319 : i32 to index
      %get3A_1355 = arith.constant 80 : index
      %get3A_1356 = tpu.vector_load %arg8[%get3A_1354, %get3A_1355] {strides = array<i32>} : memref<265x128xf32, #tpu.memory_space<vmem>>, vector<16xf32>,
      %swap3A_1357 = arith.index_cast %add3A_1323 : i32 to index
      %swap3A_1358 = arith.constant 80 : index
      %swap3A_1359 = tpu.vector_load %arg9[%swap3A_1357, %swap3A_1358] {strides = array<i32>} : memref<256x128xf32, #tpu.memory_space<vmem>>, vector<16xf32>,
      tpu.vector_store %arg9[%swap3A_1357, %swap3A_1358], %get3A_1356 {strides = array<i32>} : memref<256x128xf32, #tpu.memory_space<vmem>>, vector<16xf32>,
      %get3A_1360 = arith.index_cast %squeeze3A_1319 : i32 to index
      %get3A_1361 = arith.constant 96 : index
      %get3A_1362 = tpu.vector_load %arg8[%get3A_1360, %get3A_1361] {strides = array<i32>} : memref<265x128xf32, #tpu.memory_space<vmem>>, vector<16xf32>,
      %swap3A_1363 = arith.index_cast %add3A_1323 : i32 to index
      %swap3A_1364 = arith.constant 96 : index
      %swap3A_1365 = tpu.vector_load %arg9[%swap3A_1363, %swap3A_1364] {strides = array<i32>} : memref<256x128xf32, #tpu.memory_space<vmem>>, vector<16xf32>,
      tpu.vector_store %arg9[%swap3A_1363, %swap3A_1364], %get3A_1362 {strides = array<i32>} : memref<256x128xf32, #tpu.memory_space<vmem>>, vector<16xf32>,
      %get3A_1366 = arith.index_cast %squeeze3A_1319 : i32 to index
      %get3A_1367 = arith.constant 112 : index
      %get3A_1368 = tpu.vector_load %arg8[%get3A_1366, %get3A_1367] {strides = array<i32>} : memref<265x128xf32, #tpu.memory_space<vmem>>, vector<16xf32>,
      %swap3A_1369 = arith.index_cast %add3A_1323 : i32 to index
      %swap3A_1370 = arith.constant 112 : index
      %swap3A_1371 = tpu.vector_load %arg9[%swap3A_1369, %swap3A_1370] {strides = array<i32>} : memref<256x128xf32, #tpu.memory_space<vmem>>, vector<16xf32>,
      tpu.vector_store %arg9[%swap3A_1369, %swap3A_1370], %get3A_1368 {strides = array<i32>} : memref<256x128xf32, #tpu.memory_space<vmem>>, vector<16xf32>,
      %slice3A_1372 = vector.extract_strided_slice %get3A_563 {offsets = [15], sizes = [1], strides = [1]} : vector<16xi32> to vector<1xi32>
      %squeeze3A_1373 = vector.extract %slice3A_1372[0] : i32 from vector<1xi32>
      %mul3A_1374 = arith.constant 16 : i32
      %mul3A_1375 = arith.muli %scan3A_558, %mul3A_1374 : i32
      %add3A_1376 = arith.constant 15 : i32
      %add3A_1377 = arith.addi %mul3A_1375, %add3A_1376 : i32
      %get3A_1378 = arith.index_cast %squeeze3A_1373 : i32 to index
      %get3A_1379 = arith.constant 0 : index
      %get3A_1380 = tpu.vector_load %arg8[%get3A_1378, %get3A_1379] {strides = array<i32>} : memref<265x128xf32, #tpu.memory_space<vmem>>, vector<16xf32>,
      %swap3A_1381 = arith.index_cast %add3A_1377 : i32 to index
      %swap3A_1382 = arith.constant 0 : index
      %swap3A_1383 = tpu.vector_load %arg9[%swap3A_1381, %swap3A_1382] {strides = array<i32>} : memref<256x128xf32, #tpu.memory_space<vmem>>, vector<16xf32>,
      tpu.vector_store %arg9[%swap3A_1381, %swap3A_1382], %get3A_1380 {strides = array<i32>} : memref<256x128xf32, #tpu.memory_space<vmem>>, vector<16xf32>,
      %get3A_1384 = arith.index_cast %squeeze3A_1373 : i32 to index
      %get3A_1385 = arith.constant 16 : index
      %get3A_1386 = tpu.vector_load %arg8[%get3A_1384, %get3A_1385] {strides = array<i32>} : memref<265x128xf32, #tpu.memory_space<vmem>>, vector<16xf32>,
      %swap3A_1387 = arith.index_cast %add3A_1377 : i32 to index
      %swap3A_1388 = arith.constant 16 : index
      %swap3A_1389 = tpu.vector_load %arg9[%swap3A_1387, %swap3A_1388] {strides = array<i32>} : memref<256x128xf32, #tpu.memory_space<vmem>>, vector<16xf32>,
      tpu.vector_store %arg9[%swap3A_1387, %swap3A_1388], %get3A_1386 {strides = array<i32>} : memref<256x128xf32, #tpu.memory_space<vmem>>, vector<16xf32>,
      %get3A_1390 = arith.index_cast %squeeze3A_1373 : i32 to index
      %get3A_1391 = arith.constant 32 : index
      %get3A_1392 = tpu.vector_load %arg8[%get3A_1390, %get3A_1391] {strides = array<i32>} : memref<265x128xf32, #tpu.memory_space<vmem>>, vector<16xf32>,
      %swap3A_1393 = arith.index_cast %add3A_1377 : i32 to index
      %swap3A_1394 = arith.constant 32 : index
      %swap3A_1395 = tpu.vector_load %arg9[%swap3A_1393, %swap3A_1394] {strides = array<i32>} : memref<256x128xf32, #tpu.memory_space<vmem>>, vector<16xf32>,
      tpu.vector_store %arg9[%swap3A_1393, %swap3A_1394], %get3A_1392 {strides = array<i32>} : memref<256x128xf32, #tpu.memory_space<vmem>>, vector<16xf32>,
      %get3A_1396 = arith.index_cast %squeeze3A_1373 : i32 to index
      %get3A_1397 = arith.constant 48 : index
      %get3A_1398 = tpu.vector_load %arg8[%get3A_1396, %get3A_1397] {strides = array<i32>} : memref<265x128xf32, #tpu.memory_space<vmem>>, vector<16xf32>,
      %swap3A_1399 = arith.index_cast %add3A_1377 : i32 to index
      %swap3A_1400 = arith.constant 48 : index
      %swap3A_1401 = tpu.vector_load %arg9[%swap3A_1399, %swap3A_1400] {strides = array<i32>} : memref<256x128xf32, #tpu.memory_space<vmem>>, vector<16xf32>,
      tpu.vector_store %arg9[%swap3A_1399, %swap3A_1400], %get3A_1398 {strides = array<i32>} : memref<256x128xf32, #tpu.memory_space<vmem>>, vector<16xf32>,
      %get3A_1402 = arith.index_cast %squeeze3A_1373 : i32 to index
      %get3A_1403 = arith.constant 64 : index
      %get3A_1404 = tpu.vector_load %arg8[%get3A_1402, %get3A_1403] {strides = array<i32>} : memref<265x128xf32, #tpu.memory_space<vmem>>, vector<16xf32>,
      %swap3A_1405 = arith.index_cast %add3A_1377 : i32 to index
      %swap3A_1406 = arith.constant 64 : index
      %swap3A_1407 = tpu.vector_load %arg9[%swap3A_1405, %swap3A_1406] {strides = array<i32>} : memref<256x128xf32, #tpu.memory_space<vmem>>, vector<16xf32>,
      tpu.vector_store %arg9[%swap3A_1405, %swap3A_1406], %get3A_1404 {strides = array<i32>} : memref<256x128xf32, #tpu.memory_space<vmem>>, vector<16xf32>,
      %get3A_1408 = arith.index_cast %squeeze3A_1373 : i32 to index
      %get3A_1409 = arith.constant 80 : index
      %get3A_1410 = tpu.vector_load %arg8[%get3A_1408, %get3A_1409] {strides = array<i32>} : memref<265x128xf32, #tpu.memory_space<vmem>>, vector<16xf32>,
      %swap3A_1411 = arith.index_cast %add3A_1377 : i32 to index
      %swap3A_1412 = arith.constant 80 : index
      %swap3A_1413 = tpu.vector_load %arg9[%swap3A_1411, %swap3A_1412] {strides = array<i32>} : memref<256x128xf32, #tpu.memory_space<vmem>>, vector<16xf32>,
      tpu.vector_store %arg9[%swap3A_1411, %swap3A_1412], %get3A_1410 {strides = array<i32>} : memref<256x128xf32, #tpu.memory_space<vmem>>, vector<16xf32>,
      %get3A_1414 = arith.index_cast %squeeze3A_1373 : i32 to index
      %get3A_1415 = arith.constant 96 : index
      %get3A_1416 = tpu.vector_load %arg8[%get3A_1414, %get3A_1415] {strides = array<i32>} : memref<265x128xf32, #tpu.memory_space<vmem>>, vector<16xf32>,
      %swap3A_1417 = arith.index_cast %add3A_1377 : i32 to index
      %swap3A_1418 = arith.constant 96 : index
      %swap3A_1419 = tpu.vector_load %arg9[%swap3A_1417, %swap3A_1418] {strides = array<i32>} : memref<256x128xf32, #tpu.memory_space<vmem>>, vector<16xf32>,
      tpu.vector_store %arg9[%swap3A_1417, %swap3A_1418], %get3A_1416 {strides = array<i32>} : memref<256x128xf32, #tpu.memory_space<vmem>>, vector<16xf32>,
      %get3A_1420 = arith.index_cast %squeeze3A_1373 : i32 to index
      %get3A_1421 = arith.constant 112 : index
      %get3A_1422 = tpu.vector_load %arg8[%get3A_1420, %get3A_1421] {strides = array<i32>} : memref<265x128xf32, #tpu.memory_space<vmem>>, vector<16xf32>,
      %swap3A_1423 = arith.index_cast %add3A_1377 : i32 to index
      %swap3A_1424 = arith.constant 112 : index
      %swap3A_1425 = tpu.vector_load %arg9[%swap3A_1423, %swap3A_1424] {strides = array<i32>} : memref<256x128xf32, #tpu.memory_space<vmem>>, vector<16xf32>,
      tpu.vector_store %arg9[%swap3A_1423, %swap3A_1424], %get3A_1422 {strides = array<i32>} : memref<256x128xf32, #tpu.memory_space<vmem>>, vector<16xf32>,
      %scan3A_1426 = arith.constant 0 : i32
      scf.yield %scan3A_1426 : i32
    }
    %scan3A_508 = arith.constant 8 : i32
    %dma_start3A_509 = arith.constant 0 : i32
    %dma_start3A_510 = arith.constant 0 : i32
    %dma_start3A_511 = tpu.memref_slice %arg9[%dma_start3A_509, %dma_start3A_510] : memref<256x128xf32, #tpu.memory_space<vmem>> -> memref<128x128xf32, #tpu.memory_space<vmem>>
    %dma_start3A_512 = arith.constant 0 : i32
    %dma_start3A_513 = tpu.memref_slice %arg4[%mul3A_2, %dma_start3A_512] : memref<8192x1024xf32, #tpu.memory_space<hbm>> -> memref<128x128xf32, #tpu.memory_space<hbm>>
    %dma_start3A_514 = arith.constant 0 : i32
    %dma_start3A_515 = tpu.memref_slice %arg4[%mul3A_2, %dma_start3A_514] : memref<8192x1024xf32, #tpu.memory_space<hbm>> -> memref<128x128xf32, #tpu.memory_space<hbm>>
    %dma_start3A_516 = arith.constant 0 : i32
    %dma_start3A_517 = arith.constant 0 : i32
    %dma_start3A_518 = tpu.memref_slice %arg9[%dma_start3A_516, %dma_start3A_517] : memref<256x128xf32, #tpu.memory_space<vmem>> -> memref<128x128xf32, #tpu.memory_space<vmem>>
    tpu.enqueue_dma source(%dma_start3A_518 : memref<128x128xf32, #tpu.memory_space<vmem>>) target(%dma_start3A_515 : memref<128x128xf32, #tpu.memory_space<hbm>>) target_semaphore(%arg12 : memref<!tpu.dma_semaphore, #tpu.memory_space<semaphore_mem>>)
    %scan3A_519 = arith.constant 0 : i32
    %scan3A_520 = arith.constant 8 : i32
    %scan3A_521 = arith.constant 8 : i32
    %scan3A_522 = arith.addi %scan3A_520, %scan3A_521 : i32
    %scan3A_523 = arith.constant 1 : i32
    %scan3A_524 = scf.for %scan3A_558 = %scan3A_520 to %scan3A_522 step %scan3A_523 iter_args(%scan3A_559 = %scan3A_519) -> (i32)  : i32 {
      %mul3A_560 = arith.constant 16 : i32
      %mul3A_561 = arith.muli %scan3A_558, %mul3A_560 : i32
      %get3A_562 = arith.index_cast %mul3A_561 : i32 to index
      %get3A_563 = tpu.vector_load %arg7[%get3A_562] {strides = array<i32>} : memref<272xi32, #tpu.memory_space<vmem>>, vector<16xi32>,
      %slice3A = vector.extract_strided_slice %get3A_563 {offsets = [0], sizes = [1], strides = [1]} : vector<16xi32> to vector<1xi32>
      %squeeze3A = vector.extract %slice3A[0] : i32 from vector<1xi32>
      %mul3A_564 = arith.constant 16 : i32
      %mul3A_565 = arith.muli %scan3A_558, %mul3A_564 : i32
      %add3A_566 = arith.constant 0 : i32
      %add3A_567 = arith.addi %mul3A_565, %add3A_566 : i32
      %get3A_568 = arith.index_cast %squeeze3A : i32 to index
      %get3A_569 = arith.constant 0 : index
      %get3A_570 = tpu.vector_load %arg8[%get3A_568, %get3A_569] {strides = array<i32>} : memref<265x128xf32, #tpu.memory_space<vmem>>, vector<16xf32>,
      %swap3A_571 = arith.index_cast %add3A_567 : i32 to index
      %swap3A_572 = arith.constant 0 : index
      %swap3A_573 = tpu.vector_load %arg9[%swap3A_571, %swap3A_572] {strides = array<i32>} : memref<256x128xf32, #tpu.memory_space<vmem>>, vector<16xf32>,
      tpu.vector_store %arg9[%swap3A_571, %swap3A_572], %get3A_570 {strides = array<i32>} : memref<256x128xf32, #tpu.memory_space<vmem>>, vector<16xf32>,
      %get3A_574 = arith.index_cast %squeeze3A : i32 to index
      %get3A_575 = arith.constant 16 : index
      %get3A_576 = tpu.vector_load %arg8[%get3A_574, %get3A_575] {strides = array<i32>} : memref<265x128xf32, #tpu.memory_space<vmem>>, vector<16xf32>,
      %swap3A_577 = arith.index_cast %add3A_567 : i32 to index
      %swap3A_578 = arith.constant 16 : index
      %swap3A_579 = tpu.vector_load %arg9[%swap3A_577, %swap3A_578] {strides = array<i32>} : memref<256x128xf32, #tpu.memory_space<vmem>>, vector<16xf32>,
      tpu.vector_store %arg9[%swap3A_577, %swap3A_578], %get3A_576 {strides = array<i32>} : memref<256x128xf32, #tpu.memory_space<vmem>>, vector<16xf32>,
      %get3A_580 = arith.index_cast %squeeze3A : i32 to index
      %get3A_581 = arith.constant 32 : index
      %get3A_582 = tpu.vector_load %arg8[%get3A_580, %get3A_581] {strides = array<i32>} : memref<265x128xf32, #tpu.memory_space<vmem>>, vector<16xf32>,
      %swap3A_583 = arith.index_cast %add3A_567 : i32 to index
      %swap3A_584 = arith.constant 32 : index
      %swap3A_585 = tpu.vector_load %arg9[%swap3A_583, %swap3A_584] {strides = array<i32>} : memref<256x128xf32, #tpu.memory_space<vmem>>, vector<16xf32>,
      tpu.vector_store %arg9[%swap3A_583, %swap3A_584], %get3A_582 {strides = array<i32>} : memref<256x128xf32, #tpu.memory_space<vmem>>, vector<16xf32>,
      %get3A_586 = arith.index_cast %squeeze3A : i32 to index
      %get3A_587 = arith.constant 48 : index
      %get3A_588 = tpu.vector_load %arg8[%get3A_586, %get3A_587] {strides = array<i32>} : memref<265x128xf32, #tpu.memory_space<vmem>>, vector<16xf32>,
      %swap3A_589 = arith.index_cast %add3A_567 : i32 to index
      %swap3A_590 = arith.constant 48 : index
      %swap3A_591 = tpu.vector_load %arg9[%swap3A_589, %swap3A_590] {strides = array<i32>} : memref<256x128xf32, #tpu.memory_space<vmem>>, vector<16xf32>,
      tpu.vector_store %arg9[%swap3A_589, %swap3A_590], %get3A_588 {strides = array<i32>} : memref<256x128xf32, #tpu.memory_space<vmem>>, vector<16xf32>,
      %get3A_592 = arith.index_cast %squeeze3A : i32 to index
      %get3A_593 = arith.constant 64 : index
      %get3A_594 = tpu.vector_load %arg8[%get3A_592, %get3A_593] {strides = array<i32>} : memref<265x128xf32, #tpu.memory_space<vmem>>, vector<16xf32>,
      %swap3A_595 = arith.index_cast %add3A_567 : i32 to index
      %swap3A_596 = arith.constant 64 : index
      %swap3A_597 = tpu.vector_load %arg9[%swap3A_595, %swap3A_596] {strides = array<i32>} : memref<256x128xf32, #tpu.memory_space<vmem>>, vector<16xf32>,
      tpu.vector_store %arg9[%swap3A_595, %swap3A_596], %get3A_594 {strides = array<i32>} : memref<256x128xf32, #tpu.memory_space<vmem>>, vector<16xf32>,
      %get3A_598 = arith.index_cast %squeeze3A : i32 to index
      %get3A_599 = arith.constant 80 : index
      %get3A_600 = tpu.vector_load %arg8[%get3A_598, %get3A_599] {strides = array<i32>} : memref<265x128xf32, #tpu.memory_space<vmem>>, vector<16xf32>,
      %swap3A_601 = arith.index_cast %add3A_567 : i32 to index
      %swap3A_602 = arith.constant 80 : index
      %swap3A_603 = tpu.vector_load %arg9[%swap3A_601, %swap3A_602] {strides = array<i32>} : memref<256x128xf32, #tpu.memory_space<vmem>>, vector<16xf32>,
      tpu.vector_store %arg9[%swap3A_601, %swap3A_602], %get3A_600 {strides = array<i32>} : memref<256x128xf32, #tpu.memory_space<vmem>>, vector<16xf32>,
      %get3A_604 = arith.index_cast %squeeze3A : i32 to index
      %get3A_605 = arith.constant 96 : index
      %get3A_606 = tpu.vector_load %arg8[%get3A_604, %get3A_605] {strides = array<i32>} : memref<265x128xf32, #tpu.memory_space<vmem>>, vector<16xf32>,
      %swap3A_607 = arith.index_cast %add3A_567 : i32 to index
      %swap3A_608 = arith.constant 96 : index
      %swap3A_609 = tpu.vector_load %arg9[%swap3A_607, %swap3A_608] {strides = array<i32>} : memref<256x128xf32, #tpu.memory_space<vmem>>, vector<16xf32>,
      tpu.vector_store %arg9[%swap3A_607, %swap3A_608], %get3A_606 {strides = array<i32>} : memref<256x128xf32, #tpu.memory_space<vmem>>, vector<16xf32>,
      %get3A_610 = arith.index_cast %squeeze3A : i32 to index
      %get3A_611 = arith.constant 112 : index
      %get3A_612 = tpu.vector_load %arg8[%get3A_610, %get3A_611] {strides = array<i32>} : memref<265x128xf32, #tpu.memory_space<vmem>>, vector<16xf32>,
      %swap3A_613 = arith.index_cast %add3A_567 : i32 to index
      %swap3A_614 = arith.constant 112 : index
      %swap3A_615 = tpu.vector_load %arg9[%swap3A_613, %swap3A_614] {strides = array<i32>} : memref<256x128xf32, #tpu.memory_space<vmem>>, vector<16xf32>,
      tpu.vector_store %arg9[%swap3A_613, %swap3A_614], %get3A_612 {strides = array<i32>} : memref<256x128xf32, #tpu.memory_space<vmem>>, vector<16xf32>,
      %slice3A_616 = vector.extract_strided_slice %get3A_563 {offsets = [1], sizes = [1], strides = [1]} : vector<16xi32> to vector<1xi32>
      %squeeze3A_617 = vector.extract %slice3A_616[0] : i32 from vector<1xi32>
      %mul3A_618 = arith.constant 16 : i32
      %mul3A_619 = arith.muli %scan3A_558, %mul3A_618 : i32
      %add3A_620 = arith.constant 1 : i32
      %add3A_621 = arith.addi %mul3A_619, %add3A_620 : i32
      %get3A_622 = arith.index_cast %squeeze3A_617 : i32 to index
      %get3A_623 = arith.constant 0 : index
      %get3A_624 = tpu.vector_load %arg8[%get3A_622, %get3A_623] {strides = array<i32>} : memref<265x128xf32, #tpu.memory_space<vmem>>, vector<16xf32>,
      %swap3A_625 = arith.index_cast %add3A_621 : i32 to index
      %swap3A_626 = arith.constant 0 : index
      %swap3A_627 = tpu.vector_load %arg9[%swap3A_625, %swap3A_626] {strides = array<i32>} : memref<256x128xf32, #tpu.memory_space<vmem>>, vector<16xf32>,
      tpu.vector_store %arg9[%swap3A_625, %swap3A_626], %get3A_624 {strides = array<i32>} : memref<256x128xf32, #tpu.memory_space<vmem>>, vector<16xf32>,
      %get3A_628 = arith.index_cast %squeeze3A_617 : i32 to index
      %get3A_629 = arith.constant 16 : index
      %get3A_630 = tpu.vector_load %arg8[%get3A_628, %get3A_629] {strides = array<i32>} : memref<265x128xf32, #tpu.memory_space<vmem>>, vector<16xf32>,
      %swap3A_631 = arith.index_cast %add3A_621 : i32 to index
      %swap3A_632 = arith.constant 16 : index
      %swap3A_633 = tpu.vector_load %arg9[%swap3A_631, %swap3A_632] {strides = array<i32>} : memref<256x128xf32, #tpu.memory_space<vmem>>, vector<16xf32>,
      tpu.vector_store %arg9[%swap3A_631, %swap3A_632], %get3A_630 {strides = array<i32>} : memref<256x128xf32, #tpu.memory_space<vmem>>, vector<16xf32>,
      %get3A_634 = arith.index_cast %squeeze3A_617 : i32 to index
      %get3A_635 = arith.constant 32 : index
      %get3A_636 = tpu.vector_load %arg8[%get3A_634, %get3A_635] {strides = array<i32>} : memref<265x128xf32, #tpu.memory_space<vmem>>, vector<16xf32>,
      %swap3A_637 = arith.index_cast %add3A_621 : i32 to index
      %swap3A_638 = arith.constant 32 : index
      %swap3A_639 = tpu.vector_load %arg9[%swap3A_637, %swap3A_638] {strides = array<i32>} : memref<256x128xf32, #tpu.memory_space<vmem>>, vector<16xf32>,
      tpu.vector_store %arg9[%swap3A_637, %swap3A_638], %get3A_636 {strides = array<i32>} : memref<256x128xf32, #tpu.memory_space<vmem>>, vector<16xf32>,
      %get3A_640 = arith.index_cast %squeeze3A_617 : i32 to index
      %get3A_641 = arith.constant 48 : index
      %get3A_642 = tpu.vector_load %arg8[%get3A_640, %get3A_641] {strides = array<i32>} : memref<265x128xf32, #tpu.memory_space<vmem>>, vector<16xf32>,
      %swap3A_643 = arith.index_cast %add3A_621 : i32 to index
      %swap3A_644 = arith.constant 48 : index
      %swap3A_645 = tpu.vector_load %arg9[%swap3A_643, %swap3A_644] {strides = array<i32>} : memref<256x128xf32, #tpu.memory_space<vmem>>, vector<16xf32>,
      tpu.vector_store %arg9[%swap3A_643, %swap3A_644], %get3A_642 {strides = array<i32>} : memref<256x128xf32, #tpu.memory_space<vmem>>, vector<16xf32>,
      %get3A_646 = arith.index_cast %squeeze3A_617 : i32 to index
      %get3A_647 = arith.constant 64 : index
      %get3A_648 = tpu.vector_load %arg8[%get3A_646, %get3A_647] {strides = array<i32>} : memref<265x128xf32, #tpu.memory_space<vmem>>, vector<16xf32>,
      %swap3A_649 = arith.index_cast %add3A_621 : i32 to index
      %swap3A_650 = arith.constant 64 : index
      %swap3A_651 = tpu.vector_load %arg9[%swap3A_649, %swap3A_650] {strides = array<i32>} : memref<256x128xf32, #tpu.memory_space<vmem>>, vector<16xf32>,
      tpu.vector_store %arg9[%swap3A_649, %swap3A_650], %get3A_648 {strides = array<i32>} : memref<256x128xf32, #tpu.memory_space<vmem>>, vector<16xf32>,
      %get3A_652 = arith.index_cast %squeeze3A_617 : i32 to index
      %get3A_653 = arith.constant 80 : index
      %get3A_654 = tpu.vector_load %arg8[%get3A_652, %get3A_653] {strides = array<i32>} : memref<265x128xf32, #tpu.memory_space<vmem>>, vector<16xf32>,
      %swap3A_655 = arith.index_cast %add3A_621 : i32 to index
      %swap3A_656 = arith.constant 80 : index
      %swap3A_657 = tpu.vector_load %arg9[%swap3A_655, %swap3A_656] {strides = array<i32>} : memref<256x128xf32, #tpu.memory_space<vmem>>, vector<16xf32>,
      tpu.vector_store %arg9[%swap3A_655, %swap3A_656], %get3A_654 {strides = array<i32>} : memref<256x128xf32, #tpu.memory_space<vmem>>, vector<16xf32>,
      %get3A_658 = arith.index_cast %squeeze3A_617 : i32 to index
      %get3A_659 = arith.constant 96 : index
      %get3A_660 = tpu.vector_load %arg8[%get3A_658, %get3A_659] {strides = array<i32>} : memref<265x128xf32, #tpu.memory_space<vmem>>, vector<16xf32>,
      %swap3A_661 = arith.index_cast %add3A_621 : i32 to index
      %swap3A_662 = arith.constant 96 : index
      %swap3A_663 = tpu.vector_load %arg9[%swap3A_661, %swap3A_662] {strides = array<i32>} : memref<256x128xf32, #tpu.memory_space<vmem>>, vector<16xf32>,
      tpu.vector_store %arg9[%swap3A_661, %swap3A_662], %get3A_660 {strides = array<i32>} : memref<256x128xf32, #tpu.memory_space<vmem>>, vector<16xf32>,
      %get3A_664 = arith.index_cast %squeeze3A_617 : i32 to index
      %get3A_665 = arith.constant 112 : index
      %get3A_666 = tpu.vector_load %arg8[%get3A_664, %get3A_665] {strides = array<i32>} : memref<265x128xf32, #tpu.memory_space<vmem>>, vector<16xf32>,
      %swap3A_667 = arith.index_cast %add3A_621 : i32 to index
      %swap3A_668 = arith.constant 112 : index
      %swap3A_669 = tpu.vector_load %arg9[%swap3A_667, %swap3A_668] {strides = array<i32>} : memref<256x128xf32, #tpu.memory_space<vmem>>, vector<16xf32>,
      tpu.vector_store %arg9[%swap3A_667, %swap3A_668], %get3A_666 {strides = array<i32>} : memref<256x128xf32, #tpu.memory_space<vmem>>, vector<16xf32>,
      %slice3A_670 = vector.extract_strided_slice %get3A_563 {offsets = [2], sizes = [1], strides = [1]} : vector<16xi32> to vector<1xi32>
      %squeeze3A_671 = vector.extract %slice3A_670[0] : i32 from vector<1xi32>
      %mul3A_672 = arith.constant 16 : i32
      %mul3A_673 = arith.muli %scan3A_558, %mul3A_672 : i32
      %add3A_674 = arith.constant 2 : i32
      %add3A_675 = arith.addi %mul3A_673, %add3A_674 : i32
      %get3A_676 = arith.index_cast %squeeze3A_671 : i32 to index
      %get3A_677 = arith.constant 0 : index
      %get3A_678 = tpu.vector_load %arg8[%get3A_676, %get3A_677] {strides = array<i32>} : memref<265x128xf32, #tpu.memory_space<vmem>>, vector<16xf32>,
      %swap3A_679 = arith.index_cast %add3A_675 : i32 to index
      %swap3A_680 = arith.constant 0 : index
      %swap3A_681 = tpu.vector_load %arg9[%swap3A_679, %swap3A_680] {strides = array<i32>} : memref<256x128xf32, #tpu.memory_space<vmem>>, vector<16xf32>,
      tpu.vector_store %arg9[%swap3A_679, %swap3A_680], %get3A_678 {strides = array<i32>} : memref<256x128xf32, #tpu.memory_space<vmem>>, vector<16xf32>,
      %get3A_682 = arith.index_cast %squeeze3A_671 : i32 to index
      %get3A_683 = arith.constant 16 : index
      %get3A_684 = tpu.vector_load %arg8[%get3A_682, %get3A_683] {strides = array<i32>} : memref<265x128xf32, #tpu.memory_space<vmem>>, vector<16xf32>,
      %swap3A_685 = arith.index_cast %add3A_675 : i32 to index
      %swap3A_686 = arith.constant 16 : index
      %swap3A_687 = tpu.vector_load %arg9[%swap3A_685, %swap3A_686] {strides = array<i32>} : memref<256x128xf32, #tpu.memory_space<vmem>>, vector<16xf32>,
      tpu.vector_store %arg9[%swap3A_685, %swap3A_686], %get3A_684 {strides = array<i32>} : memref<256x128xf32, #tpu.memory_space<vmem>>, vector<16xf32>,
      %get3A_688 = arith.index_cast %squeeze3A_671 : i32 to index
      %get3A_689 = arith.constant 32 : index
      %get3A_690 = tpu.vector_load %arg8[%get3A_688, %get3A_689] {strides = array<i32>} : memref<265x128xf32, #tpu.memory_space<vmem>>, vector<16xf32>,
      %swap3A_691 = arith.index_cast %add3A_675 : i32 to index
      %swap3A_692 = arith.constant 32 : index
      %swap3A_693 = tpu.vector_load %arg9[%swap3A_691, %swap3A_692] {strides = array<i32>} : memref<256x128xf32, #tpu.memory_space<vmem>>, vector<16xf32>,
      tpu.vector_store %arg9[%swap3A_691, %swap3A_692], %get3A_690 {strides = array<i32>} : memref<256x128xf32, #tpu.memory_space<vmem>>, vector<16xf32>,
      %get3A_694 = arith.index_cast %squeeze3A_671 : i32 to index
      %get3A_695 = arith.constant 48 : index
      %get3A_696 = tpu.vector_load %arg8[%get3A_694, %get3A_695] {strides = array<i32>} : memref<265x128xf32, #tpu.memory_space<vmem>>, vector<16xf32>,
      %swap3A_697 = arith.index_cast %add3A_675 : i32 to index
      %swap3A_698 = arith.constant 48 : index
      %swap3A_699 = tpu.vector_load %arg9[%swap3A_697, %swap3A_698] {strides = array<i32>} : memref<256x128xf32, #tpu.memory_space<vmem>>, vector<16xf32>,
      tpu.vector_store %arg9[%swap3A_697, %swap3A_698], %get3A_696 {strides = array<i32>} : memref<256x128xf32, #tpu.memory_space<vmem>>, vector<16xf32>,
      %get3A_700 = arith.index_cast %squeeze3A_671 : i32 to index
      %get3A_701 = arith.constant 64 : index
      %get3A_702 = tpu.vector_load %arg8[%get3A_700, %get3A_701] {strides = array<i32>} : memref<265x128xf32, #tpu.memory_space<vmem>>, vector<16xf32>,
      %swap3A_703 = arith.index_cast %add3A_675 : i32 to index
      %swap3A_704 = arith.constant 64 : index
      %swap3A_705 = tpu.vector_load %arg9[%swap3A_703, %swap3A_704] {strides = array<i32>} : memref<256x128xf32, #tpu.memory_space<vmem>>, vector<16xf32>,
      tpu.vector_store %arg9[%swap3A_703, %swap3A_704], %get3A_702 {strides = array<i32>} : memref<256x128xf32, #tpu.memory_space<vmem>>, vector<16xf32>,
      %get3A_706 = arith.index_cast %squeeze3A_671 : i32 to index
      %get3A_707 = arith.constant 80 : index
      %get3A_708 = tpu.vector_load %arg8[%get3A_706, %get3A_707] {strides = array<i32>} : memref<265x128xf32, #tpu.memory_space<vmem>>, vector<16xf32>,
      %swap3A_709 = arith.index_cast %add3A_675 : i32 to index
      %swap3A_710 = arith.constant 80 : index
      %swap3A_711 = tpu.vector_load %arg9[%swap3A_709, %swap3A_710] {strides = array<i32>} : memref<256x128xf32, #tpu.memory_space<vmem>>, vector<16xf32>,
      tpu.vector_store %arg9[%swap3A_709, %swap3A_710], %get3A_708 {strides = array<i32>} : memref<256x128xf32, #tpu.memory_space<vmem>>, vector<16xf32>,
      %get3A_712 = arith.index_cast %squeeze3A_671 : i32 to index
      %get3A_713 = arith.constant 96 : index
      %get3A_714 = tpu.vector_load %arg8[%get3A_712, %get3A_713] {strides = array<i32>} : memref<265x128xf32, #tpu.memory_space<vmem>>, vector<16xf32>,
      %swap3A_715 = arith.index_cast %add3A_675 : i32 to index
      %swap3A_716 = arith.constant 96 : index
      %swap3A_717 = tpu.vector_load %arg9[%swap3A_715, %swap3A_716] {strides = array<i32>} : memref<256x128xf32, #tpu.memory_space<vmem>>, vector<16xf32>,
      tpu.vector_store %arg9[%swap3A_715, %swap3A_716], %get3A_714 {strides = array<i32>} : memref<256x128xf32, #tpu.memory_space<vmem>>, vector<16xf32>,
      %get3A_718 = arith.index_cast %squeeze3A_671 : i32 to index
      %get3A_719 = arith.constant 112 : index
      %get3A_720 = tpu.vector_load %arg8[%get3A_718, %get3A_719] {strides = array<i32>} : memref<265x128xf32, #tpu.memory_space<vmem>>, vector<16xf32>,
      %swap3A_721 = arith.index_cast %add3A_675 : i32 to index
      %swap3A_722 = arith.constant 112 : index
      %swap3A_723 = tpu.vector_load %arg9[%swap3A_721, %swap3A_722] {strides = array<i32>} : memref<256x128xf32, #tpu.memory_space<vmem>>, vector<16xf32>,
      tpu.vector_store %arg9[%swap3A_721, %swap3A_722], %get3A_720 {strides = array<i32>} : memref<256x128xf32, #tpu.memory_space<vmem>>, vector<16xf32>,
      %slice3A_724 = vector.extract_strided_slice %get3A_563 {offsets = [3], sizes = [1], strides = [1]} : vector<16xi32> to vector<1xi32>
      %squeeze3A_725 = vector.extract %slice3A_724[0] : i32 from vector<1xi32>
      %mul3A_726 = arith.constant 16 : i32
      %mul3A_727 = arith.muli %scan3A_558, %mul3A_726 : i32
      %add3A_728 = arith.constant 3 : i32
      %add3A_729 = arith.addi %mul3A_727, %add3A_728 : i32
      %get3A_730 = arith.index_cast %squeeze3A_725 : i32 to index
      %get3A_731 = arith.constant 0 : index
      %get3A_732 = tpu.vector_load %arg8[%get3A_730, %get3A_731] {strides = array<i32>} : memref<265x128xf32, #tpu.memory_space<vmem>>, vector<16xf32>,
      %swap3A_733 = arith.index_cast %add3A_729 : i32 to index
      %swap3A_734 = arith.constant 0 : index
      %swap3A_735 = tpu.vector_load %arg9[%swap3A_733, %swap3A_734] {strides = array<i32>} : memref<256x128xf32, #tpu.memory_space<vmem>>, vector<16xf32>,
      tpu.vector_store %arg9[%swap3A_733, %swap3A_734], %get3A_732 {strides = array<i32>} : memref<256x128xf32, #tpu.memory_space<vmem>>, vector<16xf32>,
      %get3A_736 = arith.index_cast %squeeze3A_725 : i32 to index
      %get3A_737 = arith.constant 16 : index
      %get3A_738 = tpu.vector_load %arg8[%get3A_736, %get3A_737] {strides = array<i32>} : memref<265x128xf32, #tpu.memory_space<vmem>>, vector<16xf32>,
      %swap3A_739 = arith.index_cast %add3A_729 : i32 to index
      %swap3A_740 = arith.constant 16 : index
      %swap3A_741 = tpu.vector_load %arg9[%swap3A_739, %swap3A_740] {strides = array<i32>} : memref<256x128xf32, #tpu.memory_space<vmem>>, vector<16xf32>,
      tpu.vector_store %arg9[%swap3A_739, %swap3A_740], %get3A_738 {strides = array<i32>} : memref<256x128xf32, #tpu.memory_space<vmem>>, vector<16xf32>,
      %get3A_742 = arith.index_cast %squeeze3A_725 : i32 to index
      %get3A_743 = arith.constant 32 : index
      %get3A_744 = tpu.vector_load %arg8[%get3A_742, %get3A_743] {strides = array<i32>} : memref<265x128xf32, #tpu.memory_space<vmem>>, vector<16xf32>,
      %swap3A_745 = arith.index_cast %add3A_729 : i32 to index
      %swap3A_746 = arith.constant 32 : index
      %swap3A_747 = tpu.vector_load %arg9[%swap3A_745, %swap3A_746] {strides = array<i32>} : memref<256x128xf32, #tpu.memory_space<vmem>>, vector<16xf32>,
      tpu.vector_store %arg9[%swap3A_745, %swap3A_746], %get3A_744 {strides = array<i32>} : memref<256x128xf32, #tpu.memory_space<vmem>>, vector<16xf32>,
      %get3A_748 = arith.index_cast %squeeze3A_725 : i32 to index
      %get3A_749 = arith.constant 48 : index
      %get3A_750 = tpu.vector_load %arg8[%get3A_748, %get3A_749] {strides = array<i32>} : memref<265x128xf32, #tpu.memory_space<vmem>>, vector<16xf32>,
      %swap3A_751 = arith.index_cast %add3A_729 : i32 to index
      %swap3A_752 = arith.constant 48 : index
      %swap3A_753 = tpu.vector_load %arg9[%swap3A_751, %swap3A_752] {strides = array<i32>} : memref<256x128xf32, #tpu.memory_space<vmem>>, vector<16xf32>,
      tpu.vector_store %arg9[%swap3A_751, %swap3A_752], %get3A_750 {strides = array<i32>} : memref<256x128xf32, #tpu.memory_space<vmem>>, vector<16xf32>,
      %get3A_754 = arith.index_cast %squeeze3A_725 : i32 to index
      %get3A_755 = arith.constant 64 : index
      %get3A_756 = tpu.vector_load %arg8[%get3A_754, %get3A_755] {strides = array<i32>} : memref<265x128xf32, #tpu.memory_space<vmem>>, vector<16xf32>,
      %swap3A_757 = arith.index_cast %add3A_729 : i32 to index
      %swap3A_758 = arith.constant 64 : index
      %swap3A_759 = tpu.vector_load %arg9[%swap3A_757, %swap3A_758] {strides = array<i32>} : memref<256x128xf32, #tpu.memory_space<vmem>>, vector<16xf32>,
      tpu.vector_store %arg9[%swap3A_757, %swap3A_758], %get3A_756 {strides = array<i32>} : memref<256x128xf32, #tpu.memory_space<vmem>>, vector<16xf32>,
      %get3A_760 = arith.index_cast %squeeze3A_725 : i32 to index
      %get3A_761 = arith.constant 80 : index
      %get3A_762 = tpu.vector_load %arg8[%get3A_760, %get3A_761] {strides = array<i32>} : memref<265x128xf32, #tpu.memory_space<vmem>>, vector<16xf32>,
      %swap3A_763 = arith.index_cast %add3A_729 : i32 to index
      %swap3A_764 = arith.constant 80 : index
      %swap3A_765 = tpu.vector_load %arg9[%swap3A_763, %swap3A_764] {strides = array<i32>} : memref<256x128xf32, #tpu.memory_space<vmem>>, vector<16xf32>,
      tpu.vector_store %arg9[%swap3A_763, %swap3A_764], %get3A_762 {strides = array<i32>} : memref<256x128xf32, #tpu.memory_space<vmem>>, vector<16xf32>,
      %get3A_766 = arith.index_cast %squeeze3A_725 : i32 to index
      %get3A_767 = arith.constant 96 : index
      %get3A_768 = tpu.vector_load %arg8[%get3A_766, %get3A_767] {strides = array<i32>} : memref<265x128xf32, #tpu.memory_space<vmem>>, vector<16xf32>,
      %swap3A_769 = arith.index_cast %add3A_729 : i32 to index
      %swap3A_770 = arith.constant 96 : index
      %swap3A_771 = tpu.vector_load %arg9[%swap3A_769, %swap3A_770] {strides = array<i32>} : memref<256x128xf32, #tpu.memory_space<vmem>>, vector<16xf32>,
      tpu.vector_store %arg9[%swap3A_769, %swap3A_770], %get3A_768 {strides = array<i32>} : memref<256x128xf32, #tpu.memory_space<vmem>>, vector<16xf32>,
      %get3A_772 = arith.index_cast %squeeze3A_725 : i32 to index
      %get3A_773 = arith.constant 112 : index
      %get3A_774 = tpu.vector_load %arg8[%get3A_772, %get3A_773] {strides = array<i32>} : memref<265x128xf32, #tpu.memory_space<vmem>>, vector<16xf32>,
      %swap3A_775 = arith.index_cast %add3A_729 : i32 to index
      %swap3A_776 = arith.constant 112 : index
      %swap3A_777 = tpu.vector_load %arg9[%swap3A_775, %swap3A_776] {strides = array<i32>} : memref<256x128xf32, #tpu.memory_space<vmem>>, vector<16xf32>,
      tpu.vector_store %arg9[%swap3A_775, %swap3A_776], %get3A_774 {strides = array<i32>} : memref<256x128xf32, #tpu.memory_space<vmem>>, vector<16xf32>,
      %slice3A_778 = vector.extract_strided_slice %get3A_563 {offsets = [4], sizes = [1], strides = [1]} : vector<16xi32> to vector<1xi32>
      %squeeze3A_779 = vector.extract %slice3A_778[0] : i32 from vector<1xi32>
      %mul3A_780 = arith.constant 16 : i32
      %mul3A_781 = arith.muli %scan3A_558, %mul3A_780 : i32
      %add3A_782 = arith.constant 4 : i32
      %add3A_783 = arith.addi %mul3A_781, %add3A_782 : i32
      %get3A_784 = arith.index_cast %squeeze3A_779 : i32 to index
      %get3A_785 = arith.constant 0 : index
      %get3A_786 = tpu.vector_load %arg8[%get3A_784, %get3A_785] {strides = array<i32>} : memref<265x128xf32, #tpu.memory_space<vmem>>, vector<16xf32>,
      %swap3A_787 = arith.index_cast %add3A_783 : i32 to index
      %swap3A_788 = arith.constant 0 : index
      %swap3A_789 = tpu.vector_load %arg9[%swap3A_787, %swap3A_788] {strides = array<i32>} : memref<256x128xf32, #tpu.memory_space<vmem>>, vector<16xf32>,
      tpu.vector_store %arg9[%swap3A_787, %swap3A_788], %get3A_786 {strides = array<i32>} : memref<256x128xf32, #tpu.memory_space<vmem>>, vector<16xf32>,
      %get3A_790 = arith.index_cast %squeeze3A_779 : i32 to index
      %get3A_791 = arith.constant 16 : index
      %get3A_792 = tpu.vector_load %arg8[%get3A_790, %get3A_791] {strides = array<i32>} : memref<265x128xf32, #tpu.memory_space<vmem>>, vector<16xf32>,
      %swap3A_793 = arith.index_cast %add3A_783 : i32 to index
      %swap3A_794 = arith.constant 16 : index
      %swap3A_795 = tpu.vector_load %arg9[%swap3A_793, %swap3A_794] {strides = array<i32>} : memref<256x128xf32, #tpu.memory_space<vmem>>, vector<16xf32>,
      tpu.vector_store %arg9[%swap3A_793, %swap3A_794], %get3A_792 {strides = array<i32>} : memref<256x128xf32, #tpu.memory_space<vmem>>, vector<16xf32>,
      %get3A_796 = arith.index_cast %squeeze3A_779 : i32 to index
      %get3A_797 = arith.constant 32 : index
      %get3A_798 = tpu.vector_load %arg8[%get3A_796, %get3A_797] {strides = array<i32>} : memref<265x128xf32, #tpu.memory_space<vmem>>, vector<16xf32>,
      %swap3A_799 = arith.index_cast %add3A_783 : i32 to index
      %swap3A_800 = arith.constant 32 : index
      %swap3A_801 = tpu.vector_load %arg9[%swap3A_799, %swap3A_800] {strides = array<i32>} : memref<256x128xf32, #tpu.memory_space<vmem>>, vector<16xf32>,
      tpu.vector_store %arg9[%swap3A_799, %swap3A_800], %get3A_798 {strides = array<i32>} : memref<256x128xf32, #tpu.memory_space<vmem>>, vector<16xf32>,
      %get3A_802 = arith.index_cast %squeeze3A_779 : i32 to index
      %get3A_803 = arith.constant 48 : index
      %get3A_804 = tpu.vector_load %arg8[%get3A_802, %get3A_803] {strides = array<i32>} : memref<265x128xf32, #tpu.memory_space<vmem>>, vector<16xf32>,
      %swap3A_805 = arith.index_cast %add3A_783 : i32 to index
      %swap3A_806 = arith.constant 48 : index
      %swap3A_807 = tpu.vector_load %arg9[%swap3A_805, %swap3A_806] {strides = array<i32>} : memref<256x128xf32, #tpu.memory_space<vmem>>, vector<16xf32>,
      tpu.vector_store %arg9[%swap3A_805, %swap3A_806], %get3A_804 {strides = array<i32>} : memref<256x128xf32, #tpu.memory_space<vmem>>, vector<16xf32>,
      %get3A_808 = arith.index_cast %squeeze3A_779 : i32 to index
      %get3A_809 = arith.constant 64 : index
      %get3A_810 = tpu.vector_load %arg8[%get3A_808, %get3A_809] {strides = array<i32>} : memref<265x128xf32, #tpu.memory_space<vmem>>, vector<16xf32>,
      %swap3A_811 = arith.index_cast %add3A_783 : i32 to index
      %swap3A_812 = arith.constant 64 : index
      %swap3A_813 = tpu.vector_load %arg9[%swap3A_811, %swap3A_812] {strides = array<i32>} : memref<256x128xf32, #tpu.memory_space<vmem>>, vector<16xf32>,
      tpu.vector_store %arg9[%swap3A_811, %swap3A_812], %get3A_810 {strides = array<i32>} : memref<256x128xf32, #tpu.memory_space<vmem>>, vector<16xf32>,
      %get3A_814 = arith.index_cast %squeeze3A_779 : i32 to index
      %get3A_815 = arith.constant 80 : index
      %get3A_816 = tpu.vector_load %arg8[%get3A_814, %get3A_815] {strides = array<i32>} : memref<265x128xf32, #tpu.memory_space<vmem>>, vector<16xf32>,
      %swap3A_817 = arith.index_cast %add3A_783 : i32 to index
      %swap3A_818 = arith.constant 80 : index
      %swap3A_819 = tpu.vector_load %arg9[%swap3A_817, %swap3A_818] {strides = array<i32>} : memref<256x128xf32, #tpu.memory_space<vmem>>, vector<16xf32>,
      tpu.vector_store %arg9[%swap3A_817, %swap3A_818], %get3A_816 {strides = array<i32>} : memref<256x128xf32, #tpu.memory_space<vmem>>, vector<16xf32>,
      %get3A_820 = arith.index_cast %squeeze3A_779 : i32 to index
      %get3A_821 = arith.constant 96 : index
      %get3A_822 = tpu.vector_load %arg8[%get3A_820, %get3A_821] {strides = array<i32>} : memref<265x128xf32, #tpu.memory_space<vmem>>, vector<16xf32>,
      %swap3A_823 = arith.index_cast %add3A_783 : i32 to index
      %swap3A_824 = arith.constant 96 : index
      %swap3A_825 = tpu.vector_load %arg9[%swap3A_823, %swap3A_824] {strides = array<i32>} : memref<256x128xf32, #tpu.memory_space<vmem>>, vector<16xf32>,
      tpu.vector_store %arg9[%swap3A_823, %swap3A_824], %get3A_822 {strides = array<i32>} : memref<256x128xf32, #tpu.memory_space<vmem>>, vector<16xf32>,
      %get3A_826 = arith.index_cast %squeeze3A_779 : i32 to index
      %get3A_827 = arith.constant 112 : index
      %get3A_828 = tpu.vector_load %arg8[%get3A_826, %get3A_827] {strides = array<i32>} : memref<265x128xf32, #tpu.memory_space<vmem>>, vector<16xf32>,
      %swap3A_829 = arith.index_cast %add3A_783 : i32 to index
      %swap3A_830 = arith.constant 112 : index
      %swap3A_831 = tpu.vector_load %arg9[%swap3A_829, %swap3A_830] {strides = array<i32>} : memref<256x128xf32, #tpu.memory_space<vmem>>, vector<16xf32>,
      tpu.vector_store %arg9[%swap3A_829, %swap3A_830], %get3A_828 {strides = array<i32>} : memref<256x128xf32, #tpu.memory_space<vmem>>, vector<16xf32>,
      %slice3A_832 = vector.extract_strided_slice %get3A_563 {offsets = [5], sizes = [1], strides = [1]} : vector<16xi32> to vector<1xi32>
      %squeeze3A_833 = vector.extract %slice3A_832[0] : i32 from vector<1xi32>
      %mul3A_834 = arith.constant 16 : i32
      %mul3A_835 = arith.muli %scan3A_558, %mul3A_834 : i32
      %add3A_836 = arith.constant 5 : i32
      %add3A_837 = arith.addi %mul3A_835, %add3A_836 : i32
      %get3A_838 = arith.index_cast %squeeze3A_833 : i32 to index
      %get3A_839 = arith.constant 0 : index
      %get3A_840 = tpu.vector_load %arg8[%get3A_838, %get3A_839] {strides = array<i32>} : memref<265x128xf32, #tpu.memory_space<vmem>>, vector<16xf32>,
      %swap3A_841 = arith.index_cast %add3A_837 : i32 to index
      %swap3A_842 = arith.constant 0 : index
      %swap3A_843 = tpu.vector_load %arg9[%swap3A_841, %swap3A_842] {strides = array<i32>} : memref<256x128xf32, #tpu.memory_space<vmem>>, vector<16xf32>,
      tpu.vector_store %arg9[%swap3A_841, %swap3A_842], %get3A_840 {strides = array<i32>} : memref<256x128xf32, #tpu.memory_space<vmem>>, vector<16xf32>,
      %get3A_844 = arith.index_cast %squeeze3A_833 : i32 to index
      %get3A_845 = arith.constant 16 : index
      %get3A_846 = tpu.vector_load %arg8[%get3A_844, %get3A_845] {strides = array<i32>} : memref<265x128xf32, #tpu.memory_space<vmem>>, vector<16xf32>,
      %swap3A_847 = arith.index_cast %add3A_837 : i32 to index
      %swap3A_848 = arith.constant 16 : index
      %swap3A_849 = tpu.vector_load %arg9[%swap3A_847, %swap3A_848] {strides = array<i32>} : memref<256x128xf32, #tpu.memory_space<vmem>>, vector<16xf32>,
      tpu.vector_store %arg9[%swap3A_847, %swap3A_848], %get3A_846 {strides = array<i32>} : memref<256x128xf32, #tpu.memory_space<vmem>>, vector<16xf32>,
      %get3A_850 = arith.index_cast %squeeze3A_833 : i32 to index
      %get3A_851 = arith.constant 32 : index
      %get3A_852 = tpu.vector_load %arg8[%get3A_850, %get3A_851] {strides = array<i32>} : memref<265x128xf32, #tpu.memory_space<vmem>>, vector<16xf32>,
      %swap3A_853 = arith.index_cast %add3A_837 : i32 to index
      %swap3A_854 = arith.constant 32 : index
      %swap3A_855 = tpu.vector_load %arg9[%swap3A_853, %swap3A_854] {strides = array<i32>} : memref<256x128xf32, #tpu.memory_space<vmem>>, vector<16xf32>,
      tpu.vector_store %arg9[%swap3A_853, %swap3A_854], %get3A_852 {strides = array<i32>} : memref<256x128xf32, #tpu.memory_space<vmem>>, vector<16xf32>,
      %get3A_856 = arith.index_cast %squeeze3A_833 : i32 to index
      %get3A_857 = arith.constant 48 : index
      %get3A_858 = tpu.vector_load %arg8[%get3A_856, %get3A_857] {strides = array<i32>} : memref<265x128xf32, #tpu.memory_space<vmem>>, vector<16xf32>,
      %swap3A_859 = arith.index_cast %add3A_837 : i32 to index
      %swap3A_860 = arith.constant 48 : index
      %swap3A_861 = tpu.vector_load %arg9[%swap3A_859, %swap3A_860] {strides = array<i32>} : memref<256x128xf32, #tpu.memory_space<vmem>>, vector<16xf32>,
      tpu.vector_store %arg9[%swap3A_859, %swap3A_860], %get3A_858 {strides = array<i32>} : memref<256x128xf32, #tpu.memory_space<vmem>>, vector<16xf32>,
      %get3A_862 = arith.index_cast %squeeze3A_833 : i32 to index
      %get3A_863 = arith.constant 64 : index
      %get3A_864 = tpu.vector_load %arg8[%get3A_862, %get3A_863] {strides = array<i32>} : memref<265x128xf32, #tpu.memory_space<vmem>>, vector<16xf32>,
      %swap3A_865 = arith.index_cast %add3A_837 : i32 to index
      %swap3A_866 = arith.constant 64 : index
      %swap3A_867 = tpu.vector_load %arg9[%swap3A_865, %swap3A_866] {strides = array<i32>} : memref<256x128xf32, #tpu.memory_space<vmem>>, vector<16xf32>,
      tpu.vector_store %arg9[%swap3A_865, %swap3A_866], %get3A_864 {strides = array<i32>} : memref<256x128xf32, #tpu.memory_space<vmem>>, vector<16xf32>,
      %get3A_868 = arith.index_cast %squeeze3A_833 : i32 to index
      %get3A_869 = arith.constant 80 : index
      %get3A_870 = tpu.vector_load %arg8[%get3A_868, %get3A_869] {strides = array<i32>} : memref<265x128xf32, #tpu.memory_space<vmem>>, vector<16xf32>,
      %swap3A_871 = arith.index_cast %add3A_837 : i32 to index
      %swap3A_872 = arith.constant 80 : index
      %swap3A_873 = tpu.vector_load %arg9[%swap3A_871, %swap3A_872] {strides = array<i32>} : memref<256x128xf32, #tpu.memory_space<vmem>>, vector<16xf32>,
      tpu.vector_store %arg9[%swap3A_871, %swap3A_872], %get3A_870 {strides = array<i32>} : memref<256x128xf32, #tpu.memory_space<vmem>>, vector<16xf32>,
      %get3A_874 = arith.index_cast %squeeze3A_833 : i32 to index
      %get3A_875 = arith.constant 96 : index
      %get3A_876 = tpu.vector_load %arg8[%get3A_874, %get3A_875] {strides = array<i32>} : memref<265x128xf32, #tpu.memory_space<vmem>>, vector<16xf32>,
      %swap3A_877 = arith.index_cast %add3A_837 : i32 to index
      %swap3A_878 = arith.constant 96 : index
      %swap3A_879 = tpu.vector_load %arg9[%swap3A_877, %swap3A_878] {strides = array<i32>} : memref<256x128xf32, #tpu.memory_space<vmem>>, vector<16xf32>,
      tpu.vector_store %arg9[%swap3A_877, %swap3A_878], %get3A_876 {strides = array<i32>} : memref<256x128xf32, #tpu.memory_space<vmem>>, vector<16xf32>,
      %get3A_880 = arith.index_cast %squeeze3A_833 : i32 to index
      %get3A_881 = arith.constant 112 : index
      %get3A_882 = tpu.vector_load %arg8[%get3A_880, %get3A_881] {strides = array<i32>} : memref<265x128xf32, #tpu.memory_space<vmem>>, vector<16xf32>,
      %swap3A_883 = arith.index_cast %add3A_837 : i32 to index
      %swap3A_884 = arith.constant 112 : index
      %swap3A_885 = tpu.vector_load %arg9[%swap3A_883, %swap3A_884] {strides = array<i32>} : memref<256x128xf32, #tpu.memory_space<vmem>>, vector<16xf32>,
      tpu.vector_store %arg9[%swap3A_883, %swap3A_884], %get3A_882 {strides = array<i32>} : memref<256x128xf32, #tpu.memory_space<vmem>>, vector<16xf32>,
      %slice3A_886 = vector.extract_strided_slice %get3A_563 {offsets = [6], sizes = [1], strides = [1]} : vector<16xi32> to vector<1xi32>
      %squeeze3A_887 = vector.extract %slice3A_886[0] : i32 from vector<1xi32>
      %mul3A_888 = arith.constant 16 : i32
      %mul3A_889 = arith.muli %scan3A_558, %mul3A_888 : i32
      %add3A_890 = arith.constant 6 : i32
      %add3A_891 = arith.addi %mul3A_889, %add3A_890 : i32
      %get3A_892 = arith.index_cast %squeeze3A_887 : i32 to index
      %get3A_893 = arith.constant 0 : index
      %get3A_894 = tpu.vector_load %arg8[%get3A_892, %get3A_893] {strides = array<i32>} : memref<265x128xf32, #tpu.memory_space<vmem>>, vector<16xf32>,
      %swap3A_895 = arith.index_cast %add3A_891 : i32 to index
      %swap3A_896 = arith.constant 0 : index
      %swap3A_897 = tpu.vector_load %arg9[%swap3A_895, %swap3A_896] {strides = array<i32>} : memref<256x128xf32, #tpu.memory_space<vmem>>, vector<16xf32>,
      tpu.vector_store %arg9[%swap3A_895, %swap3A_896], %get3A_894 {strides = array<i32>} : memref<256x128xf32, #tpu.memory_space<vmem>>, vector<16xf32>,
      %get3A_898 = arith.index_cast %squeeze3A_887 : i32 to index
      %get3A_899 = arith.constant 16 : index
      %get3A_900 = tpu.vector_load %arg8[%get3A_898, %get3A_899] {strides = array<i32>} : memref<265x128xf32, #tpu.memory_space<vmem>>, vector<16xf32>,
      %swap3A_901 = arith.index_cast %add3A_891 : i32 to index
      %swap3A_902 = arith.constant 16 : index
      %swap3A_903 = tpu.vector_load %arg9[%swap3A_901, %swap3A_902] {strides = array<i32>} : memref<256x128xf32, #tpu.memory_space<vmem>>, vector<16xf32>,
      tpu.vector_store %arg9[%swap3A_901, %swap3A_902], %get3A_900 {strides = array<i32>} : memref<256x128xf32, #tpu.memory_space<vmem>>, vector<16xf32>,
      %get3A_904 = arith.index_cast %squeeze3A_887 : i32 to index
      %get3A_905 = arith.constant 32 : index
      %get3A_906 = tpu.vector_load %arg8[%get3A_904, %get3A_905] {strides = array<i32>} : memref<265x128xf32, #tpu.memory_space<vmem>>, vector<16xf32>,
      %swap3A_907 = arith.index_cast %add3A_891 : i32 to index
      %swap3A_908 = arith.constant 32 : index
      %swap3A_909 = tpu.vector_load %arg9[%swap3A_907, %swap3A_908] {strides = array<i32>} : memref<256x128xf32, #tpu.memory_space<vmem>>, vector<16xf32>,
      tpu.vector_store %arg9[%swap3A_907, %swap3A_908], %get3A_906 {strides = array<i32>} : memref<256x128xf32, #tpu.memory_space<vmem>>, vector<16xf32>,
      %get3A_910 = arith.index_cast %squeeze3A_887 : i32 to index
      %get3A_911 = arith.constant 48 : index
      %get3A_912 = tpu.vector_load %arg8[%get3A_910, %get3A_911] {strides = array<i32>} : memref<265x128xf32, #tpu.memory_space<vmem>>, vector<16xf32>,
      %swap3A_913 = arith.index_cast %add3A_891 : i32 to index
      %swap3A_914 = arith.constant 48 : index
      %swap3A_915 = tpu.vector_load %arg9[%swap3A_913, %swap3A_914] {strides = array<i32>} : memref<256x128xf32, #tpu.memory_space<vmem>>, vector<16xf32>,
      tpu.vector_store %arg9[%swap3A_913, %swap3A_914], %get3A_912 {strides = array<i32>} : memref<256x128xf32, #tpu.memory_space<vmem>>, vector<16xf32>,
      %get3A_916 = arith.index_cast %squeeze3A_887 : i32 to index
      %get3A_917 = arith.constant 64 : index
      %get3A_918 = tpu.vector_load %arg8[%get3A_916, %get3A_917] {strides = array<i32>} : memref<265x128xf32, #tpu.memory_space<vmem>>, vector<16xf32>,
      %swap3A_919 = arith.index_cast %add3A_891 : i32 to index
      %swap3A_920 = arith.constant 64 : index
      %swap3A_921 = tpu.vector_load %arg9[%swap3A_919, %swap3A_920] {strides = array<i32>} : memref<256x128xf32, #tpu.memory_space<vmem>>, vector<16xf32>,
      tpu.vector_store %arg9[%swap3A_919, %swap3A_920], %get3A_918 {strides = array<i32>} : memref<256x128xf32, #tpu.memory_space<vmem>>, vector<16xf32>,
      %get3A_922 = arith.index_cast %squeeze3A_887 : i32 to index
      %get3A_923 = arith.constant 80 : index
      %get3A_924 = tpu.vector_load %arg8[%get3A_922, %get3A_923] {strides = array<i32>} : memref<265x128xf32, #tpu.memory_space<vmem>>, vector<16xf32>,
      %swap3A_925 = arith.index_cast %add3A_891 : i32 to index
      %swap3A_926 = arith.constant 80 : index
      %swap3A_927 = tpu.vector_load %arg9[%swap3A_925, %swap3A_926] {strides = array<i32>} : memref<256x128xf32, #tpu.memory_space<vmem>>, vector<16xf32>,
      tpu.vector_store %arg9[%swap3A_925, %swap3A_926], %get3A_924 {strides = array<i32>} : memref<256x128xf32, #tpu.memory_space<vmem>>, vector<16xf32>,
      %get3A_928 = arith.index_cast %squeeze3A_887 : i32 to index
      %get3A_929 = arith.constant 96 : index
      %get3A_930 = tpu.vector_load %arg8[%get3A_928, %get3A_929] {strides = array<i32>} : memref<265x128xf32, #tpu.memory_space<vmem>>, vector<16xf32>,
      %swap3A_931 = arith.index_cast %add3A_891 : i32 to index
      %swap3A_932 = arith.constant 96 : index
      %swap3A_933 = tpu.vector_load %arg9[%swap3A_931, %swap3A_932] {strides = array<i32>} : memref<256x128xf32, #tpu.memory_space<vmem>>, vector<16xf32>,
      tpu.vector_store %arg9[%swap3A_931, %swap3A_932], %get3A_930 {strides = array<i32>} : memref<256x128xf32, #tpu.memory_space<vmem>>, vector<16xf32>,
      %get3A_934 = arith.index_cast %squeeze3A_887 : i32 to index
      %get3A_935 = arith.constant 112 : index
      %get3A_936 = tpu.vector_load %arg8[%get3A_934, %get3A_935] {strides = array<i32>} : memref<265x128xf32, #tpu.memory_space<vmem>>, vector<16xf32>,
      %swap3A_937 = arith.index_cast %add3A_891 : i32 to index
      %swap3A_938 = arith.constant 112 : index
      %swap3A_939 = tpu.vector_load %arg9[%swap3A_937, %swap3A_938] {strides = array<i32>} : memref<256x128xf32, #tpu.memory_space<vmem>>, vector<16xf32>,
      tpu.vector_store %arg9[%swap3A_937, %swap3A_938], %get3A_936 {strides = array<i32>} : memref<256x128xf32, #tpu.memory_space<vmem>>, vector<16xf32>,
      %slice3A_940 = vector.extract_strided_slice %get3A_563 {offsets = [7], sizes = [1], strides = [1]} : vector<16xi32> to vector<1xi32>
      %squeeze3A_941 = vector.extract %slice3A_940[0] : i32 from vector<1xi32>
      %mul3A_942 = arith.constant 16 : i32
      %mul3A_943 = arith.muli %scan3A_558, %mul3A_942 : i32
      %add3A_944 = arith.constant 7 : i32
      %add3A_945 = arith.addi %mul3A_943, %add3A_944 : i32
      %get3A_946 = arith.index_cast %squeeze3A_941 : i32 to index
      %get3A_947 = arith.constant 0 : index
      %get3A_948 = tpu.vector_load %arg8[%get3A_946, %get3A_947] {strides = array<i32>} : memref<265x128xf32, #tpu.memory_space<vmem>>, vector<16xf32>,
      %swap3A_949 = arith.index_cast %add3A_945 : i32 to index
      %swap3A_950 = arith.constant 0 : index
      %swap3A_951 = tpu.vector_load %arg9[%swap3A_949, %swap3A_950] {strides = array<i32>} : memref<256x128xf32, #tpu.memory_space<vmem>>, vector<16xf32>,
      tpu.vector_store %arg9[%swap3A_949, %swap3A_950], %get3A_948 {strides = array<i32>} : memref<256x128xf32, #tpu.memory_space<vmem>>, vector<16xf32>,
      %get3A_952 = arith.index_cast %squeeze3A_941 : i32 to index
      %get3A_953 = arith.constant 16 : index
      %get3A_954 = tpu.vector_load %arg8[%get3A_952, %get3A_953] {strides = array<i32>} : memref<265x128xf32, #tpu.memory_space<vmem>>, vector<16xf32>,
      %swap3A_955 = arith.index_cast %add3A_945 : i32 to index
      %swap3A_956 = arith.constant 16 : index
      %swap3A_957 = tpu.vector_load %arg9[%swap3A_955, %swap3A_956] {strides = array<i32>} : memref<256x128xf32, #tpu.memory_space<vmem>>, vector<16xf32>,
      tpu.vector_store %arg9[%swap3A_955, %swap3A_956], %get3A_954 {strides = array<i32>} : memref<256x128xf32, #tpu.memory_space<vmem>>, vector<16xf32>,
      %get3A_958 = arith.index_cast %squeeze3A_941 : i32 to index
      %get3A_959 = arith.constant 32 : index
      %get3A_960 = tpu.vector_load %arg8[%get3A_958, %get3A_959] {strides = array<i32>} : memref<265x128xf32, #tpu.memory_space<vmem>>, vector<16xf32>,
      %swap3A_961 = arith.index_cast %add3A_945 : i32 to index
      %swap3A_962 = arith.constant 32 : index
      %swap3A_963 = tpu.vector_load %arg9[%swap3A_961, %swap3A_962] {strides = array<i32>} : memref<256x128xf32, #tpu.memory_space<vmem>>, vector<16xf32>,
      tpu.vector_store %arg9[%swap3A_961, %swap3A_962], %get3A_960 {strides = array<i32>} : memref<256x128xf32, #tpu.memory_space<vmem>>, vector<16xf32>,
      %get3A_964 = arith.index_cast %squeeze3A_941 : i32 to index
      %get3A_965 = arith.constant 48 : index
      %get3A_966 = tpu.vector_load %arg8[%get3A_964, %get3A_965] {strides = array<i32>} : memref<265x128xf32, #tpu.memory_space<vmem>>, vector<16xf32>,
      %swap3A_967 = arith.index_cast %add3A_945 : i32 to index
      %swap3A_968 = arith.constant 48 : index
      %swap3A_969 = tpu.vector_load %arg9[%swap3A_967, %swap3A_968] {strides = array<i32>} : memref<256x128xf32, #tpu.memory_space<vmem>>, vector<16xf32>,
      tpu.vector_store %arg9[%swap3A_967, %swap3A_968], %get3A_966 {strides = array<i32>} : memref<256x128xf32, #tpu.memory_space<vmem>>, vector<16xf32>,
      %get3A_970 = arith.index_cast %squeeze3A_941 : i32 to index
      %get3A_971 = arith.constant 64 : index
      %get3A_972 = tpu.vector_load %arg8[%get3A_970, %get3A_971] {strides = array<i32>} : memref<265x128xf32, #tpu.memory_space<vmem>>, vector<16xf32>,
      %swap3A_973 = arith.index_cast %add3A_945 : i32 to index
      %swap3A_974 = arith.constant 64 : index
      %swap3A_975 = tpu.vector_load %arg9[%swap3A_973, %swap3A_974] {strides = array<i32>} : memref<256x128xf32, #tpu.memory_space<vmem>>, vector<16xf32>,
      tpu.vector_store %arg9[%swap3A_973, %swap3A_974], %get3A_972 {strides = array<i32>} : memref<256x128xf32, #tpu.memory_space<vmem>>, vector<16xf32>,
      %get3A_976 = arith.index_cast %squeeze3A_941 : i32 to index
      %get3A_977 = arith.constant 80 : index
      %get3A_978 = tpu.vector_load %arg8[%get3A_976, %get3A_977] {strides = array<i32>} : memref<265x128xf32, #tpu.memory_space<vmem>>, vector<16xf32>,
      %swap3A_979 = arith.index_cast %add3A_945 : i32 to index
      %swap3A_980 = arith.constant 80 : index
      %swap3A_981 = tpu.vector_load %arg9[%swap3A_979, %swap3A_980] {strides = array<i32>} : memref<256x128xf32, #tpu.memory_space<vmem>>, vector<16xf32>,
      tpu.vector_store %arg9[%swap3A_979, %swap3A_980], %get3A_978 {strides = array<i32>} : memref<256x128xf32, #tpu.memory_space<vmem>>, vector<16xf32>,
      %get3A_982 = arith.index_cast %squeeze3A_941 : i32 to index
      %get3A_983 = arith.constant 96 : index
      %get3A_984 = tpu.vector_load %arg8[%get3A_982, %get3A_983] {strides = array<i32>} : memref<265x128xf32, #tpu.memory_space<vmem>>, vector<16xf32>,
      %swap3A_985 = arith.index_cast %add3A_945 : i32 to index
      %swap3A_986 = arith.constant 96 : index
      %swap3A_987 = tpu.vector_load %arg9[%swap3A_985, %swap3A_986] {strides = array<i32>} : memref<256x128xf32, #tpu.memory_space<vmem>>, vector<16xf32>,
      tpu.vector_store %arg9[%swap3A_985, %swap3A_986], %get3A_984 {strides = array<i32>} : memref<256x128xf32, #tpu.memory_space<vmem>>, vector<16xf32>,
      %get3A_988 = arith.index_cast %squeeze3A_941 : i32 to index
      %get3A_989 = arith.constant 112 : index
      %get3A_990 = tpu.vector_load %arg8[%get3A_988, %get3A_989] {strides = array<i32>} : memref<265x128xf32, #tpu.memory_space<vmem>>, vector<16xf32>,
      %swap3A_991 = arith.index_cast %add3A_945 : i32 to index
      %swap3A_992 = arith.constant 112 : index
      %swap3A_993 = tpu.vector_load %arg9[%swap3A_991, %swap3A_992] {strides = array<i32>} : memref<256x128xf32, #tpu.memory_space<vmem>>, vector<16xf32>,
      tpu.vector_store %arg9[%swap3A_991, %swap3A_992], %get3A_990 {strides = array<i32>} : memref<256x128xf32, #tpu.memory_space<vmem>>, vector<16xf32>,
      %slice3A_994 = vector.extract_strided_slice %get3A_563 {offsets = [8], sizes = [1], strides = [1]} : vector<16xi32> to vector<1xi32>
      %squeeze3A_995 = vector.extract %slice3A_994[0] : i32 from vector<1xi32>
      %mul3A_996 = arith.constant 16 : i32
      %mul3A_997 = arith.muli %scan3A_558, %mul3A_996 : i32
      %add3A_998 = arith.constant 8 : i32
      %add3A_999 = arith.addi %mul3A_997, %add3A_998 : i32
      %get3A_1000 = arith.index_cast %squeeze3A_995 : i32 to index
      %get3A_1001 = arith.constant 0 : index
      %get3A_1002 = tpu.vector_load %arg8[%get3A_1000, %get3A_1001] {strides = array<i32>} : memref<265x128xf32, #tpu.memory_space<vmem>>, vector<16xf32>,
      %swap3A_1003 = arith.index_cast %add3A_999 : i32 to index
      %swap3A_1004 = arith.constant 0 : index
      %swap3A_1005 = tpu.vector_load %arg9[%swap3A_1003, %swap3A_1004] {strides = array<i32>} : memref<256x128xf32, #tpu.memory_space<vmem>>, vector<16xf32>,
      tpu.vector_store %arg9[%swap3A_1003, %swap3A_1004], %get3A_1002 {strides = array<i32>} : memref<256x128xf32, #tpu.memory_space<vmem>>, vector<16xf32>,
      %get3A_1006 = arith.index_cast %squeeze3A_995 : i32 to index
      %get3A_1007 = arith.constant 16 : index
      %get3A_1008 = tpu.vector_load %arg8[%get3A_1006, %get3A_1007] {strides = array<i32>} : memref<265x128xf32, #tpu.memory_space<vmem>>, vector<16xf32>,
      %swap3A_1009 = arith.index_cast %add3A_999 : i32 to index
      %swap3A_1010 = arith.constant 16 : index
      %swap3A_1011 = tpu.vector_load %arg9[%swap3A_1009, %swap3A_1010] {strides = array<i32>} : memref<256x128xf32, #tpu.memory_space<vmem>>, vector<16xf32>,
      tpu.vector_store %arg9[%swap3A_1009, %swap3A_1010], %get3A_1008 {strides = array<i32>} : memref<256x128xf32, #tpu.memory_space<vmem>>, vector<16xf32>,
      %get3A_1012 = arith.index_cast %squeeze3A_995 : i32 to index
      %get3A_1013 = arith.constant 32 : index
      %get3A_1014 = tpu.vector_load %arg8[%get3A_1012, %get3A_1013] {strides = array<i32>} : memref<265x128xf32, #tpu.memory_space<vmem>>, vector<16xf32>,
      %swap3A_1015 = arith.index_cast %add3A_999 : i32 to index
      %swap3A_1016 = arith.constant 32 : index
      %swap3A_1017 = tpu.vector_load %arg9[%swap3A_1015, %swap3A_1016] {strides = array<i32>} : memref<256x128xf32, #tpu.memory_space<vmem>>, vector<16xf32>,
      tpu.vector_store %arg9[%swap3A_1015, %swap3A_1016], %get3A_1014 {strides = array<i32>} : memref<256x128xf32, #tpu.memory_space<vmem>>, vector<16xf32>,
      %get3A_1018 = arith.index_cast %squeeze3A_995 : i32 to index
      %get3A_1019 = arith.constant 48 : index
      %get3A_1020 = tpu.vector_load %arg8[%get3A_1018, %get3A_1019] {strides = array<i32>} : memref<265x128xf32, #tpu.memory_space<vmem>>, vector<16xf32>,
      %swap3A_1021 = arith.index_cast %add3A_999 : i32 to index
      %swap3A_1022 = arith.constant 48 : index
      %swap3A_1023 = tpu.vector_load %arg9[%swap3A_1021, %swap3A_1022] {strides = array<i32>} : memref<256x128xf32, #tpu.memory_space<vmem>>, vector<16xf32>,
      tpu.vector_store %arg9[%swap3A_1021, %swap3A_1022], %get3A_1020 {strides = array<i32>} : memref<256x128xf32, #tpu.memory_space<vmem>>, vector<16xf32>,
      %get3A_1024 = arith.index_cast %squeeze3A_995 : i32 to index
      %get3A_1025 = arith.constant 64 : index
      %get3A_1026 = tpu.vector_load %arg8[%get3A_1024, %get3A_1025] {strides = array<i32>} : memref<265x128xf32, #tpu.memory_space<vmem>>, vector<16xf32>,
      %swap3A_1027 = arith.index_cast %add3A_999 : i32 to index
      %swap3A_1028 = arith.constant 64 : index
      %swap3A_1029 = tpu.vector_load %arg9[%swap3A_1027, %swap3A_1028] {strides = array<i32>} : memref<256x128xf32, #tpu.memory_space<vmem>>, vector<16xf32>,
      tpu.vector_store %arg9[%swap3A_1027, %swap3A_1028], %get3A_1026 {strides = array<i32>} : memref<256x128xf32, #tpu.memory_space<vmem>>, vector<16xf32>,
      %get3A_1030 = arith.index_cast %squeeze3A_995 : i32 to index
      %get3A_1031 = arith.constant 80 : index
      %get3A_1032 = tpu.vector_load %arg8[%get3A_1030, %get3A_1031] {strides = array<i32>} : memref<265x128xf32, #tpu.memory_space<vmem>>, vector<16xf32>,
      %swap3A_1033 = arith.index_cast %add3A_999 : i32 to index
      %swap3A_1034 = arith.constant 80 : index
      %swap3A_1035 = tpu.vector_load %arg9[%swap3A_1033, %swap3A_1034] {strides = array<i32>} : memref<256x128xf32, #tpu.memory_space<vmem>>, vector<16xf32>,
      tpu.vector_store %arg9[%swap3A_1033, %swap3A_1034], %get3A_1032 {strides = array<i32>} : memref<256x128xf32, #tpu.memory_space<vmem>>, vector<16xf32>,
      %get3A_1036 = arith.index_cast %squeeze3A_995 : i32 to index
      %get3A_1037 = arith.constant 96 : index
      %get3A_1038 = tpu.vector_load %arg8[%get3A_1036, %get3A_1037] {strides = array<i32>} : memref<265x128xf32, #tpu.memory_space<vmem>>, vector<16xf32>,
      %swap3A_1039 = arith.index_cast %add3A_999 : i32 to index
      %swap3A_1040 = arith.constant 96 : index
      %swap3A_1041 = tpu.vector_load %arg9[%swap3A_1039, %swap3A_1040] {strides = array<i32>} : memref<256x128xf32, #tpu.memory_space<vmem>>, vector<16xf32>,
      tpu.vector_store %arg9[%swap3A_1039, %swap3A_1040], %get3A_1038 {strides = array<i32>} : memref<256x128xf32, #tpu.memory_space<vmem>>, vector<16xf32>,
      %get3A_1042 = arith.index_cast %squeeze3A_995 : i32 to index
      %get3A_1043 = arith.constant 112 : index
      %get3A_1044 = tpu.vector_load %arg8[%get3A_1042, %get3A_1043] {strides = array<i32>} : memref<265x128xf32, #tpu.memory_space<vmem>>, vector<16xf32>,
      %swap3A_1045 = arith.index_cast %add3A_999 : i32 to index
      %swap3A_1046 = arith.constant 112 : index
      %swap3A_1047 = tpu.vector_load %arg9[%swap3A_1045, %swap3A_1046] {strides = array<i32>} : memref<256x128xf32, #tpu.memory_space<vmem>>, vector<16xf32>,
      tpu.vector_store %arg9[%swap3A_1045, %swap3A_1046], %get3A_1044 {strides = array<i32>} : memref<256x128xf32, #tpu.memory_space<vmem>>, vector<16xf32>,
      %slice3A_1048 = vector.extract_strided_slice %get3A_563 {offsets = [9], sizes = [1], strides = [1]} : vector<16xi32> to vector<1xi32>
      %squeeze3A_1049 = vector.extract %slice3A_1048[0] : i32 from vector<1xi32>
      %mul3A_1050 = arith.constant 16 : i32
      %mul3A_1051 = arith.muli %scan3A_558, %mul3A_1050 : i32
      %add3A_1052 = arith.constant 9 : i32
      %add3A_1053 = arith.addi %mul3A_1051, %add3A_1052 : i32
      %get3A_1054 = arith.index_cast %squeeze3A_1049 : i32 to index
      %get3A_1055 = arith.constant 0 : index
      %get3A_1056 = tpu.vector_load %arg8[%get3A_1054, %get3A_1055] {strides = array<i32>} : memref<265x128xf32, #tpu.memory_space<vmem>>, vector<16xf32>,
      %swap3A_1057 = arith.index_cast %add3A_1053 : i32 to index
      %swap3A_1058 = arith.constant 0 : index
      %swap3A_1059 = tpu.vector_load %arg9[%swap3A_1057, %swap3A_1058] {strides = array<i32>} : memref<256x128xf32, #tpu.memory_space<vmem>>, vector<16xf32>,
      tpu.vector_store %arg9[%swap3A_1057, %swap3A_1058], %get3A_1056 {strides = array<i32>} : memref<256x128xf32, #tpu.memory_space<vmem>>, vector<16xf32>,
      %get3A_1060 = arith.index_cast %squeeze3A_1049 : i32 to index
      %get3A_1061 = arith.constant 16 : index
      %get3A_1062 = tpu.vector_load %arg8[%get3A_1060, %get3A_1061] {strides = array<i32>} : memref<265x128xf32, #tpu.memory_space<vmem>>, vector<16xf32>,
      %swap3A_1063 = arith.index_cast %add3A_1053 : i32 to index
      %swap3A_1064 = arith.constant 16 : index
      %swap3A_1065 = tpu.vector_load %arg9[%swap3A_1063, %swap3A_1064] {strides = array<i32>} : memref<256x128xf32, #tpu.memory_space<vmem>>, vector<16xf32>,
      tpu.vector_store %arg9[%swap3A_1063, %swap3A_1064], %get3A_1062 {strides = array<i32>} : memref<256x128xf32, #tpu.memory_space<vmem>>, vector<16xf32>,
      %get3A_1066 = arith.index_cast %squeeze3A_1049 : i32 to index
      %get3A_1067 = arith.constant 32 : index
      %get3A_1068 = tpu.vector_load %arg8[%get3A_1066, %get3A_1067] {strides = array<i32>} : memref<265x128xf32, #tpu.memory_space<vmem>>, vector<16xf32>,
      %swap3A_1069 = arith.index_cast %add3A_1053 : i32 to index
      %swap3A_1070 = arith.constant 32 : index
      %swap3A_1071 = tpu.vector_load %arg9[%swap3A_1069, %swap3A_1070] {strides = array<i32>} : memref<256x128xf32, #tpu.memory_space<vmem>>, vector<16xf32>,
      tpu.vector_store %arg9[%swap3A_1069, %swap3A_1070], %get3A_1068 {strides = array<i32>} : memref<256x128xf32, #tpu.memory_space<vmem>>, vector<16xf32>,
      %get3A_1072 = arith.index_cast %squeeze3A_1049 : i32 to index
      %get3A_1073 = arith.constant 48 : index
      %get3A_1074 = tpu.vector_load %arg8[%get3A_1072, %get3A_1073] {strides = array<i32>} : memref<265x128xf32, #tpu.memory_space<vmem>>, vector<16xf32>,
      %swap3A_1075 = arith.index_cast %add3A_1053 : i32 to index
      %swap3A_1076 = arith.constant 48 : index
      %swap3A_1077 = tpu.vector_load %arg9[%swap3A_1075, %swap3A_1076] {strides = array<i32>} : memref<256x128xf32, #tpu.memory_space<vmem>>, vector<16xf32>,
      tpu.vector_store %arg9[%swap3A_1075, %swap3A_1076], %get3A_1074 {strides = array<i32>} : memref<256x128xf32, #tpu.memory_space<vmem>>, vector<16xf32>,
      %get3A_1078 = arith.index_cast %squeeze3A_1049 : i32 to index
      %get3A_1079 = arith.constant 64 : index
      %get3A_1080 = tpu.vector_load %arg8[%get3A_1078, %get3A_1079] {strides = array<i32>} : memref<265x128xf32, #tpu.memory_space<vmem>>, vector<16xf32>,
      %swap3A_1081 = arith.index_cast %add3A_1053 : i32 to index
      %swap3A_1082 = arith.constant 64 : index
      %swap3A_1083 = tpu.vector_load %arg9[%swap3A_1081, %swap3A_1082] {strides = array<i32>} : memref<256x128xf32, #tpu.memory_space<vmem>>, vector<16xf32>,
      tpu.vector_store %arg9[%swap3A_1081, %swap3A_1082], %get3A_1080 {strides = array<i32>} : memref<256x128xf32, #tpu.memory_space<vmem>>, vector<16xf32>,
      %get3A_1084 = arith.index_cast %squeeze3A_1049 : i32 to index
      %get3A_1085 = arith.constant 80 : index
      %get3A_1086 = tpu.vector_load %arg8[%get3A_1084, %get3A_1085] {strides = array<i32>} : memref<265x128xf32, #tpu.memory_space<vmem>>, vector<16xf32>,
      %swap3A_1087 = arith.index_cast %add3A_1053 : i32 to index
      %swap3A_1088 = arith.constant 80 : index
      %swap3A_1089 = tpu.vector_load %arg9[%swap3A_1087, %swap3A_1088] {strides = array<i32>} : memref<256x128xf32, #tpu.memory_space<vmem>>, vector<16xf32>,
      tpu.vector_store %arg9[%swap3A_1087, %swap3A_1088], %get3A_1086 {strides = array<i32>} : memref<256x128xf32, #tpu.memory_space<vmem>>, vector<16xf32>,
      %get3A_1090 = arith.index_cast %squeeze3A_1049 : i32 to index
      %get3A_1091 = arith.constant 96 : index
      %get3A_1092 = tpu.vector_load %arg8[%get3A_1090, %get3A_1091] {strides = array<i32>} : memref<265x128xf32, #tpu.memory_space<vmem>>, vector<16xf32>,
      %swap3A_1093 = arith.index_cast %add3A_1053 : i32 to index
      %swap3A_1094 = arith.constant 96 : index
      %swap3A_1095 = tpu.vector_load %arg9[%swap3A_1093, %swap3A_1094] {strides = array<i32>} : memref<256x128xf32, #tpu.memory_space<vmem>>, vector<16xf32>,
      tpu.vector_store %arg9[%swap3A_1093, %swap3A_1094], %get3A_1092 {strides = array<i32>} : memref<256x128xf32, #tpu.memory_space<vmem>>, vector<16xf32>,
      %get3A_1096 = arith.index_cast %squeeze3A_1049 : i32 to index
      %get3A_1097 = arith.constant 112 : index
      %get3A_1098 = tpu.vector_load %arg8[%get3A_1096, %get3A_1097] {strides = array<i32>} : memref<265x128xf32, #tpu.memory_space<vmem>>, vector<16xf32>,
      %swap3A_1099 = arith.index_cast %add3A_1053 : i32 to index
      %swap3A_1100 = arith.constant 112 : index
      %swap3A_1101 = tpu.vector_load %arg9[%swap3A_1099, %swap3A_1100] {strides = array<i32>} : memref<256x128xf32, #tpu.memory_space<vmem>>, vector<16xf32>,
      tpu.vector_store %arg9[%swap3A_1099, %swap3A_1100], %get3A_1098 {strides = array<i32>} : memref<256x128xf32, #tpu.memory_space<vmem>>, vector<16xf32>,
      %slice3A_1102 = vector.extract_strided_slice %get3A_563 {offsets = [10], sizes = [1], strides = [1]} : vector<16xi32> to vector<1xi32>
      %squeeze3A_1103 = vector.extract %slice3A_1102[0] : i32 from vector<1xi32>
      %mul3A_1104 = arith.constant 16 : i32
      %mul3A_1105 = arith.muli %scan3A_558, %mul3A_1104 : i32
      %add3A_1106 = arith.constant 10 : i32
      %add3A_1107 = arith.addi %mul3A_1105, %add3A_1106 : i32
      %get3A_1108 = arith.index_cast %squeeze3A_1103 : i32 to index
      %get3A_1109 = arith.constant 0 : index
      %get3A_1110 = tpu.vector_load %arg8[%get3A_1108, %get3A_1109] {strides = array<i32>} : memref<265x128xf32, #tpu.memory_space<vmem>>, vector<16xf32>,
      %swap3A_1111 = arith.index_cast %add3A_1107 : i32 to index
      %swap3A_1112 = arith.constant 0 : index
      %swap3A_1113 = tpu.vector_load %arg9[%swap3A_1111, %swap3A_1112] {strides = array<i32>} : memref<256x128xf32, #tpu.memory_space<vmem>>, vector<16xf32>,
      tpu.vector_store %arg9[%swap3A_1111, %swap3A_1112], %get3A_1110 {strides = array<i32>} : memref<256x128xf32, #tpu.memory_space<vmem>>, vector<16xf32>,
      %get3A_1114 = arith.index_cast %squeeze3A_1103 : i32 to index
      %get3A_1115 = arith.constant 16 : index
      %get3A_1116 = tpu.vector_load %arg8[%get3A_1114, %get3A_1115] {strides = array<i32>} : memref<265x128xf32, #tpu.memory_space<vmem>>, vector<16xf32>,
      %swap3A_1117 = arith.index_cast %add3A_1107 : i32 to index
      %swap3A_1118 = arith.constant 16 : index
      %swap3A_1119 = tpu.vector_load %arg9[%swap3A_1117, %swap3A_1118] {strides = array<i32>} : memref<256x128xf32, #tpu.memory_space<vmem>>, vector<16xf32>,
      tpu.vector_store %arg9[%swap3A_1117, %swap3A_1118], %get3A_1116 {strides = array<i32>} : memref<256x128xf32, #tpu.memory_space<vmem>>, vector<16xf32>,
      %get3A_1120 = arith.index_cast %squeeze3A_1103 : i32 to index
      %get3A_1121 = arith.constant 32 : index
      %get3A_1122 = tpu.vector_load %arg8[%get3A_1120, %get3A_1121] {strides = array<i32>} : memref<265x128xf32, #tpu.memory_space<vmem>>, vector<16xf32>,
      %swap3A_1123 = arith.index_cast %add3A_1107 : i32 to index
      %swap3A_1124 = arith.constant 32 : index
      %swap3A_1125 = tpu.vector_load %arg9[%swap3A_1123, %swap3A_1124] {strides = array<i32>} : memref<256x128xf32, #tpu.memory_space<vmem>>, vector<16xf32>,
      tpu.vector_store %arg9[%swap3A_1123, %swap3A_1124], %get3A_1122 {strides = array<i32>} : memref<256x128xf32, #tpu.memory_space<vmem>>, vector<16xf32>,
      %get3A_1126 = arith.index_cast %squeeze3A_1103 : i32 to index
      %get3A_1127 = arith.constant 48 : index
      %get3A_1128 = tpu.vector_load %arg8[%get3A_1126, %get3A_1127] {strides = array<i32>} : memref<265x128xf32, #tpu.memory_space<vmem>>, vector<16xf32>,
      %swap3A_1129 = arith.index_cast %add3A_1107 : i32 to index
      %swap3A_1130 = arith.constant 48 : index
      %swap3A_1131 = tpu.vector_load %arg9[%swap3A_1129, %swap3A_1130] {strides = array<i32>} : memref<256x128xf32, #tpu.memory_space<vmem>>, vector<16xf32>,
      tpu.vector_store %arg9[%swap3A_1129, %swap3A_1130], %get3A_1128 {strides = array<i32>} : memref<256x128xf32, #tpu.memory_space<vmem>>, vector<16xf32>,
      %get3A_1132 = arith.index_cast %squeeze3A_1103 : i32 to index
      %get3A_1133 = arith.constant 64 : index
      %get3A_1134 = tpu.vector_load %arg8[%get3A_1132, %get3A_1133] {strides = array<i32>} : memref<265x128xf32, #tpu.memory_space<vmem>>, vector<16xf32>,
      %swap3A_1135 = arith.index_cast %add3A_1107 : i32 to index
      %swap3A_1136 = arith.constant 64 : index
      %swap3A_1137 = tpu.vector_load %arg9[%swap3A_1135, %swap3A_1136] {strides = array<i32>} : memref<256x128xf32, #tpu.memory_space<vmem>>, vector<16xf32>,
      tpu.vector_store %arg9[%swap3A_1135, %swap3A_1136], %get3A_1134 {strides = array<i32>} : memref<256x128xf32, #tpu.memory_space<vmem>>, vector<16xf32>,
      %get3A_1138 = arith.index_cast %squeeze3A_1103 : i32 to index
      %get3A_1139 = arith.constant 80 : index
      %get3A_1140 = tpu.vector_load %arg8[%get3A_1138, %get3A_1139] {strides = array<i32>} : memref<265x128xf32, #tpu.memory_space<vmem>>, vector<16xf32>,
      %swap3A_1141 = arith.index_cast %add3A_1107 : i32 to index
      %swap3A_1142 = arith.constant 80 : index
      %swap3A_1143 = tpu.vector_load %arg9[%swap3A_1141, %swap3A_1142] {strides = array<i32>} : memref<256x128xf32, #tpu.memory_space<vmem>>, vector<16xf32>,
      tpu.vector_store %arg9[%swap3A_1141, %swap3A_1142], %get3A_1140 {strides = array<i32>} : memref<256x128xf32, #tpu.memory_space<vmem>>, vector<16xf32>,
      %get3A_1144 = arith.index_cast %squeeze3A_1103 : i32 to index
      %get3A_1145 = arith.constant 96 : index
      %get3A_1146 = tpu.vector_load %arg8[%get3A_1144, %get3A_1145] {strides = array<i32>} : memref<265x128xf32, #tpu.memory_space<vmem>>, vector<16xf32>,
      %swap3A_1147 = arith.index_cast %add3A_1107 : i32 to index
      %swap3A_1148 = arith.constant 96 : index
      %swap3A_1149 = tpu.vector_load %arg9[%swap3A_1147, %swap3A_1148] {strides = array<i32>} : memref<256x128xf32, #tpu.memory_space<vmem>>, vector<16xf32>,
      tpu.vector_store %arg9[%swap3A_1147, %swap3A_1148], %get3A_1146 {strides = array<i32>} : memref<256x128xf32, #tpu.memory_space<vmem>>, vector<16xf32>,
      %get3A_1150 = arith.index_cast %squeeze3A_1103 : i32 to index
      %get3A_1151 = arith.constant 112 : index
      %get3A_1152 = tpu.vector_load %arg8[%get3A_1150, %get3A_1151] {strides = array<i32>} : memref<265x128xf32, #tpu.memory_space<vmem>>, vector<16xf32>,
      %swap3A_1153 = arith.index_cast %add3A_1107 : i32 to index
      %swap3A_1154 = arith.constant 112 : index
      %swap3A_1155 = tpu.vector_load %arg9[%swap3A_1153, %swap3A_1154] {strides = array<i32>} : memref<256x128xf32, #tpu.memory_space<vmem>>, vector<16xf32>,
      tpu.vector_store %arg9[%swap3A_1153, %swap3A_1154], %get3A_1152 {strides = array<i32>} : memref<256x128xf32, #tpu.memory_space<vmem>>, vector<16xf32>,
      %slice3A_1156 = vector.extract_strided_slice %get3A_563 {offsets = [11], sizes = [1], strides = [1]} : vector<16xi32> to vector<1xi32>
      %squeeze3A_1157 = vector.extract %slice3A_1156[0] : i32 from vector<1xi32>
      %mul3A_1158 = arith.constant 16 : i32
      %mul3A_1159 = arith.muli %scan3A_558, %mul3A_1158 : i32
      %add3A_1160 = arith.constant 11 : i32
      %add3A_1161 = arith.addi %mul3A_1159, %add3A_1160 : i32
      %get3A_1162 = arith.index_cast %squeeze3A_1157 : i32 to index
      %get3A_1163 = arith.constant 0 : index
      %get3A_1164 = tpu.vector_load %arg8[%get3A_1162, %get3A_1163] {strides = array<i32>} : memref<265x128xf32, #tpu.memory_space<vmem>>, vector<16xf32>,
      %swap3A_1165 = arith.index_cast %add3A_1161 : i32 to index
      %swap3A_1166 = arith.constant 0 : index
      %swap3A_1167 = tpu.vector_load %arg9[%swap3A_1165, %swap3A_1166] {strides = array<i32>} : memref<256x128xf32, #tpu.memory_space<vmem>>, vector<16xf32>,
      tpu.vector_store %arg9[%swap3A_1165, %swap3A_1166], %get3A_1164 {strides = array<i32>} : memref<256x128xf32, #tpu.memory_space<vmem>>, vector<16xf32>,
      %get3A_1168 = arith.index_cast %squeeze3A_1157 : i32 to index
      %get3A_1169 = arith.constant 16 : index
      %get3A_1170 = tpu.vector_load %arg8[%get3A_1168, %get3A_1169] {strides = array<i32>} : memref<265x128xf32, #tpu.memory_space<vmem>>, vector<16xf32>,
      %swap3A_1171 = arith.index_cast %add3A_1161 : i32 to index
      %swap3A_1172 = arith.constant 16 : index
      %swap3A_1173 = tpu.vector_load %arg9[%swap3A_1171, %swap3A_1172] {strides = array<i32>} : memref<256x128xf32, #tpu.memory_space<vmem>>, vector<16xf32>,
      tpu.vector_store %arg9[%swap3A_1171, %swap3A_1172], %get3A_1170 {strides = array<i32>} : memref<256x128xf32, #tpu.memory_space<vmem>>, vector<16xf32>,
      %get3A_1174 = arith.index_cast %squeeze3A_1157 : i32 to index
      %get3A_1175 = arith.constant 32 : index
      %get3A_1176 = tpu.vector_load %arg8[%get3A_1174, %get3A_1175] {strides = array<i32>} : memref<265x128xf32, #tpu.memory_space<vmem>>, vector<16xf32>,
      %swap3A_1177 = arith.index_cast %add3A_1161 : i32 to index
      %swap3A_1178 = arith.constant 32 : index
      %swap3A_1179 = tpu.vector_load %arg9[%swap3A_1177, %swap3A_1178] {strides = array<i32>} : memref<256x128xf32, #tpu.memory_space<vmem>>, vector<16xf32>,
      tpu.vector_store %arg9[%swap3A_1177, %swap3A_1178], %get3A_1176 {strides = array<i32>} : memref<256x128xf32, #tpu.memory_space<vmem>>, vector<16xf32>,
      %get3A_1180 = arith.index_cast %squeeze3A_1157 : i32 to index
      %get3A_1181 = arith.constant 48 : index
      %get3A_1182 = tpu.vector_load %arg8[%get3A_1180, %get3A_1181] {strides = array<i32>} : memref<265x128xf32, #tpu.memory_space<vmem>>, vector<16xf32>,
      %swap3A_1183 = arith.index_cast %add3A_1161 : i32 to index
      %swap3A_1184 = arith.constant 48 : index
      %swap3A_1185 = tpu.vector_load %arg9[%swap3A_1183, %swap3A_1184] {strides = array<i32>} : memref<256x128xf32, #tpu.memory_space<vmem>>, vector<16xf32>,
      tpu.vector_store %arg9[%swap3A_1183, %swap3A_1184], %get3A_1182 {strides = array<i32>} : memref<256x128xf32, #tpu.memory_space<vmem>>, vector<16xf32>,
      %get3A_1186 = arith.index_cast %squeeze3A_1157 : i32 to index
      %get3A_1187 = arith.constant 64 : index
      %get3A_1188 = tpu.vector_load %arg8[%get3A_1186, %get3A_1187] {strides = array<i32>} : memref<265x128xf32, #tpu.memory_space<vmem>>, vector<16xf32>,
      %swap3A_1189 = arith.index_cast %add3A_1161 : i32 to index
      %swap3A_1190 = arith.constant 64 : index
      %swap3A_1191 = tpu.vector_load %arg9[%swap3A_1189, %swap3A_1190] {strides = array<i32>} : memref<256x128xf32, #tpu.memory_space<vmem>>, vector<16xf32>,
      tpu.vector_store %arg9[%swap3A_1189, %swap3A_1190], %get3A_1188 {strides = array<i32>} : memref<256x128xf32, #tpu.memory_space<vmem>>, vector<16xf32>,
      %get3A_1192 = arith.index_cast %squeeze3A_1157 : i32 to index
      %get3A_1193 = arith.constant 80 : index
      %get3A_1194 = tpu.vector_load %arg8[%get3A_1192, %get3A_1193] {strides = array<i32>} : memref<265x128xf32, #tpu.memory_space<vmem>>, vector<16xf32>,
      %swap3A_1195 = arith.index_cast %add3A_1161 : i32 to index
      %swap3A_1196 = arith.constant 80 : index
      %swap3A_1197 = tpu.vector_load %arg9[%swap3A_1195, %swap3A_1196] {strides = array<i32>} : memref<256x128xf32, #tpu.memory_space<vmem>>, vector<16xf32>,
      tpu.vector_store %arg9[%swap3A_1195, %swap3A_1196], %get3A_1194 {strides = array<i32>} : memref<256x128xf32, #tpu.memory_space<vmem>>, vector<16xf32>,
      %get3A_1198 = arith.index_cast %squeeze3A_1157 : i32 to index
      %get3A_1199 = arith.constant 96 : index
      %get3A_1200 = tpu.vector_load %arg8[%get3A_1198, %get3A_1199] {strides = array<i32>} : memref<265x128xf32, #tpu.memory_space<vmem>>, vector<16xf32>,
      %swap3A_1201 = arith.index_cast %add3A_1161 : i32 to index
      %swap3A_1202 = arith.constant 96 : index
      %swap3A_1203 = tpu.vector_load %arg9[%swap3A_1201, %swap3A_1202] {strides = array<i32>} : memref<256x128xf32, #tpu.memory_space<vmem>>, vector<16xf32>,
      tpu.vector_store %arg9[%swap3A_1201, %swap3A_1202], %get3A_1200 {strides = array<i32>} : memref<256x128xf32, #tpu.memory_space<vmem>>, vector<16xf32>,
      %get3A_1204 = arith.index_cast %squeeze3A_1157 : i32 to index
      %get3A_1205 = arith.constant 112 : index
      %get3A_1206 = tpu.vector_load %arg8[%get3A_1204, %get3A_1205] {strides = array<i32>} : memref<265x128xf32, #tpu.memory_space<vmem>>, vector<16xf32>,
      %swap3A_1207 = arith.index_cast %add3A_1161 : i32 to index
      %swap3A_1208 = arith.constant 112 : index
      %swap3A_1209 = tpu.vector_load %arg9[%swap3A_1207, %swap3A_1208] {strides = array<i32>} : memref<256x128xf32, #tpu.memory_space<vmem>>, vector<16xf32>,
      tpu.vector_store %arg9[%swap3A_1207, %swap3A_1208], %get3A_1206 {strides = array<i32>} : memref<256x128xf32, #tpu.memory_space<vmem>>, vector<16xf32>,
      %slice3A_1210 = vector.extract_strided_slice %get3A_563 {offsets = [12], sizes = [1], strides = [1]} : vector<16xi32> to vector<1xi32>
      %squeeze3A_1211 = vector.extract %slice3A_1210[0] : i32 from vector<1xi32>
      %mul3A_1212 = arith.constant 16 : i32
      %mul3A_1213 = arith.muli %scan3A_558, %mul3A_1212 : i32
      %add3A_1214 = arith.constant 12 : i32
      %add3A_1215 = arith.addi %mul3A_1213, %add3A_1214 : i32
      %get3A_1216 = arith.index_cast %squeeze3A_1211 : i32 to index
      %get3A_1217 = arith.constant 0 : index
      %get3A_1218 = tpu.vector_load %arg8[%get3A_1216, %get3A_1217] {strides = array<i32>} : memref<265x128xf32, #tpu.memory_space<vmem>>, vector<16xf32>,
      %swap3A_1219 = arith.index_cast %add3A_1215 : i32 to index
      %swap3A_1220 = arith.constant 0 : index
      %swap3A_1221 = tpu.vector_load %arg9[%swap3A_1219, %swap3A_1220] {strides = array<i32>} : memref<256x128xf32, #tpu.memory_space<vmem>>, vector<16xf32>,
      tpu.vector_store %arg9[%swap3A_1219, %swap3A_1220], %get3A_1218 {strides = array<i32>} : memref<256x128xf32, #tpu.memory_space<vmem>>, vector<16xf32>,
      %get3A_1222 = arith.index_cast %squeeze3A_1211 : i32 to index
      %get3A_1223 = arith.constant 16 : index
      %get3A_1224 = tpu.vector_load %arg8[%get3A_1222, %get3A_1223] {strides = array<i32>} : memref<265x128xf32, #tpu.memory_space<vmem>>, vector<16xf32>,
      %swap3A_1225 = arith.index_cast %add3A_1215 : i32 to index
      %swap3A_1226 = arith.constant 16 : index
      %swap3A_1227 = tpu.vector_load %arg9[%swap3A_1225, %swap3A_1226] {strides = array<i32>} : memref<256x128xf32, #tpu.memory_space<vmem>>, vector<16xf32>,
      tpu.vector_store %arg9[%swap3A_1225, %swap3A_1226], %get3A_1224 {strides = array<i32>} : memref<256x128xf32, #tpu.memory_space<vmem>>, vector<16xf32>,
      %get3A_1228 = arith.index_cast %squeeze3A_1211 : i32 to index
      %get3A_1229 = arith.constant 32 : index
      %get3A_1230 = tpu.vector_load %arg8[%get3A_1228, %get3A_1229] {strides = array<i32>} : memref<265x128xf32, #tpu.memory_space<vmem>>, vector<16xf32>,
      %swap3A_1231 = arith.index_cast %add3A_1215 : i32 to index
      %swap3A_1232 = arith.constant 32 : index
      %swap3A_1233 = tpu.vector_load %arg9[%swap3A_1231, %swap3A_1232] {strides = array<i32>} : memref<256x128xf32, #tpu.memory_space<vmem>>, vector<16xf32>,
      tpu.vector_store %arg9[%swap3A_1231, %swap3A_1232], %get3A_1230 {strides = array<i32>} : memref<256x128xf32, #tpu.memory_space<vmem>>, vector<16xf32>,
      %get3A_1234 = arith.index_cast %squeeze3A_1211 : i32 to index
      %get3A_1235 = arith.constant 48 : index
      %get3A_1236 = tpu.vector_load %arg8[%get3A_1234, %get3A_1235] {strides = array<i32>} : memref<265x128xf32, #tpu.memory_space<vmem>>, vector<16xf32>,
      %swap3A_1237 = arith.index_cast %add3A_1215 : i32 to index
      %swap3A_1238 = arith.constant 48 : index
      %swap3A_1239 = tpu.vector_load %arg9[%swap3A_1237, %swap3A_1238] {strides = array<i32>} : memref<256x128xf32, #tpu.memory_space<vmem>>, vector<16xf32>,
      tpu.vector_store %arg9[%swap3A_1237, %swap3A_1238], %get3A_1236 {strides = array<i32>} : memref<256x128xf32, #tpu.memory_space<vmem>>, vector<16xf32>,
      %get3A_1240 = arith.index_cast %squeeze3A_1211 : i32 to index
      %get3A_1241 = arith.constant 64 : index
      %get3A_1242 = tpu.vector_load %arg8[%get3A_1240, %get3A_1241] {strides = array<i32>} : memref<265x128xf32, #tpu.memory_space<vmem>>, vector<16xf32>,
      %swap3A_1243 = arith.index_cast %add3A_1215 : i32 to index
      %swap3A_1244 = arith.constant 64 : index
      %swap3A_1245 = tpu.vector_load %arg9[%swap3A_1243, %swap3A_1244] {strides = array<i32>} : memref<256x128xf32, #tpu.memory_space<vmem>>, vector<16xf32>,
      tpu.vector_store %arg9[%swap3A_1243, %swap3A_1244], %get3A_1242 {strides = array<i32>} : memref<256x128xf32, #tpu.memory_space<vmem>>, vector<16xf32>,
      %get3A_1246 = arith.index_cast %squeeze3A_1211 : i32 to index
      %get3A_1247 = arith.constant 80 : index
      %get3A_1248 = tpu.vector_load %arg8[%get3A_1246, %get3A_1247] {strides = array<i32>} : memref<265x128xf32, #tpu.memory_space<vmem>>, vector<16xf32>,
      %swap3A_1249 = arith.index_cast %add3A_1215 : i32 to index
      %swap3A_1250 = arith.constant 80 : index
      %swap3A_1251 = tpu.vector_load %arg9[%swap3A_1249, %swap3A_1250] {strides = array<i32>} : memref<256x128xf32, #tpu.memory_space<vmem>>, vector<16xf32>,
      tpu.vector_store %arg9[%swap3A_1249, %swap3A_1250], %get3A_1248 {strides = array<i32>} : memref<256x128xf32, #tpu.memory_space<vmem>>, vector<16xf32>,
      %get3A_1252 = arith.index_cast %squeeze3A_1211 : i32 to index
      %get3A_1253 = arith.constant 96 : index
      %get3A_1254 = tpu.vector_load %arg8[%get3A_1252, %get3A_1253] {strides = array<i32>} : memref<265x128xf32, #tpu.memory_space<vmem>>, vector<16xf32>,
      %swap3A_1255 = arith.index_cast %add3A_1215 : i32 to index
      %swap3A_1256 = arith.constant 96 : index
      %swap3A_1257 = tpu.vector_load %arg9[%swap3A_1255, %swap3A_1256] {strides = array<i32>} : memref<256x128xf32, #tpu.memory_space<vmem>>, vector<16xf32>,
      tpu.vector_store %arg9[%swap3A_1255, %swap3A_1256], %get3A_1254 {strides = array<i32>} : memref<256x128xf32, #tpu.memory_space<vmem>>, vector<16xf32>,
      %get3A_1258 = arith.index_cast %squeeze3A_1211 : i32 to index
      %get3A_1259 = arith.constant 112 : index
      %get3A_1260 = tpu.vector_load %arg8[%get3A_1258, %get3A_1259] {strides = array<i32>} : memref<265x128xf32, #tpu.memory_space<vmem>>, vector<16xf32>,
      %swap3A_1261 = arith.index_cast %add3A_1215 : i32 to index
      %swap3A_1262 = arith.constant 112 : index
      %swap3A_1263 = tpu.vector_load %arg9[%swap3A_1261, %swap3A_1262] {strides = array<i32>} : memref<256x128xf32, #tpu.memory_space<vmem>>, vector<16xf32>,
      tpu.vector_store %arg9[%swap3A_1261, %swap3A_1262], %get3A_1260 {strides = array<i32>} : memref<256x128xf32, #tpu.memory_space<vmem>>, vector<16xf32>,
      %slice3A_1264 = vector.extract_strided_slice %get3A_563 {offsets = [13], sizes = [1], strides = [1]} : vector<16xi32> to vector<1xi32>
      %squeeze3A_1265 = vector.extract %slice3A_1264[0] : i32 from vector<1xi32>
      %mul3A_1266 = arith.constant 16 : i32
      %mul3A_1267 = arith.muli %scan3A_558, %mul3A_1266 : i32
      %add3A_1268 = arith.constant 13 : i32
      %add3A_1269 = arith.addi %mul3A_1267, %add3A_1268 : i32
      %get3A_1270 = arith.index_cast %squeeze3A_1265 : i32 to index
      %get3A_1271 = arith.constant 0 : index
      %get3A_1272 = tpu.vector_load %arg8[%get3A_1270, %get3A_1271] {strides = array<i32>} : memref<265x128xf32, #tpu.memory_space<vmem>>, vector<16xf32>,
      %swap3A_1273 = arith.index_cast %add3A_1269 : i32 to index
      %swap3A_1274 = arith.constant 0 : index
      %swap3A_1275 = tpu.vector_load %arg9[%swap3A_1273, %swap3A_1274] {strides = array<i32>} : memref<256x128xf32, #tpu.memory_space<vmem>>, vector<16xf32>,
      tpu.vector_store %arg9[%swap3A_1273, %swap3A_1274], %get3A_1272 {strides = array<i32>} : memref<256x128xf32, #tpu.memory_space<vmem>>, vector<16xf32>,
      %get3A_1276 = arith.index_cast %squeeze3A_1265 : i32 to index
      %get3A_1277 = arith.constant 16 : index
      %get3A_1278 = tpu.vector_load %arg8[%get3A_1276, %get3A_1277] {strides = array<i32>} : memref<265x128xf32, #tpu.memory_space<vmem>>, vector<16xf32>,
      %swap3A_1279 = arith.index_cast %add3A_1269 : i32 to index
      %swap3A_1280 = arith.constant 16 : index
      %swap3A_1281 = tpu.vector_load %arg9[%swap3A_1279, %swap3A_1280] {strides = array<i32>} : memref<256x128xf32, #tpu.memory_space<vmem>>, vector<16xf32>,
      tpu.vector_store %arg9[%swap3A_1279, %swap3A_1280], %get3A_1278 {strides = array<i32>} : memref<256x128xf32, #tpu.memory_space<vmem>>, vector<16xf32>,
      %get3A_1282 = arith.index_cast %squeeze3A_1265 : i32 to index
      %get3A_1283 = arith.constant 32 : index
      %get3A_1284 = tpu.vector_load %arg8[%get3A_1282, %get3A_1283] {strides = array<i32>} : memref<265x128xf32, #tpu.memory_space<vmem>>, vector<16xf32>,
      %swap3A_1285 = arith.index_cast %add3A_1269 : i32 to index
      %swap3A_1286 = arith.constant 32 : index
      %swap3A_1287 = tpu.vector_load %arg9[%swap3A_1285, %swap3A_1286] {strides = array<i32>} : memref<256x128xf32, #tpu.memory_space<vmem>>, vector<16xf32>,
      tpu.vector_store %arg9[%swap3A_1285, %swap3A_1286], %get3A_1284 {strides = array<i32>} : memref<256x128xf32, #tpu.memory_space<vmem>>, vector<16xf32>,
      %get3A_1288 = arith.index_cast %squeeze3A_1265 : i32 to index
      %get3A_1289 = arith.constant 48 : index
      %get3A_1290 = tpu.vector_load %arg8[%get3A_1288, %get3A_1289] {strides = array<i32>} : memref<265x128xf32, #tpu.memory_space<vmem>>, vector<16xf32>,
      %swap3A_1291 = arith.index_cast %add3A_1269 : i32 to index
      %swap3A_1292 = arith.constant 48 : index
      %swap3A_1293 = tpu.vector_load %arg9[%swap3A_1291, %swap3A_1292] {strides = array<i32>} : memref<256x128xf32, #tpu.memory_space<vmem>>, vector<16xf32>,
      tpu.vector_store %arg9[%swap3A_1291, %swap3A_1292], %get3A_1290 {strides = array<i32>} : memref<256x128xf32, #tpu.memory_space<vmem>>, vector<16xf32>,
      %get3A_1294 = arith.index_cast %squeeze3A_1265 : i32 to index
      %get3A_1295 = arith.constant 64 : index
      %get3A_1296 = tpu.vector_load %arg8[%get3A_1294, %get3A_1295] {strides = array<i32>} : memref<265x128xf32, #tpu.memory_space<vmem>>, vector<16xf32>,
      %swap3A_1297 = arith.index_cast %add3A_1269 : i32 to index
      %swap3A_1298 = arith.constant 64 : index
      %swap3A_1299 = tpu.vector_load %arg9[%swap3A_1297, %swap3A_1298] {strides = array<i32>} : memref<256x128xf32, #tpu.memory_space<vmem>>, vector<16xf32>,
      tpu.vector_store %arg9[%swap3A_1297, %swap3A_1298], %get3A_1296 {strides = array<i32>} : memref<256x128xf32, #tpu.memory_space<vmem>>, vector<16xf32>,
      %get3A_1300 = arith.index_cast %squeeze3A_1265 : i32 to index
      %get3A_1301 = arith.constant 80 : index
      %get3A_1302 = tpu.vector_load %arg8[%get3A_1300, %get3A_1301] {strides = array<i32>} : memref<265x128xf32, #tpu.memory_space<vmem>>, vector<16xf32>,
      %swap3A_1303 = arith.index_cast %add3A_1269 : i32 to index
      %swap3A_1304 = arith.constant 80 : index
      %swap3A_1305 = tpu.vector_load %arg9[%swap3A_1303, %swap3A_1304] {strides = array<i32>} : memref<256x128xf32, #tpu.memory_space<vmem>>, vector<16xf32>,
      tpu.vector_store %arg9[%swap3A_1303, %swap3A_1304], %get3A_1302 {strides = array<i32>} : memref<256x128xf32, #tpu.memory_space<vmem>>, vector<16xf32>,
      %get3A_1306 = arith.index_cast %squeeze3A_1265 : i32 to index
      %get3A_1307 = arith.constant 96 : index
      %get3A_1308 = tpu.vector_load %arg8[%get3A_1306, %get3A_1307] {strides = array<i32>} : memref<265x128xf32, #tpu.memory_space<vmem>>, vector<16xf32>,
      %swap3A_1309 = arith.index_cast %add3A_1269 : i32 to index
      %swap3A_1310 = arith.constant 96 : index
      %swap3A_1311 = tpu.vector_load %arg9[%swap3A_1309, %swap3A_1310] {strides = array<i32>} : memref<256x128xf32, #tpu.memory_space<vmem>>, vector<16xf32>,
      tpu.vector_store %arg9[%swap3A_1309, %swap3A_1310], %get3A_1308 {strides = array<i32>} : memref<256x128xf32, #tpu.memory_space<vmem>>, vector<16xf32>,
      %get3A_1312 = arith.index_cast %squeeze3A_1265 : i32 to index
      %get3A_1313 = arith.constant 112 : index
      %get3A_1314 = tpu.vector_load %arg8[%get3A_1312, %get3A_1313] {strides = array<i32>} : memref<265x128xf32, #tpu.memory_space<vmem>>, vector<16xf32>,
      %swap3A_1315 = arith.index_cast %add3A_1269 : i32 to index
      %swap3A_1316 = arith.constant 112 : index
      %swap3A_1317 = tpu.vector_load %arg9[%swap3A_1315, %swap3A_1316] {strides = array<i32>} : memref<256x128xf32, #tpu.memory_space<vmem>>, vector<16xf32>,
      tpu.vector_store %arg9[%swap3A_1315, %swap3A_1316], %get3A_1314 {strides = array<i32>} : memref<256x128xf32, #tpu.memory_space<vmem>>, vector<16xf32>,
      %slice3A_1318 = vector.extract_strided_slice %get3A_563 {offsets = [14], sizes = [1], strides = [1]} : vector<16xi32> to vector<1xi32>
      %squeeze3A_1319 = vector.extract %slice3A_1318[0] : i32 from vector<1xi32>
      %mul3A_1320 = arith.constant 16 : i32
      %mul3A_1321 = arith.muli %scan3A_558, %mul3A_1320 : i32
      %add3A_1322 = arith.constant 14 : i32
      %add3A_1323 = arith.addi %mul3A_1321, %add3A_1322 : i32
      %get3A_1324 = arith.index_cast %squeeze3A_1319 : i32 to index
      %get3A_1325 = arith.constant 0 : index
      %get3A_1326 = tpu.vector_load %arg8[%get3A_1324, %get3A_1325] {strides = array<i32>} : memref<265x128xf32, #tpu.memory_space<vmem>>, vector<16xf32>,
      %swap3A_1327 = arith.index_cast %add3A_1323 : i32 to index
      %swap3A_1328 = arith.constant 0 : index
      %swap3A_1329 = tpu.vector_load %arg9[%swap3A_1327, %swap3A_1328] {strides = array<i32>} : memref<256x128xf32, #tpu.memory_space<vmem>>, vector<16xf32>,
      tpu.vector_store %arg9[%swap3A_1327, %swap3A_1328], %get3A_1326 {strides = array<i32>} : memref<256x128xf32, #tpu.memory_space<vmem>>, vector<16xf32>,
      %get3A_1330 = arith.index_cast %squeeze3A_1319 : i32 to index
      %get3A_1331 = arith.constant 16 : index
      %get3A_1332 = tpu.vector_load %arg8[%get3A_1330, %get3A_1331] {strides = array<i32>} : memref<265x128xf32, #tpu.memory_space<vmem>>, vector<16xf32>,
      %swap3A_1333 = arith.index_cast %add3A_1323 : i32 to index
      %swap3A_1334 = arith.constant 16 : index
      %swap3A_1335 = tpu.vector_load %arg9[%swap3A_1333, %swap3A_1334] {strides = array<i32>} : memref<256x128xf32, #tpu.memory_space<vmem>>, vector<16xf32>,
      tpu.vector_store %arg9[%swap3A_1333, %swap3A_1334], %get3A_1332 {strides = array<i32>} : memref<256x128xf32, #tpu.memory_space<vmem>>, vector<16xf32>,
      %get3A_1336 = arith.index_cast %squeeze3A_1319 : i32 to index
      %get3A_1337 = arith.constant 32 : index
      %get3A_1338 = tpu.vector_load %arg8[%get3A_1336, %get3A_1337] {strides = array<i32>} : memref<265x128xf32, #tpu.memory_space<vmem>>, vector<16xf32>,
      %swap3A_1339 = arith.index_cast %add3A_1323 : i32 to index
      %swap3A_1340 = arith.constant 32 : index
      %swap3A_1341 = tpu.vector_load %arg9[%swap3A_1339, %swap3A_1340] {strides = array<i32>} : memref<256x128xf32, #tpu.memory_space<vmem>>, vector<16xf32>,
      tpu.vector_store %arg9[%swap3A_1339, %swap3A_1340], %get3A_1338 {strides = array<i32>} : memref<256x128xf32, #tpu.memory_space<vmem>>, vector<16xf32>,
      %get3A_1342 = arith.index_cast %squeeze3A_1319 : i32 to index
      %get3A_1343 = arith.constant 48 : index
      %get3A_1344 = tpu.vector_load %arg8[%get3A_1342, %get3A_1343] {strides = array<i32>} : memref<265x128xf32, #tpu.memory_space<vmem>>, vector<16xf32>,
      %swap3A_1345 = arith.index_cast %add3A_1323 : i32 to index
      %swap3A_1346 = arith.constant 48 : index
      %swap3A_1347 = tpu.vector_load %arg9[%swap3A_1345, %swap3A_1346] {strides = array<i32>} : memref<256x128xf32, #tpu.memory_space<vmem>>, vector<16xf32>,
      tpu.vector_store %arg9[%swap3A_1345, %swap3A_1346], %get3A_1344 {strides = array<i32>} : memref<256x128xf32, #tpu.memory_space<vmem>>, vector<16xf32>,
      %get3A_1348 = arith.index_cast %squeeze3A_1319 : i32 to index
      %get3A_1349 = arith.constant 64 : index
      %get3A_1350 = tpu.vector_load %arg8[%get3A_1348, %get3A_1349] {strides = array<i32>} : memref<265x128xf32, #tpu.memory_space<vmem>>, vector<16xf32>,
      %swap3A_1351 = arith.index_cast %add3A_1323 : i32 to index
      %swap3A_1352 = arith.constant 64 : index
      %swap3A_1353 = tpu.vector_load %arg9[%swap3A_1351, %swap3A_1352] {strides = array<i32>} : memref<256x128xf32, #tpu.memory_space<vmem>>, vector<16xf32>,
      tpu.vector_store %arg9[%swap3A_1351, %swap3A_1352], %get3A_1350 {strides = array<i32>} : memref<256x128xf32, #tpu.memory_space<vmem>>, vector<16xf32>,
      %get3A_1354 = arith.index_cast %squeeze3A_1319 : i32 to index
      %get3A_1355 = arith.constant 80 : index
      %get3A_1356 = tpu.vector_load %arg8[%get3A_1354, %get3A_1355] {strides = array<i32>} : memref<265x128xf32, #tpu.memory_space<vmem>>, vector<16xf32>,
      %swap3A_1357 = arith.index_cast %add3A_1323 : i32 to index
      %swap3A_1358 = arith.constant 80 : index
      %swap3A_1359 = tpu.vector_load %arg9[%swap3A_1357, %swap3A_1358] {strides = array<i32>} : memref<256x128xf32, #tpu.memory_space<vmem>>, vector<16xf32>,
      tpu.vector_store %arg9[%swap3A_1357, %swap3A_1358], %get3A_1356 {strides = array<i32>} : memref<256x128xf32, #tpu.memory_space<vmem>>, vector<16xf32>,
      %get3A_1360 = arith.index_cast %squeeze3A_1319 : i32 to index
      %get3A_1361 = arith.constant 96 : index
      %get3A_1362 = tpu.vector_load %arg8[%get3A_1360, %get3A_1361] {strides = array<i32>} : memref<265x128xf32, #tpu.memory_space<vmem>>, vector<16xf32>,
      %swap3A_1363 = arith.index_cast %add3A_1323 : i32 to index
      %swap3A_1364 = arith.constant 96 : index
      %swap3A_1365 = tpu.vector_load %arg9[%swap3A_1363, %swap3A_1364] {strides = array<i32>} : memref<256x128xf32, #tpu.memory_space<vmem>>, vector<16xf32>,
      tpu.vector_store %arg9[%swap3A_1363, %swap3A_1364], %get3A_1362 {strides = array<i32>} : memref<256x128xf32, #tpu.memory_space<vmem>>, vector<16xf32>,
      %get3A_1366 = arith.index_cast %squeeze3A_1319 : i32 to index
      %get3A_1367 = arith.constant 112 : index
      %get3A_1368 = tpu.vector_load %arg8[%get3A_1366, %get3A_1367] {strides = array<i32>} : memref<265x128xf32, #tpu.memory_space<vmem>>, vector<16xf32>,
      %swap3A_1369 = arith.index_cast %add3A_1323 : i32 to index
      %swap3A_1370 = arith.constant 112 : index
      %swap3A_1371 = tpu.vector_load %arg9[%swap3A_1369, %swap3A_1370] {strides = array<i32>} : memref<256x128xf32, #tpu.memory_space<vmem>>, vector<16xf32>,
      tpu.vector_store %arg9[%swap3A_1369, %swap3A_1370], %get3A_1368 {strides = array<i32>} : memref<256x128xf32, #tpu.memory_space<vmem>>, vector<16xf32>,
      %slice3A_1372 = vector.extract_strided_slice %get3A_563 {offsets = [15], sizes = [1], strides = [1]} : vector<16xi32> to vector<1xi32>
      %squeeze3A_1373 = vector.extract %slice3A_1372[0] : i32 from vector<1xi32>
      %mul3A_1374 = arith.constant 16 : i32
      %mul3A_1375 = arith.muli %scan3A_558, %mul3A_1374 : i32
      %add3A_1376 = arith.constant 15 : i32
      %add3A_1377 = arith.addi %mul3A_1375, %add3A_1376 : i32
      %get3A_1378 = arith.index_cast %squeeze3A_1373 : i32 to index
      %get3A_1379 = arith.constant 0 : index
      %get3A_1380 = tpu.vector_load %arg8[%get3A_1378, %get3A_1379] {strides = array<i32>} : memref<265x128xf32, #tpu.memory_space<vmem>>, vector<16xf32>,
      %swap3A_1381 = arith.index_cast %add3A_1377 : i32 to index
      %swap3A_1382 = arith.constant 0 : index
      %swap3A_1383 = tpu.vector_load %arg9[%swap3A_1381, %swap3A_1382] {strides = array<i32>} : memref<256x128xf32, #tpu.memory_space<vmem>>, vector<16xf32>,
      tpu.vector_store %arg9[%swap3A_1381, %swap3A_1382], %get3A_1380 {strides = array<i32>} : memref<256x128xf32, #tpu.memory_space<vmem>>, vector<16xf32>,
      %get3A_1384 = arith.index_cast %squeeze3A_1373 : i32 to index
      %get3A_1385 = arith.constant 16 : index
      %get3A_1386 = tpu.vector_load %arg8[%get3A_1384, %get3A_1385] {strides = array<i32>} : memref<265x128xf32, #tpu.memory_space<vmem>>, vector<16xf32>,
      %swap3A_1387 = arith.index_cast %add3A_1377 : i32 to index
      %swap3A_1388 = arith.constant 16 : index
      %swap3A_1389 = tpu.vector_load %arg9[%swap3A_1387, %swap3A_1388] {strides = array<i32>} : memref<256x128xf32, #tpu.memory_space<vmem>>, vector<16xf32>,
      tpu.vector_store %arg9[%swap3A_1387, %swap3A_1388], %get3A_1386 {strides = array<i32>} : memref<256x128xf32, #tpu.memory_space<vmem>>, vector<16xf32>,
      %get3A_1390 = arith.index_cast %squeeze3A_1373 : i32 to index
      %get3A_1391 = arith.constant 32 : index
      %get3A_1392 = tpu.vector_load %arg8[%get3A_1390, %get3A_1391] {strides = array<i32>} : memref<265x128xf32, #tpu.memory_space<vmem>>, vector<16xf32>,
      %swap3A_1393 = arith.index_cast %add3A_1377 : i32 to index
      %swap3A_1394 = arith.constant 32 : index
      %swap3A_1395 = tpu.vector_load %arg9[%swap3A_1393, %swap3A_1394] {strides = array<i32>} : memref<256x128xf32, #tpu.memory_space<vmem>>, vector<16xf32>,
      tpu.vector_store %arg9[%swap3A_1393, %swap3A_1394], %get3A_1392 {strides = array<i32>} : memref<256x128xf32, #tpu.memory_space<vmem>>, vector<16xf32>,
      %get3A_1396 = arith.index_cast %squeeze3A_1373 : i32 to index
      %get3A_1397 = arith.constant 48 : index
      %get3A_1398 = tpu.vector_load %arg8[%get3A_1396, %get3A_1397] {strides = array<i32>} : memref<265x128xf32, #tpu.memory_space<vmem>>, vector<16xf32>,
      %swap3A_1399 = arith.index_cast %add3A_1377 : i32 to index
      %swap3A_1400 = arith.constant 48 : index
      %swap3A_1401 = tpu.vector_load %arg9[%swap3A_1399, %swap3A_1400] {strides = array<i32>} : memref<256x128xf32, #tpu.memory_space<vmem>>, vector<16xf32>,
      tpu.vector_store %arg9[%swap3A_1399, %swap3A_1400], %get3A_1398 {strides = array<i32>} : memref<256x128xf32, #tpu.memory_space<vmem>>, vector<16xf32>,
      %get3A_1402 = arith.index_cast %squeeze3A_1373 : i32 to index
      %get3A_1403 = arith.constant 64 : index
      %get3A_1404 = tpu.vector_load %arg8[%get3A_1402, %get3A_1403] {strides = array<i32>} : memref<265x128xf32, #tpu.memory_space<vmem>>, vector<16xf32>,
      %swap3A_1405 = arith.index_cast %add3A_1377 : i32 to index
      %swap3A_1406 = arith.constant 64 : index
      %swap3A_1407 = tpu.vector_load %arg9[%swap3A_1405, %swap3A_1406] {strides = array<i32>} : memref<256x128xf32, #tpu.memory_space<vmem>>, vector<16xf32>,
      tpu.vector_store %arg9[%swap3A_1405, %swap3A_1406], %get3A_1404 {strides = array<i32>} : memref<256x128xf32, #tpu.memory_space<vmem>>, vector<16xf32>,
      %get3A_1408 = arith.index_cast %squeeze3A_1373 : i32 to index
      %get3A_1409 = arith.constant 80 : index
      %get3A_1410 = tpu.vector_load %arg8[%get3A_1408, %get3A_1409] {strides = array<i32>} : memref<265x128xf32, #tpu.memory_space<vmem>>, vector<16xf32>,
      %swap3A_1411 = arith.index_cast %add3A_1377 : i32 to index
      %swap3A_1412 = arith.constant 80 : index
      %swap3A_1413 = tpu.vector_load %arg9[%swap3A_1411, %swap3A_1412] {strides = array<i32>} : memref<256x128xf32, #tpu.memory_space<vmem>>, vector<16xf32>,
      tpu.vector_store %arg9[%swap3A_1411, %swap3A_1412], %get3A_1410 {strides = array<i32>} : memref<256x128xf32, #tpu.memory_space<vmem>>, vector<16xf32>,
      %get3A_1414 = arith.index_cast %squeeze3A_1373 : i32 to index
      %get3A_1415 = arith.constant 96 : index
      %get3A_1416 = tpu.vector_load %arg8[%get3A_1414, %get3A_1415] {strides = array<i32>} : memref<265x128xf32, #tpu.memory_space<vmem>>, vector<16xf32>,
      %swap3A_1417 = arith.index_cast %add3A_1377 : i32 to index
      %swap3A_1418 = arith.constant 96 : index
      %swap3A_1419 = tpu.vector_load %arg9[%swap3A_1417, %swap3A_1418] {strides = array<i32>} : memref<256x128xf32, #tpu.memory_space<vmem>>, vector<16xf32>,
      tpu.vector_store %arg9[%swap3A_1417, %swap3A_1418], %get3A_1416 {strides = array<i32>} : memref<256x128xf32, #tpu.memory_space<vmem>>, vector<16xf32>,
      %get3A_1420 = arith.index_cast %squeeze3A_1373 : i32 to index
      %get3A_1421 = arith.constant 112 : index
      %get3A_1422 = tpu.vector_load %arg8[%get3A_1420, %get3A_1421] {strides = array<i32>} : memref<265x128xf32, #tpu.memory_space<vmem>>, vector<16xf32>,
      %swap3A_1423 = arith.index_cast %add3A_1377 : i32 to index
      %swap3A_1424 = arith.constant 112 : index
      %swap3A_1425 = tpu.vector_load %arg9[%swap3A_1423, %swap3A_1424] {strides = array<i32>} : memref<256x128xf32, #tpu.memory_space<vmem>>, vector<16xf32>,
      tpu.vector_store %arg9[%swap3A_1423, %swap3A_1424], %get3A_1422 {strides = array<i32>} : memref<256x128xf32, #tpu.memory_space<vmem>>, vector<16xf32>,
      %scan3A_1426 = arith.constant 0 : i32
      scf.yield %scan3A_1426 : i32
    }
    %scan3A_525 = arith.constant 8 : i32
    %add3A_526 = arith.constant 128 : i32
    %add3A_527 = arith.addi %mul3A_2, %add3A_526 : i32
    %dma_start3A_528 = arith.constant 128 : i32
    %dma_start3A_529 = arith.constant 0 : i32
    %dma_start3A_530 = tpu.memref_slice %arg9[%dma_start3A_528, %dma_start3A_529] : memref<256x128xf32, #tpu.memory_space<vmem>> -> memref<128x128xf32, #tpu.memory_space<vmem>>
    %dma_start3A_531 = arith.constant 0 : i32
    %dma_start3A_532 = tpu.memref_slice %arg4[%add3A_527, %dma_start3A_531] : memref<8192x1024xf32, #tpu.memory_space<hbm>> -> memref<128x128xf32, #tpu.memory_space<hbm>>
    %dma_start3A_533 = arith.constant 0 : i32
    %dma_start3A_534 = tpu.memref_slice %arg4[%add3A_527, %dma_start3A_533] : memref<8192x1024xf32, #tpu.memory_space<hbm>> -> memref<128x128xf32, #tpu.memory_space<hbm>>
    %dma_start3A_535 = arith.constant 128 : i32
    %dma_start3A_536 = arith.constant 0 : i32
    %dma_start3A_537 = tpu.memref_slice %arg9[%dma_start3A_535, %dma_start3A_536] : memref<256x128xf32, #tpu.memory_space<vmem>> -> memref<128x128xf32, #tpu.memory_space<vmem>>
    tpu.enqueue_dma source(%dma_start3A_537 : memref<128x128xf32, #tpu.memory_space<vmem>>) target(%dma_start3A_534 : memref<128x128xf32, #tpu.memory_space<hbm>>) target_semaphore(%arg12 : memref<!tpu.dma_semaphore, #tpu.memory_space<semaphore_mem>>)
    %dma_wait3A_538 = arith.constant 0 : i32
    %dma_wait3A_539 = arith.constant 0 : i32
    %dma_wait3A_540 = tpu.memref_slice %arg9[%dma_wait3A_538, %dma_wait3A_539] : memref<256x128xf32, #tpu.memory_space<vmem>> -> memref<128x128xf32, #tpu.memory_space<vmem>>
    %dma_wait3A_541 = arith.constant 0 : i32
    %dma_wait3A_542 = tpu.memref_slice %arg4[%mul3A_2, %dma_wait3A_541] : memref<8192x1024xf32, #tpu.memory_space<hbm>> -> memref<128x128xf32, #tpu.memory_space<hbm>>
    %dma_wait3A_543 = arith.constant 0 : i32
    %dma_wait3A_544 = tpu.memref_slice %arg4[%mul3A_2, %dma_wait3A_543] : memref<8192x1024xf32, #tpu.memory_space<hbm>> -> memref<128x128xf32, #tpu.memory_space<hbm>>
    %dma_wait3A_545 = arith.constant 0 : i32
    %dma_wait3A_546 = arith.constant 0 : i32
    %dma_wait3A_547 = tpu.memref_slice %arg9[%dma_wait3A_545, %dma_wait3A_546] : memref<256x128xf32, #tpu.memory_space<vmem>> -> memref<128x128xf32, #tpu.memory_space<vmem>>
    tpu.wait_dma2 semaphore(%arg12 : memref<!tpu.dma_semaphore, #tpu.memory_space<semaphore_mem>>) src(%dma_wait3A_547 : memref<128x128xf32, #tpu.memory_space<vmem>>) dst(%dma_wait3A_544 : memref<128x128xf32, #tpu.memory_space<hbm>>)
    %dma_wait3A_548 = arith.constant 128 : i32
    %dma_wait3A_549 = arith.constant 0 : i32
    %dma_wait3A_550 = tpu.memref_slice %arg9[%dma_wait3A_548, %dma_wait3A_549] : memref<256x128xf32, #tpu.memory_space<vmem>> -> memref<128x128xf32, #tpu.memory_space<vmem>>
    %dma_wait3A_551 = arith.constant 0 : i32
    %dma_wait3A_552 = tpu.memref_slice %arg4[%add3A_527, %dma_wait3A_551] : memref<8192x1024xf32, #tpu.memory_space<hbm>> -> memref<128x128xf32, #tpu.memory_space<hbm>>
    %dma_wait3A_553 = arith.constant 0 : i32
    %dma_wait3A_554 = tpu.memref_slice %arg4[%add3A_527, %dma_wait3A_553] : memref<8192x1024xf32, #tpu.memory_space<hbm>> -> memref<128x128xf32, #tpu.memory_space<hbm>>
    %dma_wait3A_555 = arith.constant 128 : i32
    %dma_wait3A_556 = arith.constant 0 : i32
    %dma_wait3A_557 = tpu.memref_slice %arg9[%dma_wait3A_555, %dma_wait3A_556] : memref<256x128xf32, #tpu.memory_space<vmem>> -> memref<128x128xf32, #tpu.memory_space<vmem>>
    tpu.wait_dma2 semaphore(%arg12 : memref<!tpu.dma_semaphore, #tpu.memory_space<semaphore_mem>>) src(%dma_wait3A_557 : memref<128x128xf32, #tpu.memory_space<vmem>>) dst(%dma_wait3A_554 : memref<128x128xf32, #tpu.memory_space<hbm>>)
    return
  }
}

module attributes {stable_mosaic.version = 14 : i64} {
  func.func @_tc_body(%arg0: i32, %arg1: memref<512x1024xf32, #tpu.memory_space<vmem>>, %arg2: memref<544x128xf32, #tpu.memory_space<vmem>>) attributes {dimension_semantics = [#tpu.dimension_semantics<arbitrary>], iteration_bounds = array<i64: 16>, scalar_prefetch = 0 : i64, scratch_operands = 0 : i64, tpu.core_type = #tpu.core_type<tc>, window_params = [{transform_indices = @transform_0, window_bounds = array<i64: 512, 1024>}, {transform_indices = @transform_1, window_bounds = array<i64: 544, 128>}]} {
    %broadcast_in_dim3A = arith.constant 0.000000e+00 : f32
    %broadcast_in_dim3A_0 = vector.broadcast %broadcast_in_dim3A : f32 to vector<512x1024xf32>
    %swap3A = arith.constant 0 : index
    %swap3A_1 = arith.constant 0 : index
    %swap3A_2 = vector.load %arg1[%swap3A, %swap3A_1] : memref<512x1024xf32, #tpu.memory_space<vmem>>, vector<512x1024xf32>
    tpu.vector_store %arg1[%swap3A, %swap3A_1], %broadcast_in_dim3A_0 {strides = array<i32>} : memref<512x1024xf32, #tpu.memory_space<vmem>>, vector<512x1024xf32>,
    %mul3A = arith.constant 544 : i32
    %mul3A_3 = arith.muli %arg0, %mul3A : i32
    %iota3A = tpu.iota {dimensions = array<i32: 0>} : vector<544x1xi32>
    %add3A = vector.broadcast %mul3A_3 : i32 to vector<544x1xi32>
    %add3A_4 = arith.addi %add3A, %iota3A : vector<544x1xi32>
    %iota3A_5 = tpu.iota {dimensions = array<i32: 1>} : vector<1x128xi32>
    %jit3A = arith.constant 2 : i32
    %div3A = vector.broadcast %jit3A : i32 to vector<1x128xi32>
    %div3A_6 = arith.divsi %iota3A_5, %div3A : vector<1x128xi32>
    %sign3A = arith.constant 0 : i32
    %sign3A_7 = vector.broadcast %sign3A : i32 to vector<1x128xi32>
    %sign3A_8 = arith.cmpi sgt, %iota3A_5, %sign3A_7 : vector<1x128xi32>
    %sign3A_9 = arith.extui %sign3A_8 : vector<1x128xi1> to vector<1x128xi32>
    %sign3A_10 = arith.constant 0 : i32
    %sign3A_11 = vector.broadcast %sign3A_10 : i32 to vector<1x128xi32>
    %sign3A_12 = arith.cmpi slt, %iota3A_5, %sign3A_11 : vector<1x128xi32>
    %sign3A_13 = arith.extui %sign3A_12 : vector<1x128xi1> to vector<1x128xi32>
    %sign3A_14 = arith.subi %sign3A_9, %sign3A_13 : vector<1x128xi32>
    %sign3A_15 = arith.constant 0 : i32
    %sign3A_16 = arith.cmpi sgt, %jit3A, %sign3A_15 : i32
    %sign3A_17 = arith.extui %sign3A_16 : i1 to i32
    %sign3A_18 = arith.constant 0 : i32
    %sign3A_19 = arith.cmpi slt, %jit3A, %sign3A_18 : i32
    %sign3A_20 = arith.extui %sign3A_19 : i1 to i32
    %sign3A_21 = arith.subi %sign3A_17, %sign3A_20 : i32
    %ne3A = vector.broadcast %sign3A_21 : i32 to vector<1x128xi32>
    %ne3A_22 = arith.cmpi ne, %sign3A_14, %ne3A : vector<1x128xi32>
    %rem3A = vector.broadcast %jit3A : i32 to vector<1x128xi32>
    %rem3A_23 = arith.remsi %iota3A_5, %rem3A : vector<1x128xi32>
    %ne3A_24 = arith.constant 0 : i32
    %ne3A_25 = vector.broadcast %ne3A_24 : i32 to vector<1x128xi32>
    %ne3A_26 = arith.cmpi ne, %rem3A_23, %ne3A_25 : vector<1x128xi32>
    %and3A = arith.andi %ne3A_22, %ne3A_26 : vector<1x128xi1>
    %sub3A = arith.constant 1 : i32
    %sub3A_27 = vector.broadcast %sub3A : i32 to vector<1x128xi32>
    %sub3A_28 = arith.subi %div3A_6, %sub3A_27 : vector<1x128xi32>
    %select_n3A = arith.select %and3A, %sub3A_28, %div3A_6 : vector<1x128xi1>, vector<1x128xi32>
    %mul3A_29 = arith.constant 2 : i32
    %mul3A_30 = vector.broadcast %mul3A_29 : i32 to vector<1x128xi32>
    %mul3A_31 = arith.muli %mul3A_30, %select_n3A : vector<1x128xi32>
    %convert_element_type3A = arith.sitofp %mul3A_31 : vector<1x128xi32> to vector<1x128xf32>
    %mul3A_32 = arith.constant 7.812500e-03 : f32
    %mul3A_33 = vector.broadcast %mul3A_32 : f32 to vector<1x128xf32>
    %mul3A_34 = arith.mulf %convert_element_type3A, %mul3A_33 : vector<1x128xf32>
    %neg3A = arith.constant 0.000000e+00 : f32
    %neg3A_35 = vector.broadcast %neg3A : f32 to vector<1x128xf32>
    %neg3A_36 = arith.subf %neg3A_35, %mul3A_34 : vector<1x128xf32>
    %mul3A_37 = arith.constant 9.21034049 : f32
    %mul3A_38 = vector.broadcast %mul3A_37 : f32 to vector<1x128xf32>
    %mul3A_39 = arith.mulf %neg3A_36, %mul3A_38 : vector<1x128xf32>
    %exp3A = math.exp %mul3A_39 : vector<1x128xf32>
    %jit3A_40 = arith.constant 2 : i32
    %eq3A = arith.constant 0 : i32
    %eq3A_41 = arith.cmpi eq, %jit3A_40, %eq3A : i32
    %jit3A_42 = arith.constant 1 : i32
    %select_n3A_43 = arith.select %eq3A_41, %jit3A_42, %jit3A_40 : i32
    %rem3A_44 = vector.broadcast %select_n3A_43 : i32 to vector<1x128xi32>
    %rem3A_45 = arith.remsi %iota3A_5, %rem3A_44 : vector<1x128xi32>
    %ne3A_46 = arith.constant 0 : i32
    %ne3A_47 = vector.broadcast %ne3A_46 : i32 to vector<1x128xi32>
    %ne3A_48 = arith.cmpi ne, %rem3A_45, %ne3A_47 : vector<1x128xi32>
    %lt3A = arith.constant 0 : i32
    %lt3A_49 = vector.broadcast %lt3A : i32 to vector<1x128xi32>
    %lt3A_50 = arith.cmpi slt, %rem3A_45, %lt3A_49 : vector<1x128xi32>
    %lt3A_51 = arith.constant 0 : i32
    %lt3A_52 = arith.cmpi slt, %select_n3A_43, %lt3A_51 : i32
    %ne3A_53 = vector.broadcast %lt3A_52 : i1 to vector<1x128xi1>
    %ne3A_54 = vector.broadcast %ne3A_53 : vector<1x128xi1> to vector<1x128xi1>
    %ne3A_55 = arith.xori %lt3A_50, %ne3A_54 : vector<1x128xi1>
    %and3A_56 = arith.andi %ne3A_55, %ne3A_48 : vector<1x128xi1>
    %add3A_57 = vector.broadcast %select_n3A_43 : i32 to vector<1x128xi32>
    %add3A_58 = arith.addi %rem3A_45, %add3A_57 : vector<1x128xi32>
    %select_n3A_59 = arith.select %and3A_56, %add3A_58, %rem3A_45 : vector<1x128xi1>, vector<1x128xi32>
    %eq3A_60 = arith.constant 0 : i32
    %eq3A_61 = vector.broadcast %eq3A_60 : i32 to vector<1x128xi32>
    %eq3A_62 = arith.cmpi eq, %select_n3A_59, %eq3A_61 : vector<1x128xi32>
    %jit3A_63 = arith.constant 0.000000e+00 : f32
    %jit3A_64 = arith.constant 1.57079637 : f32
    %broadcast_in_dim3A_65 = vector.broadcast %jit3A_63 : f32 to vector<1x128xf32>
    %broadcast_in_dim3A_66 = vector.broadcast %jit3A_64 : f32 to vector<1x128xf32>
    %select_n3A_67 = arith.select %eq3A_62, %broadcast_in_dim3A_65, %broadcast_in_dim3A_66 : vector<1x128xi1>, vector<1x128xf32>
    %convert_element_type3A_68 = arith.sitofp %add3A_4 : vector<544x1xi32> to vector<544x1xf32>
    %mul3A_69 = vector.broadcast %convert_element_type3A_68 : vector<544x1xf32> to vector<544x128xf32>
    %mul3A_70 = vector.broadcast %exp3A : vector<1x128xf32> to vector<544x128xf32>
    %mul3A_71 = arith.mulf %mul3A_69, %mul3A_70 : vector<544x128xf32>
    %add3A_72 = vector.broadcast %select_n3A_67 : vector<1x128xf32> to vector<544x128xf32>
    %add3A_73 = arith.addf %mul3A_71, %add3A_72 : vector<544x128xf32>
    %lt3A_74 = arith.constant 8192 : i32
    %lt3A_75 = vector.broadcast %lt3A_74 : i32 to vector<544x1xi32>
    %lt3A_76 = arith.cmpi slt, %add3A_4, %lt3A_75 : vector<544x1xi32>
    %sin3A = math.sin %add3A_73 : vector<544x128xf32>
    %jit3A_77 = arith.constant 0.000000e+00 : f32
    %broadcast_in_dim3A_78 = vector.shape_cast %lt3A_76 : vector<544x1xi1> to vector<544x1xi1>
    %broadcast_in_dim3A_79 = vector.broadcast %broadcast_in_dim3A_78 : vector<544x1xi1> to vector<544x128xi1>
    %broadcast_in_dim3A_80 = vector.broadcast %jit3A_77 : f32 to vector<544x128xf32>
    %select_n3A_81 = arith.select %broadcast_in_dim3A_79, %sin3A, %broadcast_in_dim3A_80 : vector<544x128xi1>, vector<544x128xf32>
    %swap3A_82 = arith.constant 0 : index
    %swap3A_83 = arith.constant 0 : index
    %swap3A_84 = vector.load %arg2[%swap3A_82, %swap3A_83] : memref<544x128xf32, #tpu.memory_space<vmem>>, vector<544x128xf32>
    tpu.vector_store %arg2[%swap3A_82, %swap3A_83], %select_n3A_81 {strides = array<i32>} : memref<544x128xf32, #tpu.memory_space<vmem>>, vector<544x128xf32>,
    return
  }
  func.func @transform_0(%arg0: i32) -> (i32, i32) {
    %c0_i32 = arith.constant 0 : i32
    %c0_i32_0 = arith.constant 0 : i32
    return %arg0, %c0_i32 : i32, i32
  }
  func.func @transform_1(%arg0: i32) -> (i32, i32) {
    %c0_i32 = arith.constant 0 : i32
    %c0_i32_0 = arith.constant 0 : i32
    return %arg0, %c0_i32 : i32, i32
  }
}

</mosaic_0001>

<sc_bundles>
// kernel: kernel.4.cloned.1.call-start
scs
__scs_entry_jumppad:
0x0: {  	(pc) =	sbr.rel $0x88, $3  }
0x1: {  	(tag) =	ssettag $0x0;
	lr =	simm.s32 $0x1  }
0x2: {  	[smem:$0x3FA0] =	sst lr;
	_ =	strace $0xD0000000  }
0x3: {  	_ = 	snop  }
0x4: {  	_ = 	snop  }
0x5: {  	_ = 	snop  }
0x6: {  	_ = 	snop  }
0x7: {  	_ = 	snop  }
__scs_overlays_trampoline_lowered:
0x8: {  	[smem:$0x3FAF] =	sst s0  }
0x9: {  	[smem:$0x3FB0] =	sst s1  }
0xa: {  	[smem:$0x3FB1] =	sst s2  }
0xb: {  	[smem:$0x3FB2] =	sst s3  }
0xc: {  	[smem:$0x3FB3] =	sst s4  }
0xd: {  	[smem:$0x3FB4] =	sst s5  }
0xe: {  	[smem:$0x3FB5] =	sst s6  }
0xf: {  	[smem:$0x3FB6] =	sst s7  }
0x10: {  	[smem:$0x3FB7] =	sst s8  }
0x11: {  	[smem:$0x3FB8] =	sst s9;
	s0 =	simm.s32 @!p0 $0x0  }
0x12: {  	s1 =	sld [smem:$0x3F9E];
	s0 =	simm.s32 @p0 $0x1  }
0x13: {  	[smem:$0x3FB9] =	sst s0;
	s0 =	simm.s32 @!p1 $0x0  }
0x14: {  	s2 =	sld [smem:$0x3F9D];
	s0 =	simm.s32 @p1 $0x1  }
0x15: {  	[smem:$0x3FBA] =	sst s0;
	s0 =	simm.s32 @!p2 $0x0  }
0x16: {  	s3 =	sld [smem:$0x3FDB];
	s0 =	simm.s32 @p2 $0x1  }
0x17: {  	s4 =	simm.s32 $0x1BF5;
	[smem:$0x3FBC] =	sst s0  }
0x18: {  	s0 =	sld [smem:$0x3F9F];
	_ =	swait.ge [sflag:s4], $0x0  }
0x19: {  	s7 =	sld [smem:$0x3FA0]  }
0x1a: {  	s8 =	sadd.s32 $0xFFFFE003, lr  }
0x1b: {  	s9 =	sadd.s32 $0xFFFFFEF7, lr;
	s5 =	simm.s32 $0xFFFFFFFF;
	p2 =	slt.u32 s8, $0xFFFFF086  }
0x1c: {  	p1 =	slt.u32 s9, $0xF7A;
	s5 =	simm.s32 @!p2 $0x0  }
0x1d: {  	s5 =	simm.s32 @p1 $0x1;
	p0 =	seq.s32 s7, s2  }
0x1e: {  	s7 =	smul.u32 @!p0 $0xF7A, s2;
	p2 =	seq.s32 @!p0 s5, $0x0  }
0x1f: {  	s9 =	smul.u32 $0xF7A, s1;
	s8 =	simm.s32 @!p0 $0x1BF5;
	p2 =	por !p2, p0  }
0x20: {  	[sflag:s8] =	ssyncset.s32 @!p0 $0xFFFFF086;
	s6 =	sadd.s32 @!p0 s3, s7;
	s7 =	simm.s32 @!p0 $0x108  }
0x21: {  	s3 =	sadd.s32 s3, s9;
	s6 =	sadd.s32 @!p0 $0x88, s6;
	s7 =	simm.s32 @p2 $0x1082  }
0x22: {  	[simem:s7], [sflag:s8] =	dma.local @!p0 [hbm:s6], $0xF7A  }
0x23: {  	s9 =	sor.u32 $0xD0000000, s2;
	s6 =	simm.s32 $0x108;
	_ =	swait.ge @!p0 [sflag:s8], $0x0  }
0x24: {  	s3 =	sadd.s32 $0x88, s3;
	s6 =	simm.s32 @!p1 $0x1082;
	[sflag:s4] =	ssyncset.s32 $0xFFFFF086  }
0x25: {  	[simem:s6], [sflag:s4] =	dma.local [hbm:s3], $0xF7A  }
0x26: {  	[smem:$0x3FA0] =	sst s1;
	(tag) =	ssettag s2;
	_ =	strace s9  }
0x27: {  	s1 =	sld [smem:$0x3FB0]  }
0x28: {  	s2 =	sld [smem:$0x3FB1]  }
0x29: {  	s4 =	sld [smem:$0x3FB3]  }
0x2a: {  	p0 =	seq.s32 s5, $0x0;
	s5 =	sld [smem:$0x3FB4]  }
0x2b: {  	s6 =	sld [smem:$0x3FB5]  }
0x2c: {  	s7 =	sld [smem:$0x3FB6]  }
0x2d: {  	s3 =	simm.s32 $0x108;
	s8 =	sld [smem:$0x3FB7]  }
0x2e: {  	s3 =	simm.s32 @!p0 $0x1082;
	s9 =	sld [smem:$0x3FB8]  }
0x2f: {  	lr =	sadd.s32 s0, s3;
	s0 =	sld [smem:$0x3FAF]  }
0x30: {  	s3 =	sld [smem:$0x3FB2]  }
0x31: {  	[smem:$0x3FBB] =	sst s10  }
0x32: {  	s10 =	sld [smem:$0x3FB9];
	_ =	sdelay $0x3  }
0x33: {  	p0 =	seq.s32 s10, $0x1;
	s10 =	sld [smem:$0x3FBB];
	_ =	sdelay $0x3  }
0x34: {  	[smem:$0x3FBB] =	sst s10  }
0x35: {  	s10 =	sld [smem:$0x3FBA];
	_ =	sdelay $0x3  }
0x36: {  	p1 =	seq.s32 s10, $0x1;
	s10 =	sld [smem:$0x3FBB];
	_ =	sdelay $0x3  }
0x37: {  	[smem:$0x3FBB] =	sst s10  }
0x38: {  	s10 =	sld [smem:$0x3FBC]  }
0x39: {  	_ = 	snop;
	(pc) =	sbr.ind lr, $3  }
0x3a: {  	_ = 	snop  }
0x3b: {  	_ = 	snop  }
0x3c: {  	p2 =	seq.s32 s10, $0x1;
	s10 =	sld [smem:$0x3FBB]  }
0x3d: {  	_ =	shalt  }
0x3e: {  	_ =	shalt  }
0x3f: {  	_ =	shalt  }
0x40: {  	_ =	shalt  }
0x41: {  	_ =	shalt  }
0x42: {  	_ =	shalt  }
0x43: {  	_ =	shalt  }
0x44: {  	_ =	shalt  }
0x45: {  	_ =	shalt  }
0x46: {  	_ =	shalt  }
0x47: {  	_ =	shalt  }
0x48: {  	_ =	shalt  }
0x49: {  	_ =	shalt  }
0x4a: {  	_ =	shalt  }
0x4b: {  	_ =	shalt  }
0x4c: {  	_ =	shalt  }
0x4d: {  	_ =	shalt  }
0x4e: {  	_ =	shalt  }
0x4f: {  	_ =	shalt  }
0x50: {  	_ =	shalt  }
0x51: {  	_ =	shalt  }
0x52: {  	_ =	shalt  }
0x53: {  	_ =	shalt  }
0x54: {  	_ =	shalt  }
0x55: {  	_ =	shalt  }
0x56: {  	_ =	shalt  }
0x57: {  	_ =	shalt  }
0x58: {  	_ =	shalt  }
0x59: {  	_ =	shalt  }
0x5a: {  	_ =	shalt  }
0x5b: {  	_ =	shalt  }
0x5c: {  	_ =	shalt  }
0x5d: {  	_ =	shalt  }
0x5e: {  	_ =	shalt  }
0x5f: {  	_ =	shalt  }
0x60: {  	_ =	shalt  }
0x61: {  	_ =	shalt  }
0x62: {  	_ =	shalt  }
0x63: {  	_ =	shalt  }
0x64: {  	_ =	shalt  }
0x65: {  	_ =	shalt  }
0x66: {  	_ =	shalt  }
0x67: {  	_ =	shalt  }
0x68: {  	_ =	shalt  }
0x69: {  	_ =	shalt  }
0x6a: {  	_ =	shalt  }
0x6b: {  	_ =	shalt  }
0x6c: {  	_ =	shalt  }
0x6d: {  	_ =	shalt  }
0x6e: {  	_ =	shalt  }
0x6f: {  	_ =	shalt  }
0x70: {  	_ =	shalt  }
0x71: {  	_ =	shalt  }
0x72: {  	_ =	shalt  }
0x73: {  	_ =	shalt  }
0x74: {  	_ =	shalt  }
0x75: {  	_ =	shalt  }
0x76: {  	_ =	shalt  }
0x77: {  	_ =	shalt  }
0x78: {  	_ =	shalt  }
0x79: {  	_ =	shalt  }
0x7a: {  	_ =	shalt  }
0x7b: {  	_ =	shalt  }
0x7c: {  	_ =	shalt  }
0x7d: {  	_ =	shalt  }
0x7e: {  	_ =	shalt  }
0x7f: {  	_ =	shalt  }
0x80: {  	_ =	shalt  }
0x81: {  	_ =	shalt  }
0x82: {  	_ =	shalt  }
0x83: {  	_ =	shalt  }
0x84: {  	_ =	shalt  }
0x85: {  	_ =	shalt  }
0x86: {  	_ =	shalt  }
0x87: {  	_ =	shalt  }
.Lfunc_end0:
.L_simem_size_0:
called_computation_lowered:
.L_overlay_start_0:
0x88: {  	s2 =	sld [smem:$0x3FD9]  }
0x89: {  	s3 =	sld [smem:$0x3FFE];
	_ =	sdelay $0x1  }
0x8a: {  	s1 =	srdreg.scid  }
0x8b: {  	s0 =	sand.u32 $0x1, s1  }
0x8c: {  	s17 =	sshll.u32 s0, $0xA;
	s2 =	sadd.s32 s3, s2  }
0x8d: {  	s2 =	sadd.s32 s2, s17  }
0x8e: {  	[smem:$0x3FC7] =	sst s2  }
0x8f: {  	_ = 	snop  }
0x90: {  	s2 =	sld [smem:$0x3FC9]  }
0x91: {  	s18 =	sld [smem:$0x3FD0];
	(tm) =	ssettm $0x1  }
0x92: {  	s4 =	sld [smem:$0x3FFB];
	_ =	sdelay $0x3  }
0x93: {  	_ =	strace s4  }
0x94: {  	s4 =	sld [smem:$0x3FFC];
	_ =	sdelay $0x3  }
0x95: {  	_ =	strace s4  }
0x96: {  	s4 =	sld [smem:$0x3FFD];
	_ =	sdelay $0x3  }
0x97: {  	_ =	strace s4  }
0x98: {  	_ =	strace $0x8FFFFFFF  }
0x99: {  	s19 =	sld [smem:$0x3FDB];
	_ =	sdelay $0x1  }
0x9a: {  	s5 =	simm.s32 $_scs_section_size  }
0x9b: {  	s6 =	simm.s32 $_size__tile_overlayer_lowered;
	s7 =	simm.s32 $_tile_overlayer_lowered  }
0x9c: {  	s22 =	simm.s32 $0x1BFF;
	s21 =	sshll.u32 s7, $0x1;
	s4 =	sadd.s32 s5, s19  }
0x9d: {  	s8 =	simm.s32 $0x0;
	s20 =	sshll.u32 s6, $0x1;
	s6 =	sadd.s32 s21, s4  }
0x9e: {  	[timem:s8], [sflag:s22] =	dma.local [hbm:s6], s20  }
0x9f: {  	_ =	swait.ge [sflag:s22], s20  }
0xa0: {  	s5 =	ssub.s32 $0x0, s20;
	[sflag:s22] =	ssyncset.done $0x0  }
0xa1: {  	[sflag:s22] =	ssyncadd.s32 s5;
	_ =	sdelay $0x1  }
0xa2: {  	s23 =	simm.s32 $0x1B8B  }
0xa3: {  	_ =	swait.ge [sflag:s23], $0x1  }
0xa4: {  	[sflag:s23] =	ssyncset.done $0x0  }
0xa5: {  	s25 =	simm.s32 $0x1B8E;
	s24 =	sld [smem:$0x3FFE];
	[sflag:s23] =	ssyncadd.s32 $0xFFFFFFFF  }
0xa6: {  	s26 =	simm.s32 $execute0_lowered;
	[smem:$0x3FD2] =	sst s25  }
0xa7: {  	s6 =	sshll.u32 s26, $0x1;
	_ =	strace $0x80000046;
	[dreg:$0x1] =	wrdreg $0xFFFFFFFF  }
0xa8: {  	s28 =	simm.s32 $_size_execute0_lowered;
	s4 =	sadd.s32 s4, s6;
	[dreg:$0x0] =	wrdreg $0x0  }
0xa9: {  	s6 =	sshll.u32 s28, $0x1;
	[dreg:$0x2] =	wrdreg s4  }
0xaa: {  	[dreg:$0x3] =	wrdreg s6  }
0xab: {  	[dreg:$0x4] =	wrdreg $0xC0  }
0xac: {  	_ =	task [dreg:s8], $0x5FFFF  }
0xad: {  	[dreg:$0x1] =	wrdreg $0xFFFFFFFF  }
0xae: {  	[dreg:$0x0] =	wrdreg $0x60  }
0xaf: {  	[dreg:$0x2] =	wrdreg s24  }
0xb0: {  	[dreg:$0x3] =	wrdreg s2  }
0xb1: {  	[dreg:$0x4] =	wrdreg s18  }
0xb2: {  	[dreg:$0x5] =	wrdreg $0x9  }
0xb3: {  	_ =	task.clear_ibuf [dreg:s8], $0x6FFFF;
	_ =	strace $0x90000046  }
0xb4: {  	s29 =	simm.s32 $0x9;
	_ =	strace $0x80000048  }
0xb5: {  	_ =	swait.ge [sflag:s29], $0x1  }
0xb6: {  	[sflag:s29] =	ssyncadd.s32 $0xFFFFFFFF  }
0xb7: {  	_ =	strace $0x90000048  }
0xb8: {  	_ =	sfence  }
0xb9: {  	s30 =	sld [smem:$0x0];
	_ =	sdelay $0x2  }
0xba: {  	s31 =	sshll.u32 s1, $0xD;
	s1 =	sshrl.u32 s1, $0x2  }
0xbb: {  	s3 =	sand.u32 $0x4000, s31;
	s1 =	sadd.s32 s1, s30  }
0xbc: {  	s0 =	sor.u32 s3, s0;
	s1 =	sshll.u32 s1, $0x11  }
0xbd: {  	s0 =	sor.u32 s1, s0  }
0xbe: {  	s0 =	sadd.s32 $0x8F2B, s0  }
0xbf: {  	[sflag:s0] =	ssyncadd.remote.s32 $0x1  }
0xc0: {  	_ =	sfence.sel $0xFFFF  }
0xc1: {  	[dreg:$0x0] =	wrdreg $0xFFFFFFFF;
	(pc) =	sbr.abs _section_cstart, $3  }
0xc2: {  	[dreg:$0x1] =	wrdreg $0xFFFFFFFF  }
0xc3: {  	_ =	task.clear_ibuf [dreg:s8], $0x2FFFF;
	_ =	strace $0x9FFFFFFF  }
0xc4: {  	(tm) =	ssettm $0x7FFFFFFF  }
0xc5: {  	_ =	shalt  }
tec
execute0_lowered:
.L_overlay_start_1:
0x0: {  	(tag) =	ssettag $0x1  }
0x1: {  	s0 =	rddreg [dreg:$0x0]  }
0x2: {  	s1 =	rddreg [dreg:$0x2];
	s4 =	simm.s32 $0x0;
	s2 =	srdreg.scid  }
0x3: {  	s3 =	stileid.u32;
	s11 =	simm.s32 $0x1;
	s13 =	simm.s32 $0x2  }
0x4: {  	s17 =	simm.s32 $0x400;
	s31 =	simm.s32 $0x2000;
	s18 =	simm.s32 $0x3  }
0x5: {  	s19 =	simm.s32 $0x0;
	s2 =	sand.u32 $0x1, s2;
	s3 =	sshll.u32 s3, $0x1  }
0x6: {  	[smem:$0x7FF] =	sst s4;
	s5 =	sadd.s32 $0x800, s0;
	s4 =	sor.u32 s2, s3  }
0x7: {  	_ =	strace $0x80000047;
	s29 =	ssub.s32 $0x2, s2;
	s6 =	sshll.u32 s4, $0x8  }
0x8: {  	s2 =	sshrl.u32 s29, $0x1;
	s3 =	sshll.u32 s4, $0xF;
	s7 =	sor.u32 $0x80, s6  }
0x9: {  	p0 =	seq.s32 s4, $0x0;
	s0 =	ssub.s32 s29, s2;
	s30 =	sshll.u32 s7, $0x7  }
0xa: {  	v0 =	vimm.f32 $0.0e+00;
	s8 =	sadd.s32 s1, s3;
	s10 =	smax.u32 s0, $0x1;
	s9 =	sadd.s32 s1, s30  }
.LBB2_1:
0xb: {  	s0 =	rddreg [dreg:$0x1];
	s1 =	simm.s32 $0x0  }
0xc: {  	[tilespmem:s1], [sflag:$0x1] =	stream.linear.gather [hbm4b:s0+s1], $0x2000, $0x38;
	[tilespmem:$0x12980] =	vst v63  }
0xd: {  	[tilespmem:$0xA580] =	vst v0  }
0xe: {  	[tilespmem:$0xA590] =	vst v0  }
0xf: {  	[tilespmem:$0xA5A0] =	vst v0  }
0x10: {  	[tilespmem:$0xA5B0] =	vst v0  }
0x11: {  	[tilespmem:$0xA5C0] =	vst v0  }
0x12: {  	[tilespmem:$0xA5D0] =	vst v0  }
.Ltmp0:
0x13: {  	[tilespmem:$0xA5E0] =	vst v0;
	(pc) =	sbr.rel @p0 .LBB2_7-.Ltmp0, $4  }
0x14: {  	[tilespmem:$0xA5F0] =	vst v0  }
0x15: {  	_ =	swait.ge [sflag:s11], $0x2000  }
0x16: {  	[sflag:s11] =	ssyncset.done $0x0  }
0x17: {  	v1 =	vimm.s32 $0x0;
	s0 =	simm.s32 $0x80;
	[sflag:s11] =	ssyncadd.s32 $0xFFFFE000  }
0x18: {  	p2 =	sne.s32 s4, $0x1  }
.Ltmp1:
0x19: {  	_ = 	snop;
	(pc) =	sbr.rel @!p2 .LBB2_3-.Ltmp1, $2  }
0x1a: {  	_ =	sdelay $0x2  }
0x1b: {  	v2 =	vld [tilespmem:s0+$0xFFFFFF80];
	s1 =	sadd.s32 $0xFFFFFFFF, s4;
	p1 =	por $0x0, $0x0  }
0x1c: {  	v3 =	vld [tilespmem:s0+$0xFFFFFF90]  }
0x1d: {  	v4 =	vld [tilespmem:s0+$0xFFFFFFA0]  }
0x1e: {  	v5 =	vld [tilespmem:s0+$0xFFFFFFB0]  }
0x1f: {  	v6 =	vld [tilespmem:s0+$0xFFFFFFC0]  }
0x20: {  	v7 =	vld [tilespmem:s0+$0xFFFFFFD0];
	v2 =	vadd.s32 v1, v2  }
0x21: {  	v8 =	vld [tilespmem:s0+$0xFFFFFFE0];
	v2 =	vadd.s32 v3, v2  }
0x22: {  	v9 =	vld [tilespmem:s0+$0xFFFFFFF0];
	v2 =	vadd.s32 v4, v2  }
0x23: {  	v10 =	vld [tilespmem:s0+$0x0];
	v2 =	vadd.s32 v5, v2  }
0x24: {  	v11 =	vld [tilespmem:s0+$0x10];
	v2 =	vadd.s32 v6, v2  }
0x25: {  	v12 =	vld [tilespmem:s0+$0x20];
	v2 =	vadd.s32 v7, v2  }
0x26: {  	p2 =	sne.s32 s1, $0x1;
	v7 =	vld [tilespmem:s0+$0x30];
	v2 =	vadd.s32 v8, v2  }
.Ltmp2:
0x27: {  	v3 =	vld [tilespmem:s0+$0x40];
	v2 =	vadd.s32 v9, v2;
	(pc) =	sbr.rel @!p2 .LBB2_6-.Ltmp2, $4  }
0x28: {  	v4 =	vld [tilespmem:s0+$0x50];
	v2 =	vadd.s32 v10, v2  }
0x29: {  	v5 =	vld [tilespmem:s0+$0x60];
	v2 =	vadd.s32 v11, v2  }
0x2a: {  	v6 =	vld [tilespmem:s0+$0x70];
	s0 =	sadd.s32 $0x100, s0;
	v8 =	vadd.s32 v12, v2  }
0x2b: {  	s1 =	sadd.s32 $0xFFFFFFFF, s1;
	p1 =	por $0x1, $0x1;
	v2 =	vld [tilespmem:s0+$0xFFFFFF80];
	v7 =	vadd.s32 v7, v8  }
.LBB2_5:
0x2c: {  	p2 =	sne.s32 s1, $0x1;
	v8 =	vld [tilespmem:s0+$0xFFFFFF90];
	v3 =	vadd.s32 v3, v7  }
0x2d: {  	v7 =	vld [tilespmem:s0+$0xFFFFFFA0];
	v3 =	vadd.s32 v4, v3  }
0x2e: {  	v4 =	vld [tilespmem:s0+$0xFFFFFFB0];
	v3 =	vadd.s32 v5, v3  }
0x2f: {  	v5 =	vld [tilespmem:s0+$0xFFFFFFC0];
	v3 =	vadd.s32 v6, v3  }
0x30: {  	v2 =	vadd.s32 v3, v2;
	v3 =	vld [tilespmem:s0+$0xFFFFFFD0]  }
0x31: {  	v2 =	vadd.s32 v8, v2;
	v6 =	vld [tilespmem:s0+$0xFFFFFFE0]  }
0x32: {  	v2 =	vadd.s32 v7, v2;
	v7 =	vld [tilespmem:s0+$0xFFFFFFF0]  }
0x33: {  	v2 =	vadd.s32 v4, v2;
	v4 =	vld [tilespmem:s0+$0x0]  }
0x34: {  	v2 =	vadd.s32 v5, v2;
	v5 =	vld [tilespmem:s0+$0x10]  }
0x35: {  	v2 =	vadd.s32 v3, v2;
	v8 =	vld [tilespmem:s0+$0x20]  }
0x36: {  	v2 =	vadd.s32 v6, v2;
	v9 =	vld [tilespmem:s0+$0x30]  }
.Ltmp3:
0x37: {  	v2 =	vadd.s32 v7, v2;
	v3 =	vld [tilespmem:s0+$0x40];
	(pc) =	sbr.rel @p2 .LBB2_5-.Ltmp3, $4  }
0x38: {  	v2 =	vadd.s32 v4, v2;
	v4 =	vld [tilespmem:s0+$0x50]  }
0x39: {  	v2 =	vadd.s32 v5, v2;
	v5 =	vld [tilespmem:s0+$0x60]  }
0x3a: {  	v7 =	vadd.s32 v8, v2;
	v6 =	vld [tilespmem:s0+$0x70];
	s0 =	sadd.s32 $0x100, s0  }
0x3b: {  	s1 =	sadd.s32 $0xFFFFFFFF, s1;
	v2 =	vld [tilespmem:s0+$0xFFFFFF80];
	v7 =	vadd.s32 v9, v7  }
.LBB2_6:
0x3c: {  	v3 =	vadd.s32 @p1 v3, v7  }
0x3d: {  	v54 =	vld [tilespmem:s0+$0xFFFFFF90];
	v3 =	vadd.s32 @p1 v4, v3  }
0x3e: {  	v55 =	vld [tilespmem:s0+$0xFFFFFFA0];
	v3 =	vadd.s32 @p1 v5, v3  }
0x3f: {  	v56 =	vld [tilespmem:s0+$0xFFFFFFB0];
	v3 =	vadd.s32 @p1 v6, v3  }
0x40: {  	v57 =	vld [tilespmem:s0+$0xFFFFFFC0];
	v1 =	vpsel p1, v3, v1  }
0x41: {  	v1 =	vadd.s32 v1, v2;
	v2 =	vld [tilespmem:s0+$0xFFFFFFD0]  }
0x42: {  	v3 =	vld [tilespmem:s0+$0xFFFFFFE0];
	v1 =	vadd.s32 v54, v1  }
0x43: {  	v58 =	vld [tilespmem:s0+$0xFFFFFFF0];
	v1 =	vadd.s32 v55, v1  }
0x44: {  	v59 =	vld [tilespmem:s0+$0x0];
	v1 =	vadd.s32 v56, v1  }
0x45: {  	v60 =	vld [tilespmem:s0+$0x10];
	v1 =	vadd.s32 v57, v1  }
0x46: {  	v1 =	vadd.s32 v2, v1;
	v2 =	vld [tilespmem:s0+$0x20]  }
0x47: {  	v1 =	vadd.s32 v3, v1;
	v3 =	vld [tilespmem:s0+$0x30]  }
0x48: {  	v61 =	vld [tilespmem:s0+$0x40];
	v1 =	vadd.s32 v58, v1  }
0x49: {  	v62 =	vld [tilespmem:s0+$0x50];
	v1 =	vadd.s32 v59, v1  }
0x4a: {  	v63 =	vld [tilespmem:s0+$0x60];
	v1 =	vadd.s32 v60, v1  }
0x4b: {  	v1 =	vadd.s32 v2, v1;
	v2 =	vld [tilespmem:s0+$0x70]  }
0x4c: {  	v1 =	vadd.s32 v3, v1  }
0x4d: {  	v1 =	vadd.s32 v61, v1  }
0x4e: {  	v1 =	vadd.s32 v62, v1  }
0x4f: {  	v1 =	vadd.s32 v63, v1  }
0x50: {  	v1 =	vadd.s32 v2, v1  }
.LBB2_7:
0x51: {  	(xrf0) =	vadd.scan.msk.s32 $0xffff, v1;
	_ =	sdelay $0x5  }
0x52: {  	v1, _, _ =	vpop (xrf0)  }
0x53: {  	(v2sf) =	vpush v1, $0xF;
	_ =	sdelay $0xe  }
0x54: {  	s0 =	spop (v2sf)  }
0x55: {  	s1 =	sand.u32 $0x7, s0  }
0x56: {  	s2 =	sshra.s32 s0, $0x1F;
	p1 =	slt.s32 s0, $0x1;
	p2 =	sne.s32 s1, $0x0  }
0x57: {  	s30 =	sshrl.u32 s2, $0x1D;
	p1 =	por !p1, !p2  }
0x58: {  	s2 =	simm.s32 $0x1;
	s1 =	sadd.s32 s30, s0;
	p1 =	por !p1, !p1  }
0x59: {  	s1 =	sshra.s32 s1, $0x3;
	s2 =	simm.s32 @!p1 $0x0  }
0x5a: {  	s1 =	ssub.s32 s1, s2  }
0x5b: {  	s2 =	sshll.u32 s1, $0x7  }
0x5c: {  	s2 =	sand.u32 $0x1FFFFF80, s2  }
0x5d: {  	s3 =	simm.s32 $0x0;
	s12 =	simm.s32 $0x2180;
	s2 =	sadd.s32 s5, s2  }
0x5e: {  	[tilespmem:s12], [sflag:$0x2] =	stream.linear.gather [hbm4b:s2+s3], $0x8400, $0x38;
	[tilespmem:$0x12980] =	vst v63  }
0x5f: {  	v1 =	vld [tilespmem:s6+$0x0];
	_ =	sdelay $0x4  }
0x60: {  	(xrf0) =	vadd.scan.msk.s32 $0xffff, v1;
	_ =	sdelay $0x5  }
0x61: {  	v2, _, _ =	vpop (xrf0)  }
0x62: {  	s1 =	sshll.u32 s1, $0x3;
	(v2sf) =	vpush v2, $0xF  }
0x63: {  	s0 =	ssub.s32 s0, s1  }
0x64: {  	v3 =	vmov s0  }
0x65: {  	v3 =	vadd.s32 $0xFFFFFFFF, v3  }
0x66: {  	v3 =	vbroadcast v3, $0x0;
	_ =	sdelay $0x1  }
0x67: {  	vm0 =	veq.s32 v1, $0x0;
	v1 =	vadd.s32 v2, v3  }
0x68: {  	v1 =	vsel vm0, $0x108, v1  }
0x69: {  	[tilespmem:$0x2000] =	vst v1  }
0x6a: {  	v1 =	vld [tilespmem:s6+$0x10];
	_ =	sdelay $0x4  }
0x6b: {  	(xrf0) =	vadd.scan.msk.s32 $0xffff, v1  }
0x6c: {  	s2 =	spop (v2sf)  }
0x6d: {  	s0 =	sadd.s32 s0, s2  }
0x6e: {  	v2 =	vmov s0  }
0x6f: {  	v2 =	vadd.s32 $0xFFFFFFFF, v2  }
0x70: {  	v2 =	vbroadcast v2, $0x0  }
0x71: {  	v3, _, _ =	vpop (xrf0)  }
0x72: {  	vm13 =	veq.s32 v1, $0x0;
	(v2sf) =	vpush v3, $0xF;
	v1 =	vadd.s32 v3, v2  }
0x73: {  	v1 =	vsel vm13, $0x108, v1  }
0x74: {  	[tilespmem:$0x2010] =	vst v1  }
0x75: {  	v1 =	vld [tilespmem:s6+$0x20];
	_ =	sdelay $0x4  }
0x76: {  	(xrf0) =	vadd.scan.msk.s32 $0xffff, v1;
	_ =	sdelay $0x5  }
0x77: {  	v2, _, _ =	vpop (xrf0)  }
0x78: {  	s3 =	spop (v2sf);
	(v2sf) =	vpush v2, $0xF  }
0x79: {  	s0 =	sadd.s32 s3, s0  }
0x7a: {  	v3 =	vmov s0  }
0x7b: {  	v3 =	vadd.s32 $0xFFFFFFFF, v3  }
0x7c: {  	v3 =	vbroadcast v3, $0x0;
	_ =	sdelay $0x1  }
0x7d: {  	vm14 =	veq.s32 v1, $0x0;
	v1 =	vadd.s32 v2, v3  }
0x7e: {  	v1 =	vsel vm14, $0x108, v1  }
0x7f: {  	[tilespmem:$0x2020] =	vst v1  }
0x80: {  	v1 =	vld [tilespmem:s6+$0x30];
	_ =	sdelay $0x4  }
0x81: {  	(xrf0) =	vadd.scan.msk.s32 $0xffff, v1  }
0x82: {  	s12 =	spop (v2sf)  }
0x83: {  	s0 =	sadd.s32 s12, s0  }
0x84: {  	v2 =	vmov s0  }
0x85: {  	v2 =	vadd.s32 $0xFFFFFFFF, v2  }
0x86: {  	v2 =	vbroadcast v2, $0x0  }
0x87: {  	v3, _, _ =	vpop (xrf0)  }
0x88: {  	vm15 =	veq.s32 v1, $0x0;
	(v2sf) =	vpush v3, $0xF;
	v1 =	vadd.s32 v3, v2  }
0x89: {  	v1 =	vsel vm15, $0x108, v1  }
0x8a: {  	[tilespmem:$0x2030] =	vst v1  }
0x8b: {  	v1 =	vld [tilespmem:s6+$0x40];
	_ =	sdelay $0x4  }
0x8c: {  	(xrf0) =	vadd.scan.msk.s32 $0xffff, v1;
	_ =	sdelay $0x5  }
0x8d: {  	v2, _, _ =	vpop (xrf0)  }
0x8e: {  	s14 =	spop (v2sf);
	(v2sf) =	vpush v2, $0xF  }
0x8f: {  	s0 =	sadd.s32 s14, s0  }
0x90: {  	v3 =	vmov s0  }
0x91: {  	v3 =	vadd.s32 $0xFFFFFFFF, v3  }
0x92: {  	v3 =	vbroadcast v3, $0x0;
	_ =	sdelay $0x1  }
0x93: {  	vm4 =	veq.s32 v1, $0x0;
	v1 =	vadd.s32 v2, v3  }
0x94: {  	v1 =	vsel vm4, $0x108, v1  }
0x95: {  	[tilespmem:$0x2040] =	vst v1  }
0x96: {  	v1 =	vld [tilespmem:s6+$0x50];
	_ =	sdelay $0x4  }
0x97: {  	(xrf0) =	vadd.scan.msk.s32 $0xffff, v1  }
0x98: {  	s15 =	spop (v2sf)  }
0x99: {  	s0 =	sadd.s32 s15, s0  }
0x9a: {  	v2 =	vmov s0  }
0x9b: {  	v2 =	vadd.s32 $0xFFFFFFFF, v2  }
0x9c: {  	v2 =	vbroadcast v2, $0x0  }
0x9d: {  	v3, _, _ =	vpop (xrf0)  }
0x9e: {  	vm5 =	veq.s32 v1, $0x0;
	(v2sf) =	vpush v3, $0xF;
	v1 =	vadd.s32 v3, v2  }
0x9f: {  	v1 =	vsel vm5, $0x108, v1  }
0xa0: {  	[tilespmem:$0x2050] =	vst v1  }
0xa1: {  	v1 =	vld [tilespmem:s6+$0x60];
	_ =	sdelay $0x4  }
0xa2: {  	(xrf0) =	vadd.scan.msk.s32 $0xffff, v1;
	_ =	sdelay $0x5  }
0xa3: {  	v2, _, _ =	vpop (xrf0)  }
0xa4: {  	s16 =	spop (v2sf);
	(v2sf) =	vpush v2, $0xF  }
0xa5: {  	s0 =	sadd.s32 s16, s0  }
0xa6: {  	v3 =	vmov s0  }
0xa7: {  	v3 =	vadd.s32 $0xFFFFFFFF, v3  }
0xa8: {  	v3 =	vbroadcast v3, $0x0;
	_ =	sdelay $0x1  }
0xa9: {  	vm6 =	veq.s32 v1, $0x0;
	v1 =	vadd.s32 v2, v3  }
0xaa: {  	v1 =	vsel vm6, $0x108, v1  }
0xab: {  	[tilespmem:$0x2060] =	vst v1  }
0xac: {  	v1 =	vld [tilespmem:s6+$0x70];
	_ =	sdelay $0x4  }
0xad: {  	(xrf0) =	vadd.scan.msk.s32 $0xffff, v1  }
0xae: {  	s20 =	spop (v2sf)  }
0xaf: {  	s0 =	sadd.s32 s20, s0  }
0xb0: {  	v2 =	vmov s0  }
0xb1: {  	v2 =	vadd.s32 $0xFFFFFFFF, v2  }
0xb2: {  	v2 =	vbroadcast v2, $0x0  }
0xb3: {  	v3, _, _ =	vpop (xrf0)  }
0xb4: {  	vm7 =	veq.s32 v1, $0x0;
	(v2sf) =	vpush v3, $0xF;
	v1 =	vadd.s32 v3, v2  }
0xb5: {  	v1 =	vsel vm7, $0x108, v1  }
0xb6: {  	[tilespmem:$0x2070] =	vst v1  }
0xb7: {  	v1 =	vld [tilespmem:s7+$0x0];
	_ =	sdelay $0x4  }
0xb8: {  	(xrf0) =	vadd.scan.msk.s32 $0xffff, v1;
	_ =	sdelay $0x5  }
0xb9: {  	v2, _, _ =	vpop (xrf0)  }
0xba: {  	s21 =	spop (v2sf);
	(v2sf) =	vpush v2, $0xF  }
0xbb: {  	s0 =	sadd.s32 s21, s0  }
0xbc: {  	v3 =	vmov s0  }
0xbd: {  	v3 =	vadd.s32 $0xFFFFFFFF, v3  }
0xbe: {  	v3 =	vbroadcast v3, $0x0;
	_ =	sdelay $0x1  }
0xbf: {  	vm8 =	veq.s32 v1, $0x0;
	v1 =	vadd.s32 v2, v3  }
0xc0: {  	v1 =	vsel vm8, $0x108, v1  }
0xc1: {  	[tilespmem:$0x2080] =	vst v1  }
0xc2: {  	v1 =	vld [tilespmem:s6+$0x90];
	_ =	sdelay $0x4  }
0xc3: {  	(xrf0) =	vadd.scan.msk.s32 $0xffff, v1  }
0xc4: {  	s22 =	spop (v2sf)  }
0xc5: {  	s0 =	sadd.s32 s22, s0  }
0xc6: {  	v2 =	vmov s0  }
0xc7: {  	v2 =	vadd.s32 $0xFFFFFFFF, v2  }
0xc8: {  	v2 =	vbroadcast v2, $0x0  }
0xc9: {  	v3, _, _ =	vpop (xrf0)  }
0xca: {  	vm9 =	veq.s32 v1, $0x0;
	(v2sf) =	vpush v3, $0xF;
	v1 =	vadd.s32 v3, v2  }
0xcb: {  	v1 =	vsel vm9, $0x108, v1  }
0xcc: {  	[tilespmem:$0x2090] =	vst v1  }
0xcd: {  	v1 =	vld [tilespmem:s6+$0xA0];
	_ =	sdelay $0x4  }
0xce: {  	(xrf0) =	vadd.scan.msk.s32 $0xffff, v1;
	_ =	sdelay $0x5  }
0xcf: {  	v2, _, _ =	vpop (xrf0)  }
0xd0: {  	s23 =	spop (v2sf);
	(v2sf) =	vpush v2, $0xF  }
0xd1: {  	s0 =	sadd.s32 s23, s0  }
0xd2: {  	v3 =	vmov s0  }
0xd3: {  	v3 =	vadd.s32 $0xFFFFFFFF, v3  }
0xd4: {  	v3 =	vbroadcast v3, $0x0;
	_ =	sdelay $0x1  }
0xd5: {  	vm10 =	veq.s32 v1, $0x0;
	v1 =	vadd.s32 v2, v3  }
0xd6: {  	v1 =	vsel vm10, $0x108, v1  }
0xd7: {  	[tilespmem:$0x20A0] =	vst v1  }
0xd8: {  	v1 =	vld [tilespmem:s6+$0xB0];
	_ =	sdelay $0x4  }
0xd9: {  	(xrf0) =	vadd.scan.msk.s32 $0xffff, v1  }
0xda: {  	s24 =	spop (v2sf)  }
0xdb: {  	s0 =	sadd.s32 s24, s0  }
0xdc: {  	v2 =	vmov s0  }
0xdd: {  	v2 =	vadd.s32 $0xFFFFFFFF, v2  }
0xde: {  	v2 =	vbroadcast v2, $0x0  }
0xdf: {  	v3, _, _ =	vpop (xrf0)  }
0xe0: {  	vm11 =	veq.s32 v1, $0x0;
	(v2sf) =	vpush v3, $0xF;
	v1 =	vadd.s32 v3, v2  }
0xe1: {  	v1 =	vsel vm11, $0x108, v1  }
0xe2: {  	[tilespmem:$0x20B0] =	vst v1  }
0xe3: {  	v1 =	vld [tilespmem:s6+$0xC0];
	_ =	sdelay $0x4  }
0xe4: {  	(xrf0) =	vadd.scan.msk.s32 $0xffff, v1;
	_ =	sdelay $0x5  }
0xe5: {  	v2, _, _ =	vpop (xrf0)  }
0xe6: {  	s25 =	spop (v2sf);
	(v2sf) =	vpush v2, $0xF  }
0xe7: {  	s0 =	sadd.s32 s25, s0  }
0xe8: {  	v3 =	vmov s0  }
0xe9: {  	v3 =	vadd.s32 $0xFFFFFFFF, v3  }
0xea: {  	v3 =	vbroadcast v3, $0x0;
	_ =	sdelay $0x1  }
0xeb: {  	vm12 =	veq.s32 v1, $0x0;
	v1 =	vadd.s32 v2, v3  }
0xec: {  	v1 =	vsel vm12, $0x108, v1  }
0xed: {  	[tilespmem:$0x20C0] =	vst v1  }
0xee: {  	v1 =	vld [tilespmem:s6+$0xD0];
	_ =	sdelay $0x4  }
0xef: {  	(xrf0) =	vadd.scan.msk.s32 $0xffff, v1  }
0xf0: {  	s26 =	spop (v2sf)  }
0xf1: {  	s0 =	sadd.s32 s26, s0  }
0xf2: {  	v2 =	vmov s0  }
0xf3: {  	v2 =	vadd.s32 $0xFFFFFFFF, v2  }
0xf4: {  	v2 =	vbroadcast v2, $0x0  }
0xf5: {  	v3, _, _ =	vpop (xrf0)  }
0xf6: {  	vm13 =	veq.s32 v1, $0x0;
	(v2sf) =	vpush v3, $0xF;
	v1 =	vadd.s32 v3, v2  }
0xf7: {  	v1 =	vsel vm13, $0x108, v1  }
0xf8: {  	[tilespmem:$0x20D0] =	vst v1  }
0xf9: {  	v1 =	vld [tilespmem:s6+$0xE0];
	_ =	sdelay $0x4  }
0xfa: {  	(xrf0) =	vadd.scan.msk.s32 $0xffff, v1;
	_ =	sdelay $0x5  }
0xfb: {  	v2, _, _ =	vpop (xrf0)  }
0xfc: {  	s28 =	spop (v2sf);
	(v2sf) =	vpush v2, $0xF  }
0xfd: {  	s0 =	sadd.s32 s28, s0  }
0xfe: {  	v3 =	vmov s0  }
0xff: {  	v3 =	vadd.s32 $0xFFFFFFFF, v3  }
0x100: {  	v3 =	vbroadcast v3, $0x0;
	_ =	sdelay $0x1  }
0x101: {  	vm14 =	veq.s32 v1, $0x0;
	v1 =	vadd.s32 v2, v3  }
0x102: {  	v1 =	vsel vm14, $0x108, v1  }
0x103: {  	[tilespmem:$0x20E0] =	vst v1  }
0x104: {  	v1 =	vld [tilespmem:s6+$0xF0];
	_ =	sdelay $0x4  }
0x105: {  	(xrf0) =	vadd.scan.msk.s32 $0xffff, v1  }
0x106: {  	s29 =	spop (v2sf)  }
0x107: {  	s0 =	sadd.s32 s29, s0  }
0x108: {  	v2 =	vmov s0  }
0x109: {  	v2 =	vadd.s32 $0xFFFFFFFF, v2  }
0x10a: {  	v2 =	vbroadcast v2, $0x0  }
0x10b: {  	v3, _, _ =	vpop (xrf0)  }
0x10c: {  	vm15 =	veq.s32 v1, $0x0;
	v1 =	vadd.s32 v3, v2  }
0x10d: {  	v1 =	vsel vm15, $0x108, v1  }
0x10e: {  	[tilespmem:$0x20F0] =	vst v1  }
0x10f: {  	_ =	swait.ge [sflag:s13], $0x8400  }
0x110: {  	[sflag:s13] =	ssyncset.done $0x0  }
0x111: {  	s30 =	simm.s32 $0x0;
	[sflag:s13] =	ssyncadd.s32 $0xFFFF7C00  }
0x112: {  	v1 =	vld [tilespmem:s30+$0x2000];
	_ =	sdelay $0x4  }
0x113: {  	v1 =	vshll.u32 v1, $0x9  }
0x114: {  	v1 =	vshra.s32 v1, $0x2  }
0x115: {  	(v2sf) =	vpush v1, $0x0;
	_ =	sdelay $0xe  }
0x116: {  	s1 =	spop (v2sf)  }
0x117: {  	v2 =	vld [tilespmem:s1+$0x2180];
	_ =	sdelay $0x3  }
0x118: {  	s20 =	simm.s32 $0xAD80  }
0x119: {  	[tilespmem:s20+$0xFFFFFC00] =	vst v2  }
0x11a: {  	v2 =	vld [tilespmem:s1+$0x2190];
	_ =	sdelay $0x4  }
0x11b: {  	[tilespmem:s20+$0xFFFFFC10] =	vst v2  }
0x11c: {  	v2 =	vld [tilespmem:s1+$0x21A0];
	_ =	sdelay $0x4  }
0x11d: {  	[tilespmem:s20+$0xFFFFFC20] =	vst v2  }
0x11e: {  	v2 =	vld [tilespmem:s1+$0x21B0];
	_ =	sdelay $0x4  }
0x11f: {  	[tilespmem:s20+$0xFFFFFC30] =	vst v2  }
0x120: {  	v2 =	vld [tilespmem:s1+$0x21C0];
	_ =	sdelay $0x4  }
0x121: {  	[tilespmem:s20+$0xFFFFFC40] =	vst v2  }
0x122: {  	v2 =	vld [tilespmem:s1+$0x21D0];
	_ =	sdelay $0x1  }
0x123: {  	(v2sf) =	vpush v1, $0x1;
	_ =	sdelay $0x2  }
0x124: {  	[tilespmem:s20+$0xFFFFFC50] =	vst v2  }
0x125: {  	v2 =	vld [tilespmem:s1+$0x21E0];
	_ =	sdelay $0x4  }
0x126: {  	[tilespmem:s20+$0xFFFFFC60] =	vst v2  }
0x127: {  	v2 =	vld [tilespmem:s1+$0x21F0];
	_ =	sdelay $0x4  }
0x128: {  	s2 =	spop (v2sf);
	[tilespmem:s20+$0xFFFFFC70] =	vst v2  }
0x129: {  	v2 =	vld [tilespmem:s2+$0x2180];
	_ =	sdelay $0x4  }
0x12a: {  	[tilespmem:s20+$0xFFFFFC80] =	vst v2  }
0x12b: {  	v2 =	vld [tilespmem:s2+$0x2190];
	_ =	sdelay $0x4  }
0x12c: {  	[tilespmem:s20+$0xFFFFFC90] =	vst v2  }
0x12d: {  	v2 =	vld [tilespmem:s2+$0x21A0];
	_ =	sdelay $0x4  }
0x12e: {  	[tilespmem:s20+$0xFFFFFCA0] =	vst v2  }
0x12f: {  	v2 =	vld [tilespmem:s2+$0x21B0];
	_ =	sdelay $0x4  }
0x130: {  	[tilespmem:s20+$0xFFFFFCB0] =	vst v2  }
0x131: {  	v2 =	vld [tilespmem:s2+$0x21C0];
	_ =	sdelay $0x4  }
0x132: {  	[tilespmem:s20+$0xFFFFFCC0] =	vst v2  }
0x133: {  	v2 =	vld [tilespmem:s2+$0x21D0];
	_ =	sdelay $0x1  }
0x134: {  	(v2sf) =	vpush v1, $0x2;
	_ =	sdelay $0x2  }
0x135: {  	[tilespmem:s20+$0xFFFFFCD0] =	vst v2  }
0x136: {  	v2 =	vld [tilespmem:s2+$0x21E0];
	_ =	sdelay $0x4  }
0x137: {  	[tilespmem:s20+$0xFFFFFCE0] =	vst v2  }
0x138: {  	v2 =	vld [tilespmem:s2+$0x21F0];
	_ =	sdelay $0x4  }
0x139: {  	s3 =	spop (v2sf);
	[tilespmem:s20+$0xFFFFFCF0] =	vst v2  }
0x13a: {  	v2 =	vld [tilespmem:s3+$0x2180];
	_ =	sdelay $0x4  }
0x13b: {  	[tilespmem:s20+$0xFFFFFD00] =	vst v2  }
0x13c: {  	v2 =	vld [tilespmem:s3+$0x2190];
	_ =	sdelay $0x4  }
0x13d: {  	[tilespmem:s20+$0xFFFFFD10] =	vst v2  }
0x13e: {  	v2 =	vld [tilespmem:s3+$0x21A0];
	_ =	sdelay $0x4  }
0x13f: {  	[tilespmem:s20+$0xFFFFFD20] =	vst v2  }
0x140: {  	v2 =	vld [tilespmem:s3+$0x21B0];
	_ =	sdelay $0x4  }
0x141: {  	[tilespmem:s20+$0xFFFFFD30] =	vst v2  }
0x142: {  	v2 =	vld [tilespmem:s3+$0x21C0];
	_ =	sdelay $0x4  }
0x143: {  	[tilespmem:s20+$0xFFFFFD40] =	vst v2  }
0x144: {  	v2 =	vld [tilespmem:s3+$0x21D0];
	_ =	sdelay $0x1  }
0x145: {  	(v2sf) =	vpush v1, $0x3;
	_ =	sdelay $0x2  }
0x146: {  	[tilespmem:s20+$0xFFFFFD50] =	vst v2  }
0x147: {  	v2 =	vld [tilespmem:s3+$0x21E0];
	_ =	sdelay $0x4  }
0x148: {  	[tilespmem:s20+$0xFFFFFD60] =	vst v2  }
0x149: {  	v2 =	vld [tilespmem:s3+$0x21F0];
	_ =	sdelay $0x4  }
0x14a: {  	s12 =	spop (v2sf);
	[tilespmem:s20+$0xFFFFFD70] =	vst v2  }
0x14b: {  	v2 =	vld [tilespmem:s12+$0x2180];
	_ =	sdelay $0x4  }
0x14c: {  	[tilespmem:s20+$0xFFFFFD80] =	vst v2  }
0x14d: {  	v2 =	vld [tilespmem:s12+$0x2190];
	_ =	sdelay $0x4  }
0x14e: {  	[tilespmem:s20+$0xFFFFFD90] =	vst v2  }
0x14f: {  	v2 =	vld [tilespmem:s12+$0x21A0];
	_ =	sdelay $0x4  }
0x150: {  	[tilespmem:s20+$0xFFFFFDA0] =	vst v2  }
0x151: {  	v2 =	vld [tilespmem:s12+$0x21B0];
	_ =	sdelay $0x4  }
0x152: {  	[tilespmem:s20+$0xFFFFFDB0] =	vst v2  }
0x153: {  	v2 =	vld [tilespmem:s12+$0x21C0];
	_ =	sdelay $0x4  }
0x154: {  	[tilespmem:s20+$0xFFFFFDC0] =	vst v2  }
0x155: {  	v2 =	vld [tilespmem:s12+$0x21D0];
	_ =	sdelay $0x1  }
0x156: {  	(v2sf) =	vpush v1, $0x4;
	_ =	sdelay $0x2  }
0x157: {  	[tilespmem:s20+$0xFFFFFDD0] =	vst v2  }
0x158: {  	v2 =	vld [tilespmem:s12+$0x21E0];
	_ =	sdelay $0x4  }
0x159: {  	[tilespmem:s20+$0xFFFFFDE0] =	vst v2  }
0x15a: {  	v2 =	vld [tilespmem:s12+$0x21F0];
	_ =	sdelay $0x4  }
0x15b: {  	s14 =	spop (v2sf);
	[tilespmem:s20+$0xFFFFFDF0] =	vst v2  }
0x15c: {  	v2 =	vld [tilespmem:s14+$0x2180];
	_ =	sdelay $0x4  }
0x15d: {  	[tilespmem:s20+$0xFFFFFE00] =	vst v2  }
0x15e: {  	v2 =	vld [tilespmem:s14+$0x2190];
	_ =	sdelay $0x4  }
0x15f: {  	[tilespmem:s20+$0xFFFFFE10] =	vst v2  }
0x160: {  	v2 =	vld [tilespmem:s14+$0x21A0];
	_ =	sdelay $0x4  }
0x161: {  	[tilespmem:s20+$0xFFFFFE20] =	vst v2  }
0x162: {  	v2 =	vld [tilespmem:s14+$0x21B0];
	_ =	sdelay $0x4  }
0x163: {  	[tilespmem:s20+$0xFFFFFE30] =	vst v2  }
0x164: {  	v2 =	vld [tilespmem:s14+$0x21C0];
	_ =	sdelay $0x4  }
0x165: {  	[tilespmem:s20+$0xFFFFFE40] =	vst v2  }
0x166: {  	v2 =	vld [tilespmem:s14+$0x21D0];
	_ =	sdelay $0x1  }
0x167: {  	(v2sf) =	vpush v1, $0x5;
	_ =	sdelay $0x2  }
0x168: {  	[tilespmem:s20+$0xFFFFFE50] =	vst v2  }
0x169: {  	v2 =	vld [tilespmem:s14+$0x21E0];
	_ =	sdelay $0x4  }
0x16a: {  	[tilespmem:s20+$0xFFFFFE60] =	vst v2  }
0x16b: {  	v2 =	vld [tilespmem:s14+$0x21F0];
	_ =	sdelay $0x4  }
0x16c: {  	s15 =	spop (v2sf);
	[tilespmem:s20+$0xFFFFFE70] =	vst v2  }
0x16d: {  	v2 =	vld [tilespmem:s15+$0x2180];
	_ =	sdelay $0x4  }
0x16e: {  	[tilespmem:s20+$0xFFFFFE80] =	vst v2  }
0x16f: {  	v2 =	vld [tilespmem:s15+$0x2190];
	_ =	sdelay $0x4  }
0x170: {  	[tilespmem:s20+$0xFFFFFE90] =	vst v2  }
0x171: {  	v2 =	vld [tilespmem:s15+$0x21A0];
	_ =	sdelay $0x4  }
0x172: {  	[tilespmem:s20+$0xFFFFFEA0] =	vst v2  }
0x173: {  	v2 =	vld [tilespmem:s15+$0x21B0];
	_ =	sdelay $0x4  }
0x174: {  	[tilespmem:s20+$0xFFFFFEB0] =	vst v2  }
0x175: {  	v2 =	vld [tilespmem:s15+$0x21C0];
	_ =	sdelay $0x4  }
0x176: {  	[tilespmem:s20+$0xFFFFFEC0] =	vst v2  }
0x177: {  	v2 =	vld [tilespmem:s15+$0x21D0];
	_ =	sdelay $0x1  }
0x178: {  	(v2sf) =	vpush v1, $0x6;
	_ =	sdelay $0x2  }
0x179: {  	[tilespmem:s20+$0xFFFFFED0] =	vst v2  }
0x17a: {  	v2 =	vld [tilespmem:s15+$0x21E0];
	_ =	sdelay $0x4  }
0x17b: {  	[tilespmem:s20+$0xFFFFFEE0] =	vst v2  }
0x17c: {  	v2 =	vld [tilespmem:s15+$0x21F0];
	_ =	sdelay $0x4  }
0x17d: {  	s16 =	spop (v2sf);
	[tilespmem:s20+$0xFFFFFEF0] =	vst v2  }
0x17e: {  	v2 =	vld [tilespmem:s16+$0x2180];
	_ =	sdelay $0x4  }
0x17f: {  	[tilespmem:s20+$0xFFFFFF00] =	vst v2  }
0x180: {  	v2 =	vld [tilespmem:s16+$0x2190];
	_ =	sdelay $0x4  }
0x181: {  	[tilespmem:s20+$0xFFFFFF10] =	vst v2  }
0x182: {  	v2 =	vld [tilespmem:s16+$0x21A0];
	_ =	sdelay $0x4  }
0x183: {  	[tilespmem:s20+$0xFFFFFF20] =	vst v2  }
0x184: {  	v2 =	vld [tilespmem:s16+$0x21B0];
	_ =	sdelay $0x4  }
0x185: {  	[tilespmem:s20+$0xFFFFFF30] =	vst v2  }
0x186: {  	v2 =	vld [tilespmem:s16+$0x21C0];
	_ =	sdelay $0x4  }
0x187: {  	[tilespmem:s20+$0xFFFFFF40] =	vst v2  }
0x188: {  	v2 =	vld [tilespmem:s16+$0x21D0];
	_ =	sdelay $0x1  }
0x189: {  	(v2sf) =	vpush v1, $0x7;
	_ =	sdelay $0x2  }
0x18a: {  	[tilespmem:s20+$0xFFFFFF50] =	vst v2  }
0x18b: {  	v2 =	vld [tilespmem:s16+$0x21E0];
	_ =	sdelay $0x4  }
0x18c: {  	[tilespmem:s20+$0xFFFFFF60] =	vst v2  }
0x18d: {  	v2 =	vld [tilespmem:s16+$0x21F0];
	_ =	sdelay $0x4  }
0x18e: {  	s21 =	spop (v2sf);
	[tilespmem:s20+$0xFFFFFF70] =	vst v2  }
0x18f: {  	v2 =	vld [tilespmem:s21+$0x2180];
	_ =	sdelay $0x4  }
0x190: {  	[tilespmem:s20+$0xFFFFFF80] =	vst v2  }
0x191: {  	v2 =	vld [tilespmem:s21+$0x2190];
	_ =	sdelay $0x4  }
0x192: {  	[tilespmem:s20+$0xFFFFFF90] =	vst v2  }
0x193: {  	v2 =	vld [tilespmem:s21+$0x21A0];
	_ =	sdelay $0x4  }
0x194: {  	[tilespmem:s20+$0xFFFFFFA0] =	vst v2  }
0x195: {  	v2 =	vld [tilespmem:s21+$0x21B0];
	_ =	sdelay $0x4  }
0x196: {  	[tilespmem:s20+$0xFFFFFFB0] =	vst v2  }
0x197: {  	v2 =	vld [tilespmem:s21+$0x21C0];
	_ =	sdelay $0x4  }
0x198: {  	[tilespmem:s20+$0xFFFFFFC0] =	vst v2  }
0x199: {  	v2 =	vld [tilespmem:s21+$0x21D0];
	_ =	sdelay $0x1  }
0x19a: {  	(v2sf) =	vpush v1, $0x8;
	_ =	sdelay $0x2  }
0x19b: {  	[tilespmem:s20+$0xFFFFFFD0] =	vst v2  }
0x19c: {  	v2 =	vld [tilespmem:s21+$0x21E0];
	_ =	sdelay $0x4  }
0x19d: {  	[tilespmem:s20+$0xFFFFFFE0] =	vst v2  }
0x19e: {  	v2 =	vld [tilespmem:s21+$0x21F0];
	_ =	sdelay $0x4  }
0x19f: {  	s22 =	spop (v2sf);
	[tilespmem:s20+$0xFFFFFFF0] =	vst v2  }
0x1a0: {  	v2 =	vld [tilespmem:s22+$0x2180];
	_ =	sdelay $0x4  }
0x1a1: {  	[tilespmem:s20+$0x0] =	vst v2  }
0x1a2: {  	v2 =	vld [tilespmem:s22+$0x2190];
	_ =	sdelay $0x4  }
0x1a3: {  	[tilespmem:s20+$0x10] =	vst v2  }
0x1a4: {  	v2 =	vld [tilespmem:s22+$0x21A0];
	_ =	sdelay $0x4  }
0x1a5: {  	[tilespmem:s20+$0x20] =	vst v2  }
0x1a6: {  	v2 =	vld [tilespmem:s22+$0x21B0];
	_ =	sdelay $0x4  }
0x1a7: {  	[tilespmem:s20+$0x30] =	vst v2  }
0x1a8: {  	v2 =	vld [tilespmem:s22+$0x21C0];
	_ =	sdelay $0x4  }
0x1a9: {  	[tilespmem:s20+$0x40] =	vst v2  }
0x1aa: {  	v2 =	vld [tilespmem:s22+$0x21D0];
	_ =	sdelay $0x1  }
0x1ab: {  	(v2sf) =	vpush v1, $0x9;
	_ =	sdelay $0x2  }
0x1ac: {  	[tilespmem:s20+$0x50] =	vst v2  }
0x1ad: {  	v2 =	vld [tilespmem:s22+$0x21E0];
	_ =	sdelay $0x4  }
0x1ae: {  	[tilespmem:s20+$0x60] =	vst v2  }
0x1af: {  	v2 =	vld [tilespmem:s22+$0x21F0];
	_ =	sdelay $0x4  }
0x1b0: {  	s23 =	spop (v2sf);
	[tilespmem:s20+$0x70] =	vst v2  }
0x1b1: {  	v2 =	vld [tilespmem:s23+$0x2180];
	_ =	sdelay $0x4  }
0x1b2: {  	[tilespmem:s20+$0x80] =	vst v2  }
0x1b3: {  	v2 =	vld [tilespmem:s23+$0x2190];
	_ =	sdelay $0x4  }
0x1b4: {  	[tilespmem:s20+$0x90] =	vst v2  }
0x1b5: {  	v2 =	vld [tilespmem:s23+$0x21A0];
	_ =	sdelay $0x4  }
0x1b6: {  	[tilespmem:s20+$0xA0] =	vst v2  }
0x1b7: {  	v2 =	vld [tilespmem:s23+$0x21B0];
	_ =	sdelay $0x4  }
0x1b8: {  	[tilespmem:s20+$0xB0] =	vst v2  }
0x1b9: {  	v2 =	vld [tilespmem:s23+$0x21C0];
	_ =	sdelay $0x4  }
0x1ba: {  	[tilespmem:s20+$0xC0] =	vst v2  }
0x1bb: {  	v2 =	vld [tilespmem:s23+$0x21D0];
	_ =	sdelay $0x1  }
0x1bc: {  	(v2sf) =	vpush v1, $0xA;
	_ =	sdelay $0x2  }
0x1bd: {  	[tilespmem:s20+$0xD0] =	vst v2  }
0x1be: {  	v2 =	vld [tilespmem:s23+$0x21E0];
	_ =	sdelay $0x4  }
0x1bf: {  	[tilespmem:s20+$0xE0] =	vst v2  }
0x1c0: {  	v2 =	vld [tilespmem:s23+$0x21F0];
	_ =	sdelay $0x4  }
0x1c1: {  	s24 =	spop (v2sf);
	[tilespmem:s20+$0xF0] =	vst v2  }
0x1c2: {  	v2 =	vld [tilespmem:s24+$0x2180];
	_ =	sdelay $0x4  }
0x1c3: {  	[tilespmem:s20+$0x100] =	vst v2  }
0x1c4: {  	v2 =	vld [tilespmem:s24+$0x2190];
	_ =	sdelay $0x4  }
0x1c5: {  	[tilespmem:s20+$0x110] =	vst v2  }
0x1c6: {  	v2 =	vld [tilespmem:s24+$0x21A0];
	_ =	sdelay $0x4  }
0x1c7: {  	[tilespmem:s20+$0x120] =	vst v2  }
0x1c8: {  	v2 =	vld [tilespmem:s24+$0x21B0];
	_ =	sdelay $0x4  }
0x1c9: {  	[tilespmem:s20+$0x130] =	vst v2  }
0x1ca: {  	v2 =	vld [tilespmem:s24+$0x21C0];
	_ =	sdelay $0x4  }
0x1cb: {  	[tilespmem:s20+$0x140] =	vst v2  }
0x1cc: {  	v2 =	vld [tilespmem:s24+$0x21D0];
	_ =	sdelay $0x1  }
0x1cd: {  	(v2sf) =	vpush v1, $0xB;
	_ =	sdelay $0x2  }
0x1ce: {  	[tilespmem:s20+$0x150] =	vst v2  }
0x1cf: {  	v2 =	vld [tilespmem:s24+$0x21E0];
	_ =	sdelay $0x4  }
0x1d0: {  	[tilespmem:s20+$0x160] =	vst v2  }
0x1d1: {  	v2 =	vld [tilespmem:s24+$0x21F0];
	_ =	sdelay $0x4  }
0x1d2: {  	s25 =	spop (v2sf);
	[tilespmem:s20+$0x170] =	vst v2  }
0x1d3: {  	v2 =	vld [tilespmem:s25+$0x2180];
	_ =	sdelay $0x4  }
0x1d4: {  	[tilespmem:s20+$0x180] =	vst v2  }
0x1d5: {  	v2 =	vld [tilespmem:s25+$0x2190];
	_ =	sdelay $0x4  }
0x1d6: {  	[tilespmem:s20+$0x190] =	vst v2  }
0x1d7: {  	v2 =	vld [tilespmem:s25+$0x21A0];
	_ =	sdelay $0x4  }
0x1d8: {  	[tilespmem:s20+$0x1A0] =	vst v2  }
0x1d9: {  	v2 =	vld [tilespmem:s25+$0x21B0];
	_ =	sdelay $0x4  }
0x1da: {  	[tilespmem:s20+$0x1B0] =	vst v2  }
0x1db: {  	v2 =	vld [tilespmem:s25+$0x21C0];
	_ =	sdelay $0x4  }
0x1dc: {  	[tilespmem:s20+$0x1C0] =	vst v2  }
0x1dd: {  	v2 =	vld [tilespmem:s25+$0x21D0];
	_ =	sdelay $0x1  }
0x1de: {  	(v2sf) =	vpush v1, $0xC;
	_ =	sdelay $0x2  }
0x1df: {  	[tilespmem:s20+$0x1D0] =	vst v2  }
0x1e0: {  	v2 =	vld [tilespmem:s25+$0x21E0];
	_ =	sdelay $0x4  }
0x1e1: {  	[tilespmem:s20+$0x1E0] =	vst v2  }
0x1e2: {  	v2 =	vld [tilespmem:s25+$0x21F0];
	_ =	sdelay $0x4  }
0x1e3: {  	s26 =	spop (v2sf);
	[tilespmem:s20+$0x1F0] =	vst v2  }
0x1e4: {  	v2 =	vld [tilespmem:s26+$0x2180];
	_ =	sdelay $0x4  }
0x1e5: {  	[tilespmem:s20+$0x200] =	vst v2  }
0x1e6: {  	v2 =	vld [tilespmem:s26+$0x2190];
	_ =	sdelay $0x4  }
0x1e7: {  	[tilespmem:s20+$0x210] =	vst v2  }
0x1e8: {  	v2 =	vld [tilespmem:s26+$0x21A0];
	_ =	sdelay $0x4  }
0x1e9: {  	[tilespmem:s20+$0x220] =	vst v2  }
0x1ea: {  	v2 =	vld [tilespmem:s26+$0x21B0];
	_ =	sdelay $0x4  }
0x1eb: {  	[tilespmem:s20+$0x230] =	vst v2  }
0x1ec: {  	v2 =	vld [tilespmem:s26+$0x21C0];
	_ =	sdelay $0x4  }
0x1ed: {  	[tilespmem:s20+$0x240] =	vst v2  }
0x1ee: {  	v2 =	vld [tilespmem:s26+$0x21D0];
	_ =	sdelay $0x1  }
0x1ef: {  	(v2sf) =	vpush v1, $0xD;
	_ =	sdelay $0x2  }
0x1f0: {  	[tilespmem:s20+$0x250] =	vst v2  }
0x1f1: {  	v2 =	vld [tilespmem:s26+$0x21E0];
	_ =	sdelay $0x4  }
0x1f2: {  	[tilespmem:s20+$0x260] =	vst v2  }
0x1f3: {  	v2 =	vld [tilespmem:s26+$0x21F0];
	_ =	sdelay $0x4  }
0x1f4: {  	s28 =	spop (v2sf);
	[tilespmem:s20+$0x270] =	vst v2  }
0x1f5: {  	v2 =	vld [tilespmem:s28+$0x2180];
	_ =	sdelay $0x4  }
0x1f6: {  	[tilespmem:s20+$0x280] =	vst v2  }
0x1f7: {  	v2 =	vld [tilespmem:s28+$0x2190];
	_ =	sdelay $0x4  }
0x1f8: {  	[tilespmem:s20+$0x290] =	vst v2  }
0x1f9: {  	v2 =	vld [tilespmem:s28+$0x21A0];
	_ =	sdelay $0x4  }
0x1fa: {  	[tilespmem:s20+$0x2A0] =	vst v2  }
0x1fb: {  	v2 =	vld [tilespmem:s28+$0x21B0];
	_ =	sdelay $0x4  }
0x1fc: {  	[tilespmem:s20+$0x2B0] =	vst v2  }
0x1fd: {  	v2 =	vld [tilespmem:s28+$0x21C0];
	_ =	sdelay $0x4  }
0x1fe: {  	[tilespmem:s20+$0x2C0] =	vst v2  }
0x1ff: {  	v2 =	vld [tilespmem:s28+$0x21D0];
	_ =	sdelay $0x1  }
0x200: {  	(v2sf) =	vpush v1, $0xE;
	_ =	sdelay $0x2  }
0x201: {  	[tilespmem:s20+$0x2D0] =	vst v2  }
0x202: {  	v2 =	vld [tilespmem:s28+$0x21E0];
	_ =	sdelay $0x4  }
0x203: {  	[tilespmem:s20+$0x2E0] =	vst v2  }
0x204: {  	v2 =	vld [tilespmem:s28+$0x21F0];
	_ =	sdelay $0x4  }
0x205: {  	s29 =	spop (v2sf);
	[tilespmem:s20+$0x2F0] =	vst v2  }
0x206: {  	v2 =	vld [tilespmem:s29+$0x2180];
	_ =	sdelay $0x4  }
0x207: {  	[tilespmem:s20+$0x300] =	vst v2  }
0x208: {  	v2 =	vld [tilespmem:s29+$0x2190];
	_ =	sdelay $0x4  }
0x209: {  	[tilespmem:s20+$0x310] =	vst v2  }
0x20a: {  	v2 =	vld [tilespmem:s29+$0x21A0];
	_ =	sdelay $0x4  }
0x20b: {  	[tilespmem:s20+$0x320] =	vst v2  }
0x20c: {  	v2 =	vld [tilespmem:s29+$0x21B0];
	_ =	sdelay $0x4  }
0x20d: {  	[tilespmem:s20+$0x330] =	vst v2  }
0x20e: {  	v2 =	vld [tilespmem:s29+$0x21C0];
	_ =	sdelay $0x4  }
0x20f: {  	[tilespmem:s20+$0x340] =	vst v2  }
0x210: {  	v2 =	vld [tilespmem:s29+$0x21D0];
	_ =	sdelay $0x1  }
0x211: {  	(v2sf) =	vpush v1, $0xF;
	_ =	sdelay $0x2  }
0x212: {  	[tilespmem:s20+$0x350] =	vst v2  }
0x213: {  	v1 =	vld [tilespmem:s29+$0x21E0];
	_ =	sdelay $0x4  }
0x214: {  	[tilespmem:s20+$0x360] =	vst v1  }
0x215: {  	v1 =	vld [tilespmem:s29+$0x21F0];
	_ =	sdelay $0x4  }
0x216: {  	s30 =	spop (v2sf);
	[tilespmem:s20+$0x370] =	vst v1  }
0x217: {  	v1 =	vld [tilespmem:s30+$0x2180];
	_ =	sdelay $0x4  }
0x218: {  	[tilespmem:s20+$0x380] =	vst v1  }
0x219: {  	v1 =	vld [tilespmem:s30+$0x2190];
	_ =	sdelay $0x4  }
0x21a: {  	[tilespmem:s20+$0x390] =	vst v1  }
0x21b: {  	v1 =	vld [tilespmem:s30+$0x21A0];
	_ =	sdelay $0x4  }
0x21c: {  	[tilespmem:s20+$0x3A0] =	vst v1  }
0x21d: {  	v1 =	vld [tilespmem:s30+$0x21B0];
	_ =	sdelay $0x4  }
0x21e: {  	[tilespmem:s20+$0x3B0] =	vst v1  }
0x21f: {  	v1 =	vld [tilespmem:s30+$0x21C0];
	_ =	sdelay $0x4  }
0x220: {  	[tilespmem:s20+$0x3C0] =	vst v1  }
0x221: {  	v1 =	vld [tilespmem:s30+$0x21D0];
	_ =	sdelay $0x4  }
0x222: {  	[tilespmem:s20+$0x3D0] =	vst v1  }
0x223: {  	v1 =	vld [tilespmem:s30+$0x21E0];
	_ =	sdelay $0x4  }
0x224: {  	[tilespmem:s20+$0x3E0] =	vst v1  }
0x225: {  	v1 =	vld [tilespmem:s30+$0x21F0];
	_ =	sdelay $0x4  }
0x226: {  	s0 =	simm.s32 $0x10;
	s21 =	simm.s32 $0x80;
	[tilespmem:s20+$0x3F0] =	vst v1  }
.LBB2_8:
0x227: {  	p1 =	sne.s32 s21, $0x1C0;
	v1 =	vld [tilespmem:s0+$0x2000];
	_ =	sdelay $0x4  }
0x228: {  	v1 =	vshll.u32 v1, $0x9  }
0x229: {  	v1 =	vshra.s32 v1, $0x2  }
0x22a: {  	(v2sf) =	vpush v1, $0x0  }
0x22b: {  	(v2sf) =	vpush v1, $0x1  }
0x22c: {  	(v2sf) =	vpush v1, $0x2  }
0x22d: {  	(v2sf) =	vpush v1, $0x3  }
0x22e: {  	(v2sf) =	vpush v1, $0x4  }
0x22f: {  	(v2sf) =	vpush v1, $0x5  }
0x230: {  	(v2sf) =	vpush v1, $0x6  }
0x231: {  	(v2sf) =	vpush v1, $0x7  }
0x232: {  	(v2sf) =	vpush v1, $0x8  }
0x233: {  	(v2sf) =	vpush v1, $0x9  }
0x234: {  	(v2sf) =	vpush v1, $0xA  }
0x235: {  	(v2sf) =	vpush v1, $0xB  }
0x236: {  	(v2sf) =	vpush v1, $0xC  }
0x237: {  	(v2sf) =	vpush v1, $0xD  }
0x238: {  	(v2sf) =	vpush v1, $0xE  }
0x239: {  	s15 =	spop (v2sf);
	(v2sf) =	vpush v1, $0xF  }
0x23a: {  	v1 =	vld [tilespmem:s15+$0x2180];
	s14 =	spop (v2sf)  }
0x23b: {  	s3 =	spop (v2sf)  }
0x23c: {  	s16 =	spop (v2sf)  }
0x23d: {  	s12 =	spop (v2sf)  }
0x23e: {  	s20 =	sadd.s32 $0x800, s20;
	s1 =	spop (v2sf)  }
0x23f: {  	[tilespmem:s20+$0xFFFFFC00] =	vst v1;
	s2 =	spop (v2sf)  }
0x240: {  	v1 =	vld [tilespmem:s15+$0x2190];
	s0 =	spop (v2sf)  }
0x241: {  	s30 =	spop (v2sf)  }
0x242: {  	s29 =	spop (v2sf)  }
0x243: {  	s28 =	spop (v2sf)  }
0x244: {  	s26 =	spop (v2sf)  }
0x245: {  	[tilespmem:s20+$0xFFFFFC10] =	vst v1;
	s25 =	spop (v2sf)  }
0x246: {  	v1 =	vld [tilespmem:s15+$0x21A0];
	s24 =	spop (v2sf)  }
0x247: {  	s23 =	spop (v2sf)  }
0x248: {  	s22 =	spop (v2sf);
	_ =	sdelay $0x2  }
0x249: {  	[tilespmem:s20+$0xFFFFFC20] =	vst v1  }
0x24a: {  	v1 =	vld [tilespmem:s15+$0x21B0];
	_ =	sdelay $0x4  }
0x24b: {  	[tilespmem:s20+$0xFFFFFC30] =	vst v1  }
0x24c: {  	v1 =	vld [tilespmem:s15+$0x21C0];
	_ =	sdelay $0x4  }
0x24d: {  	[tilespmem:s20+$0xFFFFFC40] =	vst v1  }
0x24e: {  	v1 =	vld [tilespmem:s15+$0x21D0];
	_ =	sdelay $0x4  }
0x24f: {  	[tilespmem:s20+$0xFFFFFC50] =	vst v1  }
0x250: {  	v1 =	vld [tilespmem:s15+$0x21E0];
	_ =	sdelay $0x4  }
0x251: {  	[tilespmem:s20+$0xFFFFFC60] =	vst v1  }
0x252: {  	v1 =	vld [tilespmem:s15+$0x21F0];
	_ =	sdelay $0x4  }
0x253: {  	[tilespmem:s20+$0xFFFFFC70] =	vst v1  }
0x254: {  	v1 =	vld [tilespmem:s14+$0x2180];
	_ =	sdelay $0x4  }
0x255: {  	[tilespmem:s20+$0xFFFFFC80] =	vst v1  }
0x256: {  	v1 =	vld [tilespmem:s14+$0x2190];
	_ =	sdelay $0x4  }
0x257: {  	[tilespmem:s20+$0xFFFFFC90] =	vst v1  }
0x258: {  	v1 =	vld [tilespmem:s14+$0x21A0];
	_ =	sdelay $0x4  }
0x259: {  	[tilespmem:s20+$0xFFFFFCA0] =	vst v1  }
0x25a: {  	v1 =	vld [tilespmem:s14+$0x21B0];
	_ =	sdelay $0x4  }
0x25b: {  	[tilespmem:s20+$0xFFFFFCB0] =	vst v1  }
0x25c: {  	v1 =	vld [tilespmem:s14+$0x21C0];
	_ =	sdelay $0x4  }
0x25d: {  	[tilespmem:s20+$0xFFFFFCC0] =	vst v1  }
0x25e: {  	v1 =	vld [tilespmem:s14+$0x21D0];
	_ =	sdelay $0x4  }
0x25f: {  	[tilespmem:s20+$0xFFFFFCD0] =	vst v1  }
0x260: {  	v1 =	vld [tilespmem:s14+$0x21E0];
	_ =	sdelay $0x4  }
0x261: {  	[tilespmem:s20+$0xFFFFFCE0] =	vst v1  }
0x262: {  	v1 =	vld [tilespmem:s14+$0x21F0];
	_ =	sdelay $0x4  }
0x263: {  	[tilespmem:s20+$0xFFFFFCF0] =	vst v1  }
0x264: {  	v1 =	vld [tilespmem:s3+$0x2180];
	_ =	sdelay $0x4  }
0x265: {  	[tilespmem:s20+$0xFFFFFD00] =	vst v1  }
0x266: {  	v1 =	vld [tilespmem:s3+$0x2190];
	_ =	sdelay $0x4  }
0x267: {  	[tilespmem:s20+$0xFFFFFD10] =	vst v1  }
0x268: {  	v1 =	vld [tilespmem:s3+$0x21A0];
	_ =	sdelay $0x4  }
0x269: {  	[tilespmem:s20+$0xFFFFFD20] =	vst v1  }
0x26a: {  	v1 =	vld [tilespmem:s3+$0x21B0];
	_ =	sdelay $0x4  }
0x26b: {  	[tilespmem:s20+$0xFFFFFD30] =	vst v1  }
0x26c: {  	v1 =	vld [tilespmem:s3+$0x21C0];
	_ =	sdelay $0x4  }
0x26d: {  	[tilespmem:s20+$0xFFFFFD40] =	vst v1  }
0x26e: {  	v1 =	vld [tilespmem:s3+$0x21D0];
	_ =	sdelay $0x4  }
0x26f: {  	[tilespmem:s20+$0xFFFFFD50] =	vst v1  }
0x270: {  	v1 =	vld [tilespmem:s3+$0x21E0];
	_ =	sdelay $0x4  }
0x271: {  	[tilespmem:s20+$0xFFFFFD60] =	vst v1  }
0x272: {  	v1 =	vld [tilespmem:s3+$0x21F0];
	_ =	sdelay $0x4  }
0x273: {  	[tilespmem:s20+$0xFFFFFD70] =	vst v1  }
0x274: {  	v1 =	vld [tilespmem:s16+$0x2180];
	_ =	sdelay $0x4  }
0x275: {  	[tilespmem:s20+$0xFFFFFD80] =	vst v1  }
0x276: {  	v1 =	vld [tilespmem:s16+$0x2190];
	_ =	sdelay $0x4  }
0x277: {  	[tilespmem:s20+$0xFFFFFD90] =	vst v1  }
0x278: {  	v1 =	vld [tilespmem:s16+$0x21A0];
	_ =	sdelay $0x4  }
0x279: {  	[tilespmem:s20+$0xFFFFFDA0] =	vst v1  }
0x27a: {  	v1 =	vld [tilespmem:s16+$0x21B0];
	_ =	sdelay $0x4  }
0x27b: {  	[tilespmem:s20+$0xFFFFFDB0] =	vst v1  }
0x27c: {  	v1 =	vld [tilespmem:s16+$0x21C0];
	_ =	sdelay $0x4  }
0x27d: {  	[tilespmem:s20+$0xFFFFFDC0] =	vst v1  }
0x27e: {  	v1 =	vld [tilespmem:s16+$0x21D0];
	_ =	sdelay $0x4  }
0x27f: {  	[tilespmem:s20+$0xFFFFFDD0] =	vst v1  }
0x280: {  	v1 =	vld [tilespmem:s16+$0x21E0];
	_ =	sdelay $0x4  }
0x281: {  	[tilespmem:s20+$0xFFFFFDE0] =	vst v1  }
0x282: {  	v1 =	vld [tilespmem:s16+$0x21F0];
	_ =	sdelay $0x4  }
0x283: {  	[tilespmem:s20+$0xFFFFFDF0] =	vst v1  }
0x284: {  	v1 =	vld [tilespmem:s12+$0x2180];
	_ =	sdelay $0x4  }
0x285: {  	[tilespmem:s20+$0xFFFFFE00] =	vst v1  }
0x286: {  	v1 =	vld [tilespmem:s12+$0x2190];
	_ =	sdelay $0x4  }
0x287: {  	[tilespmem:s20+$0xFFFFFE10] =	vst v1  }
0x288: {  	v1 =	vld [tilespmem:s12+$0x21A0];
	_ =	sdelay $0x4  }
0x289: {  	[tilespmem:s20+$0xFFFFFE20] =	vst v1  }
0x28a: {  	v1 =	vld [tilespmem:s12+$0x21B0];
	_ =	sdelay $0x4  }
0x28b: {  	[tilespmem:s20+$0xFFFFFE30] =	vst v1  }
0x28c: {  	v1 =	vld [tilespmem:s12+$0x21C0];
	_ =	sdelay $0x4  }
0x28d: {  	[tilespmem:s20+$0xFFFFFE40] =	vst v1  }
0x28e: {  	v1 =	vld [tilespmem:s12+$0x21D0];
	_ =	sdelay $0x4  }
0x28f: {  	[tilespmem:s20+$0xFFFFFE50] =	vst v1  }
0x290: {  	v1 =	vld [tilespmem:s12+$0x21E0];
	_ =	sdelay $0x4  }
0x291: {  	[tilespmem:s20+$0xFFFFFE60] =	vst v1  }
0x292: {  	v1 =	vld [tilespmem:s12+$0x21F0];
	_ =	sdelay $0x4  }
0x293: {  	[tilespmem:s20+$0xFFFFFE70] =	vst v1  }
0x294: {  	v1 =	vld [tilespmem:s1+$0x2180];
	_ =	sdelay $0x4  }
0x295: {  	[tilespmem:s20+$0xFFFFFE80] =	vst v1  }
0x296: {  	v1 =	vld [tilespmem:s1+$0x2190];
	_ =	sdelay $0x4  }
0x297: {  	[tilespmem:s20+$0xFFFFFE90] =	vst v1  }
0x298: {  	v1 =	vld [tilespmem:s1+$0x21A0];
	_ =	sdelay $0x4  }
0x299: {  	[tilespmem:s20+$0xFFFFFEA0] =	vst v1  }
0x29a: {  	v1 =	vld [tilespmem:s1+$0x21B0];
	_ =	sdelay $0x4  }
0x29b: {  	[tilespmem:s20+$0xFFFFFEB0] =	vst v1  }
0x29c: {  	v1 =	vld [tilespmem:s1+$0x21C0];
	_ =	sdelay $0x4  }
0x29d: {  	[tilespmem:s20+$0xFFFFFEC0] =	vst v1  }
0x29e: {  	v1 =	vld [tilespmem:s1+$0x21D0];
	_ =	sdelay $0x4  }
0x29f: {  	[tilespmem:s20+$0xFFFFFED0] =	vst v1  }
0x2a0: {  	v1 =	vld [tilespmem:s1+$0x21E0];
	_ =	sdelay $0x4  }
0x2a1: {  	[tilespmem:s20+$0xFFFFFEE0] =	vst v1  }
0x2a2: {  	v1 =	vld [tilespmem:s1+$0x21F0];
	_ =	sdelay $0x4  }
0x2a3: {  	[tilespmem:s20+$0xFFFFFEF0] =	vst v1  }
0x2a4: {  	v1 =	vld [tilespmem:s2+$0x2180];
	_ =	sdelay $0x4  }
0x2a5: {  	[tilespmem:s20+$0xFFFFFF00] =	vst v1  }
0x2a6: {  	v1 =	vld [tilespmem:s2+$0x2190];
	_ =	sdelay $0x4  }
0x2a7: {  	[tilespmem:s20+$0xFFFFFF10] =	vst v1  }
0x2a8: {  	v1 =	vld [tilespmem:s2+$0x21A0];
	_ =	sdelay $0x4  }
0x2a9: {  	[tilespmem:s20+$0xFFFFFF20] =	vst v1  }
0x2aa: {  	v1 =	vld [tilespmem:s2+$0x21B0];
	_ =	sdelay $0x4  }
0x2ab: {  	[tilespmem:s20+$0xFFFFFF30] =	vst v1  }
0x2ac: {  	v1 =	vld [tilespmem:s2+$0x21C0];
	_ =	sdelay $0x4  }
0x2ad: {  	[tilespmem:s20+$0xFFFFFF40] =	vst v1  }
0x2ae: {  	v1 =	vld [tilespmem:s2+$0x21D0];
	_ =	sdelay $0x4  }
0x2af: {  	[tilespmem:s20+$0xFFFFFF50] =	vst v1  }
0x2b0: {  	v1 =	vld [tilespmem:s2+$0x21E0];
	_ =	sdelay $0x4  }
0x2b1: {  	[tilespmem:s20+$0xFFFFFF60] =	vst v1  }
0x2b2: {  	v1 =	vld [tilespmem:s2+$0x21F0];
	_ =	sdelay $0x4  }
0x2b3: {  	[tilespmem:s20+$0xFFFFFF70] =	vst v1  }
0x2b4: {  	v1 =	vld [tilespmem:s0+$0x2180];
	_ =	sdelay $0x4  }
0x2b5: {  	[tilespmem:s20+$0xFFFFFF80] =	vst v1  }
0x2b6: {  	v1 =	vld [tilespmem:s0+$0x2190];
	_ =	sdelay $0x4  }
0x2b7: {  	[tilespmem:s20+$0xFFFFFF90] =	vst v1  }
0x2b8: {  	v1 =	vld [tilespmem:s0+$0x21A0];
	_ =	sdelay $0x4  }
0x2b9: {  	[tilespmem:s20+$0xFFFFFFA0] =	vst v1  }
0x2ba: {  	v1 =	vld [tilespmem:s0+$0x21B0];
	_ =	sdelay $0x4  }
0x2bb: {  	[tilespmem:s20+$0xFFFFFFB0] =	vst v1  }
0x2bc: {  	v1 =	vld [tilespmem:s0+$0x21C0];
	_ =	sdelay $0x4  }
0x2bd: {  	[tilespmem:s20+$0xFFFFFFC0] =	vst v1  }
0x2be: {  	v1 =	vld [tilespmem:s0+$0x21D0];
	_ =	sdelay $0x4  }
0x2bf: {  	[tilespmem:s20+$0xFFFFFFD0] =	vst v1  }
0x2c0: {  	v1 =	vld [tilespmem:s0+$0x21E0];
	_ =	sdelay $0x4  }
0x2c1: {  	[tilespmem:s20+$0xFFFFFFE0] =	vst v1  }
0x2c2: {  	v1 =	vld [tilespmem:s0+$0x21F0];
	_ =	sdelay $0x4  }
0x2c3: {  	[tilespmem:s20+$0xFFFFFFF0] =	vst v1  }
0x2c4: {  	v1 =	vld [tilespmem:s30+$0x2180];
	_ =	sdelay $0x4  }
0x2c5: {  	[tilespmem:s20+$0x0] =	vst v1  }
0x2c6: {  	v1 =	vld [tilespmem:s30+$0x2190];
	_ =	sdelay $0x4  }
0x2c7: {  	[tilespmem:s20+$0x10] =	vst v1  }
0x2c8: {  	v1 =	vld [tilespmem:s30+$0x21A0];
	_ =	sdelay $0x4  }
0x2c9: {  	[tilespmem:s20+$0x20] =	vst v1  }
0x2ca: {  	v1 =	vld [tilespmem:s30+$0x21B0];
	_ =	sdelay $0x4  }
0x2cb: {  	[tilespmem:s20+$0x30] =	vst v1  }
0x2cc: {  	v1 =	vld [tilespmem:s30+$0x21C0];
	_ =	sdelay $0x4  }
0x2cd: {  	[tilespmem:s20+$0x40] =	vst v1  }
0x2ce: {  	v1 =	vld [tilespmem:s30+$0x21D0];
	_ =	sdelay $0x4  }
0x2cf: {  	[tilespmem:s20+$0x50] =	vst v1  }
0x2d0: {  	v1 =	vld [tilespmem:s30+$0x21E0];
	_ =	sdelay $0x4  }
0x2d1: {  	[tilespmem:s20+$0x60] =	vst v1  }
0x2d2: {  	v1 =	vld [tilespmem:s30+$0x21F0];
	_ =	sdelay $0x4  }
0x2d3: {  	[tilespmem:s20+$0x70] =	vst v1  }
0x2d4: {  	v1 =	vld [tilespmem:s29+$0x2180];
	_ =	sdelay $0x4  }
0x2d5: {  	[tilespmem:s20+$0x80] =	vst v1  }
0x2d6: {  	v1 =	vld [tilespmem:s29+$0x2190];
	_ =	sdelay $0x4  }
0x2d7: {  	[tilespmem:s20+$0x90] =	vst v1  }
0x2d8: {  	v1 =	vld [tilespmem:s29+$0x21A0];
	_ =	sdelay $0x4  }
0x2d9: {  	[tilespmem:s20+$0xA0] =	vst v1  }
0x2da: {  	v1 =	vld [tilespmem:s29+$0x21B0];
	_ =	sdelay $0x4  }
0x2db: {  	[tilespmem:s20+$0xB0] =	vst v1  }
0x2dc: {  	v1 =	vld [tilespmem:s29+$0x21C0];
	_ =	sdelay $0x4  }
0x2dd: {  	[tilespmem:s20+$0xC0] =	vst v1  }
0x2de: {  	v1 =	vld [tilespmem:s29+$0x21D0];
	_ =	sdelay $0x4  }
0x2df: {  	[tilespmem:s20+$0xD0] =	vst v1  }
0x2e0: {  	v1 =	vld [tilespmem:s29+$0x21E0];
	_ =	sdelay $0x4  }
0x2e1: {  	[tilespmem:s20+$0xE0] =	vst v1  }
0x2e2: {  	v1 =	vld [tilespmem:s29+$0x21F0];
	_ =	sdelay $0x4  }
0x2e3: {  	[tilespmem:s20+$0xF0] =	vst v1  }
0x2e4: {  	v1 =	vld [tilespmem:s28+$0x2180];
	_ =	sdelay $0x4  }
0x2e5: {  	[tilespmem:s20+$0x100] =	vst v1  }
0x2e6: {  	v1 =	vld [tilespmem:s28+$0x2190];
	_ =	sdelay $0x4  }
0x2e7: {  	[tilespmem:s20+$0x110] =	vst v1  }
0x2e8: {  	v1 =	vld [tilespmem:s28+$0x21A0];
	_ =	sdelay $0x4  }
0x2e9: {  	[tilespmem:s20+$0x120] =	vst v1  }
0x2ea: {  	v1 =	vld [tilespmem:s28+$0x21B0];
	_ =	sdelay $0x4  }
0x2eb: {  	[tilespmem:s20+$0x130] =	vst v1  }
0x2ec: {  	v1 =	vld [tilespmem:s28+$0x21C0];
	_ =	sdelay $0x4  }
0x2ed: {  	[tilespmem:s20+$0x140] =	vst v1  }
0x2ee: {  	v1 =	vld [tilespmem:s28+$0x21D0];
	_ =	sdelay $0x4  }
0x2ef: {  	[tilespmem:s20+$0x150] =	vst v1  }
0x2f0: {  	v1 =	vld [tilespmem:s28+$0x21E0];
	_ =	sdelay $0x4  }
0x2f1: {  	[tilespmem:s20+$0x160] =	vst v1  }
0x2f2: {  	v1 =	vld [tilespmem:s28+$0x21F0];
	_ =	sdelay $0x4  }
0x2f3: {  	[tilespmem:s20+$0x170] =	vst v1  }
0x2f4: {  	v1 =	vld [tilespmem:s26+$0x2180];
	_ =	sdelay $0x4  }
0x2f5: {  	[tilespmem:s20+$0x180] =	vst v1  }
0x2f6: {  	v1 =	vld [tilespmem:s26+$0x2190];
	_ =	sdelay $0x4  }
0x2f7: {  	[tilespmem:s20+$0x190] =	vst v1  }
0x2f8: {  	v1 =	vld [tilespmem:s26+$0x21A0];
	_ =	sdelay $0x4  }
0x2f9: {  	[tilespmem:s20+$0x1A0] =	vst v1  }
0x2fa: {  	v1 =	vld [tilespmem:s26+$0x21B0];
	_ =	sdelay $0x4  }
0x2fb: {  	[tilespmem:s20+$0x1B0] =	vst v1  }
0x2fc: {  	v1 =	vld [tilespmem:s26+$0x21C0];
	_ =	sdelay $0x4  }
0x2fd: {  	[tilespmem:s20+$0x1C0] =	vst v1  }
0x2fe: {  	v1 =	vld [tilespmem:s26+$0x21D0];
	_ =	sdelay $0x4  }
0x2ff: {  	[tilespmem:s20+$0x1D0] =	vst v1  }
0x300: {  	v1 =	vld [tilespmem:s26+$0x21E0];
	_ =	sdelay $0x4  }
0x301: {  	[tilespmem:s20+$0x1E0] =	vst v1  }
0x302: {  	v1 =	vld [tilespmem:s26+$0x21F0];
	_ =	sdelay $0x4  }
0x303: {  	[tilespmem:s20+$0x1F0] =	vst v1  }
0x304: {  	v1 =	vld [tilespmem:s25+$0x2180];
	_ =	sdelay $0x4  }
0x305: {  	[tilespmem:s20+$0x200] =	vst v1  }
0x306: {  	v1 =	vld [tilespmem:s25+$0x2190];
	_ =	sdelay $0x4  }
0x307: {  	[tilespmem:s20+$0x210] =	vst v1  }
0x308: {  	v1 =	vld [tilespmem:s25+$0x21A0];
	_ =	sdelay $0x4  }
0x309: {  	[tilespmem:s20+$0x220] =	vst v1  }
0x30a: {  	v1 =	vld [tilespmem:s25+$0x21B0];
	_ =	sdelay $0x4  }
0x30b: {  	[tilespmem:s20+$0x230] =	vst v1  }
0x30c: {  	v1 =	vld [tilespmem:s25+$0x21C0];
	_ =	sdelay $0x4  }
0x30d: {  	[tilespmem:s20+$0x240] =	vst v1  }
0x30e: {  	v1 =	vld [tilespmem:s25+$0x21D0];
	_ =	sdelay $0x4  }
0x30f: {  	[tilespmem:s20+$0x250] =	vst v1  }
0x310: {  	v1 =	vld [tilespmem:s25+$0x21E0];
	_ =	sdelay $0x4  }
0x311: {  	[tilespmem:s20+$0x260] =	vst v1  }
0x312: {  	v1 =	vld [tilespmem:s25+$0x21F0];
	_ =	sdelay $0x4  }
0x313: {  	[tilespmem:s20+$0x270] =	vst v1  }
0x314: {  	v1 =	vld [tilespmem:s24+$0x2180];
	_ =	sdelay $0x4  }
0x315: {  	[tilespmem:s20+$0x280] =	vst v1  }
0x316: {  	v1 =	vld [tilespmem:s24+$0x2190];
	_ =	sdelay $0x4  }
0x317: {  	[tilespmem:s20+$0x290] =	vst v1  }
0x318: {  	v1 =	vld [tilespmem:s24+$0x21A0];
	_ =	sdelay $0x4  }
0x319: {  	[tilespmem:s20+$0x2A0] =	vst v1  }
0x31a: {  	v1 =	vld [tilespmem:s24+$0x21B0];
	_ =	sdelay $0x4  }
0x31b: {  	[tilespmem:s20+$0x2B0] =	vst v1  }
0x31c: {  	v1 =	vld [tilespmem:s24+$0x21C0];
	_ =	sdelay $0x4  }
0x31d: {  	[tilespmem:s20+$0x2C0] =	vst v1  }
0x31e: {  	v1 =	vld [tilespmem:s24+$0x21D0];
	_ =	sdelay $0x4  }
0x31f: {  	[tilespmem:s20+$0x2D0] =	vst v1  }
0x320: {  	v1 =	vld [tilespmem:s24+$0x21E0];
	_ =	sdelay $0x4  }
0x321: {  	[tilespmem:s20+$0x2E0] =	vst v1  }
0x322: {  	v1 =	vld [tilespmem:s24+$0x21F0];
	_ =	sdelay $0x4  }
0x323: {  	[tilespmem:s20+$0x2F0] =	vst v1  }
0x324: {  	v1 =	vld [tilespmem:s23+$0x2180];
	_ =	sdelay $0x4  }
0x325: {  	[tilespmem:s20+$0x300] =	vst v1  }
0x326: {  	v1 =	vld [tilespmem:s23+$0x2190];
	_ =	sdelay $0x4  }
0x327: {  	[tilespmem:s20+$0x310] =	vst v1  }
0x328: {  	v1 =	vld [tilespmem:s23+$0x21A0];
	_ =	sdelay $0x4  }
0x329: {  	[tilespmem:s20+$0x320] =	vst v1  }
0x32a: {  	v1 =	vld [tilespmem:s23+$0x21B0];
	_ =	sdelay $0x4  }
0x32b: {  	[tilespmem:s20+$0x330] =	vst v1  }
0x32c: {  	v1 =	vld [tilespmem:s23+$0x21C0];
	_ =	sdelay $0x4  }
0x32d: {  	[tilespmem:s20+$0x340] =	vst v1  }
0x32e: {  	v1 =	vld [tilespmem:s23+$0x21D0];
	_ =	sdelay $0x4  }
0x32f: {  	[tilespmem:s20+$0x350] =	vst v1  }
0x330: {  	v1 =	vld [tilespmem:s23+$0x21E0];
	_ =	sdelay $0x4  }
0x331: {  	[tilespmem:s20+$0x360] =	vst v1  }
0x332: {  	v1 =	vld [tilespmem:s23+$0x21F0];
	_ =	sdelay $0x4  }
0x333: {  	[tilespmem:s20+$0x370] =	vst v1  }
0x334: {  	v1 =	vld [tilespmem:s22+$0x2180];
	_ =	sdelay $0x4  }
0x335: {  	[tilespmem:s20+$0x380] =	vst v1  }
0x336: {  	v1 =	vld [tilespmem:s22+$0x2190];
	_ =	sdelay $0x4  }
0x337: {  	[tilespmem:s20+$0x390] =	vst v1  }
0x338: {  	v1 =	vld [tilespmem:s22+$0x21A0];
	_ =	sdelay $0x4  }
0x339: {  	[tilespmem:s20+$0x3A0] =	vst v1  }
0x33a: {  	v1 =	vld [tilespmem:s22+$0x21B0];
	_ =	sdelay $0x4  }
0x33b: {  	[tilespmem:s20+$0x3B0] =	vst v1  }
0x33c: {  	v1 =	vld [tilespmem:s22+$0x21C0];
	_ =	sdelay $0x4  }
0x33d: {  	[tilespmem:s20+$0x3C0] =	vst v1  }
0x33e: {  	v1 =	vld [tilespmem:s22+$0x21D0];
	_ =	sdelay $0x4  }
0x33f: {  	[tilespmem:s20+$0x3D0] =	vst v1  }
0x340: {  	v1 =	vld [tilespmem:s22+$0x21E0];
	_ =	sdelay $0x4  }
0x341: {  	[tilespmem:s20+$0x3E0] =	vst v1  }
0x342: {  	v1 =	vld [tilespmem:s22+$0x21F0]  }
.Ltmp4:
0x343: {  	(pc) =	sbr.rel @p1 .LBB2_8-.Ltmp4, $2  }
0x344: {  	_ =	sdelay $0x2  }
0x345: {  	s0 =	sshra.s32 s21, $0x2;
	s21 =	sadd.s32 $0x40, s21;
	[tilespmem:s20+$0x3F0] =	vst v1  }
0x346: {  	v1 =	vld [tilespmem:s0+$0x2000];
	_ =	sdelay $0x4  }
0x347: {  	v1 =	vshll.u32 v1, $0x9  }
0x348: {  	v1 =	vshra.s32 v1, $0x2  }
0x349: {  	(v2sf) =	vpush v1, $0x0;
	_ =	sdelay $0xe  }
0x34a: {  	s1 =	spop (v2sf)  }
0x34b: {  	v2 =	vld [tilespmem:s1+$0x2180];
	_ =	sdelay $0x3  }
0x34c: {  	s30 =	sadd.s32 $0x800, s20  }
0x34d: {  	[tilespmem:s30+$0xFFFFFC00] =	vst v2  }
0x34e: {  	v2 =	vld [tilespmem:s1+$0x2190];
	_ =	sdelay $0x4  }
0x34f: {  	[tilespmem:s30+$0xFFFFFC10] =	vst v2  }
0x350: {  	v2 =	vld [tilespmem:s1+$0x21A0];
	_ =	sdelay $0x4  }
0x351: {  	[tilespmem:s30+$0xFFFFFC20] =	vst v2  }
0x352: {  	v2 =	vld [tilespmem:s1+$0x21B0];
	_ =	sdelay $0x4  }
0x353: {  	[tilespmem:s30+$0xFFFFFC30] =	vst v2  }
0x354: {  	v2 =	vld [tilespmem:s1+$0x21C0];
	_ =	sdelay $0x4  }
0x355: {  	[tilespmem:s30+$0xFFFFFC40] =	vst v2  }
0x356: {  	v2 =	vld [tilespmem:s1+$0x21D0];
	_ =	sdelay $0x1  }
0x357: {  	(v2sf) =	vpush v1, $0x1;
	_ =	sdelay $0x2  }
0x358: {  	[tilespmem:s30+$0xFFFFFC50] =	vst v2  }
0x359: {  	v2 =	vld [tilespmem:s1+$0x21E0];
	_ =	sdelay $0x4  }
0x35a: {  	[tilespmem:s30+$0xFFFFFC60] =	vst v2  }
0x35b: {  	v2 =	vld [tilespmem:s1+$0x21F0];
	_ =	sdelay $0x4  }
0x35c: {  	s2 =	spop (v2sf);
	[tilespmem:s30+$0xFFFFFC70] =	vst v2  }
0x35d: {  	v2 =	vld [tilespmem:s2+$0x2180];
	_ =	sdelay $0x4  }
0x35e: {  	[tilespmem:s30+$0xFFFFFC80] =	vst v2  }
0x35f: {  	v2 =	vld [tilespmem:s2+$0x2190];
	_ =	sdelay $0x4  }
0x360: {  	[tilespmem:s30+$0xFFFFFC90] =	vst v2  }
0x361: {  	v2 =	vld [tilespmem:s2+$0x21A0];
	_ =	sdelay $0x4  }
0x362: {  	[tilespmem:s30+$0xFFFFFCA0] =	vst v2  }
0x363: {  	v2 =	vld [tilespmem:s2+$0x21B0];
	_ =	sdelay $0x4  }
0x364: {  	[tilespmem:s30+$0xFFFFFCB0] =	vst v2  }
0x365: {  	v2 =	vld [tilespmem:s2+$0x21C0];
	_ =	sdelay $0x4  }
0x366: {  	[tilespmem:s30+$0xFFFFFCC0] =	vst v2  }
0x367: {  	v2 =	vld [tilespmem:s2+$0x21D0];
	_ =	sdelay $0x1  }
0x368: {  	(v2sf) =	vpush v1, $0x2;
	_ =	sdelay $0x2  }
0x369: {  	[tilespmem:s30+$0xFFFFFCD0] =	vst v2  }
0x36a: {  	v2 =	vld [tilespmem:s2+$0x21E0];
	_ =	sdelay $0x4  }
0x36b: {  	[tilespmem:s30+$0xFFFFFCE0] =	vst v2  }
0x36c: {  	v2 =	vld [tilespmem:s2+$0x21F0];
	_ =	sdelay $0x4  }
0x36d: {  	s3 =	spop (v2sf);
	[tilespmem:s30+$0xFFFFFCF0] =	vst v2  }
0x36e: {  	v2 =	vld [tilespmem:s3+$0x2180];
	_ =	sdelay $0x4  }
0x36f: {  	[tilespmem:s30+$0xFFFFFD00] =	vst v2  }
0x370: {  	v2 =	vld [tilespmem:s3+$0x2190];
	_ =	sdelay $0x4  }
0x371: {  	[tilespmem:s30+$0xFFFFFD10] =	vst v2  }
0x372: {  	v2 =	vld [tilespmem:s3+$0x21A0];
	_ =	sdelay $0x4  }
0x373: {  	[tilespmem:s30+$0xFFFFFD20] =	vst v2  }
0x374: {  	v2 =	vld [tilespmem:s3+$0x21B0];
	_ =	sdelay $0x4  }
0x375: {  	[tilespmem:s30+$0xFFFFFD30] =	vst v2  }
0x376: {  	v2 =	vld [tilespmem:s3+$0x21C0];
	_ =	sdelay $0x4  }
0x377: {  	[tilespmem:s30+$0xFFFFFD40] =	vst v2  }
0x378: {  	v2 =	vld [tilespmem:s3+$0x21D0];
	_ =	sdelay $0x1  }
0x379: {  	(v2sf) =	vpush v1, $0x3;
	_ =	sdelay $0x2  }
0x37a: {  	[tilespmem:s30+$0xFFFFFD50] =	vst v2  }
0x37b: {  	v2 =	vld [tilespmem:s3+$0x21E0];
	_ =	sdelay $0x4  }
0x37c: {  	[tilespmem:s30+$0xFFFFFD60] =	vst v2  }
0x37d: {  	v2 =	vld [tilespmem:s3+$0x21F0];
	_ =	sdelay $0x4  }
0x37e: {  	s12 =	spop (v2sf);
	[tilespmem:s30+$0xFFFFFD70] =	vst v2  }
0x37f: {  	v2 =	vld [tilespmem:s12+$0x2180];
	_ =	sdelay $0x4  }
0x380: {  	[tilespmem:s30+$0xFFFFFD80] =	vst v2  }
0x381: {  	v2 =	vld [tilespmem:s12+$0x2190];
	_ =	sdelay $0x4  }
0x382: {  	[tilespmem:s30+$0xFFFFFD90] =	vst v2  }
0x383: {  	v2 =	vld [tilespmem:s12+$0x21A0];
	_ =	sdelay $0x4  }
0x384: {  	[tilespmem:s30+$0xFFFFFDA0] =	vst v2  }
0x385: {  	v2 =	vld [tilespmem:s12+$0x21B0];
	_ =	sdelay $0x4  }
0x386: {  	[tilespmem:s30+$0xFFFFFDB0] =	vst v2  }
0x387: {  	v2 =	vld [tilespmem:s12+$0x21C0];
	_ =	sdelay $0x4  }
0x388: {  	[tilespmem:s30+$0xFFFFFDC0] =	vst v2  }
0x389: {  	v2 =	vld [tilespmem:s12+$0x21D0];
	_ =	sdelay $0x1  }
0x38a: {  	(v2sf) =	vpush v1, $0x4;
	_ =	sdelay $0x2  }
0x38b: {  	[tilespmem:s30+$0xFFFFFDD0] =	vst v2  }
0x38c: {  	v2 =	vld [tilespmem:s12+$0x21E0];
	_ =	sdelay $0x4  }
0x38d: {  	[tilespmem:s30+$0xFFFFFDE0] =	vst v2  }
0x38e: {  	v2 =	vld [tilespmem:s12+$0x21F0];
	_ =	sdelay $0x4  }
0x38f: {  	s14 =	spop (v2sf);
	[tilespmem:s30+$0xFFFFFDF0] =	vst v2  }
0x390: {  	v2 =	vld [tilespmem:s14+$0x2180];
	_ =	sdelay $0x4  }
0x391: {  	[tilespmem:s30+$0xFFFFFE00] =	vst v2  }
0x392: {  	v2 =	vld [tilespmem:s14+$0x2190];
	_ =	sdelay $0x4  }
0x393: {  	[tilespmem:s30+$0xFFFFFE10] =	vst v2  }
0x394: {  	v2 =	vld [tilespmem:s14+$0x21A0];
	_ =	sdelay $0x4  }
0x395: {  	[tilespmem:s30+$0xFFFFFE20] =	vst v2  }
0x396: {  	v2 =	vld [tilespmem:s14+$0x21B0];
	_ =	sdelay $0x4  }
0x397: {  	[tilespmem:s30+$0xFFFFFE30] =	vst v2  }
0x398: {  	v2 =	vld [tilespmem:s14+$0x21C0];
	_ =	sdelay $0x4  }
0x399: {  	[tilespmem:s30+$0xFFFFFE40] =	vst v2  }
0x39a: {  	v2 =	vld [tilespmem:s14+$0x21D0];
	_ =	sdelay $0x1  }
0x39b: {  	(v2sf) =	vpush v1, $0x5;
	_ =	sdelay $0x2  }
0x39c: {  	[tilespmem:s30+$0xFFFFFE50] =	vst v2  }
0x39d: {  	v2 =	vld [tilespmem:s14+$0x21E0];
	_ =	sdelay $0x4  }
0x39e: {  	[tilespmem:s30+$0xFFFFFE60] =	vst v2  }
0x39f: {  	v2 =	vld [tilespmem:s14+$0x21F0];
	_ =	sdelay $0x4  }
0x3a0: {  	s15 =	spop (v2sf);
	[tilespmem:s30+$0xFFFFFE70] =	vst v2  }
0x3a1: {  	v2 =	vld [tilespmem:s15+$0x2180];
	_ =	sdelay $0x4  }
0x3a2: {  	[tilespmem:s30+$0xFFFFFE80] =	vst v2  }
0x3a3: {  	v2 =	vld [tilespmem:s15+$0x2190];
	_ =	sdelay $0x4  }
0x3a4: {  	[tilespmem:s30+$0xFFFFFE90] =	vst v2  }
0x3a5: {  	v2 =	vld [tilespmem:s15+$0x21A0];
	_ =	sdelay $0x4  }
0x3a6: {  	[tilespmem:s30+$0xFFFFFEA0] =	vst v2  }
0x3a7: {  	v2 =	vld [tilespmem:s15+$0x21B0];
	_ =	sdelay $0x4  }
0x3a8: {  	[tilespmem:s30+$0xFFFFFEB0] =	vst v2  }
0x3a9: {  	v2 =	vld [tilespmem:s15+$0x21C0];
	_ =	sdelay $0x4  }
0x3aa: {  	[tilespmem:s30+$0xFFFFFEC0] =	vst v2  }
0x3ab: {  	v2 =	vld [tilespmem:s15+$0x21D0];
	_ =	sdelay $0x1  }
0x3ac: {  	(v2sf) =	vpush v1, $0x6;
	_ =	sdelay $0x2  }
0x3ad: {  	[tilespmem:s30+$0xFFFFFED0] =	vst v2  }
0x3ae: {  	v2 =	vld [tilespmem:s15+$0x21E0];
	_ =	sdelay $0x4  }
0x3af: {  	[tilespmem:s30+$0xFFFFFEE0] =	vst v2  }
0x3b0: {  	v2 =	vld [tilespmem:s15+$0x21F0];
	_ =	sdelay $0x4  }
0x3b1: {  	s16 =	spop (v2sf);
	[tilespmem:s30+$0xFFFFFEF0] =	vst v2  }
0x3b2: {  	v2 =	vld [tilespmem:s16+$0x2180];
	_ =	sdelay $0x4  }
0x3b3: {  	[tilespmem:s30+$0xFFFFFF00] =	vst v2  }
0x3b4: {  	v2 =	vld [tilespmem:s16+$0x2190];
	_ =	sdelay $0x4  }
0x3b5: {  	[tilespmem:s30+$0xFFFFFF10] =	vst v2  }
0x3b6: {  	v2 =	vld [tilespmem:s16+$0x21A0];
	_ =	sdelay $0x4  }
0x3b7: {  	[tilespmem:s30+$0xFFFFFF20] =	vst v2  }
0x3b8: {  	v2 =	vld [tilespmem:s16+$0x21B0];
	_ =	sdelay $0x4  }
0x3b9: {  	[tilespmem:s30+$0xFFFFFF30] =	vst v2  }
0x3ba: {  	v2 =	vld [tilespmem:s16+$0x21C0];
	_ =	sdelay $0x4  }
0x3bb: {  	[tilespmem:s30+$0xFFFFFF40] =	vst v2  }
0x3bc: {  	v2 =	vld [tilespmem:s16+$0x21D0];
	_ =	sdelay $0x1  }
0x3bd: {  	(v2sf) =	vpush v1, $0x7;
	_ =	sdelay $0x2  }
0x3be: {  	[tilespmem:s30+$0xFFFFFF50] =	vst v2  }
0x3bf: {  	v2 =	vld [tilespmem:s16+$0x21E0];
	_ =	sdelay $0x4  }
0x3c0: {  	[tilespmem:s30+$0xFFFFFF60] =	vst v2  }
0x3c1: {  	v2 =	vld [tilespmem:s16+$0x21F0];
	_ =	sdelay $0x4  }
0x3c2: {  	s20 =	spop (v2sf);
	[tilespmem:s30+$0xFFFFFF70] =	vst v2  }
0x3c3: {  	v2 =	vld [tilespmem:s20+$0x2180];
	_ =	sdelay $0x4  }
0x3c4: {  	[tilespmem:s30+$0xFFFFFF80] =	vst v2  }
0x3c5: {  	v2 =	vld [tilespmem:s20+$0x2190];
	_ =	sdelay $0x4  }
0x3c6: {  	[tilespmem:s30+$0xFFFFFF90] =	vst v2  }
0x3c7: {  	v2 =	vld [tilespmem:s20+$0x21A0];
	_ =	sdelay $0x4  }
0x3c8: {  	[tilespmem:s30+$0xFFFFFFA0] =	vst v2  }
0x3c9: {  	v2 =	vld [tilespmem:s20+$0x21B0];
	_ =	sdelay $0x4  }
0x3ca: {  	[tilespmem:s30+$0xFFFFFFB0] =	vst v2  }
0x3cb: {  	v2 =	vld [tilespmem:s20+$0x21C0];
	_ =	sdelay $0x4  }
0x3cc: {  	[tilespmem:s30+$0xFFFFFFC0] =	vst v2  }
0x3cd: {  	v2 =	vld [tilespmem:s20+$0x21D0];
	_ =	sdelay $0x1  }
0x3ce: {  	(v2sf) =	vpush v1, $0x8;
	_ =	sdelay $0x2  }
0x3cf: {  	[tilespmem:s30+$0xFFFFFFD0] =	vst v2  }
0x3d0: {  	v2 =	vld [tilespmem:s20+$0x21E0];
	_ =	sdelay $0x4  }
0x3d1: {  	[tilespmem:s30+$0xFFFFFFE0] =	vst v2  }
0x3d2: {  	v2 =	vld [tilespmem:s20+$0x21F0];
	_ =	sdelay $0x4  }
0x3d3: {  	s21 =	spop (v2sf);
	[tilespmem:s30+$0xFFFFFFF0] =	vst v2  }
0x3d4: {  	v2 =	vld [tilespmem:s21+$0x2180];
	_ =	sdelay $0x4  }
0x3d5: {  	[tilespmem:s30+$0x0] =	vst v2  }
0x3d6: {  	v2 =	vld [tilespmem:s21+$0x2190];
	_ =	sdelay $0x4  }
0x3d7: {  	[tilespmem:s30+$0x10] =	vst v2  }
0x3d8: {  	v2 =	vld [tilespmem:s21+$0x21A0];
	_ =	sdelay $0x4  }
0x3d9: {  	[tilespmem:s30+$0x20] =	vst v2  }
0x3da: {  	v2 =	vld [tilespmem:s21+$0x21B0];
	_ =	sdelay $0x4  }
0x3db: {  	[tilespmem:s30+$0x30] =	vst v2  }
0x3dc: {  	v2 =	vld [tilespmem:s21+$0x21C0];
	_ =	sdelay $0x4  }
0x3dd: {  	[tilespmem:s30+$0x40] =	vst v2  }
0x3de: {  	v2 =	vld [tilespmem:s21+$0x21D0];
	_ =	sdelay $0x1  }
0x3df: {  	(v2sf) =	vpush v1, $0x9;
	_ =	sdelay $0x2  }
0x3e0: {  	[tilespmem:s30+$0x50] =	vst v2  }
0x3e1: {  	v2 =	vld [tilespmem:s21+$0x21E0];
	_ =	sdelay $0x4  }
0x3e2: {  	[tilespmem:s30+$0x60] =	vst v2  }
0x3e3: {  	v2 =	vld [tilespmem:s21+$0x21F0];
	_ =	sdelay $0x4  }
0x3e4: {  	s22 =	spop (v2sf);
	[tilespmem:s30+$0x70] =	vst v2  }
0x3e5: {  	v2 =	vld [tilespmem:s22+$0x2180];
	_ =	sdelay $0x4  }
0x3e6: {  	[tilespmem:s30+$0x80] =	vst v2  }
0x3e7: {  	v2 =	vld [tilespmem:s22+$0x2190];
	_ =	sdelay $0x4  }
0x3e8: {  	[tilespmem:s30+$0x90] =	vst v2  }
0x3e9: {  	v2 =	vld [tilespmem:s22+$0x21A0];
	_ =	sdelay $0x4  }
0x3ea: {  	[tilespmem:s30+$0xA0] =	vst v2  }
0x3eb: {  	v2 =	vld [tilespmem:s22+$0x21B0];
	_ =	sdelay $0x4  }
0x3ec: {  	[tilespmem:s30+$0xB0] =	vst v2  }
0x3ed: {  	v2 =	vld [tilespmem:s22+$0x21C0];
	_ =	sdelay $0x4  }
0x3ee: {  	[tilespmem:s30+$0xC0] =	vst v2  }
0x3ef: {  	v2 =	vld [tilespmem:s22+$0x21D0];
	_ =	sdelay $0x1  }
0x3f0: {  	(v2sf) =	vpush v1, $0xA;
	_ =	sdelay $0x2  }
0x3f1: {  	[tilespmem:s30+$0xD0] =	vst v2  }
0x3f2: {  	v2 =	vld [tilespmem:s22+$0x21E0];
	_ =	sdelay $0x4  }
0x3f3: {  	[tilespmem:s30+$0xE0] =	vst v2  }
0x3f4: {  	v2 =	vld [tilespmem:s22+$0x21F0];
	_ =	sdelay $0x4  }
0x3f5: {  	s23 =	spop (v2sf);
	[tilespmem:s30+$0xF0] =	vst v2  }
0x3f6: {  	v2 =	vld [tilespmem:s23+$0x2180];
	_ =	sdelay $0x4  }
0x3f7: {  	[tilespmem:s30+$0x100] =	vst v2  }
0x3f8: {  	v2 =	vld [tilespmem:s23+$0x2190];
	_ =	sdelay $0x4  }
0x3f9: {  	[tilespmem:s30+$0x110] =	vst v2  }
0x3fa: {  	v2 =	vld [tilespmem:s23+$0x21A0];
	_ =	sdelay $0x4  }
0x3fb: {  	[tilespmem:s30+$0x120] =	vst v2  }
0x3fc: {  	v2 =	vld [tilespmem:s23+$0x21B0];
	_ =	sdelay $0x4  }
0x3fd: {  	[tilespmem:s30+$0x130] =	vst v2  }
0x3fe: {  	v2 =	vld [tilespmem:s23+$0x21C0];
	_ =	sdelay $0x4  }
0x3ff: {  	[tilespmem:s30+$0x140] =	vst v2  }
0x400: {  	v2 =	vld [tilespmem:s23+$0x21D0];
	_ =	sdelay $0x1  }
0x401: {  	(v2sf) =	vpush v1, $0xB;
	_ =	sdelay $0x2  }
0x402: {  	[tilespmem:s30+$0x150] =	vst v2  }
0x403: {  	v2 =	vld [tilespmem:s23+$0x21E0];
	_ =	sdelay $0x4  }
0x404: {  	[tilespmem:s30+$0x160] =	vst v2  }
0x405: {  	v2 =	vld [tilespmem:s23+$0x21F0];
	_ =	sdelay $0x4  }
0x406: {  	s24 =	spop (v2sf);
	[tilespmem:s30+$0x170] =	vst v2  }
0x407: {  	v2 =	vld [tilespmem:s24+$0x2180];
	_ =	sdelay $0x4  }
0x408: {  	[tilespmem:s30+$0x180] =	vst v2  }
0x409: {  	v2 =	vld [tilespmem:s24+$0x2190];
	_ =	sdelay $0x4  }
0x40a: {  	[tilespmem:s30+$0x190] =	vst v2  }
0x40b: {  	v2 =	vld [tilespmem:s24+$0x21A0];
	_ =	sdelay $0x4  }
0x40c: {  	[tilespmem:s30+$0x1A0] =	vst v2  }
0x40d: {  	v2 =	vld [tilespmem:s24+$0x21B0];
	_ =	sdelay $0x4  }
0x40e: {  	[tilespmem:s30+$0x1B0] =	vst v2  }
0x40f: {  	v2 =	vld [tilespmem:s24+$0x21C0];
	_ =	sdelay $0x4  }
0x410: {  	[tilespmem:s30+$0x1C0] =	vst v2  }
0x411: {  	v2 =	vld [tilespmem:s24+$0x21D0];
	_ =	sdelay $0x1  }
0x412: {  	(v2sf) =	vpush v1, $0xC;
	_ =	sdelay $0x2  }
0x413: {  	[tilespmem:s30+$0x1D0] =	vst v2  }
0x414: {  	v2 =	vld [tilespmem:s24+$0x21E0];
	_ =	sdelay $0x4  }
0x415: {  	[tilespmem:s30+$0x1E0] =	vst v2  }
0x416: {  	v2 =	vld [tilespmem:s24+$0x21F0];
	_ =	sdelay $0x4  }
0x417: {  	s25 =	spop (v2sf);
	[tilespmem:s30+$0x1F0] =	vst v2  }
0x418: {  	v2 =	vld [tilespmem:s25+$0x2180];
	_ =	sdelay $0x4  }
0x419: {  	[tilespmem:s30+$0x200] =	vst v2  }
0x41a: {  	v2 =	vld [tilespmem:s25+$0x2190];
	_ =	sdelay $0x4  }
0x41b: {  	[tilespmem:s30+$0x210] =	vst v2  }
0x41c: {  	v2 =	vld [tilespmem:s25+$0x21A0];
	_ =	sdelay $0x4  }
0x41d: {  	[tilespmem:s30+$0x220] =	vst v2  }
0x41e: {  	v2 =	vld [tilespmem:s25+$0x21B0];
	_ =	sdelay $0x4  }
0x41f: {  	[tilespmem:s30+$0x230] =	vst v2  }
0x420: {  	v2 =	vld [tilespmem:s25+$0x21C0];
	_ =	sdelay $0x4  }
0x421: {  	[tilespmem:s30+$0x240] =	vst v2  }
0x422: {  	v2 =	vld [tilespmem:s25+$0x21D0];
	_ =	sdelay $0x1  }
0x423: {  	(v2sf) =	vpush v1, $0xD;
	_ =	sdelay $0x2  }
0x424: {  	[tilespmem:s30+$0x250] =	vst v2  }
0x425: {  	v2 =	vld [tilespmem:s25+$0x21E0];
	_ =	sdelay $0x4  }
0x426: {  	[tilespmem:s30+$0x260] =	vst v2  }
0x427: {  	v2 =	vld [tilespmem:s25+$0x21F0];
	_ =	sdelay $0x4  }
0x428: {  	s26 =	spop (v2sf);
	[tilespmem:s30+$0x270] =	vst v2  }
0x429: {  	v2 =	vld [tilespmem:s26+$0x2180];
	_ =	sdelay $0x4  }
0x42a: {  	[tilespmem:s30+$0x280] =	vst v2  }
0x42b: {  	v2 =	vld [tilespmem:s26+$0x2190];
	_ =	sdelay $0x4  }
0x42c: {  	[tilespmem:s30+$0x290] =	vst v2  }
0x42d: {  	v2 =	vld [tilespmem:s26+$0x21A0];
	_ =	sdelay $0x4  }
0x42e: {  	[tilespmem:s30+$0x2A0] =	vst v2  }
0x42f: {  	v2 =	vld [tilespmem:s26+$0x21B0];
	_ =	sdelay $0x4  }
0x430: {  	[tilespmem:s30+$0x2B0] =	vst v2  }
0x431: {  	v2 =	vld [tilespmem:s26+$0x21C0];
	_ =	sdelay $0x4  }
0x432: {  	[tilespmem:s30+$0x2C0] =	vst v2  }
0x433: {  	v2 =	vld [tilespmem:s26+$0x21D0];
	_ =	sdelay $0x1  }
0x434: {  	(v2sf) =	vpush v1, $0xE;
	_ =	sdelay $0x2  }
0x435: {  	[tilespmem:s30+$0x2D0] =	vst v2  }
0x436: {  	v2 =	vld [tilespmem:s26+$0x21E0];
	_ =	sdelay $0x4  }
0x437: {  	[tilespmem:s30+$0x2E0] =	vst v2  }
0x438: {  	v2 =	vld [tilespmem:s26+$0x21F0];
	_ =	sdelay $0x4  }
0x439: {  	s28 =	spop (v2sf);
	[tilespmem:s30+$0x2F0] =	vst v2  }
0x43a: {  	v2 =	vld [tilespmem:s28+$0x2180];
	_ =	sdelay $0x4  }
0x43b: {  	[tilespmem:s30+$0x300] =	vst v2  }
0x43c: {  	v2 =	vld [tilespmem:s28+$0x2190];
	_ =	sdelay $0x4  }
0x43d: {  	[tilespmem:s30+$0x310] =	vst v2  }
0x43e: {  	v2 =	vld [tilespmem:s28+$0x21A0];
	_ =	sdelay $0x4  }
0x43f: {  	[tilespmem:s30+$0x320] =	vst v2  }
0x440: {  	v2 =	vld [tilespmem:s28+$0x21B0];
	_ =	sdelay $0x4  }
0x441: {  	[tilespmem:s30+$0x330] =	vst v2  }
0x442: {  	v2 =	vld [tilespmem:s28+$0x21C0];
	_ =	sdelay $0x4  }
0x443: {  	[tilespmem:s30+$0x340] =	vst v2  }
0x444: {  	v2 =	vld [tilespmem:s28+$0x21D0];
	_ =	sdelay $0x1  }
0x445: {  	(v2sf) =	vpush v1, $0xF;
	_ =	sdelay $0x2  }
0x446: {  	[tilespmem:s30+$0x350] =	vst v2  }
0x447: {  	v1 =	vld [tilespmem:s28+$0x21E0];
	_ =	sdelay $0x4  }
0x448: {  	[tilespmem:s30+$0x360] =	vst v1  }
0x449: {  	v1 =	vld [tilespmem:s28+$0x21F0];
	_ =	sdelay $0x4  }
0x44a: {  	s29 =	spop (v2sf);
	[tilespmem:s30+$0x370] =	vst v1  }
0x44b: {  	v1 =	vld [tilespmem:s29+$0x2180];
	_ =	sdelay $0x4  }
0x44c: {  	[tilespmem:s30+$0x380] =	vst v1  }
0x44d: {  	v1 =	vld [tilespmem:s29+$0x2190];
	_ =	sdelay $0x4  }
0x44e: {  	[tilespmem:s30+$0x390] =	vst v1  }
0x44f: {  	v1 =	vld [tilespmem:s29+$0x21A0];
	_ =	sdelay $0x4  }
0x450: {  	[tilespmem:s30+$0x3A0] =	vst v1  }
0x451: {  	v1 =	vld [tilespmem:s29+$0x21B0];
	_ =	sdelay $0x4  }
0x452: {  	[tilespmem:s30+$0x3B0] =	vst v1  }
0x453: {  	v1 =	vld [tilespmem:s29+$0x21C0];
	_ =	sdelay $0x4  }
0x454: {  	[tilespmem:s30+$0x3C0] =	vst v1  }
0x455: {  	v1 =	vld [tilespmem:s29+$0x21D0];
	_ =	sdelay $0x4  }
0x456: {  	[tilespmem:s30+$0x3D0] =	vst v1  }
0x457: {  	v1 =	vld [tilespmem:s29+$0x21E0];
	_ =	sdelay $0x4  }
0x458: {  	[tilespmem:s30+$0x3E0] =	vst v1  }
0x459: {  	v1 =	vld [tilespmem:s29+$0x21F0];
	_ =	sdelay $0x4  }
0x45a: {  	s21 =	simm.s32 $0x2080;
	[tilespmem:s30+$0x3F0] =	vst v1;
	s30 =	simm.s32 $0xA980  }
0x45b: {  	[hbm4b:s8+s17] =	stream.strided.scatter [tilespmem:s30], [sflag:$0x3], $0x4000, s31, s17, $0x38;
	[tilespmem:$0x12980] =	vst v63  }
0x45c: {  	s20 =	simm.s32 $0x0;
	s22 =	simm.s32 $0x2000;
	v1 =	vld [tilespmem:s21+$0x0]  }
.LBB2_10:
0x45d: {  	p1 =	sne.s32 s22, $0xE000;
	_ =	sdelay $0x3  }
0x45e: {  	v1 =	vshll.u32 v1, $0x9  }
0x45f: {  	v1 =	vshra.s32 v1, $0x2  }
0x460: {  	(v2sf) =	vpush v1, $0x0  }
0x461: {  	(v2sf) =	vpush v1, $0x1  }
0x462: {  	(v2sf) =	vpush v1, $0x2  }
0x463: {  	(v2sf) =	vpush v1, $0x3  }
0x464: {  	(v2sf) =	vpush v1, $0x4  }
0x465: {  	(v2sf) =	vpush v1, $0x5  }
0x466: {  	(v2sf) =	vpush v1, $0x6  }
0x467: {  	(v2sf) =	vpush v1, $0x7  }
0x468: {  	(v2sf) =	vpush v1, $0x8  }
0x469: {  	(v2sf) =	vpush v1, $0x9  }
0x46a: {  	(v2sf) =	vpush v1, $0xA  }
0x46b: {  	(v2sf) =	vpush v1, $0xB  }
0x46c: {  	(v2sf) =	vpush v1, $0xC  }
0x46d: {  	(v2sf) =	vpush v1, $0xD  }
0x46e: {  	(v2sf) =	vpush v1, $0xE  }
0x46f: {  	s15 =	spop (v2sf);
	(v2sf) =	vpush v1, $0xF  }
0x470: {  	v1 =	vld [tilespmem:s15+$0x2180];
	s14 =	spop (v2sf)  }
0x471: {  	s3 =	spop (v2sf)  }
0x472: {  	s17 =	spop (v2sf)  }
0x473: {  	s16 =	spop (v2sf)  }
0x474: {  	s23 =	sshra.s32 s20, $0x2;
	s20 =	smov.u32 s22;
	s12 =	spop (v2sf)  }
0x475: {  	[tilespmem:s23+$0xE980] =	vst v1;
	s1 =	spop (v2sf)  }
0x476: {  	v1 =	vld [tilespmem:s15+$0x2190];
	s2 =	spop (v2sf)  }
0x477: {  	s0 =	spop (v2sf)  }
0x478: {  	s31 =	spop (v2sf)  }
0x479: {  	s30 =	spop (v2sf)  }
0x47a: {  	s29 =	spop (v2sf)  }
0x47b: {  	[tilespmem:s23+$0xE990] =	vst v1;
	s28 =	spop (v2sf)  }
0x47c: {  	v1 =	vld [tilespmem:s15+$0x21A0];
	s26 =	spop (v2sf)  }
0x47d: {  	s25 =	spop (v2sf)  }
0x47e: {  	s24 =	spop (v2sf);
	_ =	sdelay $0x2  }
0x47f: {  	[tilespmem:s23+$0xE9A0] =	vst v1  }
0x480: {  	v1 =	vld [tilespmem:s15+$0x21B0];
	_ =	sdelay $0x4  }
0x481: {  	[tilespmem:s23+$0xE9B0] =	vst v1  }
0x482: {  	v1 =	vld [tilespmem:s15+$0x21C0];
	_ =	sdelay $0x4  }
0x483: {  	[tilespmem:s23+$0xE9C0] =	vst v1  }
0x484: {  	v1 =	vld [tilespmem:s15+$0x21D0];
	_ =	sdelay $0x4  }
0x485: {  	[tilespmem:s23+$0xE9D0] =	vst v1  }
0x486: {  	v1 =	vld [tilespmem:s15+$0x21E0];
	_ =	sdelay $0x4  }
0x487: {  	[tilespmem:s23+$0xE9E0] =	vst v1  }
0x488: {  	v1 =	vld [tilespmem:s15+$0x21F0];
	_ =	sdelay $0x4  }
0x489: {  	[tilespmem:s23+$0xE9F0] =	vst v1  }
0x48a: {  	v1 =	vld [tilespmem:s14+$0x2180];
	_ =	sdelay $0x4  }
0x48b: {  	[tilespmem:s23+$0xEA00] =	vst v1  }
0x48c: {  	v1 =	vld [tilespmem:s14+$0x2190];
	_ =	sdelay $0x4  }
0x48d: {  	[tilespmem:s23+$0xEA10] =	vst v1  }
0x48e: {  	v1 =	vld [tilespmem:s14+$0x21A0];
	_ =	sdelay $0x4  }
0x48f: {  	[tilespmem:s23+$0xEA20] =	vst v1  }
0x490: {  	v1 =	vld [tilespmem:s14+$0x21B0];
	_ =	sdelay $0x4  }
0x491: {  	[tilespmem:s23+$0xEA30] =	vst v1  }
0x492: {  	v1 =	vld [tilespmem:s14+$0x21C0];
	_ =	sdelay $0x4  }
0x493: {  	[tilespmem:s23+$0xEA40] =	vst v1  }
0x494: {  	v1 =	vld [tilespmem:s14+$0x21D0];
	_ =	sdelay $0x4  }
0x495: {  	[tilespmem:s23+$0xEA50] =	vst v1  }
0x496: {  	v1 =	vld [tilespmem:s14+$0x21E0];
	_ =	sdelay $0x4  }
0x497: {  	[tilespmem:s23+$0xEA60] =	vst v1  }
0x498: {  	v1 =	vld [tilespmem:s14+$0x21F0];
	_ =	sdelay $0x4  }
0x499: {  	[tilespmem:s23+$0xEA70] =	vst v1  }
0x49a: {  	v1 =	vld [tilespmem:s3+$0x2180];
	_ =	sdelay $0x4  }
0x49b: {  	[tilespmem:s23+$0xEA80] =	vst v1  }
0x49c: {  	v1 =	vld [tilespmem:s3+$0x2190];
	_ =	sdelay $0x4  }
0x49d: {  	[tilespmem:s23+$0xEA90] =	vst v1  }
0x49e: {  	v1 =	vld [tilespmem:s3+$0x21A0];
	_ =	sdelay $0x4  }
0x49f: {  	[tilespmem:s23+$0xEAA0] =	vst v1  }
0x4a0: {  	v1 =	vld [tilespmem:s3+$0x21B0];
	_ =	sdelay $0x4  }
0x4a1: {  	[tilespmem:s23+$0xEAB0] =	vst v1  }
0x4a2: {  	v1 =	vld [tilespmem:s3+$0x21C0];
	_ =	sdelay $0x4  }
0x4a3: {  	[tilespmem:s23+$0xEAC0] =	vst v1  }
0x4a4: {  	v1 =	vld [tilespmem:s3+$0x21D0];
	_ =	sdelay $0x4  }
0x4a5: {  	[tilespmem:s23+$0xEAD0] =	vst v1  }
0x4a6: {  	v1 =	vld [tilespmem:s3+$0x21E0];
	_ =	sdelay $0x4  }
0x4a7: {  	[tilespmem:s23+$0xEAE0] =	vst v1  }
0x4a8: {  	v1 =	vld [tilespmem:s3+$0x21F0];
	_ =	sdelay $0x4  }
0x4a9: {  	[tilespmem:s23+$0xEAF0] =	vst v1  }
0x4aa: {  	v1 =	vld [tilespmem:s17+$0x2180];
	_ =	sdelay $0x4  }
0x4ab: {  	[tilespmem:s23+$0xEB00] =	vst v1  }
0x4ac: {  	v1 =	vld [tilespmem:s17+$0x2190];
	_ =	sdelay $0x4  }
0x4ad: {  	[tilespmem:s23+$0xEB10] =	vst v1  }
0x4ae: {  	v1 =	vld [tilespmem:s17+$0x21A0];
	_ =	sdelay $0x4  }
0x4af: {  	[tilespmem:s23+$0xEB20] =	vst v1  }
0x4b0: {  	v1 =	vld [tilespmem:s17+$0x21B0];
	_ =	sdelay $0x4  }
0x4b1: {  	[tilespmem:s23+$0xEB30] =	vst v1  }
0x4b2: {  	v1 =	vld [tilespmem:s17+$0x21C0];
	_ =	sdelay $0x4  }
0x4b3: {  	[tilespmem:s23+$0xEB40] =	vst v1  }
0x4b4: {  	v1 =	vld [tilespmem:s17+$0x21D0];
	_ =	sdelay $0x4  }
0x4b5: {  	[tilespmem:s23+$0xEB50] =	vst v1  }
0x4b6: {  	v1 =	vld [tilespmem:s17+$0x21E0];
	_ =	sdelay $0x4  }
0x4b7: {  	[tilespmem:s23+$0xEB60] =	vst v1  }
0x4b8: {  	v1 =	vld [tilespmem:s17+$0x21F0];
	_ =	sdelay $0x4  }
0x4b9: {  	[tilespmem:s23+$0xEB70] =	vst v1  }
0x4ba: {  	v1 =	vld [tilespmem:s16+$0x2180];
	_ =	sdelay $0x4  }
0x4bb: {  	[tilespmem:s23+$0xEB80] =	vst v1  }
0x4bc: {  	v1 =	vld [tilespmem:s16+$0x2190];
	_ =	sdelay $0x4  }
0x4bd: {  	[tilespmem:s23+$0xEB90] =	vst v1  }
0x4be: {  	v1 =	vld [tilespmem:s16+$0x21A0];
	_ =	sdelay $0x4  }
0x4bf: {  	[tilespmem:s23+$0xEBA0] =	vst v1  }
0x4c0: {  	v1 =	vld [tilespmem:s16+$0x21B0];
	_ =	sdelay $0x4  }
0x4c1: {  	[tilespmem:s23+$0xEBB0] =	vst v1  }
0x4c2: {  	v1 =	vld [tilespmem:s16+$0x21C0];
	_ =	sdelay $0x4  }
0x4c3: {  	[tilespmem:s23+$0xEBC0] =	vst v1  }
0x4c4: {  	v1 =	vld [tilespmem:s16+$0x21D0];
	_ =	sdelay $0x4  }
0x4c5: {  	[tilespmem:s23+$0xEBD0] =	vst v1  }
0x4c6: {  	v1 =	vld [tilespmem:s16+$0x21E0];
	_ =	sdelay $0x4  }
0x4c7: {  	[tilespmem:s23+$0xEBE0] =	vst v1  }
0x4c8: {  	v1 =	vld [tilespmem:s16+$0x21F0];
	_ =	sdelay $0x4  }
0x4c9: {  	[tilespmem:s23+$0xEBF0] =	vst v1  }
0x4ca: {  	v1 =	vld [tilespmem:s12+$0x2180];
	_ =	sdelay $0x4  }
0x4cb: {  	[tilespmem:s23+$0xEC00] =	vst v1  }
0x4cc: {  	v1 =	vld [tilespmem:s12+$0x2190];
	_ =	sdelay $0x4  }
0x4cd: {  	[tilespmem:s23+$0xEC10] =	vst v1  }
0x4ce: {  	v1 =	vld [tilespmem:s12+$0x21A0];
	_ =	sdelay $0x4  }
0x4cf: {  	[tilespmem:s23+$0xEC20] =	vst v1  }
0x4d0: {  	v1 =	vld [tilespmem:s12+$0x21B0];
	_ =	sdelay $0x4  }
0x4d1: {  	[tilespmem:s23+$0xEC30] =	vst v1  }
0x4d2: {  	v1 =	vld [tilespmem:s12+$0x21C0];
	_ =	sdelay $0x4  }
0x4d3: {  	[tilespmem:s23+$0xEC40] =	vst v1  }
0x4d4: {  	v1 =	vld [tilespmem:s12+$0x21D0];
	_ =	sdelay $0x4  }
0x4d5: {  	[tilespmem:s23+$0xEC50] =	vst v1  }
0x4d6: {  	v1 =	vld [tilespmem:s12+$0x21E0];
	_ =	sdelay $0x4  }
0x4d7: {  	[tilespmem:s23+$0xEC60] =	vst v1  }
0x4d8: {  	v1 =	vld [tilespmem:s12+$0x21F0];
	_ =	sdelay $0x4  }
0x4d9: {  	[tilespmem:s23+$0xEC70] =	vst v1  }
0x4da: {  	v1 =	vld [tilespmem:s1+$0x2180];
	_ =	sdelay $0x4  }
0x4db: {  	[tilespmem:s23+$0xEC80] =	vst v1  }
0x4dc: {  	v1 =	vld [tilespmem:s1+$0x2190];
	_ =	sdelay $0x4  }
0x4dd: {  	[tilespmem:s23+$0xEC90] =	vst v1  }
0x4de: {  	v1 =	vld [tilespmem:s1+$0x21A0];
	_ =	sdelay $0x4  }
0x4df: {  	[tilespmem:s23+$0xECA0] =	vst v1  }
0x4e0: {  	v1 =	vld [tilespmem:s1+$0x21B0];
	_ =	sdelay $0x4  }
0x4e1: {  	[tilespmem:s23+$0xECB0] =	vst v1  }
0x4e2: {  	v1 =	vld [tilespmem:s1+$0x21C0];
	_ =	sdelay $0x4  }
0x4e3: {  	[tilespmem:s23+$0xECC0] =	vst v1  }
0x4e4: {  	v1 =	vld [tilespmem:s1+$0x21D0];
	_ =	sdelay $0x4  }
0x4e5: {  	[tilespmem:s23+$0xECD0] =	vst v1  }
0x4e6: {  	v1 =	vld [tilespmem:s1+$0x21E0];
	_ =	sdelay $0x4  }
0x4e7: {  	[tilespmem:s23+$0xECE0] =	vst v1  }
0x4e8: {  	v1 =	vld [tilespmem:s1+$0x21F0];
	_ =	sdelay $0x4  }
0x4e9: {  	[tilespmem:s23+$0xECF0] =	vst v1  }
0x4ea: {  	v1 =	vld [tilespmem:s2+$0x2180];
	_ =	sdelay $0x4  }
0x4eb: {  	[tilespmem:s23+$0xED00] =	vst v1  }
0x4ec: {  	v1 =	vld [tilespmem:s2+$0x2190];
	_ =	sdelay $0x4  }
0x4ed: {  	[tilespmem:s23+$0xED10] =	vst v1  }
0x4ee: {  	v1 =	vld [tilespmem:s2+$0x21A0];
	_ =	sdelay $0x4  }
0x4ef: {  	[tilespmem:s23+$0xED20] =	vst v1  }
0x4f0: {  	v1 =	vld [tilespmem:s2+$0x21B0];
	_ =	sdelay $0x4  }
0x4f1: {  	[tilespmem:s23+$0xED30] =	vst v1  }
0x4f2: {  	v1 =	vld [tilespmem:s2+$0x21C0];
	_ =	sdelay $0x4  }
0x4f3: {  	[tilespmem:s23+$0xED40] =	vst v1  }
0x4f4: {  	v1 =	vld [tilespmem:s2+$0x21D0];
	_ =	sdelay $0x4  }
0x4f5: {  	[tilespmem:s23+$0xED50] =	vst v1  }
0x4f6: {  	v1 =	vld [tilespmem:s2+$0x21E0];
	_ =	sdelay $0x4  }
0x4f7: {  	[tilespmem:s23+$0xED60] =	vst v1  }
0x4f8: {  	v1 =	vld [tilespmem:s2+$0x21F0];
	_ =	sdelay $0x4  }
0x4f9: {  	[tilespmem:s23+$0xED70] =	vst v1  }
0x4fa: {  	v1 =	vld [tilespmem:s0+$0x2180];
	_ =	sdelay $0x4  }
0x4fb: {  	[tilespmem:s23+$0xED80] =	vst v1  }
0x4fc: {  	v1 =	vld [tilespmem:s0+$0x2190];
	_ =	sdelay $0x4  }
0x4fd: {  	[tilespmem:s23+$0xED90] =	vst v1  }
0x4fe: {  	v1 =	vld [tilespmem:s0+$0x21A0];
	_ =	sdelay $0x4  }
0x4ff: {  	[tilespmem:s23+$0xEDA0] =	vst v1  }
0x500: {  	v1 =	vld [tilespmem:s0+$0x21B0];
	_ =	sdelay $0x4  }
0x501: {  	[tilespmem:s23+$0xEDB0] =	vst v1  }
0x502: {  	v1 =	vld [tilespmem:s0+$0x21C0];
	_ =	sdelay $0x4  }
0x503: {  	[tilespmem:s23+$0xEDC0] =	vst v1  }
0x504: {  	v1 =	vld [tilespmem:s0+$0x21D0];
	_ =	sdelay $0x4  }
0x505: {  	[tilespmem:s23+$0xEDD0] =	vst v1  }
0x506: {  	v1 =	vld [tilespmem:s0+$0x21E0];
	_ =	sdelay $0x4  }
0x507: {  	[tilespmem:s23+$0xEDE0] =	vst v1  }
0x508: {  	v1 =	vld [tilespmem:s0+$0x21F0];
	_ =	sdelay $0x4  }
0x509: {  	[tilespmem:s23+$0xEDF0] =	vst v1  }
0x50a: {  	v1 =	vld [tilespmem:s31+$0x2180];
	_ =	sdelay $0x4  }
0x50b: {  	[tilespmem:s23+$0xEE00] =	vst v1  }
0x50c: {  	v1 =	vld [tilespmem:s31+$0x2190];
	_ =	sdelay $0x4  }
0x50d: {  	[tilespmem:s23+$0xEE10] =	vst v1  }
0x50e: {  	v1 =	vld [tilespmem:s31+$0x21A0];
	_ =	sdelay $0x4  }
0x50f: {  	[tilespmem:s23+$0xEE20] =	vst v1  }
0x510: {  	v1 =	vld [tilespmem:s31+$0x21B0];
	_ =	sdelay $0x4  }
0x511: {  	[tilespmem:s23+$0xEE30] =	vst v1  }
0x512: {  	v1 =	vld [tilespmem:s31+$0x21C0];
	_ =	sdelay $0x4  }
0x513: {  	[tilespmem:s23+$0xEE40] =	vst v1  }
0x514: {  	v1 =	vld [tilespmem:s31+$0x21D0];
	_ =	sdelay $0x4  }
0x515: {  	[tilespmem:s23+$0xEE50] =	vst v1  }
0x516: {  	v1 =	vld [tilespmem:s31+$0x21E0];
	_ =	sdelay $0x4  }
0x517: {  	[tilespmem:s23+$0xEE60] =	vst v1  }
0x518: {  	v1 =	vld [tilespmem:s31+$0x21F0];
	_ =	sdelay $0x4  }
0x519: {  	[tilespmem:s23+$0xEE70] =	vst v1  }
0x51a: {  	v1 =	vld [tilespmem:s30+$0x2180];
	_ =	sdelay $0x4  }
0x51b: {  	[tilespmem:s23+$0xEE80] =	vst v1  }
0x51c: {  	v1 =	vld [tilespmem:s30+$0x2190];
	_ =	sdelay $0x4  }
0x51d: {  	[tilespmem:s23+$0xEE90] =	vst v1  }
0x51e: {  	v1 =	vld [tilespmem:s30+$0x21A0];
	_ =	sdelay $0x4  }
0x51f: {  	[tilespmem:s23+$0xEEA0] =	vst v1  }
0x520: {  	v1 =	vld [tilespmem:s30+$0x21B0];
	_ =	sdelay $0x4  }
0x521: {  	[tilespmem:s23+$0xEEB0] =	vst v1  }
0x522: {  	v1 =	vld [tilespmem:s30+$0x21C0];
	_ =	sdelay $0x4  }
0x523: {  	[tilespmem:s23+$0xEEC0] =	vst v1  }
0x524: {  	v1 =	vld [tilespmem:s30+$0x21D0];
	_ =	sdelay $0x4  }
0x525: {  	[tilespmem:s23+$0xEED0] =	vst v1  }
0x526: {  	v1 =	vld [tilespmem:s30+$0x21E0];
	_ =	sdelay $0x4  }
0x527: {  	[tilespmem:s23+$0xEEE0] =	vst v1  }
0x528: {  	v1 =	vld [tilespmem:s30+$0x21F0];
	_ =	sdelay $0x4  }
0x529: {  	[tilespmem:s23+$0xEEF0] =	vst v1  }
0x52a: {  	v1 =	vld [tilespmem:s29+$0x2180];
	_ =	sdelay $0x4  }
0x52b: {  	[tilespmem:s23+$0xEF00] =	vst v1  }
0x52c: {  	v1 =	vld [tilespmem:s29+$0x2190];
	_ =	sdelay $0x4  }
0x52d: {  	[tilespmem:s23+$0xEF10] =	vst v1  }
0x52e: {  	v1 =	vld [tilespmem:s29+$0x21A0];
	_ =	sdelay $0x4  }
0x52f: {  	[tilespmem:s23+$0xEF20] =	vst v1  }
0x530: {  	v1 =	vld [tilespmem:s29+$0x21B0];
	_ =	sdelay $0x4  }
0x531: {  	[tilespmem:s23+$0xEF30] =	vst v1  }
0x532: {  	v1 =	vld [tilespmem:s29+$0x21C0];
	_ =	sdelay $0x4  }
0x533: {  	[tilespmem:s23+$0xEF40] =	vst v1  }
0x534: {  	v1 =	vld [tilespmem:s29+$0x21D0];
	_ =	sdelay $0x4  }
0x535: {  	[tilespmem:s23+$0xEF50] =	vst v1  }
0x536: {  	v1 =	vld [tilespmem:s29+$0x21E0];
	_ =	sdelay $0x4  }
0x537: {  	[tilespmem:s23+$0xEF60] =	vst v1  }
0x538: {  	v1 =	vld [tilespmem:s29+$0x21F0];
	_ =	sdelay $0x4  }
0x539: {  	[tilespmem:s23+$0xEF70] =	vst v1  }
0x53a: {  	v1 =	vld [tilespmem:s28+$0x2180];
	_ =	sdelay $0x4  }
0x53b: {  	[tilespmem:s23+$0xEF80] =	vst v1  }
0x53c: {  	v1 =	vld [tilespmem:s28+$0x2190];
	_ =	sdelay $0x4  }
0x53d: {  	[tilespmem:s23+$0xEF90] =	vst v1  }
0x53e: {  	v1 =	vld [tilespmem:s28+$0x21A0];
	_ =	sdelay $0x4  }
0x53f: {  	[tilespmem:s23+$0xEFA0] =	vst v1  }
0x540: {  	v1 =	vld [tilespmem:s28+$0x21B0];
	_ =	sdelay $0x4  }
0x541: {  	[tilespmem:s23+$0xEFB0] =	vst v1  }
0x542: {  	v1 =	vld [tilespmem:s28+$0x21C0];
	_ =	sdelay $0x4  }
0x543: {  	[tilespmem:s23+$0xEFC0] =	vst v1  }
0x544: {  	v1 =	vld [tilespmem:s28+$0x21D0];
	_ =	sdelay $0x4  }
0x545: {  	[tilespmem:s23+$0xEFD0] =	vst v1  }
0x546: {  	v1 =	vld [tilespmem:s28+$0x21E0];
	_ =	sdelay $0x4  }
0x547: {  	[tilespmem:s23+$0xEFE0] =	vst v1  }
0x548: {  	v1 =	vld [tilespmem:s28+$0x21F0];
	_ =	sdelay $0x4  }
0x549: {  	[tilespmem:s23+$0xEFF0] =	vst v1  }
0x54a: {  	v1 =	vld [tilespmem:s26+$0x2180];
	_ =	sdelay $0x4  }
0x54b: {  	[tilespmem:s23+$0xF000] =	vst v1  }
0x54c: {  	v1 =	vld [tilespmem:s26+$0x2190];
	_ =	sdelay $0x4  }
0x54d: {  	[tilespmem:s23+$0xF010] =	vst v1  }
0x54e: {  	v1 =	vld [tilespmem:s26+$0x21A0];
	_ =	sdelay $0x4  }
0x54f: {  	[tilespmem:s23+$0xF020] =	vst v1  }
0x550: {  	v1 =	vld [tilespmem:s26+$0x21B0];
	_ =	sdelay $0x4  }
0x551: {  	[tilespmem:s23+$0xF030] =	vst v1  }
0x552: {  	v1 =	vld [tilespmem:s26+$0x21C0];
	_ =	sdelay $0x4  }
0x553: {  	[tilespmem:s23+$0xF040] =	vst v1  }
0x554: {  	v1 =	vld [tilespmem:s26+$0x21D0];
	_ =	sdelay $0x4  }
0x555: {  	[tilespmem:s23+$0xF050] =	vst v1  }
0x556: {  	v1 =	vld [tilespmem:s26+$0x21E0];
	_ =	sdelay $0x4  }
0x557: {  	[tilespmem:s23+$0xF060] =	vst v1  }
0x558: {  	v1 =	vld [tilespmem:s26+$0x21F0];
	_ =	sdelay $0x4  }
0x559: {  	[tilespmem:s23+$0xF070] =	vst v1  }
0x55a: {  	v1 =	vld [tilespmem:s25+$0x2180];
	_ =	sdelay $0x4  }
0x55b: {  	[tilespmem:s23+$0xF080] =	vst v1  }
0x55c: {  	v1 =	vld [tilespmem:s25+$0x2190];
	_ =	sdelay $0x4  }
0x55d: {  	[tilespmem:s23+$0xF090] =	vst v1  }
0x55e: {  	v1 =	vld [tilespmem:s25+$0x21A0];
	_ =	sdelay $0x4  }
0x55f: {  	[tilespmem:s23+$0xF0A0] =	vst v1  }
0x560: {  	v1 =	vld [tilespmem:s25+$0x21B0];
	_ =	sdelay $0x4  }
0x561: {  	[tilespmem:s23+$0xF0B0] =	vst v1  }
0x562: {  	v1 =	vld [tilespmem:s25+$0x21C0];
	_ =	sdelay $0x4  }
0x563: {  	[tilespmem:s23+$0xF0C0] =	vst v1  }
0x564: {  	v1 =	vld [tilespmem:s25+$0x21D0];
	_ =	sdelay $0x4  }
0x565: {  	[tilespmem:s23+$0xF0D0] =	vst v1  }
0x566: {  	v1 =	vld [tilespmem:s25+$0x21E0];
	_ =	sdelay $0x4  }
0x567: {  	[tilespmem:s23+$0xF0E0] =	vst v1  }
0x568: {  	v1 =	vld [tilespmem:s25+$0x21F0];
	_ =	sdelay $0x4  }
0x569: {  	[tilespmem:s23+$0xF0F0] =	vst v1  }
0x56a: {  	v1 =	vld [tilespmem:s24+$0x2180];
	_ =	sdelay $0x4  }
0x56b: {  	[tilespmem:s23+$0xF100] =	vst v1  }
0x56c: {  	v1 =	vld [tilespmem:s24+$0x2190];
	_ =	sdelay $0x4  }
0x56d: {  	[tilespmem:s23+$0xF110] =	vst v1  }
0x56e: {  	v1 =	vld [tilespmem:s24+$0x21A0];
	_ =	sdelay $0x4  }
0x56f: {  	[tilespmem:s23+$0xF120] =	vst v1  }
0x570: {  	v1 =	vld [tilespmem:s24+$0x21B0];
	_ =	sdelay $0x4  }
0x571: {  	[tilespmem:s23+$0xF130] =	vst v1  }
0x572: {  	v1 =	vld [tilespmem:s24+$0x21C0];
	_ =	sdelay $0x4  }
0x573: {  	[tilespmem:s23+$0xF140] =	vst v1  }
0x574: {  	v1 =	vld [tilespmem:s24+$0x21D0];
	_ =	sdelay $0x4  }
0x575: {  	[tilespmem:s23+$0xF150] =	vst v1  }
0x576: {  	v1 =	vld [tilespmem:s24+$0x21E0];
	_ =	sdelay $0x4  }
0x577: {  	[tilespmem:s23+$0xF160] =	vst v1  }
0x578: {  	v1 =	vld [tilespmem:s24+$0x21F0];
	_ =	sdelay $0x1  }
.Ltmp5:
0x579: {  	(pc) =	sbr.rel @p1 .LBB2_10-.Ltmp5, $3  }
0x57a: {  	_ =	sdelay $0x1  }
0x57b: {  	s21 =	sadd.s32 $0x10, s21;
	[tilespmem:s23+$0xF170] =	vst v1  }
0x57c: {  	s22 =	sadd.s32 $0x2000, s22;
	v1 =	vld [tilespmem:s21+$0x0]  }
0x57d: {  	_ =	sdelay $0x3  }
0x57e: {  	v1 =	vshll.u32 v1, $0x9  }
0x57f: {  	v1 =	vshra.s32 v1, $0x2  }
0x580: {  	(v2sf) =	vpush v1, $0x0;
	_ =	sdelay $0xe  }
0x581: {  	s1 =	spop (v2sf)  }
0x582: {  	v2 =	vld [tilespmem:s1+$0x2180];
	_ =	sdelay $0x3  }
0x583: {  	s0 =	sshra.s32 s20, $0x2  }
0x584: {  	[tilespmem:s0+$0xE980] =	vst v2  }
0x585: {  	v2 =	vld [tilespmem:s1+$0x2190];
	_ =	sdelay $0x4  }
0x586: {  	[tilespmem:s0+$0xE990] =	vst v2  }
0x587: {  	v2 =	vld [tilespmem:s1+$0x21A0];
	_ =	sdelay $0x4  }
0x588: {  	[tilespmem:s0+$0xE9A0] =	vst v2  }
0x589: {  	v2 =	vld [tilespmem:s1+$0x21B0];
	_ =	sdelay $0x4  }
0x58a: {  	[tilespmem:s0+$0xE9B0] =	vst v2  }
0x58b: {  	v2 =	vld [tilespmem:s1+$0x21C0];
	_ =	sdelay $0x4  }
0x58c: {  	[tilespmem:s0+$0xE9C0] =	vst v2  }
0x58d: {  	v2 =	vld [tilespmem:s1+$0x21D0];
	_ =	sdelay $0x1  }
0x58e: {  	(v2sf) =	vpush v1, $0x1;
	_ =	sdelay $0x2  }
0x58f: {  	[tilespmem:s0+$0xE9D0] =	vst v2  }
0x590: {  	v2 =	vld [tilespmem:s1+$0x21E0];
	_ =	sdelay $0x4  }
0x591: {  	[tilespmem:s0+$0xE9E0] =	vst v2  }
0x592: {  	v2 =	vld [tilespmem:s1+$0x21F0];
	_ =	sdelay $0x4  }
0x593: {  	s3 =	spop (v2sf);
	[tilespmem:s0+$0xE9F0] =	vst v2  }
0x594: {  	v2 =	vld [tilespmem:s3+$0x2180];
	_ =	sdelay $0x4  }
0x595: {  	[tilespmem:s0+$0xEA00] =	vst v2  }
0x596: {  	v2 =	vld [tilespmem:s3+$0x2190];
	_ =	sdelay $0x4  }
0x597: {  	[tilespmem:s0+$0xEA10] =	vst v2  }
0x598: {  	v2 =	vld [tilespmem:s3+$0x21A0];
	_ =	sdelay $0x4  }
0x599: {  	[tilespmem:s0+$0xEA20] =	vst v2  }
0x59a: {  	v2 =	vld [tilespmem:s3+$0x21B0];
	_ =	sdelay $0x4  }
0x59b: {  	[tilespmem:s0+$0xEA30] =	vst v2  }
0x59c: {  	v2 =	vld [tilespmem:s3+$0x21C0];
	_ =	sdelay $0x4  }
0x59d: {  	[tilespmem:s0+$0xEA40] =	vst v2  }
0x59e: {  	v2 =	vld [tilespmem:s3+$0x21D0];
	_ =	sdelay $0x1  }
0x59f: {  	(v2sf) =	vpush v1, $0x2;
	_ =	sdelay $0x2  }
0x5a0: {  	[tilespmem:s0+$0xEA50] =	vst v2  }
0x5a1: {  	v2 =	vld [tilespmem:s3+$0x21E0];
	_ =	sdelay $0x4  }
0x5a2: {  	[tilespmem:s0+$0xEA60] =	vst v2  }
0x5a3: {  	v2 =	vld [tilespmem:s3+$0x21F0];
	_ =	sdelay $0x4  }
0x5a4: {  	s12 =	spop (v2sf);
	[tilespmem:s0+$0xEA70] =	vst v2  }
0x5a5: {  	v2 =	vld [tilespmem:s12+$0x2180];
	_ =	sdelay $0x4  }
0x5a6: {  	[tilespmem:s0+$0xEA80] =	vst v2  }
0x5a7: {  	v2 =	vld [tilespmem:s12+$0x2190];
	_ =	sdelay $0x4  }
0x5a8: {  	[tilespmem:s0+$0xEA90] =	vst v2  }
0x5a9: {  	v2 =	vld [tilespmem:s12+$0x21A0];
	_ =	sdelay $0x4  }
0x5aa: {  	[tilespmem:s0+$0xEAA0] =	vst v2  }
0x5ab: {  	v2 =	vld [tilespmem:s12+$0x21B0];
	_ =	sdelay $0x4  }
0x5ac: {  	[tilespmem:s0+$0xEAB0] =	vst v2  }
0x5ad: {  	v2 =	vld [tilespmem:s12+$0x21C0];
	_ =	sdelay $0x4  }
0x5ae: {  	[tilespmem:s0+$0xEAC0] =	vst v2  }
0x5af: {  	v2 =	vld [tilespmem:s12+$0x21D0];
	_ =	sdelay $0x1  }
0x5b0: {  	(v2sf) =	vpush v1, $0x3;
	_ =	sdelay $0x2  }
0x5b1: {  	[tilespmem:s0+$0xEAD0] =	vst v2  }
0x5b2: {  	v2 =	vld [tilespmem:s12+$0x21E0];
	_ =	sdelay $0x4  }
0x5b3: {  	[tilespmem:s0+$0xEAE0] =	vst v2  }
0x5b4: {  	v2 =	vld [tilespmem:s12+$0x21F0];
	_ =	sdelay $0x4  }
0x5b5: {  	s14 =	spop (v2sf);
	[tilespmem:s0+$0xEAF0] =	vst v2  }
0x5b6: {  	v2 =	vld [tilespmem:s14+$0x2180];
	_ =	sdelay $0x4  }
0x5b7: {  	[tilespmem:s0+$0xEB00] =	vst v2  }
0x5b8: {  	v2 =	vld [tilespmem:s14+$0x2190];
	_ =	sdelay $0x4  }
0x5b9: {  	[tilespmem:s0+$0xEB10] =	vst v2  }
0x5ba: {  	v2 =	vld [tilespmem:s14+$0x21A0];
	_ =	sdelay $0x4  }
0x5bb: {  	[tilespmem:s0+$0xEB20] =	vst v2  }
0x5bc: {  	v2 =	vld [tilespmem:s14+$0x21B0];
	_ =	sdelay $0x4  }
0x5bd: {  	[tilespmem:s0+$0xEB30] =	vst v2  }
0x5be: {  	v2 =	vld [tilespmem:s14+$0x21C0];
	_ =	sdelay $0x4  }
0x5bf: {  	[tilespmem:s0+$0xEB40] =	vst v2  }
0x5c0: {  	v2 =	vld [tilespmem:s14+$0x21D0];
	_ =	sdelay $0x1  }
0x5c1: {  	(v2sf) =	vpush v1, $0x4;
	_ =	sdelay $0x2  }
0x5c2: {  	[tilespmem:s0+$0xEB50] =	vst v2  }
0x5c3: {  	v2 =	vld [tilespmem:s14+$0x21E0];
	_ =	sdelay $0x4  }
0x5c4: {  	[tilespmem:s0+$0xEB60] =	vst v2  }
0x5c5: {  	v2 =	vld [tilespmem:s14+$0x21F0];
	_ =	sdelay $0x4  }
0x5c6: {  	s15 =	spop (v2sf);
	[tilespmem:s0+$0xEB70] =	vst v2  }
0x5c7: {  	v2 =	vld [tilespmem:s15+$0x2180];
	_ =	sdelay $0x4  }
0x5c8: {  	[tilespmem:s0+$0xEB80] =	vst v2  }
0x5c9: {  	v2 =	vld [tilespmem:s15+$0x2190];
	_ =	sdelay $0x4  }
0x5ca: {  	[tilespmem:s0+$0xEB90] =	vst v2  }
0x5cb: {  	v2 =	vld [tilespmem:s15+$0x21A0];
	_ =	sdelay $0x4  }
0x5cc: {  	[tilespmem:s0+$0xEBA0] =	vst v2  }
0x5cd: {  	v2 =	vld [tilespmem:s15+$0x21B0];
	_ =	sdelay $0x4  }
0x5ce: {  	[tilespmem:s0+$0xEBB0] =	vst v2  }
0x5cf: {  	v2 =	vld [tilespmem:s15+$0x21C0];
	_ =	sdelay $0x4  }
0x5d0: {  	[tilespmem:s0+$0xEBC0] =	vst v2  }
0x5d1: {  	v2 =	vld [tilespmem:s15+$0x21D0];
	_ =	sdelay $0x1  }
0x5d2: {  	(v2sf) =	vpush v1, $0x5;
	_ =	sdelay $0x2  }
0x5d3: {  	[tilespmem:s0+$0xEBD0] =	vst v2  }
0x5d4: {  	v2 =	vld [tilespmem:s15+$0x21E0];
	_ =	sdelay $0x4  }
0x5d5: {  	[tilespmem:s0+$0xEBE0] =	vst v2  }
0x5d6: {  	v2 =	vld [tilespmem:s15+$0x21F0];
	_ =	sdelay $0x4  }
0x5d7: {  	s16 =	spop (v2sf);
	[tilespmem:s0+$0xEBF0] =	vst v2  }
0x5d8: {  	v2 =	vld [tilespmem:s16+$0x2180];
	_ =	sdelay $0x4  }
0x5d9: {  	[tilespmem:s0+$0xEC00] =	vst v2  }
0x5da: {  	v2 =	vld [tilespmem:s16+$0x2190];
	_ =	sdelay $0x4  }
0x5db: {  	[tilespmem:s0+$0xEC10] =	vst v2  }
0x5dc: {  	v2 =	vld [tilespmem:s16+$0x21A0];
	_ =	sdelay $0x4  }
0x5dd: {  	[tilespmem:s0+$0xEC20] =	vst v2  }
0x5de: {  	v2 =	vld [tilespmem:s16+$0x21B0];
	_ =	sdelay $0x4  }
0x5df: {  	[tilespmem:s0+$0xEC30] =	vst v2  }
0x5e0: {  	v2 =	vld [tilespmem:s16+$0x21C0];
	_ =	sdelay $0x4  }
0x5e1: {  	[tilespmem:s0+$0xEC40] =	vst v2  }
0x5e2: {  	v2 =	vld [tilespmem:s16+$0x21D0];
	_ =	sdelay $0x1  }
0x5e3: {  	(v2sf) =	vpush v1, $0x6;
	_ =	sdelay $0x2  }
0x5e4: {  	[tilespmem:s0+$0xEC50] =	vst v2  }
0x5e5: {  	v2 =	vld [tilespmem:s16+$0x21E0];
	_ =	sdelay $0x4  }
0x5e6: {  	[tilespmem:s0+$0xEC60] =	vst v2  }
0x5e7: {  	v2 =	vld [tilespmem:s16+$0x21F0];
	_ =	sdelay $0x4  }
0x5e8: {  	s17 =	spop (v2sf);
	[tilespmem:s0+$0xEC70] =	vst v2  }
0x5e9: {  	v2 =	vld [tilespmem:s17+$0x2180];
	_ =	sdelay $0x4  }
0x5ea: {  	[tilespmem:s0+$0xEC80] =	vst v2  }
0x5eb: {  	v2 =	vld [tilespmem:s17+$0x2190];
	_ =	sdelay $0x4  }
0x5ec: {  	[tilespmem:s0+$0xEC90] =	vst v2  }
0x5ed: {  	v2 =	vld [tilespmem:s17+$0x21A0];
	_ =	sdelay $0x4  }
0x5ee: {  	[tilespmem:s0+$0xECA0] =	vst v2  }
0x5ef: {  	v2 =	vld [tilespmem:s17+$0x21B0];
	_ =	sdelay $0x4  }
0x5f0: {  	[tilespmem:s0+$0xECB0] =	vst v2  }
0x5f1: {  	v2 =	vld [tilespmem:s17+$0x21C0];
	_ =	sdelay $0x4  }
0x5f2: {  	[tilespmem:s0+$0xECC0] =	vst v2  }
0x5f3: {  	v2 =	vld [tilespmem:s17+$0x21D0];
	_ =	sdelay $0x1  }
0x5f4: {  	(v2sf) =	vpush v1, $0x7;
	_ =	sdelay $0x2  }
0x5f5: {  	[tilespmem:s0+$0xECD0] =	vst v2  }
0x5f6: {  	v2 =	vld [tilespmem:s17+$0x21E0];
	_ =	sdelay $0x4  }
0x5f7: {  	[tilespmem:s0+$0xECE0] =	vst v2  }
0x5f8: {  	v2 =	vld [tilespmem:s17+$0x21F0];
	_ =	sdelay $0x4  }
0x5f9: {  	s20 =	spop (v2sf);
	[tilespmem:s0+$0xECF0] =	vst v2  }
0x5fa: {  	v2 =	vld [tilespmem:s20+$0x2180];
	_ =	sdelay $0x4  }
0x5fb: {  	[tilespmem:s0+$0xED00] =	vst v2  }
0x5fc: {  	v2 =	vld [tilespmem:s20+$0x2190];
	_ =	sdelay $0x4  }
0x5fd: {  	[tilespmem:s0+$0xED10] =	vst v2  }
0x5fe: {  	v2 =	vld [tilespmem:s20+$0x21A0];
	_ =	sdelay $0x4  }
0x5ff: {  	[tilespmem:s0+$0xED20] =	vst v2  }
0x600: {  	v2 =	vld [tilespmem:s20+$0x21B0];
	_ =	sdelay $0x4  }
0x601: {  	[tilespmem:s0+$0xED30] =	vst v2  }
0x602: {  	v2 =	vld [tilespmem:s20+$0x21C0];
	_ =	sdelay $0x4  }
0x603: {  	[tilespmem:s0+$0xED40] =	vst v2  }
0x604: {  	v2 =	vld [tilespmem:s20+$0x21D0];
	_ =	sdelay $0x1  }
0x605: {  	(v2sf) =	vpush v1, $0x8;
	_ =	sdelay $0x2  }
0x606: {  	[tilespmem:s0+$0xED50] =	vst v2  }
0x607: {  	v2 =	vld [tilespmem:s20+$0x21E0];
	_ =	sdelay $0x4  }
0x608: {  	[tilespmem:s0+$0xED60] =	vst v2  }
0x609: {  	v2 =	vld [tilespmem:s20+$0x21F0];
	_ =	sdelay $0x4  }
0x60a: {  	s21 =	spop (v2sf);
	[tilespmem:s0+$0xED70] =	vst v2  }
0x60b: {  	v2 =	vld [tilespmem:s21+$0x2180];
	_ =	sdelay $0x4  }
0x60c: {  	[tilespmem:s0+$0xED80] =	vst v2  }
0x60d: {  	v2 =	vld [tilespmem:s21+$0x2190];
	_ =	sdelay $0x4  }
0x60e: {  	[tilespmem:s0+$0xED90] =	vst v2  }
0x60f: {  	v2 =	vld [tilespmem:s21+$0x21A0];
	_ =	sdelay $0x4  }
0x610: {  	[tilespmem:s0+$0xEDA0] =	vst v2  }
0x611: {  	v2 =	vld [tilespmem:s21+$0x21B0];
	_ =	sdelay $0x4  }
0x612: {  	[tilespmem:s0+$0xEDB0] =	vst v2  }
0x613: {  	v2 =	vld [tilespmem:s21+$0x21C0];
	_ =	sdelay $0x4  }
0x614: {  	[tilespmem:s0+$0xEDC0] =	vst v2  }
0x615: {  	v2 =	vld [tilespmem:s21+$0x21D0];
	_ =	sdelay $0x1  }
0x616: {  	(v2sf) =	vpush v1, $0x9;
	_ =	sdelay $0x2  }
0x617: {  	[tilespmem:s0+$0xEDD0] =	vst v2  }
0x618: {  	v2 =	vld [tilespmem:s21+$0x21E0];
	_ =	sdelay $0x4  }
0x619: {  	[tilespmem:s0+$0xEDE0] =	vst v2  }
0x61a: {  	v2 =	vld [tilespmem:s21+$0x21F0];
	_ =	sdelay $0x4  }
0x61b: {  	s22 =	spop (v2sf);
	[tilespmem:s0+$0xEDF0] =	vst v2  }
0x61c: {  	v2 =	vld [tilespmem:s22+$0x2180];
	_ =	sdelay $0x4  }
0x61d: {  	[tilespmem:s0+$0xEE00] =	vst v2  }
0x61e: {  	v2 =	vld [tilespmem:s22+$0x2190];
	_ =	sdelay $0x4  }
0x61f: {  	[tilespmem:s0+$0xEE10] =	vst v2  }
0x620: {  	v2 =	vld [tilespmem:s22+$0x21A0];
	_ =	sdelay $0x4  }
0x621: {  	[tilespmem:s0+$0xEE20] =	vst v2  }
0x622: {  	v2 =	vld [tilespmem:s22+$0x21B0];
	_ =	sdelay $0x4  }
0x623: {  	[tilespmem:s0+$0xEE30] =	vst v2  }
0x624: {  	v2 =	vld [tilespmem:s22+$0x21C0];
	_ =	sdelay $0x4  }
0x625: {  	[tilespmem:s0+$0xEE40] =	vst v2  }
0x626: {  	v2 =	vld [tilespmem:s22+$0x21D0];
	_ =	sdelay $0x1  }
0x627: {  	(v2sf) =	vpush v1, $0xA;
	_ =	sdelay $0x2  }
0x628: {  	[tilespmem:s0+$0xEE50] =	vst v2  }
0x629: {  	v2 =	vld [tilespmem:s22+$0x21E0];
	_ =	sdelay $0x4  }
0x62a: {  	[tilespmem:s0+$0xEE60] =	vst v2  }
0x62b: {  	v2 =	vld [tilespmem:s22+$0x21F0];
	_ =	sdelay $0x4  }
0x62c: {  	s23 =	spop (v2sf);
	[tilespmem:s0+$0xEE70] =	vst v2  }
0x62d: {  	v2 =	vld [tilespmem:s23+$0x2180];
	_ =	sdelay $0x4  }
0x62e: {  	[tilespmem:s0+$0xEE80] =	vst v2  }
0x62f: {  	v2 =	vld [tilespmem:s23+$0x2190];
	_ =	sdelay $0x4  }
0x630: {  	[tilespmem:s0+$0xEE90] =	vst v2  }
0x631: {  	v2 =	vld [tilespmem:s23+$0x21A0];
	_ =	sdelay $0x4  }
0x632: {  	[tilespmem:s0+$0xEEA0] =	vst v2  }
0x633: {  	v2 =	vld [tilespmem:s23+$0x21B0];
	_ =	sdelay $0x4  }
0x634: {  	[tilespmem:s0+$0xEEB0] =	vst v2  }
0x635: {  	v2 =	vld [tilespmem:s23+$0x21C0];
	_ =	sdelay $0x4  }
0x636: {  	[tilespmem:s0+$0xEEC0] =	vst v2  }
0x637: {  	v2 =	vld [tilespmem:s23+$0x21D0];
	_ =	sdelay $0x1  }
0x638: {  	(v2sf) =	vpush v1, $0xB;
	_ =	sdelay $0x2  }
0x639: {  	[tilespmem:s0+$0xEED0] =	vst v2  }
0x63a: {  	v2 =	vld [tilespmem:s23+$0x21E0];
	_ =	sdelay $0x4  }
0x63b: {  	[tilespmem:s0+$0xEEE0] =	vst v2  }
0x63c: {  	v2 =	vld [tilespmem:s23+$0x21F0];
	_ =	sdelay $0x4  }
0x63d: {  	s24 =	spop (v2sf);
	[tilespmem:s0+$0xEEF0] =	vst v2  }
0x63e: {  	v2 =	vld [tilespmem:s24+$0x2180];
	_ =	sdelay $0x4  }
0x63f: {  	[tilespmem:s0+$0xEF00] =	vst v2  }
0x640: {  	v2 =	vld [tilespmem:s24+$0x2190];
	_ =	sdelay $0x4  }
0x641: {  	[tilespmem:s0+$0xEF10] =	vst v2  }
0x642: {  	v2 =	vld [tilespmem:s24+$0x21A0];
	_ =	sdelay $0x4  }
0x643: {  	[tilespmem:s0+$0xEF20] =	vst v2  }
0x644: {  	v2 =	vld [tilespmem:s24+$0x21B0];
	_ =	sdelay $0x4  }
0x645: {  	[tilespmem:s0+$0xEF30] =	vst v2  }
0x646: {  	v2 =	vld [tilespmem:s24+$0x21C0];
	_ =	sdelay $0x4  }
0x647: {  	[tilespmem:s0+$0xEF40] =	vst v2  }
0x648: {  	v2 =	vld [tilespmem:s24+$0x21D0];
	_ =	sdelay $0x1  }
0x649: {  	(v2sf) =	vpush v1, $0xC;
	_ =	sdelay $0x2  }
0x64a: {  	[tilespmem:s0+$0xEF50] =	vst v2  }
0x64b: {  	v2 =	vld [tilespmem:s24+$0x21E0];
	_ =	sdelay $0x4  }
0x64c: {  	[tilespmem:s0+$0xEF60] =	vst v2  }
0x64d: {  	v2 =	vld [tilespmem:s24+$0x21F0];
	_ =	sdelay $0x4  }
0x64e: {  	s25 =	spop (v2sf);
	[tilespmem:s0+$0xEF70] =	vst v2  }
0x64f: {  	v2 =	vld [tilespmem:s25+$0x2180];
	_ =	sdelay $0x4  }
0x650: {  	[tilespmem:s0+$0xEF80] =	vst v2  }
0x651: {  	v2 =	vld [tilespmem:s25+$0x2190];
	_ =	sdelay $0x4  }
0x652: {  	[tilespmem:s0+$0xEF90] =	vst v2  }
0x653: {  	v2 =	vld [tilespmem:s25+$0x21A0];
	_ =	sdelay $0x4  }
0x654: {  	[tilespmem:s0+$0xEFA0] =	vst v2  }
0x655: {  	v2 =	vld [tilespmem:s25+$0x21B0];
	_ =	sdelay $0x4  }
0x656: {  	[tilespmem:s0+$0xEFB0] =	vst v2  }
0x657: {  	v2 =	vld [tilespmem:s25+$0x21C0];
	_ =	sdelay $0x4  }
0x658: {  	[tilespmem:s0+$0xEFC0] =	vst v2  }
0x659: {  	v2 =	vld [tilespmem:s25+$0x21D0];
	_ =	sdelay $0x1  }
0x65a: {  	(v2sf) =	vpush v1, $0xD;
	_ =	sdelay $0x2  }
0x65b: {  	[tilespmem:s0+$0xEFD0] =	vst v2  }
0x65c: {  	v2 =	vld [tilespmem:s25+$0x21E0];
	_ =	sdelay $0x4  }
0x65d: {  	[tilespmem:s0+$0xEFE0] =	vst v2  }
0x65e: {  	v2 =	vld [tilespmem:s25+$0x21F0];
	_ =	sdelay $0x4  }
0x65f: {  	s26 =	spop (v2sf);
	[tilespmem:s0+$0xEFF0] =	vst v2  }
0x660: {  	v2 =	vld [tilespmem:s26+$0x2180];
	_ =	sdelay $0x4  }
0x661: {  	[tilespmem:s0+$0xF000] =	vst v2  }
0x662: {  	v2 =	vld [tilespmem:s26+$0x2190];
	_ =	sdelay $0x4  }
0x663: {  	[tilespmem:s0+$0xF010] =	vst v2  }
0x664: {  	v2 =	vld [tilespmem:s26+$0x21A0];
	_ =	sdelay $0x4  }
0x665: {  	[tilespmem:s0+$0xF020] =	vst v2  }
0x666: {  	v2 =	vld [tilespmem:s26+$0x21B0];
	_ =	sdelay $0x4  }
0x667: {  	[tilespmem:s0+$0xF030] =	vst v2  }
0x668: {  	v2 =	vld [tilespmem:s26+$0x21C0];
	_ =	sdelay $0x4  }
0x669: {  	[tilespmem:s0+$0xF040] =	vst v2  }
0x66a: {  	v2 =	vld [tilespmem:s26+$0x21D0];
	_ =	sdelay $0x1  }
0x66b: {  	(v2sf) =	vpush v1, $0xE;
	_ =	sdelay $0x2  }
0x66c: {  	[tilespmem:s0+$0xF050] =	vst v2  }
0x66d: {  	v2 =	vld [tilespmem:s26+$0x21E0];
	_ =	sdelay $0x4  }
0x66e: {  	[tilespmem:s0+$0xF060] =	vst v2  }
0x66f: {  	v2 =	vld [tilespmem:s26+$0x21F0];
	_ =	sdelay $0x4  }
0x670: {  	s28 =	spop (v2sf);
	[tilespmem:s0+$0xF070] =	vst v2  }
0x671: {  	v2 =	vld [tilespmem:s28+$0x2180];
	_ =	sdelay $0x4  }
0x672: {  	[tilespmem:s0+$0xF080] =	vst v2  }
0x673: {  	v2 =	vld [tilespmem:s28+$0x2190];
	_ =	sdelay $0x4  }
0x674: {  	[tilespmem:s0+$0xF090] =	vst v2  }
0x675: {  	v2 =	vld [tilespmem:s28+$0x21A0];
	_ =	sdelay $0x4  }
0x676: {  	[tilespmem:s0+$0xF0A0] =	vst v2  }
0x677: {  	v2 =	vld [tilespmem:s28+$0x21B0];
	_ =	sdelay $0x4  }
0x678: {  	[tilespmem:s0+$0xF0B0] =	vst v2  }
0x679: {  	v2 =	vld [tilespmem:s28+$0x21C0];
	_ =	sdelay $0x4  }
0x67a: {  	[tilespmem:s0+$0xF0C0] =	vst v2  }
0x67b: {  	v2 =	vld [tilespmem:s28+$0x21D0];
	_ =	sdelay $0x1  }
0x67c: {  	(v2sf) =	vpush v1, $0xF;
	_ =	sdelay $0x2  }
0x67d: {  	[tilespmem:s0+$0xF0D0] =	vst v2  }
0x67e: {  	v1 =	vld [tilespmem:s28+$0x21E0];
	_ =	sdelay $0x4  }
0x67f: {  	[tilespmem:s0+$0xF0E0] =	vst v1  }
0x680: {  	v1 =	vld [tilespmem:s28+$0x21F0];
	_ =	sdelay $0x4  }
0x681: {  	s29 =	spop (v2sf);
	[tilespmem:s0+$0xF0F0] =	vst v1  }
0x682: {  	v1 =	vld [tilespmem:s29+$0x2180];
	_ =	sdelay $0x4  }
0x683: {  	[tilespmem:s0+$0xF100] =	vst v1  }
0x684: {  	v1 =	vld [tilespmem:s29+$0x2190];
	_ =	sdelay $0x4  }
0x685: {  	[tilespmem:s0+$0xF110] =	vst v1  }
0x686: {  	v1 =	vld [tilespmem:s29+$0x21A0];
	_ =	sdelay $0x4  }
0x687: {  	[tilespmem:s0+$0xF120] =	vst v1  }
0x688: {  	v1 =	vld [tilespmem:s29+$0x21B0];
	_ =	sdelay $0x4  }
0x689: {  	[tilespmem:s0+$0xF130] =	vst v1  }
0x68a: {  	v1 =	vld [tilespmem:s29+$0x21C0];
	_ =	sdelay $0x4  }
0x68b: {  	[tilespmem:s0+$0xF140] =	vst v1  }
0x68c: {  	v1 =	vld [tilespmem:s29+$0x21D0];
	_ =	sdelay $0x4  }
0x68d: {  	[tilespmem:s0+$0xF150] =	vst v1  }
0x68e: {  	v1 =	vld [tilespmem:s29+$0x21E0];
	_ =	sdelay $0x4  }
0x68f: {  	[tilespmem:s0+$0xF160] =	vst v1  }
0x690: {  	v1 =	vld [tilespmem:s29+$0x21F0];
	_ =	sdelay $0x3  }
0x691: {  	s31 =	simm.s32 $0x2000  }
0x692: {  	s30 =	simm.s32 $0xE980;
	s19 =	sadd.s32 $0x1, s19;
	s17 =	simm.s32 $0x400;
	[tilespmem:s0+$0xF170] =	vst v1  }
0x693: {  	[hbm4b:s9+s17] =	stream.strided.scatter [tilespmem:s30], [sflag:$0x3], $0x4000, s31, s17, $0x38;
	[tilespmem:$0x12980] =	vst v63  }
0x694: {  	p1 =	sne.s32 s19, s10;
	_ =	swait.ge [sflag:s18], $0x4000  }
.Ltmp6:
0x695: {  	[sflag:s18] =	ssyncset.done $0x0;
	(pc) =	sbr.rel @p1 .LBB2_1-.Ltmp6, $4  }
.Ltmp7:
0x696: {  	[sflag:s18] =	ssyncadd.s32 $0xFFFFC000;
	(pc) =	sbr.rel @!p1 .LBB2_12-.Ltmp7, $4  }
0x697: {  	_ =	swait.ge [sflag:s18], $0x4000  }
0x698: {  	[sflag:s18] =	ssyncset.done $0x0  }
0x699: {  	[sflag:s18] =	ssyncadd.s32 $0xFFFFC000  }
0x69a: {  	_ = 	snop  }
.LBB2_3:
.Ltmp8:
0x69b: {  	(pc) =	sbr.rel .LBB2_6-.Ltmp8, $2  }
0x69c: {  	_ =	sdelay $0x2  }
0x69d: {  	_ = 	snop  }
.LBB2_12:
0x69e: {  	_ =	sfence.sel $0x180000  }
0x69f: {  	[bflag:$0x0] =	sbarrier.arrive $0xFFFF  }
0x6a0: {  	_ =	strace $0x90000047  }
0x6a1: {  	s0 =	stileid.u32;
	[bflag:$0x2] =	sbarrier.arrive $0xFFFF  }
0x6a2: {  	p0 =	sne.s32 s0, $0x0;
	s0 =	rddreg [dreg:$0x3]  }
0x6a3: {  	s0 =	sadd.s32 @!p0 $0x100000, s0  }
0x6a4: {  	[sflag:s0] =	ssyncadd.tile.s32 @!p0 $0x1;
	_ =	shalt  }
.Lfunc_end2:
_tile_overlayer_lowered:
.L_overlay_start_2:
0x6a5: {  	(tag) =	ssettag $0x2  }
0x6a6: {  	s0 =	rddreg [dreg:$0x0];
	s2 =	stileid.u32  }
0x6a7: {  	s1 =	rddreg [dreg:$0x1];
	p0 =	sne.s32 s2, $0x0  }
0x6a8: {  	s3 =	rddreg [dreg:$0x2];
	[bflag:$0x3] =	sbarrier.arrive $0xFFFF;
	s2 =	simm.s32 @!p0 $0x1C04  }
0x6a9: {  	[timem:s3], [sflag:s2] =	dma.local @!p0 [hbm:s0], s1  }
0x6aa: {  	s0 =	simm.s32 @!p0 $0x4  }
0x6ab: {  	_ =	swait.ge @!p0 [sflag:s0], s1  }
0x6ac: {  	s1 =	ssub.s32 @!p0 $0x0, s1;
	[sflag:s0] =	ssyncset.done @!p0 $0x0  }
0x6ad: {  	[sflag:s0] =	ssyncadd.s32 @!p0 s1  }
0x6ae: {  	[bflag:$0x3] =	sbarrier.arrive $0xFFFF  }
0x6af: {  	_ =	shalt  }

</sc_bundles>
